<compile_context>
chip_gen: v7x
topology: tpu7x:2x2x1
jax: 0.10.2.dev20260603
libtpu: 0.0.44.dev20260713+nightly
codegen_flags: <defaults>
</compile_context>

<pallas_src>
import functools

import jax
import jax.numpy as jnp
from jax import lax
from jax.experimental import pallas as pl
from jax.experimental.pallas import tpu as pltpu
from jax.experimental.pallas import tpu_sc as plsc

_TAU = 0.2
_N = 2048
_D = 128
_P = 1024
_E = 2 * _P
_BLK = 256
_G = _N // _BLK
_PC = _P // _BLK
_NC = 2
_NS = 16
_NW = _NC * _NS
_PW = _P // _NW
_L = 16


def _sc_edge_body(x_hbm, idxw_hbm, out_hbm, iw, rows, ov, sem):
    wid = lax.axis_index("s") * _NC + lax.axis_index("c")
    pltpu.sync_copy(idxw_hbm.at[wid], iw)
    pltpu.async_copy(x_hbm.at[iw], rows, sem).wait()
    z = jnp.zeros((_L,), jnp.float32)
    for s in range(_PW):
        ad, ai, aj = z, z, z
        for kc in range(_D // _L):
            vi = rows[s, pl.ds(kc * _L, _L)]
            vj = rows[s + _PW, pl.ds(kc * _L, _L)]
            ad = ad + vi * vj
            ai = ai + vi * vi
            aj = aj + vj * vj
        ov[s, pl.ds(0, _L)] = ad
        ov[s, pl.ds(_L, _L)] = ai
        ov[s, pl.ds(2 * _L, _L)] = aj
    pltpu.sync_copy(ov, out_hbm.at[pl.ds(wid * _PW, _PW)])


def _sc_edge(x, idxw):
    mesh = plsc.VectorSubcoreMesh(core_axis_name="c", subcore_axis_name="s")
    f32 = jnp.float32
    run = functools.partial(
        pl.kernel, mesh=mesh,
        out_type=jax.ShapeDtypeStruct((_P, 3 * _L), f32),
        scratch_types=[
            pltpu.VMEM((2 * _PW,), jnp.int32),
            pltpu.VMEM((2 * _PW, _D), f32),
            pltpu.VMEM((_PW, 3 * _L), f32),
            pltpu.SemaphoreType.DMA,
        ],
    )(_sc_edge_body)
    return run(x, idxw)


def _tc_main_body(x_ref, pairs_ref, smd_ref, mult_ref,
                  xs_ref, codev_ref, codeh_ref):
    g = pl.program_id(0)

    @pl.when(g == 0)
    def _():
        x = x_ref[...]
        n2 = jnp.sum(x * x, axis=1)
        inv = 1.0 / (jnp.maximum(jnp.sqrt(n2), 1e-30) *
                     jnp.sqrt(jnp.float32(_TAU)))
        xs_ref[...] = x * inv[:, None]
        iv = pairs_ref[:, 0:1]
        jv = pairs_ref[:, 1:2]
        codev_ref[0:_P, :] = iv * _N + jv
        codev_ref[_P:_E, :] = jv * _N + iv
        codeh_ref[...] = jnp.reshape(codev_ref[...], (_E,))

    xs = xs_ref[...]
    xb = xs_ref[pl.ds(g * _BLK, _BLK), :]
    dot = lax.dot_general(xb, xs, (((1,), (1,)), ((), ())))
    e = jnp.exp(dot)
    diag = jnp.exp(jnp.sum(xb * xb, axis=1))
    smd_ref[pl.ds(g * _BLK, _BLK)] = jnp.sum(e, axis=1) - diag

    codeb = codev_ref[pl.ds(g * _BLK, _BLK), :]
    eq = codeb == codeh_ref[...][None, :]
    mult_ref[pl.ds(g * _BLK, _BLK)] = jnp.sum(
        jnp.where(eq, 1.0, 0.0), axis=1)


def _tc_fin_body(pairs_ref, smd_ref, mult_ref, part_ref, out_ref):
    dsum = jnp.sum(part_ref[:, 0:_L], axis=1)
    n2i = jnp.sum(part_ref[:, _L:2 * _L], axis=1)
    n2j = jnp.sum(part_ref[:, 2 * _L:3 * _L], axis=1)
    rn = jax.lax.rsqrt(jnp.maximum(n2i * n2j, 1e-60))
    ds = dsum * rn * (1.0 / _TAU)
    v = jnp.exp(ds)
    ih = jnp.reshape(pairs_ref[:, 0:1], (_P,))
    jh = jnp.reshape(pairs_ref[:, 1:2], (_P,))
    adir = jnp.concatenate([ih, jh])
    bdir = jnp.concatenate([jh, ih])
    kv = jnp.where(adir == bdir, 0.0,
                   jnp.concatenate([v, v]) / mult_ref[...])
    strips = []
    for s in range(_G):
        rowr = lax.broadcasted_iota(jnp.int32, (_BLK, _E), 0) + s * _BLK
        m = rowr == adir[None, :]
        strips.append(jnp.sum(jnp.where(m, kv[None, :], 0.0), axis=1))
    w = smd_ref[...] - jnp.concatenate(strips)
    acc = jnp.float32(0.0)
    for c in range(_PC):
        sl = pl.ds(c * _BLK, _BLK)
        ii = pairs_ref[sl, 0:1]
        jj = pairs_ref[sl, 1:2]
        colr = lax.broadcasted_iota(jnp.int32, (_BLK, _N), 1)
        mi = jnp.sum(jnp.where(colr == ii, w[None, :], 0.0), axis=1)
        mj = jnp.sum(jnp.where(colr == jj, w[None, :], 0.0), axis=1)
        vc = v[c * _BLK:(c + 1) * _BLK]
        dc = ds[c * _BLK:(c + 1) * _BLK]
        acc = acc + jnp.sum(jnp.log((vc + mi) * (vc + mj)) - 2.0 * dc)
    out_ref[0, 0] = acc / (2.0 * _P)


def kernel(embeddings, positive_pairs, stage):
    del stage
    idxw = jnp.reshape(jnp.transpose(
        jnp.reshape(positive_pairs, (_NW, _PW, 2)), (0, 2, 1)),
        (_NW, 2 * _PW))
    part = _sc_edge(embeddings, idxw)

    smd, mult = pl.pallas_call(
        _tc_main_body,
        grid=(_G,),
        in_specs=[
            pl.BlockSpec((_N, _D), lambda g: (0, 0)),
            pl.BlockSpec((_P, 2), lambda g: (0, 0)),
        ],
        out_specs=[
            pl.BlockSpec((_N,), lambda g: (0,)),
            pl.BlockSpec((_E,), lambda g: (0,)),
        ],
        out_shape=[
            jax.ShapeDtypeStruct((_N,), jnp.float32),
            jax.ShapeDtypeStruct((_E,), jnp.float32),
        ],
        scratch_shapes=[
            pltpu.VMEM((_N, _D), jnp.float32),
            pltpu.VMEM((_E, 1), jnp.int32),
            pltpu.VMEM((_E,), jnp.int32),
        ],
    )(embeddings, positive_pairs)

    out = pl.pallas_call(
        _tc_fin_body,
        in_specs=[
            pl.BlockSpec((_P, 2), lambda: (0, 0)),
            pl.BlockSpec((_N,), lambda: (0,)),
            pl.BlockSpec((_E,), lambda: (0,)),
            pl.BlockSpec((_P, 3 * _L), lambda: (0, 0)),
        ],
        out_specs=pl.BlockSpec(memory_space=pltpu.SMEM),
        out_shape=jax.ShapeDtypeStruct((1, 1), jnp.float32),
    )(positive_pairs, smd, mult, part)
    return out[0, 0]

# --- scband reference (transcript-rebuilt; emitter-appended) ---
"""Pipeline reference for scband-hcl-12086037971245 (READ-ONLY COPY).

The authoritative reference and input builder live on the scoring server;
editing this copy changes nothing except your own understanding.
"""

import jax, jax.numpy as jnp
import numpy as np

TAU = 0.2
ALPHA = 0.8

def setup_inputs(seed: int = 0) -> dict:
    key = jax.random.key(seed)
    k1, k2 = jax.random.split(key)
    embeddings = jax.random.normal(k1, (2048, 128), dtype=jnp.float32)
    positive_pairs = jax.random.randint(k2, (1024, 2), 0, 2048, dtype=jnp.int64 if jax.config.read('jax_enable_x64') else jnp.int32).astype(jnp.int32)
    stage = 0  # not in ['train','sanity_check'] -> eval branch
    return {"embeddings": embeddings, "positive_pairs": positive_pairs, "stage": stage}

def _cosine_sim_matrix(x):
    # F.cosine_similarity(x.unsqueeze(1), x.unsqueeze(0), dim=2) with eps=1e-8
    norms = jnp.linalg.norm(x, axis=1)
    denom = jnp.maximum(norms[:, None] * norms[None, :], 1e-8)
    return (x @ x.T) / denom

def reference(embeddings, positive_pairs, stage):
    # gamma_ex=0.0 and gamma_in=0.0 -> no hard-pair transformations applied
    sim = _cosine_sim_matrix(embeddings)
    idx_i = positive_pairs[:, 0]
    idx_j = positive_pairs[:, 1]
    n = sim.shape[0]
    num_pairs = positive_pairs.shape[0]
    mask = jnp.eye(n, dtype=bool)
    mask = mask.at[idx_i, idx_j].set(True)
    mask = mask.at[idx_j, idx_i].set(True)
    exp_sim = jnp.exp(sim / TAU)
    exp_sim_masked = jnp.where(mask, 0.0, exp_sim)
    pos_sim_ij = exp_sim[idx_i, idx_j]
    pos_sim_ji = exp_sim[idx_j, idx_i]
    exp_i = exp_sim_masked[idx_i]
    exp_j = exp_sim_masked[idx_j]
    if stage in ['train', 'sanity_check']:
        threshold_i = jnp.quantile(exp_i, ALPHA, axis=1, keepdims=True)
        threshold_j = jnp.quantile(exp_j, ALPHA, axis=1, keepdims=True)
        hard_i = jnp.where(exp_i >= threshold_i, exp_i, 0.0)
        hard_j = jnp.where(exp_j >= threshold_j, exp_j, 0.0)
        sum_i = hard_i.sum(axis=1)
        sum_j = hard_j.sum(axis=1)
    else:
        sum_i = exp_i.sum(axis=1)
        sum_j = exp_j.sum(axis=1)
    loss_ij = -jnp.log(pos_sim_ij / (pos_sim_ij + sum_i))
    loss_ji = -jnp.log(pos_sim_ji / (pos_sim_ji + sum_j))
    contrastive_loss = (loss_ij + loss_ji).sum()
    return contrastive_loss / (2 * num_pairs)

if __name__ == "__main__":
    import jax
    _d = setup_inputs()
    print(jax.jit(kernel)(*tuple(_d.values())))

</pallas_src>

<mosaic_0001>
#map = affine_map<(d0, d1) -> (0, 0)>
module attributes {stable_mosaic.version = 14 : i64} {
  func.func @_sc_edge_body(%arg0: i32, %arg1: i32, %arg2: memref<2048x128xf32, #tpu.memory_space<hbm>>, %arg3: memref<32x64xi32, #tpu.memory_space<hbm>>, %arg4: memref<1024x48xf32, #tpu.memory_space<hbm>>, %arg5: memref<64xi32, #tpu.memory_space<vmem>>, %arg6: memref<64x128xf32, #tpu.memory_space<vmem>>, %arg7: memref<32x48xf32, #tpu.memory_space<vmem>>, %arg8: memref<!tpu.dma_semaphore, #tpu.memory_space<semaphore_mem>>) attributes {dimension_semantics = [#tpu.dimension_semantics<core_parallel>, #tpu.dimension_semantics<subcore_parallel>], iteration_bounds = array<i64: 2, 16>, scalar_prefetch = 0 : i64, scratch_operands = 4 : i64, tpu.core_type = #tpu.core_type<sc_vector_subcore>, window_params = [{transform_indices = #map}, {transform_indices = #map}, {transform_indices = #map}]} {
    %mul3A = arith.constant 2 : i32
    %mul3A_0 = arith.muli %arg1, %mul3A : i32
    %add3A = arith.addi %mul3A_0, %arg0 : i32
    "tpu.region"() ({
      %run_scoped3A = tpu.sem_alloc : memref<!tpu.dma_semaphore, #tpu.memory_space<semaphore_mem>>
      %dma_start3A_4678 = arith.constant 0 : i32
      %dma_start3A_4679 = tpu.memref_slice %arg3[%add3A, %dma_start3A_4678] : memref<32x64xi32, #tpu.memory_space<hbm>> -> memref<1x64xi32, #tpu.memory_space<hbm>>
      %dma_start3A_4680 = tpu.memref_squeeze %dma_start3A_4679 : memref<1x64xi32, #tpu.memory_space<hbm>> -> memref<64xi32, #tpu.memory_space<hbm>>
      %dma_start3A_4681 = arith.constant 0 : i32
      %dma_start3A_4682 = tpu.memref_slice %arg3[%add3A, %dma_start3A_4681] : memref<32x64xi32, #tpu.memory_space<hbm>> -> memref<1x64xi32, #tpu.memory_space<hbm>>
      %dma_start3A_4683 = tpu.memref_squeeze %dma_start3A_4682 : memref<1x64xi32, #tpu.memory_space<hbm>> -> memref<64xi32, #tpu.memory_space<hbm>>
      tpu.enqueue_dma source(%dma_start3A_4683 : memref<64xi32, #tpu.memory_space<hbm>>) target(%arg5 : memref<64xi32, #tpu.memory_space<vmem>>) target_semaphore(%run_scoped3A : memref<!tpu.dma_semaphore, #tpu.memory_space<semaphore_mem>>)
      %dma_wait3A_4684 = arith.constant 0 : i32
      %dma_wait3A_4685 = tpu.memref_slice %arg3[%add3A, %dma_wait3A_4684] : memref<32x64xi32, #tpu.memory_space<hbm>> -> memref<1x64xi32, #tpu.memory_space<hbm>>
      %dma_wait3A_4686 = tpu.memref_squeeze %dma_wait3A_4685 : memref<1x64xi32, #tpu.memory_space<hbm>> -> memref<64xi32, #tpu.memory_space<hbm>>
      %dma_wait3A_4687 = arith.constant 0 : i32
      %dma_wait3A_4688 = tpu.memref_slice %arg3[%add3A, %dma_wait3A_4687] : memref<32x64xi32, #tpu.memory_space<hbm>> -> memref<1x64xi32, #tpu.memory_space<hbm>>
      %dma_wait3A_4689 = tpu.memref_squeeze %dma_wait3A_4688 : memref<1x64xi32, #tpu.memory_space<hbm>> -> memref<64xi32, #tpu.memory_space<hbm>>
      tpu.wait_dma2 semaphore(%run_scoped3A : memref<!tpu.dma_semaphore, #tpu.memory_space<semaphore_mem>>) src(%dma_wait3A_4689 : memref<64xi32, #tpu.memory_space<hbm>>) dst(%arg5 : memref<64xi32, #tpu.memory_space<vmem>>)
      tpu.yield
    }) : () -> ()
    %dma_start3A = arith.constant 0 : i32
    %dma_start3A_1 = arith.constant 0 : i32
    %dma_start3A_2 = tpu.memref_slice %arg2[%dma_start3A, %dma_start3A_1] : memref<2048x128xf32, #tpu.memory_space<hbm>> -> memref<2048x128xf32, #tpu.memory_space<hbm>>
    tpu.enqueue_indirect_dma source(%dma_start3A_2 : memref<2048x128xf32, #tpu.memory_space<hbm>>) target(%arg6 : memref<64x128xf32, #tpu.memory_space<vmem>>) offsets(%arg5 : memref<64xi32, #tpu.memory_space<vmem>>) semaphore(%arg8 : memref<!tpu.dma_semaphore, #tpu.memory_space<semaphore_mem>>)
    %dma_wait3A = arith.constant 0 : i32
    %dma_wait3A_3 = arith.constant 0 : i32
    %dma_wait3A_4 = tpu.memref_slice %arg2[%dma_wait3A, %dma_wait3A_3] : memref<2048x128xf32, #tpu.memory_space<hbm>> -> memref<2048x128xf32, #tpu.memory_space<hbm>>
    tpu.wait_indirect_dma semaphore(%arg8 : memref<!tpu.dma_semaphore, #tpu.memory_space<semaphore_mem>>) src(%dma_wait3A_4 : memref<2048x128xf32, #tpu.memory_space<hbm>>) dst(%arg6 : memref<64x128xf32, #tpu.memory_space<vmem>>)
    %broadcast_in_dim3A = arith.constant 0.000000e+00 : f32
    %broadcast_in_dim3A_5 = vector.broadcast %broadcast_in_dim3A : f32 to vector<16xf32>
    %get3A = arith.constant 0 : i32
    %get3A_6 = arith.index_cast %get3A : i32 to index
    %get3A_7 = arith.constant 0 : index
    %get3A_8 = tpu.vector_load %arg6[%get3A_6, %get3A_7] {strides = array<i32>} : memref<64x128xf32, #tpu.memory_space<vmem>>, vector<1x16xf32>,
    %get3A_9 = vector.shape_cast %get3A_8 : vector<1x16xf32> to vector<16xf32>
    %get3A_10 = arith.constant 32 : i32
    %get3A_11 = arith.index_cast %get3A_10 : i32 to index
    %get3A_12 = arith.constant 0 : index
    %get3A_13 = tpu.vector_load %arg6[%get3A_11, %get3A_12] {strides = array<i32>} : memref<64x128xf32, #tpu.memory_space<vmem>>, vector<1x16xf32>,
    %get3A_14 = vector.shape_cast %get3A_13 : vector<1x16xf32> to vector<16xf32>
    %mul3A_15 = arith.mulf %get3A_9, %get3A_14 : vector<16xf32>
    %add3A_16 = arith.addf %broadcast_in_dim3A_5, %mul3A_15 : vector<16xf32>
    %mul3A_17 = arith.mulf %get3A_9, %get3A_9 : vector<16xf32>
    %add3A_18 = arith.addf %broadcast_in_dim3A_5, %mul3A_17 : vector<16xf32>
    %mul3A_19 = arith.mulf %get3A_14, %get3A_14 : vector<16xf32>
    %add3A_20 = arith.addf %broadcast_in_dim3A_5, %mul3A_19 : vector<16xf32>
    %get3A_21 = arith.constant 0 : i32
    %get3A_22 = arith.index_cast %get3A_21 : i32 to index
    %get3A_23 = arith.constant 16 : index
    %get3A_24 = tpu.vector_load %arg6[%get3A_22, %get3A_23] {strides = array<i32>} : memref<64x128xf32, #tpu.memory_space<vmem>>, vector<1x16xf32>,
    %get3A_25 = vector.shape_cast %get3A_24 : vector<1x16xf32> to vector<16xf32>
    %get3A_26 = arith.constant 32 : i32
    %get3A_27 = arith.index_cast %get3A_26 : i32 to index
    %get3A_28 = arith.constant 16 : index
    %get3A_29 = tpu.vector_load %arg6[%get3A_27, %get3A_28] {strides = array<i32>} : memref<64x128xf32, #tpu.memory_space<vmem>>, vector<1x16xf32>,
    %get3A_30 = vector.shape_cast %get3A_29 : vector<1x16xf32> to vector<16xf32>
    %mul3A_31 = arith.mulf %get3A_25, %get3A_30 : vector<16xf32>
    %add3A_32 = arith.addf %add3A_16, %mul3A_31 : vector<16xf32>
    %mul3A_33 = arith.mulf %get3A_25, %get3A_25 : vector<16xf32>
    %add3A_34 = arith.addf %add3A_18, %mul3A_33 : vector<16xf32>
    %mul3A_35 = arith.mulf %get3A_30, %get3A_30 : vector<16xf32>
    %add3A_36 = arith.addf %add3A_20, %mul3A_35 : vector<16xf32>
    %get3A_37 = arith.constant 0 : i32
    %get3A_38 = arith.index_cast %get3A_37 : i32 to index
    %get3A_39 = arith.constant 32 : index
    %get3A_40 = tpu.vector_load %arg6[%get3A_38, %get3A_39] {strides = array<i32>} : memref<64x128xf32, #tpu.memory_space<vmem>>, vector<1x16xf32>,
    %get3A_41 = vector.shape_cast %get3A_40 : vector<1x16xf32> to vector<16xf32>
    %get3A_42 = arith.constant 32 : i32
    %get3A_43 = arith.index_cast %get3A_42 : i32 to index
    %get3A_44 = arith.constant 32 : index
    %get3A_45 = tpu.vector_load %arg6[%get3A_43, %get3A_44] {strides = array<i32>} : memref<64x128xf32, #tpu.memory_space<vmem>>, vector<1x16xf32>,
    %get3A_46 = vector.shape_cast %get3A_45 : vector<1x16xf32> to vector<16xf32>
    %mul3A_47 = arith.mulf %get3A_41, %get3A_46 : vector<16xf32>
    %add3A_48 = arith.addf %add3A_32, %mul3A_47 : vector<16xf32>
    %mul3A_49 = arith.mulf %get3A_41, %get3A_41 : vector<16xf32>
    %add3A_50 = arith.addf %add3A_34, %mul3A_49 : vector<16xf32>
    %mul3A_51 = arith.mulf %get3A_46, %get3A_46 : vector<16xf32>
    %add3A_52 = arith.addf %add3A_36, %mul3A_51 : vector<16xf32>
    %get3A_53 = arith.constant 0 : i32
    %get3A_54 = arith.index_cast %get3A_53 : i32 to index
    %get3A_55 = arith.constant 48 : index
    %get3A_56 = tpu.vector_load %arg6[%get3A_54, %get3A_55] {strides = array<i32>} : memref<64x128xf32, #tpu.memory_space<vmem>>, vector<1x16xf32>,
    %get3A_57 = vector.shape_cast %get3A_56 : vector<1x16xf32> to vector<16xf32>
    %get3A_58 = arith.constant 32 : i32
    %get3A_59 = arith.index_cast %get3A_58 : i32 to index
    %get3A_60 = arith.constant 48 : index
    %get3A_61 = tpu.vector_load %arg6[%get3A_59, %get3A_60] {strides = array<i32>} : memref<64x128xf32, #tpu.memory_space<vmem>>, vector<1x16xf32>,
    %get3A_62 = vector.shape_cast %get3A_61 : vector<1x16xf32> to vector<16xf32>
    %mul3A_63 = arith.mulf %get3A_57, %get3A_62 : vector<16xf32>
    %add3A_64 = arith.addf %add3A_48, %mul3A_63 : vector<16xf32>
    %mul3A_65 = arith.mulf %get3A_57, %get3A_57 : vector<16xf32>
    %add3A_66 = arith.addf %add3A_50, %mul3A_65 : vector<16xf32>
    %mul3A_67 = arith.mulf %get3A_62, %get3A_62 : vector<16xf32>
    %add3A_68 = arith.addf %add3A_52, %mul3A_67 : vector<16xf32>
    %get3A_69 = arith.constant 0 : i32
    %get3A_70 = arith.index_cast %get3A_69 : i32 to index
    %get3A_71 = arith.constant 64 : index
    %get3A_72 = tpu.vector_load %arg6[%get3A_70, %get3A_71] {strides = array<i32>} : memref<64x128xf32, #tpu.memory_space<vmem>>, vector<1x16xf32>,
    %get3A_73 = vector.shape_cast %get3A_72 : vector<1x16xf32> to vector<16xf32>
    %get3A_74 = arith.constant 32 : i32
    %get3A_75 = arith.index_cast %get3A_74 : i32 to index
    %get3A_76 = arith.constant 64 : index
    %get3A_77 = tpu.vector_load %arg6[%get3A_75, %get3A_76] {strides = array<i32>} : memref<64x128xf32, #tpu.memory_space<vmem>>, vector<1x16xf32>,
    %get3A_78 = vector.shape_cast %get3A_77 : vector<1x16xf32> to vector<16xf32>
    %mul3A_79 = arith.mulf %get3A_73, %get3A_78 : vector<16xf32>
    %add3A_80 = arith.addf %add3A_64, %mul3A_79 : vector<16xf32>
    %mul3A_81 = arith.mulf %get3A_73, %get3A_73 : vector<16xf32>
    %add3A_82 = arith.addf %add3A_66, %mul3A_81 : vector<16xf32>
    %mul3A_83 = arith.mulf %get3A_78, %get3A_78 : vector<16xf32>
    %add3A_84 = arith.addf %add3A_68, %mul3A_83 : vector<16xf32>
    %get3A_85 = arith.constant 0 : i32
    %get3A_86 = arith.index_cast %get3A_85 : i32 to index
    %get3A_87 = arith.constant 80 : index
    %get3A_88 = tpu.vector_load %arg6[%get3A_86, %get3A_87] {strides = array<i32>} : memref<64x128xf32, #tpu.memory_space<vmem>>, vector<1x16xf32>,
    %get3A_89 = vector.shape_cast %get3A_88 : vector<1x16xf32> to vector<16xf32>
    %get3A_90 = arith.constant 32 : i32
    %get3A_91 = arith.index_cast %get3A_90 : i32 to index
    %get3A_92 = arith.constant 80 : index
    %get3A_93 = tpu.vector_load %arg6[%get3A_91, %get3A_92] {strides = array<i32>} : memref<64x128xf32, #tpu.memory_space<vmem>>, vector<1x16xf32>,
    %get3A_94 = vector.shape_cast %get3A_93 : vector<1x16xf32> to vector<16xf32>
    %mul3A_95 = arith.mulf %get3A_89, %get3A_94 : vector<16xf32>
    %add3A_96 = arith.addf %add3A_80, %mul3A_95 : vector<16xf32>
    %mul3A_97 = arith.mulf %get3A_89, %get3A_89 : vector<16xf32>
    %add3A_98 = arith.addf %add3A_82, %mul3A_97 : vector<16xf32>
    %mul3A_99 = arith.mulf %get3A_94, %get3A_94 : vector<16xf32>
    %add3A_100 = arith.addf %add3A_84, %mul3A_99 : vector<16xf32>
    %get3A_101 = arith.constant 0 : i32
    %get3A_102 = arith.index_cast %get3A_101 : i32 to index
    %get3A_103 = arith.constant 96 : index
    %get3A_104 = tpu.vector_load %arg6[%get3A_102, %get3A_103] {strides = array<i32>} : memref<64x128xf32, #tpu.memory_space<vmem>>, vector<1x16xf32>,
    %get3A_105 = vector.shape_cast %get3A_104 : vector<1x16xf32> to vector<16xf32>
    %get3A_106 = arith.constant 32 : i32
    %get3A_107 = arith.index_cast %get3A_106 : i32 to index
    %get3A_108 = arith.constant 96 : index
    %get3A_109 = tpu.vector_load %arg6[%get3A_107, %get3A_108] {strides = array<i32>} : memref<64x128xf32, #tpu.memory_space<vmem>>, vector<1x16xf32>,
    %get3A_110 = vector.shape_cast %get3A_109 : vector<1x16xf32> to vector<16xf32>
    %mul3A_111 = arith.mulf %get3A_105, %get3A_110 : vector<16xf32>
    %add3A_112 = arith.addf %add3A_96, %mul3A_111 : vector<16xf32>
    %mul3A_113 = arith.mulf %get3A_105, %get3A_105 : vector<16xf32>
    %add3A_114 = arith.addf %add3A_98, %mul3A_113 : vector<16xf32>
    %mul3A_115 = arith.mulf %get3A_110, %get3A_110 : vector<16xf32>
    %add3A_116 = arith.addf %add3A_100, %mul3A_115 : vector<16xf32>
    %get3A_117 = arith.constant 0 : i32
    %get3A_118 = arith.index_cast %get3A_117 : i32 to index
    %get3A_119 = arith.constant 112 : index
    %get3A_120 = tpu.vector_load %arg6[%get3A_118, %get3A_119] {strides = array<i32>} : memref<64x128xf32, #tpu.memory_space<vmem>>, vector<1x16xf32>,
    %get3A_121 = vector.shape_cast %get3A_120 : vector<1x16xf32> to vector<16xf32>
    %get3A_122 = arith.constant 32 : i32
    %get3A_123 = arith.index_cast %get3A_122 : i32 to index
    %get3A_124 = arith.constant 112 : index
    %get3A_125 = tpu.vector_load %arg6[%get3A_123, %get3A_124] {strides = array<i32>} : memref<64x128xf32, #tpu.memory_space<vmem>>, vector<1x16xf32>,
    %get3A_126 = vector.shape_cast %get3A_125 : vector<1x16xf32> to vector<16xf32>
    %mul3A_127 = arith.mulf %get3A_121, %get3A_126 : vector<16xf32>
    %add3A_128 = arith.addf %add3A_112, %mul3A_127 : vector<16xf32>
    %mul3A_129 = arith.mulf %get3A_121, %get3A_121 : vector<16xf32>
    %add3A_130 = arith.addf %add3A_114, %mul3A_129 : vector<16xf32>
    %mul3A_131 = arith.mulf %get3A_126, %get3A_126 : vector<16xf32>
    %add3A_132 = arith.addf %add3A_116, %mul3A_131 : vector<16xf32>
    %swap3A = arith.constant 0 : i32
    %swap3A_133 = arith.index_cast %swap3A : i32 to index
    %swap3A_134 = arith.constant 0 : index
    %swap3A_135 = tpu.vector_load %arg7[%swap3A_133, %swap3A_134] {strides = array<i32>} : memref<32x48xf32, #tpu.memory_space<vmem>>, vector<1x16xf32>,
    %swap3A_136 = vector.shape_cast %swap3A_135 : vector<1x16xf32> to vector<16xf32>
    %swap3A_137 = vector.shape_cast %add3A_128 : vector<16xf32> to vector<1x16xf32>
    tpu.vector_store %arg7[%swap3A_133, %swap3A_134], %swap3A_137 {strides = array<i32>} : memref<32x48xf32, #tpu.memory_space<vmem>>, vector<1x16xf32>,
    %swap3A_138 = arith.constant 0 : i32
    %swap3A_139 = arith.index_cast %swap3A_138 : i32 to index
    %swap3A_140 = arith.constant 16 : index
    %swap3A_141 = tpu.vector_load %arg7[%swap3A_139, %swap3A_140] {strides = array<i32>} : memref<32x48xf32, #tpu.memory_space<vmem>>, vector<1x16xf32>,
    %swap3A_142 = vector.shape_cast %swap3A_141 : vector<1x16xf32> to vector<16xf32>
    %swap3A_143 = vector.shape_cast %add3A_130 : vector<16xf32> to vector<1x16xf32>
    tpu.vector_store %arg7[%swap3A_139, %swap3A_140], %swap3A_143 {strides = array<i32>} : memref<32x48xf32, #tpu.memory_space<vmem>>, vector<1x16xf32>,
    %swap3A_144 = arith.constant 0 : i32
    %swap3A_145 = arith.index_cast %swap3A_144 : i32 to index
    %swap3A_146 = arith.constant 32 : index
    %swap3A_147 = tpu.vector_load %arg7[%swap3A_145, %swap3A_146] {strides = array<i32>} : memref<32x48xf32, #tpu.memory_space<vmem>>, vector<1x16xf32>,
    %swap3A_148 = vector.shape_cast %swap3A_147 : vector<1x16xf32> to vector<16xf32>
    %swap3A_149 = vector.shape_cast %add3A_132 : vector<16xf32> to vector<1x16xf32>
    tpu.vector_store %arg7[%swap3A_145, %swap3A_146], %swap3A_149 {strides = array<i32>} : memref<32x48xf32, #tpu.memory_space<vmem>>, vector<1x16xf32>,
    %get3A_150 = arith.constant 1 : i32
    %get3A_151 = arith.index_cast %get3A_150 : i32 to index
    %get3A_152 = arith.constant 0 : index
    %get3A_153 = tpu.vector_load %arg6[%get3A_151, %get3A_152] {strides = array<i32>} : memref<64x128xf32, #tpu.memory_space<vmem>>, vector<1x16xf32>,
    %get3A_154 = vector.shape_cast %get3A_153 : vector<1x16xf32> to vector<16xf32>
    %get3A_155 = arith.constant 33 : i32
    %get3A_156 = arith.index_cast %get3A_155 : i32 to index
    %get3A_157 = arith.constant 0 : index
    %get3A_158 = tpu.vector_load %arg6[%get3A_156, %get3A_157] {strides = array<i32>} : memref<64x128xf32, #tpu.memory_space<vmem>>, vector<1x16xf32>,
    %get3A_159 = vector.shape_cast %get3A_158 : vector<1x16xf32> to vector<16xf32>
    %mul3A_160 = arith.mulf %get3A_154, %get3A_159 : vector<16xf32>
    %add3A_161 = arith.addf %broadcast_in_dim3A_5, %mul3A_160 : vector<16xf32>
    %mul3A_162 = arith.mulf %get3A_154, %get3A_154 : vector<16xf32>
    %add3A_163 = arith.addf %broadcast_in_dim3A_5, %mul3A_162 : vector<16xf32>
    %mul3A_164 = arith.mulf %get3A_159, %get3A_159 : vector<16xf32>
    %add3A_165 = arith.addf %broadcast_in_dim3A_5, %mul3A_164 : vector<16xf32>
    %get3A_166 = arith.constant 1 : i32
    %get3A_167 = arith.index_cast %get3A_166 : i32 to index
    %get3A_168 = arith.constant 16 : index
    %get3A_169 = tpu.vector_load %arg6[%get3A_167, %get3A_168] {strides = array<i32>} : memref<64x128xf32, #tpu.memory_space<vmem>>, vector<1x16xf32>,
    %get3A_170 = vector.shape_cast %get3A_169 : vector<1x16xf32> to vector<16xf32>
    %get3A_171 = arith.constant 33 : i32
    %get3A_172 = arith.index_cast %get3A_171 : i32 to index
    %get3A_173 = arith.constant 16 : index
    %get3A_174 = tpu.vector_load %arg6[%get3A_172, %get3A_173] {strides = array<i32>} : memref<64x128xf32, #tpu.memory_space<vmem>>, vector<1x16xf32>,
    %get3A_175 = vector.shape_cast %get3A_174 : vector<1x16xf32> to vector<16xf32>
    %mul3A_176 = arith.mulf %get3A_170, %get3A_175 : vector<16xf32>
    %add3A_177 = arith.addf %add3A_161, %mul3A_176 : vector<16xf32>
    %mul3A_178 = arith.mulf %get3A_170, %get3A_170 : vector<16xf32>
    %add3A_179 = arith.addf %add3A_163, %mul3A_178 : vector<16xf32>
    %mul3A_180 = arith.mulf %get3A_175, %get3A_175 : vector<16xf32>
    %add3A_181 = arith.addf %add3A_165, %mul3A_180 : vector<16xf32>
    %get3A_182 = arith.constant 1 : i32
    %get3A_183 = arith.index_cast %get3A_182 : i32 to index
    %get3A_184 = arith.constant 32 : index
    %get3A_185 = tpu.vector_load %arg6[%get3A_183, %get3A_184] {strides = array<i32>} : memref<64x128xf32, #tpu.memory_space<vmem>>, vector<1x16xf32>,
    %get3A_186 = vector.shape_cast %get3A_185 : vector<1x16xf32> to vector<16xf32>
    %get3A_187 = arith.constant 33 : i32
    %get3A_188 = arith.index_cast %get3A_187 : i32 to index
    %get3A_189 = arith.constant 32 : index
    %get3A_190 = tpu.vector_load %arg6[%get3A_188, %get3A_189] {strides = array<i32>} : memref<64x128xf32, #tpu.memory_space<vmem>>, vector<1x16xf32>,
    %get3A_191 = vector.shape_cast %get3A_190 : vector<1x16xf32> to vector<16xf32>
    %mul3A_192 = arith.mulf %get3A_186, %get3A_191 : vector<16xf32>
    %add3A_193 = arith.addf %add3A_177, %mul3A_192 : vector<16xf32>
    %mul3A_194 = arith.mulf %get3A_186, %get3A_186 : vector<16xf32>
    %add3A_195 = arith.addf %add3A_179, %mul3A_194 : vector<16xf32>
    %mul3A_196 = arith.mulf %get3A_191, %get3A_191 : vector<16xf32>
    %add3A_197 = arith.addf %add3A_181, %mul3A_196 : vector<16xf32>
    %get3A_198 = arith.constant 1 : i32
    %get3A_199 = arith.index_cast %get3A_198 : i32 to index
    %get3A_200 = arith.constant 48 : index
    %get3A_201 = tpu.vector_load %arg6[%get3A_199, %get3A_200] {strides = array<i32>} : memref<64x128xf32, #tpu.memory_space<vmem>>, vector<1x16xf32>,
    %get3A_202 = vector.shape_cast %get3A_201 : vector<1x16xf32> to vector<16xf32>
    %get3A_203 = arith.constant 33 : i32
    %get3A_204 = arith.index_cast %get3A_203 : i32 to index
    %get3A_205 = arith.constant 48 : index
    %get3A_206 = tpu.vector_load %arg6[%get3A_204, %get3A_205] {strides = array<i32>} : memref<64x128xf32, #tpu.memory_space<vmem>>, vector<1x16xf32>,
    %get3A_207 = vector.shape_cast %get3A_206 : vector<1x16xf32> to vector<16xf32>
    %mul3A_208 = arith.mulf %get3A_202, %get3A_207 : vector<16xf32>
    %add3A_209 = arith.addf %add3A_193, %mul3A_208 : vector<16xf32>
    %mul3A_210 = arith.mulf %get3A_202, %get3A_202 : vector<16xf32>
    %add3A_211 = arith.addf %add3A_195, %mul3A_210 : vector<16xf32>
    %mul3A_212 = arith.mulf %get3A_207, %get3A_207 : vector<16xf32>
    %add3A_213 = arith.addf %add3A_197, %mul3A_212 : vector<16xf32>
    %get3A_214 = arith.constant 1 : i32
    %get3A_215 = arith.index_cast %get3A_214 : i32 to index
    %get3A_216 = arith.constant 64 : index
    %get3A_217 = tpu.vector_load %arg6[%get3A_215, %get3A_216] {strides = array<i32>} : memref<64x128xf32, #tpu.memory_space<vmem>>, vector<1x16xf32>,
    %get3A_218 = vector.shape_cast %get3A_217 : vector<1x16xf32> to vector<16xf32>
    %get3A_219 = arith.constant 33 : i32
    %get3A_220 = arith.index_cast %get3A_219 : i32 to index
    %get3A_221 = arith.constant 64 : index
    %get3A_222 = tpu.vector_load %arg6[%get3A_220, %get3A_221] {strides = array<i32>} : memref<64x128xf32, #tpu.memory_space<vmem>>, vector<1x16xf32>,
    %get3A_223 = vector.shape_cast %get3A_222 : vector<1x16xf32> to vector<16xf32>
    %mul3A_224 = arith.mulf %get3A_218, %get3A_223 : vector<16xf32>
    %add3A_225 = arith.addf %add3A_209, %mul3A_224 : vector<16xf32>
    %mul3A_226 = arith.mulf %get3A_218, %get3A_218 : vector<16xf32>
    %add3A_227 = arith.addf %add3A_211, %mul3A_226 : vector<16xf32>
    %mul3A_228 = arith.mulf %get3A_223, %get3A_223 : vector<16xf32>
    %add3A_229 = arith.addf %add3A_213, %mul3A_228 : vector<16xf32>
    %get3A_230 = arith.constant 1 : i32
    %get3A_231 = arith.index_cast %get3A_230 : i32 to index
    %get3A_232 = arith.constant 80 : index
    %get3A_233 = tpu.vector_load %arg6[%get3A_231, %get3A_232] {strides = array<i32>} : memref<64x128xf32, #tpu.memory_space<vmem>>, vector<1x16xf32>,
    %get3A_234 = vector.shape_cast %get3A_233 : vector<1x16xf32> to vector<16xf32>
    %get3A_235 = arith.constant 33 : i32
    %get3A_236 = arith.index_cast %get3A_235 : i32 to index
    %get3A_237 = arith.constant 80 : index
    %get3A_238 = tpu.vector_load %arg6[%get3A_236, %get3A_237] {strides = array<i32>} : memref<64x128xf32, #tpu.memory_space<vmem>>, vector<1x16xf32>,
    %get3A_239 = vector.shape_cast %get3A_238 : vector<1x16xf32> to vector<16xf32>
    %mul3A_240 = arith.mulf %get3A_234, %get3A_239 : vector<16xf32>
    %add3A_241 = arith.addf %add3A_225, %mul3A_240 : vector<16xf32>
    %mul3A_242 = arith.mulf %get3A_234, %get3A_234 : vector<16xf32>
    %add3A_243 = arith.addf %add3A_227, %mul3A_242 : vector<16xf32>
    %mul3A_244 = arith.mulf %get3A_239, %get3A_239 : vector<16xf32>
    %add3A_245 = arith.addf %add3A_229, %mul3A_244 : vector<16xf32>
    %get3A_246 = arith.constant 1 : i32
    %get3A_247 = arith.index_cast %get3A_246 : i32 to index
    %get3A_248 = arith.constant 96 : index
    %get3A_249 = tpu.vector_load %arg6[%get3A_247, %get3A_248] {strides = array<i32>} : memref<64x128xf32, #tpu.memory_space<vmem>>, vector<1x16xf32>,
    %get3A_250 = vector.shape_cast %get3A_249 : vector<1x16xf32> to vector<16xf32>
    %get3A_251 = arith.constant 33 : i32
    %get3A_252 = arith.index_cast %get3A_251 : i32 to index
    %get3A_253 = arith.constant 96 : index
    %get3A_254 = tpu.vector_load %arg6[%get3A_252, %get3A_253] {strides = array<i32>} : memref<64x128xf32, #tpu.memory_space<vmem>>, vector<1x16xf32>,
    %get3A_255 = vector.shape_cast %get3A_254 : vector<1x16xf32> to vector<16xf32>
    %mul3A_256 = arith.mulf %get3A_250, %get3A_255 : vector<16xf32>
    %add3A_257 = arith.addf %add3A_241, %mul3A_256 : vector<16xf32>
    %mul3A_258 = arith.mulf %get3A_250, %get3A_250 : vector<16xf32>
    %add3A_259 = arith.addf %add3A_243, %mul3A_258 : vector<16xf32>
    %mul3A_260 = arith.mulf %get3A_255, %get3A_255 : vector<16xf32>
    %add3A_261 = arith.addf %add3A_245, %mul3A_260 : vector<16xf32>
    %get3A_262 = arith.constant 1 : i32
    %get3A_263 = arith.index_cast %get3A_262 : i32 to index
    %get3A_264 = arith.constant 112 : index
    %get3A_265 = tpu.vector_load %arg6[%get3A_263, %get3A_264] {strides = array<i32>} : memref<64x128xf32, #tpu.memory_space<vmem>>, vector<1x16xf32>,
    %get3A_266 = vector.shape_cast %get3A_265 : vector<1x16xf32> to vector<16xf32>
    %get3A_267 = arith.constant 33 : i32
    %get3A_268 = arith.index_cast %get3A_267 : i32 to index
    %get3A_269 = arith.constant 112 : index
    %get3A_270 = tpu.vector_load %arg6[%get3A_268, %get3A_269] {strides = array<i32>} : memref<64x128xf32, #tpu.memory_space<vmem>>, vector<1x16xf32>,
    %get3A_271 = vector.shape_cast %get3A_270 : vector<1x16xf32> to vector<16xf32>
    %mul3A_272 = arith.mulf %get3A_266, %get3A_271 : vector<16xf32>
    %add3A_273 = arith.addf %add3A_257, %mul3A_272 : vector<16xf32>
    %mul3A_274 = arith.mulf %get3A_266, %get3A_266 : vector<16xf32>
    %add3A_275 = arith.addf %add3A_259, %mul3A_274 : vector<16xf32>
    %mul3A_276 = arith.mulf %get3A_271, %get3A_271 : vector<16xf32>
    %add3A_277 = arith.addf %add3A_261, %mul3A_276 : vector<16xf32>
    %swap3A_278 = arith.constant 1 : i32
    %swap3A_279 = arith.index_cast %swap3A_278 : i32 to index
    %swap3A_280 = arith.constant 0 : index
    %swap3A_281 = tpu.vector_load %arg7[%swap3A_279, %swap3A_280] {strides = array<i32>} : memref<32x48xf32, #tpu.memory_space<vmem>>, vector<1x16xf32>,
    %swap3A_282 = vector.shape_cast %swap3A_281 : vector<1x16xf32> to vector<16xf32>
    %swap3A_283 = vector.shape_cast %add3A_273 : vector<16xf32> to vector<1x16xf32>
    tpu.vector_store %arg7[%swap3A_279, %swap3A_280], %swap3A_283 {strides = array<i32>} : memref<32x48xf32, #tpu.memory_space<vmem>>, vector<1x16xf32>,
    %swap3A_284 = arith.constant 1 : i32
    %swap3A_285 = arith.index_cast %swap3A_284 : i32 to index
    %swap3A_286 = arith.constant 16 : index
    %swap3A_287 = tpu.vector_load %arg7[%swap3A_285, %swap3A_286] {strides = array<i32>} : memref<32x48xf32, #tpu.memory_space<vmem>>, vector<1x16xf32>,
    %swap3A_288 = vector.shape_cast %swap3A_287 : vector<1x16xf32> to vector<16xf32>
    %swap3A_289 = vector.shape_cast %add3A_275 : vector<16xf32> to vector<1x16xf32>
    tpu.vector_store %arg7[%swap3A_285, %swap3A_286], %swap3A_289 {strides = array<i32>} : memref<32x48xf32, #tpu.memory_space<vmem>>, vector<1x16xf32>,
    %swap3A_290 = arith.constant 1 : i32
    %swap3A_291 = arith.index_cast %swap3A_290 : i32 to index
    %swap3A_292 = arith.constant 32 : index
    %swap3A_293 = tpu.vector_load %arg7[%swap3A_291, %swap3A_292] {strides = array<i32>} : memref<32x48xf32, #tpu.memory_space<vmem>>, vector<1x16xf32>,
    %swap3A_294 = vector.shape_cast %swap3A_293 : vector<1x16xf32> to vector<16xf32>
    %swap3A_295 = vector.shape_cast %add3A_277 : vector<16xf32> to vector<1x16xf32>
    tpu.vector_store %arg7[%swap3A_291, %swap3A_292], %swap3A_295 {strides = array<i32>} : memref<32x48xf32, #tpu.memory_space<vmem>>, vector<1x16xf32>,
    %get3A_296 = arith.constant 2 : i32
    %get3A_297 = arith.index_cast %get3A_296 : i32 to index
    %get3A_298 = arith.constant 0 : index
    %get3A_299 = tpu.vector_load %arg6[%get3A_297, %get3A_298] {strides = array<i32>} : memref<64x128xf32, #tpu.memory_space<vmem>>, vector<1x16xf32>,
    %get3A_300 = vector.shape_cast %get3A_299 : vector<1x16xf32> to vector<16xf32>
    %get3A_301 = arith.constant 34 : i32
    %get3A_302 = arith.index_cast %get3A_301 : i32 to index
    %get3A_303 = arith.constant 0 : index
    %get3A_304 = tpu.vector_load %arg6[%get3A_302, %get3A_303] {strides = array<i32>} : memref<64x128xf32, #tpu.memory_space<vmem>>, vector<1x16xf32>,
    %get3A_305 = vector.shape_cast %get3A_304 : vector<1x16xf32> to vector<16xf32>
    %mul3A_306 = arith.mulf %get3A_300, %get3A_305 : vector<16xf32>
    %add3A_307 = arith.addf %broadcast_in_dim3A_5, %mul3A_306 : vector<16xf32>
    %mul3A_308 = arith.mulf %get3A_300, %get3A_300 : vector<16xf32>
    %add3A_309 = arith.addf %broadcast_in_dim3A_5, %mul3A_308 : vector<16xf32>
    %mul3A_310 = arith.mulf %get3A_305, %get3A_305 : vector<16xf32>
    %add3A_311 = arith.addf %broadcast_in_dim3A_5, %mul3A_310 : vector<16xf32>
    %get3A_312 = arith.constant 2 : i32
    %get3A_313 = arith.index_cast %get3A_312 : i32 to index
    %get3A_314 = arith.constant 16 : index
    %get3A_315 = tpu.vector_load %arg6[%get3A_313, %get3A_314] {strides = array<i32>} : memref<64x128xf32, #tpu.memory_space<vmem>>, vector<1x16xf32>,
    %get3A_316 = vector.shape_cast %get3A_315 : vector<1x16xf32> to vector<16xf32>
    %get3A_317 = arith.constant 34 : i32
    %get3A_318 = arith.index_cast %get3A_317 : i32 to index
    %get3A_319 = arith.constant 16 : index
    %get3A_320 = tpu.vector_load %arg6[%get3A_318, %get3A_319] {strides = array<i32>} : memref<64x128xf32, #tpu.memory_space<vmem>>, vector<1x16xf32>,
    %get3A_321 = vector.shape_cast %get3A_320 : vector<1x16xf32> to vector<16xf32>
    %mul3A_322 = arith.mulf %get3A_316, %get3A_321 : vector<16xf32>
    %add3A_323 = arith.addf %add3A_307, %mul3A_322 : vector<16xf32>
    %mul3A_324 = arith.mulf %get3A_316, %get3A_316 : vector<16xf32>
    %add3A_325 = arith.addf %add3A_309, %mul3A_324 : vector<16xf32>
    %mul3A_326 = arith.mulf %get3A_321, %get3A_321 : vector<16xf32>
    %add3A_327 = arith.addf %add3A_311, %mul3A_326 : vector<16xf32>
    %get3A_328 = arith.constant 2 : i32
    %get3A_329 = arith.index_cast %get3A_328 : i32 to index
    %get3A_330 = arith.constant 32 : index
    %get3A_331 = tpu.vector_load %arg6[%get3A_329, %get3A_330] {strides = array<i32>} : memref<64x128xf32, #tpu.memory_space<vmem>>, vector<1x16xf32>,
    %get3A_332 = vector.shape_cast %get3A_331 : vector<1x16xf32> to vector<16xf32>
    %get3A_333 = arith.constant 34 : i32
    %get3A_334 = arith.index_cast %get3A_333 : i32 to index
    %get3A_335 = arith.constant 32 : index
    %get3A_336 = tpu.vector_load %arg6[%get3A_334, %get3A_335] {strides = array<i32>} : memref<64x128xf32, #tpu.memory_space<vmem>>, vector<1x16xf32>,
    %get3A_337 = vector.shape_cast %get3A_336 : vector<1x16xf32> to vector<16xf32>
    %mul3A_338 = arith.mulf %get3A_332, %get3A_337 : vector<16xf32>
    %add3A_339 = arith.addf %add3A_323, %mul3A_338 : vector<16xf32>
    %mul3A_340 = arith.mulf %get3A_332, %get3A_332 : vector<16xf32>
    %add3A_341 = arith.addf %add3A_325, %mul3A_340 : vector<16xf32>
    %mul3A_342 = arith.mulf %get3A_337, %get3A_337 : vector<16xf32>
    %add3A_343 = arith.addf %add3A_327, %mul3A_342 : vector<16xf32>
    %get3A_344 = arith.constant 2 : i32
    %get3A_345 = arith.index_cast %get3A_344 : i32 to index
    %get3A_346 = arith.constant 48 : index
    %get3A_347 = tpu.vector_load %arg6[%get3A_345, %get3A_346] {strides = array<i32>} : memref<64x128xf32, #tpu.memory_space<vmem>>, vector<1x16xf32>,
    %get3A_348 = vector.shape_cast %get3A_347 : vector<1x16xf32> to vector<16xf32>
    %get3A_349 = arith.constant 34 : i32
    %get3A_350 = arith.index_cast %get3A_349 : i32 to index
    %get3A_351 = arith.constant 48 : index
    %get3A_352 = tpu.vector_load %arg6[%get3A_350, %get3A_351] {strides = array<i32>} : memref<64x128xf32, #tpu.memory_space<vmem>>, vector<1x16xf32>,
    %get3A_353 = vector.shape_cast %get3A_352 : vector<1x16xf32> to vector<16xf32>
    %mul3A_354 = arith.mulf %get3A_348, %get3A_353 : vector<16xf32>
    %add3A_355 = arith.addf %add3A_339, %mul3A_354 : vector<16xf32>
    %mul3A_356 = arith.mulf %get3A_348, %get3A_348 : vector<16xf32>
    %add3A_357 = arith.addf %add3A_341, %mul3A_356 : vector<16xf32>
    %mul3A_358 = arith.mulf %get3A_353, %get3A_353 : vector<16xf32>
    %add3A_359 = arith.addf %add3A_343, %mul3A_358 : vector<16xf32>
    %get3A_360 = arith.constant 2 : i32
    %get3A_361 = arith.index_cast %get3A_360 : i32 to index
    %get3A_362 = arith.constant 64 : index
    %get3A_363 = tpu.vector_load %arg6[%get3A_361, %get3A_362] {strides = array<i32>} : memref<64x128xf32, #tpu.memory_space<vmem>>, vector<1x16xf32>,
    %get3A_364 = vector.shape_cast %get3A_363 : vector<1x16xf32> to vector<16xf32>
    %get3A_365 = arith.constant 34 : i32
    %get3A_366 = arith.index_cast %get3A_365 : i32 to index
    %get3A_367 = arith.constant 64 : index
    %get3A_368 = tpu.vector_load %arg6[%get3A_366, %get3A_367] {strides = array<i32>} : memref<64x128xf32, #tpu.memory_space<vmem>>, vector<1x16xf32>,
    %get3A_369 = vector.shape_cast %get3A_368 : vector<1x16xf32> to vector<16xf32>
    %mul3A_370 = arith.mulf %get3A_364, %get3A_369 : vector<16xf32>
    %add3A_371 = arith.addf %add3A_355, %mul3A_370 : vector<16xf32>
    %mul3A_372 = arith.mulf %get3A_364, %get3A_364 : vector<16xf32>
    %add3A_373 = arith.addf %add3A_357, %mul3A_372 : vector<16xf32>
    %mul3A_374 = arith.mulf %get3A_369, %get3A_369 : vector<16xf32>
    %add3A_375 = arith.addf %add3A_359, %mul3A_374 : vector<16xf32>
    %get3A_376 = arith.constant 2 : i32
    %get3A_377 = arith.index_cast %get3A_376 : i32 to index
    %get3A_378 = arith.constant 80 : index
    %get3A_379 = tpu.vector_load %arg6[%get3A_377, %get3A_378] {strides = array<i32>} : memref<64x128xf32, #tpu.memory_space<vmem>>, vector<1x16xf32>,
    %get3A_380 = vector.shape_cast %get3A_379 : vector<1x16xf32> to vector<16xf32>
    %get3A_381 = arith.constant 34 : i32
    %get3A_382 = arith.index_cast %get3A_381 : i32 to index
    %get3A_383 = arith.constant 80 : index
    %get3A_384 = tpu.vector_load %arg6[%get3A_382, %get3A_383] {strides = array<i32>} : memref<64x128xf32, #tpu.memory_space<vmem>>, vector<1x16xf32>,
    %get3A_385 = vector.shape_cast %get3A_384 : vector<1x16xf32> to vector<16xf32>
    %mul3A_386 = arith.mulf %get3A_380, %get3A_385 : vector<16xf32>
    %add3A_387 = arith.addf %add3A_371, %mul3A_386 : vector<16xf32>
    %mul3A_388 = arith.mulf %get3A_380, %get3A_380 : vector<16xf32>
    %add3A_389 = arith.addf %add3A_373, %mul3A_388 : vector<16xf32>
    %mul3A_390 = arith.mulf %get3A_385, %get3A_385 : vector<16xf32>
    %add3A_391 = arith.addf %add3A_375, %mul3A_390 : vector<16xf32>
    %get3A_392 = arith.constant 2 : i32
    %get3A_393 = arith.index_cast %get3A_392 : i32 to index
    %get3A_394 = arith.constant 96 : index
    %get3A_395 = tpu.vector_load %arg6[%get3A_393, %get3A_394] {strides = array<i32>} : memref<64x128xf32, #tpu.memory_space<vmem>>, vector<1x16xf32>,
    %get3A_396 = vector.shape_cast %get3A_395 : vector<1x16xf32> to vector<16xf32>
    %get3A_397 = arith.constant 34 : i32
    %get3A_398 = arith.index_cast %get3A_397 : i32 to index
    %get3A_399 = arith.constant 96 : index
    %get3A_400 = tpu.vector_load %arg6[%get3A_398, %get3A_399] {strides = array<i32>} : memref<64x128xf32, #tpu.memory_space<vmem>>, vector<1x16xf32>,
    %get3A_401 = vector.shape_cast %get3A_400 : vector<1x16xf32> to vector<16xf32>
    %mul3A_402 = arith.mulf %get3A_396, %get3A_401 : vector<16xf32>
    %add3A_403 = arith.addf %add3A_387, %mul3A_402 : vector<16xf32>
    %mul3A_404 = arith.mulf %get3A_396, %get3A_396 : vector<16xf32>
    %add3A_405 = arith.addf %add3A_389, %mul3A_404 : vector<16xf32>
    %mul3A_406 = arith.mulf %get3A_401, %get3A_401 : vector<16xf32>
    %add3A_407 = arith.addf %add3A_391, %mul3A_406 : vector<16xf32>
    %get3A_408 = arith.constant 2 : i32
    %get3A_409 = arith.index_cast %get3A_408 : i32 to index
    %get3A_410 = arith.constant 112 : index
    %get3A_411 = tpu.vector_load %arg6[%get3A_409, %get3A_410] {strides = array<i32>} : memref<64x128xf32, #tpu.memory_space<vmem>>, vector<1x16xf32>,
    %get3A_412 = vector.shape_cast %get3A_411 : vector<1x16xf32> to vector<16xf32>
    %get3A_413 = arith.constant 34 : i32
    %get3A_414 = arith.index_cast %get3A_413 : i32 to index
    %get3A_415 = arith.constant 112 : index
    %get3A_416 = tpu.vector_load %arg6[%get3A_414, %get3A_415] {strides = array<i32>} : memref<64x128xf32, #tpu.memory_space<vmem>>, vector<1x16xf32>,
    %get3A_417 = vector.shape_cast %get3A_416 : vector<1x16xf32> to vector<16xf32>
    %mul3A_418 = arith.mulf %get3A_412, %get3A_417 : vector<16xf32>
    %add3A_419 = arith.addf %add3A_403, %mul3A_418 : vector<16xf32>
    %mul3A_420 = arith.mulf %get3A_412, %get3A_412 : vector<16xf32>
    %add3A_421 = arith.addf %add3A_405, %mul3A_420 : vector<16xf32>
    %mul3A_422 = arith.mulf %get3A_417, %get3A_417 : vector<16xf32>
    %add3A_423 = arith.addf %add3A_407, %mul3A_422 : vector<16xf32>
    %swap3A_424 = arith.constant 2 : i32
    %swap3A_425 = arith.index_cast %swap3A_424 : i32 to index
    %swap3A_426 = arith.constant 0 : index
    %swap3A_427 = tpu.vector_load %arg7[%swap3A_425, %swap3A_426] {strides = array<i32>} : memref<32x48xf32, #tpu.memory_space<vmem>>, vector<1x16xf32>,
    %swap3A_428 = vector.shape_cast %swap3A_427 : vector<1x16xf32> to vector<16xf32>
    %swap3A_429 = vector.shape_cast %add3A_419 : vector<16xf32> to vector<1x16xf32>
    tpu.vector_store %arg7[%swap3A_425, %swap3A_426], %swap3A_429 {strides = array<i32>} : memref<32x48xf32, #tpu.memory_space<vmem>>, vector<1x16xf32>,
    %swap3A_430 = arith.constant 2 : i32
    %swap3A_431 = arith.index_cast %swap3A_430 : i32 to index
    %swap3A_432 = arith.constant 16 : index
    %swap3A_433 = tpu.vector_load %arg7[%swap3A_431, %swap3A_432] {strides = array<i32>} : memref<32x48xf32, #tpu.memory_space<vmem>>, vector<1x16xf32>,
    %swap3A_434 = vector.shape_cast %swap3A_433 : vector<1x16xf32> to vector<16xf32>
    %swap3A_435 = vector.shape_cast %add3A_421 : vector<16xf32> to vector<1x16xf32>
    tpu.vector_store %arg7[%swap3A_431, %swap3A_432], %swap3A_435 {strides = array<i32>} : memref<32x48xf32, #tpu.memory_space<vmem>>, vector<1x16xf32>,
    %swap3A_436 = arith.constant 2 : i32
    %swap3A_437 = arith.index_cast %swap3A_436 : i32 to index
    %swap3A_438 = arith.constant 32 : index
    %swap3A_439 = tpu.vector_load %arg7[%swap3A_437, %swap3A_438] {strides = array<i32>} : memref<32x48xf32, #tpu.memory_space<vmem>>, vector<1x16xf32>,
    %swap3A_440 = vector.shape_cast %swap3A_439 : vector<1x16xf32> to vector<16xf32>
    %swap3A_441 = vector.shape_cast %add3A_423 : vector<16xf32> to vector<1x16xf32>
    tpu.vector_store %arg7[%swap3A_437, %swap3A_438], %swap3A_441 {strides = array<i32>} : memref<32x48xf32, #tpu.memory_space<vmem>>, vector<1x16xf32>,
    %get3A_442 = arith.constant 3 : i32
    %get3A_443 = arith.index_cast %get3A_442 : i32 to index
    %get3A_444 = arith.constant 0 : index
    %get3A_445 = tpu.vector_load %arg6[%get3A_443, %get3A_444] {strides = array<i32>} : memref<64x128xf32, #tpu.memory_space<vmem>>, vector<1x16xf32>,
    %get3A_446 = vector.shape_cast %get3A_445 : vector<1x16xf32> to vector<16xf32>
    %get3A_447 = arith.constant 35 : i32
    %get3A_448 = arith.index_cast %get3A_447 : i32 to index
    %get3A_449 = arith.constant 0 : index
    %get3A_450 = tpu.vector_load %arg6[%get3A_448, %get3A_449] {strides = array<i32>} : memref<64x128xf32, #tpu.memory_space<vmem>>, vector<1x16xf32>,
    %get3A_451 = vector.shape_cast %get3A_450 : vector<1x16xf32> to vector<16xf32>
    %mul3A_452 = arith.mulf %get3A_446, %get3A_451 : vector<16xf32>
    %add3A_453 = arith.addf %broadcast_in_dim3A_5, %mul3A_452 : vector<16xf32>
    %mul3A_454 = arith.mulf %get3A_446, %get3A_446 : vector<16xf32>
    %add3A_455 = arith.addf %broadcast_in_dim3A_5, %mul3A_454 : vector<16xf32>
    %mul3A_456 = arith.mulf %get3A_451, %get3A_451 : vector<16xf32>
    %add3A_457 = arith.addf %broadcast_in_dim3A_5, %mul3A_456 : vector<16xf32>
    %get3A_458 = arith.constant 3 : i32
    %get3A_459 = arith.index_cast %get3A_458 : i32 to index
    %get3A_460 = arith.constant 16 : index
    %get3A_461 = tpu.vector_load %arg6[%get3A_459, %get3A_460] {strides = array<i32>} : memref<64x128xf32, #tpu.memory_space<vmem>>, vector<1x16xf32>,
    %get3A_462 = vector.shape_cast %get3A_461 : vector<1x16xf32> to vector<16xf32>
    %get3A_463 = arith.constant 35 : i32
    %get3A_464 = arith.index_cast %get3A_463 : i32 to index
    %get3A_465 = arith.constant 16 : index
    %get3A_466 = tpu.vector_load %arg6[%get3A_464, %get3A_465] {strides = array<i32>} : memref<64x128xf32, #tpu.memory_space<vmem>>, vector<1x16xf32>,
    %get3A_467 = vector.shape_cast %get3A_466 : vector<1x16xf32> to vector<16xf32>
    %mul3A_468 = arith.mulf %get3A_462, %get3A_467 : vector<16xf32>
    %add3A_469 = arith.addf %add3A_453, %mul3A_468 : vector<16xf32>
    %mul3A_470 = arith.mulf %get3A_462, %get3A_462 : vector<16xf32>
    %add3A_471 = arith.addf %add3A_455, %mul3A_470 : vector<16xf32>
    %mul3A_472 = arith.mulf %get3A_467, %get3A_467 : vector<16xf32>
    %add3A_473 = arith.addf %add3A_457, %mul3A_472 : vector<16xf32>
    %get3A_474 = arith.constant 3 : i32
    %get3A_475 = arith.index_cast %get3A_474 : i32 to index
    %get3A_476 = arith.constant 32 : index
    %get3A_477 = tpu.vector_load %arg6[%get3A_475, %get3A_476] {strides = array<i32>} : memref<64x128xf32, #tpu.memory_space<vmem>>, vector<1x16xf32>,
    %get3A_478 = vector.shape_cast %get3A_477 : vector<1x16xf32> to vector<16xf32>
    %get3A_479 = arith.constant 35 : i32
    %get3A_480 = arith.index_cast %get3A_479 : i32 to index
    %get3A_481 = arith.constant 32 : index
    %get3A_482 = tpu.vector_load %arg6[%get3A_480, %get3A_481] {strides = array<i32>} : memref<64x128xf32, #tpu.memory_space<vmem>>, vector<1x16xf32>,
    %get3A_483 = vector.shape_cast %get3A_482 : vector<1x16xf32> to vector<16xf32>
    %mul3A_484 = arith.mulf %get3A_478, %get3A_483 : vector<16xf32>
    %add3A_485 = arith.addf %add3A_469, %mul3A_484 : vector<16xf32>
    %mul3A_486 = arith.mulf %get3A_478, %get3A_478 : vector<16xf32>
    %add3A_487 = arith.addf %add3A_471, %mul3A_486 : vector<16xf32>
    %mul3A_488 = arith.mulf %get3A_483, %get3A_483 : vector<16xf32>
    %add3A_489 = arith.addf %add3A_473, %mul3A_488 : vector<16xf32>
    %get3A_490 = arith.constant 3 : i32
    %get3A_491 = arith.index_cast %get3A_490 : i32 to index
    %get3A_492 = arith.constant 48 : index
    %get3A_493 = tpu.vector_load %arg6[%get3A_491, %get3A_492] {strides = array<i32>} : memref<64x128xf32, #tpu.memory_space<vmem>>, vector<1x16xf32>,
    %get3A_494 = vector.shape_cast %get3A_493 : vector<1x16xf32> to vector<16xf32>
    %get3A_495 = arith.constant 35 : i32
    %get3A_496 = arith.index_cast %get3A_495 : i32 to index
    %get3A_497 = arith.constant 48 : index
    %get3A_498 = tpu.vector_load %arg6[%get3A_496, %get3A_497] {strides = array<i32>} : memref<64x128xf32, #tpu.memory_space<vmem>>, vector<1x16xf32>,
    %get3A_499 = vector.shape_cast %get3A_498 : vector<1x16xf32> to vector<16xf32>
    %mul3A_500 = arith.mulf %get3A_494, %get3A_499 : vector<16xf32>
    %add3A_501 = arith.addf %add3A_485, %mul3A_500 : vector<16xf32>
    %mul3A_502 = arith.mulf %get3A_494, %get3A_494 : vector<16xf32>
    %add3A_503 = arith.addf %add3A_487, %mul3A_502 : vector<16xf32>
    %mul3A_504 = arith.mulf %get3A_499, %get3A_499 : vector<16xf32>
    %add3A_505 = arith.addf %add3A_489, %mul3A_504 : vector<16xf32>
    %get3A_506 = arith.constant 3 : i32
    %get3A_507 = arith.index_cast %get3A_506 : i32 to index
    %get3A_508 = arith.constant 64 : index
    %get3A_509 = tpu.vector_load %arg6[%get3A_507, %get3A_508] {strides = array<i32>} : memref<64x128xf32, #tpu.memory_space<vmem>>, vector<1x16xf32>,
    %get3A_510 = vector.shape_cast %get3A_509 : vector<1x16xf32> to vector<16xf32>
    %get3A_511 = arith.constant 35 : i32
    %get3A_512 = arith.index_cast %get3A_511 : i32 to index
    %get3A_513 = arith.constant 64 : index
    %get3A_514 = tpu.vector_load %arg6[%get3A_512, %get3A_513] {strides = array<i32>} : memref<64x128xf32, #tpu.memory_space<vmem>>, vector<1x16xf32>,
    %get3A_515 = vector.shape_cast %get3A_514 : vector<1x16xf32> to vector<16xf32>
    %mul3A_516 = arith.mulf %get3A_510, %get3A_515 : vector<16xf32>
    %add3A_517 = arith.addf %add3A_501, %mul3A_516 : vector<16xf32>
    %mul3A_518 = arith.mulf %get3A_510, %get3A_510 : vector<16xf32>
    %add3A_519 = arith.addf %add3A_503, %mul3A_518 : vector<16xf32>
    %mul3A_520 = arith.mulf %get3A_515, %get3A_515 : vector<16xf32>
    %add3A_521 = arith.addf %add3A_505, %mul3A_520 : vector<16xf32>
    %get3A_522 = arith.constant 3 : i32
    %get3A_523 = arith.index_cast %get3A_522 : i32 to index
    %get3A_524 = arith.constant 80 : index
    %get3A_525 = tpu.vector_load %arg6[%get3A_523, %get3A_524] {strides = array<i32>} : memref<64x128xf32, #tpu.memory_space<vmem>>, vector<1x16xf32>,
    %get3A_526 = vector.shape_cast %get3A_525 : vector<1x16xf32> to vector<16xf32>
    %get3A_527 = arith.constant 35 : i32
    %get3A_528 = arith.index_cast %get3A_527 : i32 to index
    %get3A_529 = arith.constant 80 : index
    %get3A_530 = tpu.vector_load %arg6[%get3A_528, %get3A_529] {strides = array<i32>} : memref<64x128xf32, #tpu.memory_space<vmem>>, vector<1x16xf32>,
    %get3A_531 = vector.shape_cast %get3A_530 : vector<1x16xf32> to vector<16xf32>
    %mul3A_532 = arith.mulf %get3A_526, %get3A_531 : vector<16xf32>
    %add3A_533 = arith.addf %add3A_517, %mul3A_532 : vector<16xf32>
    %mul3A_534 = arith.mulf %get3A_526, %get3A_526 : vector<16xf32>
    %add3A_535 = arith.addf %add3A_519, %mul3A_534 : vector<16xf32>
    %mul3A_536 = arith.mulf %get3A_531, %get3A_531 : vector<16xf32>
    %add3A_537 = arith.addf %add3A_521, %mul3A_536 : vector<16xf32>
    %get3A_538 = arith.constant 3 : i32
    %get3A_539 = arith.index_cast %get3A_538 : i32 to index
    %get3A_540 = arith.constant 96 : index
    %get3A_541 = tpu.vector_load %arg6[%get3A_539, %get3A_540] {strides = array<i32>} : memref<64x128xf32, #tpu.memory_space<vmem>>, vector<1x16xf32>,
    %get3A_542 = vector.shape_cast %get3A_541 : vector<1x16xf32> to vector<16xf32>
    %get3A_543 = arith.constant 35 : i32
    %get3A_544 = arith.index_cast %get3A_543 : i32 to index
    %get3A_545 = arith.constant 96 : index
    %get3A_546 = tpu.vector_load %arg6[%get3A_544, %get3A_545] {strides = array<i32>} : memref<64x128xf32, #tpu.memory_space<vmem>>, vector<1x16xf32>,
    %get3A_547 = vector.shape_cast %get3A_546 : vector<1x16xf32> to vector<16xf32>
    %mul3A_548 = arith.mulf %get3A_542, %get3A_547 : vector<16xf32>
    %add3A_549 = arith.addf %add3A_533, %mul3A_548 : vector<16xf32>
    %mul3A_550 = arith.mulf %get3A_542, %get3A_542 : vector<16xf32>
    %add3A_551 = arith.addf %add3A_535, %mul3A_550 : vector<16xf32>
    %mul3A_552 = arith.mulf %get3A_547, %get3A_547 : vector<16xf32>
    %add3A_553 = arith.addf %add3A_537, %mul3A_552 : vector<16xf32>
    %get3A_554 = arith.constant 3 : i32
    %get3A_555 = arith.index_cast %get3A_554 : i32 to index
    %get3A_556 = arith.constant 112 : index
    %get3A_557 = tpu.vector_load %arg6[%get3A_555, %get3A_556] {strides = array<i32>} : memref<64x128xf32, #tpu.memory_space<vmem>>, vector<1x16xf32>,
    %get3A_558 = vector.shape_cast %get3A_557 : vector<1x16xf32> to vector<16xf32>
    %get3A_559 = arith.constant 35 : i32
    %get3A_560 = arith.index_cast %get3A_559 : i32 to index
    %get3A_561 = arith.constant 112 : index
    %get3A_562 = tpu.vector_load %arg6[%get3A_560, %get3A_561] {strides = array<i32>} : memref<64x128xf32, #tpu.memory_space<vmem>>, vector<1x16xf32>,
    %get3A_563 = vector.shape_cast %get3A_562 : vector<1x16xf32> to vector<16xf32>
    %mul3A_564 = arith.mulf %get3A_558, %get3A_563 : vector<16xf32>
    %add3A_565 = arith.addf %add3A_549, %mul3A_564 : vector<16xf32>
    %mul3A_566 = arith.mulf %get3A_558, %get3A_558 : vector<16xf32>
    %add3A_567 = arith.addf %add3A_551, %mul3A_566 : vector<16xf32>
    %mul3A_568 = arith.mulf %get3A_563, %get3A_563 : vector<16xf32>
    %add3A_569 = arith.addf %add3A_553, %mul3A_568 : vector<16xf32>
    %swap3A_570 = arith.constant 3 : i32
    %swap3A_571 = arith.index_cast %swap3A_570 : i32 to index
    %swap3A_572 = arith.constant 0 : index
    %swap3A_573 = tpu.vector_load %arg7[%swap3A_571, %swap3A_572] {strides = array<i32>} : memref<32x48xf32, #tpu.memory_space<vmem>>, vector<1x16xf32>,
    %swap3A_574 = vector.shape_cast %swap3A_573 : vector<1x16xf32> to vector<16xf32>
    %swap3A_575 = vector.shape_cast %add3A_565 : vector<16xf32> to vector<1x16xf32>
    tpu.vector_store %arg7[%swap3A_571, %swap3A_572], %swap3A_575 {strides = array<i32>} : memref<32x48xf32, #tpu.memory_space<vmem>>, vector<1x16xf32>,
    %swap3A_576 = arith.constant 3 : i32
    %swap3A_577 = arith.index_cast %swap3A_576 : i32 to index
    %swap3A_578 = arith.constant 16 : index
    %swap3A_579 = tpu.vector_load %arg7[%swap3A_577, %swap3A_578] {strides = array<i32>} : memref<32x48xf32, #tpu.memory_space<vmem>>, vector<1x16xf32>,
    %swap3A_580 = vector.shape_cast %swap3A_579 : vector<1x16xf32> to vector<16xf32>
    %swap3A_581 = vector.shape_cast %add3A_567 : vector<16xf32> to vector<1x16xf32>
    tpu.vector_store %arg7[%swap3A_577, %swap3A_578], %swap3A_581 {strides = array<i32>} : memref<32x48xf32, #tpu.memory_space<vmem>>, vector<1x16xf32>,
    %swap3A_582 = arith.constant 3 : i32
    %swap3A_583 = arith.index_cast %swap3A_582 : i32 to index
    %swap3A_584 = arith.constant 32 : index
    %swap3A_585 = tpu.vector_load %arg7[%swap3A_583, %swap3A_584] {strides = array<i32>} : memref<32x48xf32, #tpu.memory_space<vmem>>, vector<1x16xf32>,
    %swap3A_586 = vector.shape_cast %swap3A_585 : vector<1x16xf32> to vector<16xf32>
    %swap3A_587 = vector.shape_cast %add3A_569 : vector<16xf32> to vector<1x16xf32>
    tpu.vector_store %arg7[%swap3A_583, %swap3A_584], %swap3A_587 {strides = array<i32>} : memref<32x48xf32, #tpu.memory_space<vmem>>, vector<1x16xf32>,
    %get3A_588 = arith.constant 4 : i32
    %get3A_589 = arith.index_cast %get3A_588 : i32 to index
    %get3A_590 = arith.constant 0 : index
    %get3A_591 = tpu.vector_load %arg6[%get3A_589, %get3A_590] {strides = array<i32>} : memref<64x128xf32, #tpu.memory_space<vmem>>, vector<1x16xf32>,
    %get3A_592 = vector.shape_cast %get3A_591 : vector<1x16xf32> to vector<16xf32>
    %get3A_593 = arith.constant 36 : i32
    %get3A_594 = arith.index_cast %get3A_593 : i32 to index
    %get3A_595 = arith.constant 0 : index
    %get3A_596 = tpu.vector_load %arg6[%get3A_594, %get3A_595] {strides = array<i32>} : memref<64x128xf32, #tpu.memory_space<vmem>>, vector<1x16xf32>,
    %get3A_597 = vector.shape_cast %get3A_596 : vector<1x16xf32> to vector<16xf32>
    %mul3A_598 = arith.mulf %get3A_592, %get3A_597 : vector<16xf32>
    %add3A_599 = arith.addf %broadcast_in_dim3A_5, %mul3A_598 : vector<16xf32>
    %mul3A_600 = arith.mulf %get3A_592, %get3A_592 : vector<16xf32>
    %add3A_601 = arith.addf %broadcast_in_dim3A_5, %mul3A_600 : vector<16xf32>
    %mul3A_602 = arith.mulf %get3A_597, %get3A_597 : vector<16xf32>
    %add3A_603 = arith.addf %broadcast_in_dim3A_5, %mul3A_602 : vector<16xf32>
    %get3A_604 = arith.constant 4 : i32
    %get3A_605 = arith.index_cast %get3A_604 : i32 to index
    %get3A_606 = arith.constant 16 : index
    %get3A_607 = tpu.vector_load %arg6[%get3A_605, %get3A_606] {strides = array<i32>} : memref<64x128xf32, #tpu.memory_space<vmem>>, vector<1x16xf32>,
    %get3A_608 = vector.shape_cast %get3A_607 : vector<1x16xf32> to vector<16xf32>
    %get3A_609 = arith.constant 36 : i32
    %get3A_610 = arith.index_cast %get3A_609 : i32 to index
    %get3A_611 = arith.constant 16 : index
    %get3A_612 = tpu.vector_load %arg6[%get3A_610, %get3A_611] {strides = array<i32>} : memref<64x128xf32, #tpu.memory_space<vmem>>, vector<1x16xf32>,
    %get3A_613 = vector.shape_cast %get3A_612 : vector<1x16xf32> to vector<16xf32>
    %mul3A_614 = arith.mulf %get3A_608, %get3A_613 : vector<16xf32>
    %add3A_615 = arith.addf %add3A_599, %mul3A_614 : vector<16xf32>
    %mul3A_616 = arith.mulf %get3A_608, %get3A_608 : vector<16xf32>
    %add3A_617 = arith.addf %add3A_601, %mul3A_616 : vector<16xf32>
    %mul3A_618 = arith.mulf %get3A_613, %get3A_613 : vector<16xf32>
    %add3A_619 = arith.addf %add3A_603, %mul3A_618 : vector<16xf32>
    %get3A_620 = arith.constant 4 : i32
    %get3A_621 = arith.index_cast %get3A_620 : i32 to index
    %get3A_622 = arith.constant 32 : index
    %get3A_623 = tpu.vector_load %arg6[%get3A_621, %get3A_622] {strides = array<i32>} : memref<64x128xf32, #tpu.memory_space<vmem>>, vector<1x16xf32>,
    %get3A_624 = vector.shape_cast %get3A_623 : vector<1x16xf32> to vector<16xf32>
    %get3A_625 = arith.constant 36 : i32
    %get3A_626 = arith.index_cast %get3A_625 : i32 to index
    %get3A_627 = arith.constant 32 : index
    %get3A_628 = tpu.vector_load %arg6[%get3A_626, %get3A_627] {strides = array<i32>} : memref<64x128xf32, #tpu.memory_space<vmem>>, vector<1x16xf32>,
    %get3A_629 = vector.shape_cast %get3A_628 : vector<1x16xf32> to vector<16xf32>
    %mul3A_630 = arith.mulf %get3A_624, %get3A_629 : vector<16xf32>
    %add3A_631 = arith.addf %add3A_615, %mul3A_630 : vector<16xf32>
    %mul3A_632 = arith.mulf %get3A_624, %get3A_624 : vector<16xf32>
    %add3A_633 = arith.addf %add3A_617, %mul3A_632 : vector<16xf32>
    %mul3A_634 = arith.mulf %get3A_629, %get3A_629 : vector<16xf32>
    %add3A_635 = arith.addf %add3A_619, %mul3A_634 : vector<16xf32>
    %get3A_636 = arith.constant 4 : i32
    %get3A_637 = arith.index_cast %get3A_636 : i32 to index
    %get3A_638 = arith.constant 48 : index
    %get3A_639 = tpu.vector_load %arg6[%get3A_637, %get3A_638] {strides = array<i32>} : memref<64x128xf32, #tpu.memory_space<vmem>>, vector<1x16xf32>,
    %get3A_640 = vector.shape_cast %get3A_639 : vector<1x16xf32> to vector<16xf32>
    %get3A_641 = arith.constant 36 : i32
    %get3A_642 = arith.index_cast %get3A_641 : i32 to index
    %get3A_643 = arith.constant 48 : index
    %get3A_644 = tpu.vector_load %arg6[%get3A_642, %get3A_643] {strides = array<i32>} : memref<64x128xf32, #tpu.memory_space<vmem>>, vector<1x16xf32>,
    %get3A_645 = vector.shape_cast %get3A_644 : vector<1x16xf32> to vector<16xf32>
    %mul3A_646 = arith.mulf %get3A_640, %get3A_645 : vector<16xf32>
    %add3A_647 = arith.addf %add3A_631, %mul3A_646 : vector<16xf32>
    %mul3A_648 = arith.mulf %get3A_640, %get3A_640 : vector<16xf32>
    %add3A_649 = arith.addf %add3A_633, %mul3A_648 : vector<16xf32>
    %mul3A_650 = arith.mulf %get3A_645, %get3A_645 : vector<16xf32>
    %add3A_651 = arith.addf %add3A_635, %mul3A_650 : vector<16xf32>
    %get3A_652 = arith.constant 4 : i32
    %get3A_653 = arith.index_cast %get3A_652 : i32 to index
    %get3A_654 = arith.constant 64 : index
    %get3A_655 = tpu.vector_load %arg6[%get3A_653, %get3A_654] {strides = array<i32>} : memref<64x128xf32, #tpu.memory_space<vmem>>, vector<1x16xf32>,
    %get3A_656 = vector.shape_cast %get3A_655 : vector<1x16xf32> to vector<16xf32>
    %get3A_657 = arith.constant 36 : i32
    %get3A_658 = arith.index_cast %get3A_657 : i32 to index
    %get3A_659 = arith.constant 64 : index
    %get3A_660 = tpu.vector_load %arg6[%get3A_658, %get3A_659] {strides = array<i32>} : memref<64x128xf32, #tpu.memory_space<vmem>>, vector<1x16xf32>,
    %get3A_661 = vector.shape_cast %get3A_660 : vector<1x16xf32> to vector<16xf32>
    %mul3A_662 = arith.mulf %get3A_656, %get3A_661 : vector<16xf32>
    %add3A_663 = arith.addf %add3A_647, %mul3A_662 : vector<16xf32>
    %mul3A_664 = arith.mulf %get3A_656, %get3A_656 : vector<16xf32>
    %add3A_665 = arith.addf %add3A_649, %mul3A_664 : vector<16xf32>
    %mul3A_666 = arith.mulf %get3A_661, %get3A_661 : vector<16xf32>
    %add3A_667 = arith.addf %add3A_651, %mul3A_666 : vector<16xf32>
    %get3A_668 = arith.constant 4 : i32
    %get3A_669 = arith.index_cast %get3A_668 : i32 to index
    %get3A_670 = arith.constant 80 : index
    %get3A_671 = tpu.vector_load %arg6[%get3A_669, %get3A_670] {strides = array<i32>} : memref<64x128xf32, #tpu.memory_space<vmem>>, vector<1x16xf32>,
    %get3A_672 = vector.shape_cast %get3A_671 : vector<1x16xf32> to vector<16xf32>
    %get3A_673 = arith.constant 36 : i32
    %get3A_674 = arith.index_cast %get3A_673 : i32 to index
    %get3A_675 = arith.constant 80 : index
    %get3A_676 = tpu.vector_load %arg6[%get3A_674, %get3A_675] {strides = array<i32>} : memref<64x128xf32, #tpu.memory_space<vmem>>, vector<1x16xf32>,
    %get3A_677 = vector.shape_cast %get3A_676 : vector<1x16xf32> to vector<16xf32>
    %mul3A_678 = arith.mulf %get3A_672, %get3A_677 : vector<16xf32>
    %add3A_679 = arith.addf %add3A_663, %mul3A_678 : vector<16xf32>
    %mul3A_680 = arith.mulf %get3A_672, %get3A_672 : vector<16xf32>
    %add3A_681 = arith.addf %add3A_665, %mul3A_680 : vector<16xf32>
    %mul3A_682 = arith.mulf %get3A_677, %get3A_677 : vector<16xf32>
    %add3A_683 = arith.addf %add3A_667, %mul3A_682 : vector<16xf32>
    %get3A_684 = arith.constant 4 : i32
    %get3A_685 = arith.index_cast %get3A_684 : i32 to index
    %get3A_686 = arith.constant 96 : index
    %get3A_687 = tpu.vector_load %arg6[%get3A_685, %get3A_686] {strides = array<i32>} : memref<64x128xf32, #tpu.memory_space<vmem>>, vector<1x16xf32>,
    %get3A_688 = vector.shape_cast %get3A_687 : vector<1x16xf32> to vector<16xf32>
    %get3A_689 = arith.constant 36 : i32
    %get3A_690 = arith.index_cast %get3A_689 : i32 to index
    %get3A_691 = arith.constant 96 : index
    %get3A_692 = tpu.vector_load %arg6[%get3A_690, %get3A_691] {strides = array<i32>} : memref<64x128xf32, #tpu.memory_space<vmem>>, vector<1x16xf32>,
    %get3A_693 = vector.shape_cast %get3A_692 : vector<1x16xf32> to vector<16xf32>
    %mul3A_694 = arith.mulf %get3A_688, %get3A_693 : vector<16xf32>
    %add3A_695 = arith.addf %add3A_679, %mul3A_694 : vector<16xf32>
    %mul3A_696 = arith.mulf %get3A_688, %get3A_688 : vector<16xf32>
    %add3A_697 = arith.addf %add3A_681, %mul3A_696 : vector<16xf32>
    %mul3A_698 = arith.mulf %get3A_693, %get3A_693 : vector<16xf32>
    %add3A_699 = arith.addf %add3A_683, %mul3A_698 : vector<16xf32>
    %get3A_700 = arith.constant 4 : i32
    %get3A_701 = arith.index_cast %get3A_700 : i32 to index
    %get3A_702 = arith.constant 112 : index
    %get3A_703 = tpu.vector_load %arg6[%get3A_701, %get3A_702] {strides = array<i32>} : memref<64x128xf32, #tpu.memory_space<vmem>>, vector<1x16xf32>,
    %get3A_704 = vector.shape_cast %get3A_703 : vector<1x16xf32> to vector<16xf32>
    %get3A_705 = arith.constant 36 : i32
    %get3A_706 = arith.index_cast %get3A_705 : i32 to index
    %get3A_707 = arith.constant 112 : index
    %get3A_708 = tpu.vector_load %arg6[%get3A_706, %get3A_707] {strides = array<i32>} : memref<64x128xf32, #tpu.memory_space<vmem>>, vector<1x16xf32>,
    %get3A_709 = vector.shape_cast %get3A_708 : vector<1x16xf32> to vector<16xf32>
    %mul3A_710 = arith.mulf %get3A_704, %get3A_709 : vector<16xf32>
    %add3A_711 = arith.addf %add3A_695, %mul3A_710 : vector<16xf32>
    %mul3A_712 = arith.mulf %get3A_704, %get3A_704 : vector<16xf32>
    %add3A_713 = arith.addf %add3A_697, %mul3A_712 : vector<16xf32>
    %mul3A_714 = arith.mulf %get3A_709, %get3A_709 : vector<16xf32>
    %add3A_715 = arith.addf %add3A_699, %mul3A_714 : vector<16xf32>
    %swap3A_716 = arith.constant 4 : i32
    %swap3A_717 = arith.index_cast %swap3A_716 : i32 to index
    %swap3A_718 = arith.constant 0 : index
    %swap3A_719 = tpu.vector_load %arg7[%swap3A_717, %swap3A_718] {strides = array<i32>} : memref<32x48xf32, #tpu.memory_space<vmem>>, vector<1x16xf32>,
    %swap3A_720 = vector.shape_cast %swap3A_719 : vector<1x16xf32> to vector<16xf32>
    %swap3A_721 = vector.shape_cast %add3A_711 : vector<16xf32> to vector<1x16xf32>
    tpu.vector_store %arg7[%swap3A_717, %swap3A_718], %swap3A_721 {strides = array<i32>} : memref<32x48xf32, #tpu.memory_space<vmem>>, vector<1x16xf32>,
    %swap3A_722 = arith.constant 4 : i32
    %swap3A_723 = arith.index_cast %swap3A_722 : i32 to index
    %swap3A_724 = arith.constant 16 : index
    %swap3A_725 = tpu.vector_load %arg7[%swap3A_723, %swap3A_724] {strides = array<i32>} : memref<32x48xf32, #tpu.memory_space<vmem>>, vector<1x16xf32>,
    %swap3A_726 = vector.shape_cast %swap3A_725 : vector<1x16xf32> to vector<16xf32>
    %swap3A_727 = vector.shape_cast %add3A_713 : vector<16xf32> to vector<1x16xf32>
    tpu.vector_store %arg7[%swap3A_723, %swap3A_724], %swap3A_727 {strides = array<i32>} : memref<32x48xf32, #tpu.memory_space<vmem>>, vector<1x16xf32>,
    %swap3A_728 = arith.constant 4 : i32
    %swap3A_729 = arith.index_cast %swap3A_728 : i32 to index
    %swap3A_730 = arith.constant 32 : index
    %swap3A_731 = tpu.vector_load %arg7[%swap3A_729, %swap3A_730] {strides = array<i32>} : memref<32x48xf32, #tpu.memory_space<vmem>>, vector<1x16xf32>,
    %swap3A_732 = vector.shape_cast %swap3A_731 : vector<1x16xf32> to vector<16xf32>
    %swap3A_733 = vector.shape_cast %add3A_715 : vector<16xf32> to vector<1x16xf32>
    tpu.vector_store %arg7[%swap3A_729, %swap3A_730], %swap3A_733 {strides = array<i32>} : memref<32x48xf32, #tpu.memory_space<vmem>>, vector<1x16xf32>,
    %get3A_734 = arith.constant 5 : i32
    %get3A_735 = arith.index_cast %get3A_734 : i32 to index
    %get3A_736 = arith.constant 0 : index
    %get3A_737 = tpu.vector_load %arg6[%get3A_735, %get3A_736] {strides = array<i32>} : memref<64x128xf32, #tpu.memory_space<vmem>>, vector<1x16xf32>,
    %get3A_738 = vector.shape_cast %get3A_737 : vector<1x16xf32> to vector<16xf32>
    %get3A_739 = arith.constant 37 : i32
    %get3A_740 = arith.index_cast %get3A_739 : i32 to index
    %get3A_741 = arith.constant 0 : index
    %get3A_742 = tpu.vector_load %arg6[%get3A_740, %get3A_741] {strides = array<i32>} : memref<64x128xf32, #tpu.memory_space<vmem>>, vector<1x16xf32>,
    %get3A_743 = vector.shape_cast %get3A_742 : vector<1x16xf32> to vector<16xf32>
    %mul3A_744 = arith.mulf %get3A_738, %get3A_743 : vector<16xf32>
    %add3A_745 = arith.addf %broadcast_in_dim3A_5, %mul3A_744 : vector<16xf32>
    %mul3A_746 = arith.mulf %get3A_738, %get3A_738 : vector<16xf32>
    %add3A_747 = arith.addf %broadcast_in_dim3A_5, %mul3A_746 : vector<16xf32>
    %mul3A_748 = arith.mulf %get3A_743, %get3A_743 : vector<16xf32>
    %add3A_749 = arith.addf %broadcast_in_dim3A_5, %mul3A_748 : vector<16xf32>
    %get3A_750 = arith.constant 5 : i32
    %get3A_751 = arith.index_cast %get3A_750 : i32 to index
    %get3A_752 = arith.constant 16 : index
    %get3A_753 = tpu.vector_load %arg6[%get3A_751, %get3A_752] {strides = array<i32>} : memref<64x128xf32, #tpu.memory_space<vmem>>, vector<1x16xf32>,
    %get3A_754 = vector.shape_cast %get3A_753 : vector<1x16xf32> to vector<16xf32>
    %get3A_755 = arith.constant 37 : i32
    %get3A_756 = arith.index_cast %get3A_755 : i32 to index
    %get3A_757 = arith.constant 16 : index
    %get3A_758 = tpu.vector_load %arg6[%get3A_756, %get3A_757] {strides = array<i32>} : memref<64x128xf32, #tpu.memory_space<vmem>>, vector<1x16xf32>,
    %get3A_759 = vector.shape_cast %get3A_758 : vector<1x16xf32> to vector<16xf32>
    %mul3A_760 = arith.mulf %get3A_754, %get3A_759 : vector<16xf32>
    %add3A_761 = arith.addf %add3A_745, %mul3A_760 : vector<16xf32>
    %mul3A_762 = arith.mulf %get3A_754, %get3A_754 : vector<16xf32>
    %add3A_763 = arith.addf %add3A_747, %mul3A_762 : vector<16xf32>
    %mul3A_764 = arith.mulf %get3A_759, %get3A_759 : vector<16xf32>
    %add3A_765 = arith.addf %add3A_749, %mul3A_764 : vector<16xf32>
    %get3A_766 = arith.constant 5 : i32
    %get3A_767 = arith.index_cast %get3A_766 : i32 to index
    %get3A_768 = arith.constant 32 : index
    %get3A_769 = tpu.vector_load %arg6[%get3A_767, %get3A_768] {strides = array<i32>} : memref<64x128xf32, #tpu.memory_space<vmem>>, vector<1x16xf32>,
    %get3A_770 = vector.shape_cast %get3A_769 : vector<1x16xf32> to vector<16xf32>
    %get3A_771 = arith.constant 37 : i32
    %get3A_772 = arith.index_cast %get3A_771 : i32 to index
    %get3A_773 = arith.constant 32 : index
    %get3A_774 = tpu.vector_load %arg6[%get3A_772, %get3A_773] {strides = array<i32>} : memref<64x128xf32, #tpu.memory_space<vmem>>, vector<1x16xf32>,
    %get3A_775 = vector.shape_cast %get3A_774 : vector<1x16xf32> to vector<16xf32>
    %mul3A_776 = arith.mulf %get3A_770, %get3A_775 : vector<16xf32>
    %add3A_777 = arith.addf %add3A_761, %mul3A_776 : vector<16xf32>
    %mul3A_778 = arith.mulf %get3A_770, %get3A_770 : vector<16xf32>
    %add3A_779 = arith.addf %add3A_763, %mul3A_778 : vector<16xf32>
    %mul3A_780 = arith.mulf %get3A_775, %get3A_775 : vector<16xf32>
    %add3A_781 = arith.addf %add3A_765, %mul3A_780 : vector<16xf32>
    %get3A_782 = arith.constant 5 : i32
    %get3A_783 = arith.index_cast %get3A_782 : i32 to index
    %get3A_784 = arith.constant 48 : index
    %get3A_785 = tpu.vector_load %arg6[%get3A_783, %get3A_784] {strides = array<i32>} : memref<64x128xf32, #tpu.memory_space<vmem>>, vector<1x16xf32>,
    %get3A_786 = vector.shape_cast %get3A_785 : vector<1x16xf32> to vector<16xf32>
    %get3A_787 = arith.constant 37 : i32
    %get3A_788 = arith.index_cast %get3A_787 : i32 to index
    %get3A_789 = arith.constant 48 : index
    %get3A_790 = tpu.vector_load %arg6[%get3A_788, %get3A_789] {strides = array<i32>} : memref<64x128xf32, #tpu.memory_space<vmem>>, vector<1x16xf32>,
    %get3A_791 = vector.shape_cast %get3A_790 : vector<1x16xf32> to vector<16xf32>
    %mul3A_792 = arith.mulf %get3A_786, %get3A_791 : vector<16xf32>
    %add3A_793 = arith.addf %add3A_777, %mul3A_792 : vector<16xf32>
    %mul3A_794 = arith.mulf %get3A_786, %get3A_786 : vector<16xf32>
    %add3A_795 = arith.addf %add3A_779, %mul3A_794 : vector<16xf32>
    %mul3A_796 = arith.mulf %get3A_791, %get3A_791 : vector<16xf32>
    %add3A_797 = arith.addf %add3A_781, %mul3A_796 : vector<16xf32>
    %get3A_798 = arith.constant 5 : i32
    %get3A_799 = arith.index_cast %get3A_798 : i32 to index
    %get3A_800 = arith.constant 64 : index
    %get3A_801 = tpu.vector_load %arg6[%get3A_799, %get3A_800] {strides = array<i32>} : memref<64x128xf32, #tpu.memory_space<vmem>>, vector<1x16xf32>,
    %get3A_802 = vector.shape_cast %get3A_801 : vector<1x16xf32> to vector<16xf32>
    %get3A_803 = arith.constant 37 : i32
    %get3A_804 = arith.index_cast %get3A_803 : i32 to index
    %get3A_805 = arith.constant 64 : index
    %get3A_806 = tpu.vector_load %arg6[%get3A_804, %get3A_805] {strides = array<i32>} : memref<64x128xf32, #tpu.memory_space<vmem>>, vector<1x16xf32>,
    %get3A_807 = vector.shape_cast %get3A_806 : vector<1x16xf32> to vector<16xf32>
    %mul3A_808 = arith.mulf %get3A_802, %get3A_807 : vector<16xf32>
    %add3A_809 = arith.addf %add3A_793, %mul3A_808 : vector<16xf32>
    %mul3A_810 = arith.mulf %get3A_802, %get3A_802 : vector<16xf32>
    %add3A_811 = arith.addf %add3A_795, %mul3A_810 : vector<16xf32>
    %mul3A_812 = arith.mulf %get3A_807, %get3A_807 : vector<16xf32>
    %add3A_813 = arith.addf %add3A_797, %mul3A_812 : vector<16xf32>
    %get3A_814 = arith.constant 5 : i32
    %get3A_815 = arith.index_cast %get3A_814 : i32 to index
    %get3A_816 = arith.constant 80 : index
    %get3A_817 = tpu.vector_load %arg6[%get3A_815, %get3A_816] {strides = array<i32>} : memref<64x128xf32, #tpu.memory_space<vmem>>, vector<1x16xf32>,
    %get3A_818 = vector.shape_cast %get3A_817 : vector<1x16xf32> to vector<16xf32>
    %get3A_819 = arith.constant 37 : i32
    %get3A_820 = arith.index_cast %get3A_819 : i32 to index
    %get3A_821 = arith.constant 80 : index
    %get3A_822 = tpu.vector_load %arg6[%get3A_820, %get3A_821] {strides = array<i32>} : memref<64x128xf32, #tpu.memory_space<vmem>>, vector<1x16xf32>,
    %get3A_823 = vector.shape_cast %get3A_822 : vector<1x16xf32> to vector<16xf32>
    %mul3A_824 = arith.mulf %get3A_818, %get3A_823 : vector<16xf32>
    %add3A_825 = arith.addf %add3A_809, %mul3A_824 : vector<16xf32>
    %mul3A_826 = arith.mulf %get3A_818, %get3A_818 : vector<16xf32>
    %add3A_827 = arith.addf %add3A_811, %mul3A_826 : vector<16xf32>
    %mul3A_828 = arith.mulf %get3A_823, %get3A_823 : vector<16xf32>
    %add3A_829 = arith.addf %add3A_813, %mul3A_828 : vector<16xf32>
    %get3A_830 = arith.constant 5 : i32
    %get3A_831 = arith.index_cast %get3A_830 : i32 to index
    %get3A_832 = arith.constant 96 : index
    %get3A_833 = tpu.vector_load %arg6[%get3A_831, %get3A_832] {strides = array<i32>} : memref<64x128xf32, #tpu.memory_space<vmem>>, vector<1x16xf32>,
    %get3A_834 = vector.shape_cast %get3A_833 : vector<1x16xf32> to vector<16xf32>
    %get3A_835 = arith.constant 37 : i32
    %get3A_836 = arith.index_cast %get3A_835 : i32 to index
    %get3A_837 = arith.constant 96 : index
    %get3A_838 = tpu.vector_load %arg6[%get3A_836, %get3A_837] {strides = array<i32>} : memref<64x128xf32, #tpu.memory_space<vmem>>, vector<1x16xf32>,
    %get3A_839 = vector.shape_cast %get3A_838 : vector<1x16xf32> to vector<16xf32>
    %mul3A_840 = arith.mulf %get3A_834, %get3A_839 : vector<16xf32>
    %add3A_841 = arith.addf %add3A_825, %mul3A_840 : vector<16xf32>
    %mul3A_842 = arith.mulf %get3A_834, %get3A_834 : vector<16xf32>
    %add3A_843 = arith.addf %add3A_827, %mul3A_842 : vector<16xf32>
    %mul3A_844 = arith.mulf %get3A_839, %get3A_839 : vector<16xf32>
    %add3A_845 = arith.addf %add3A_829, %mul3A_844 : vector<16xf32>
    %get3A_846 = arith.constant 5 : i32
    %get3A_847 = arith.index_cast %get3A_846 : i32 to index
    %get3A_848 = arith.constant 112 : index
    %get3A_849 = tpu.vector_load %arg6[%get3A_847, %get3A_848] {strides = array<i32>} : memref<64x128xf32, #tpu.memory_space<vmem>>, vector<1x16xf32>,
    %get3A_850 = vector.shape_cast %get3A_849 : vector<1x16xf32> to vector<16xf32>
    %get3A_851 = arith.constant 37 : i32
    %get3A_852 = arith.index_cast %get3A_851 : i32 to index
    %get3A_853 = arith.constant 112 : index
    %get3A_854 = tpu.vector_load %arg6[%get3A_852, %get3A_853] {strides = array<i32>} : memref<64x128xf32, #tpu.memory_space<vmem>>, vector<1x16xf32>,
    %get3A_855 = vector.shape_cast %get3A_854 : vector<1x16xf32> to vector<16xf32>
    %mul3A_856 = arith.mulf %get3A_850, %get3A_855 : vector<16xf32>
    %add3A_857 = arith.addf %add3A_841, %mul3A_856 : vector<16xf32>
    %mul3A_858 = arith.mulf %get3A_850, %get3A_850 : vector<16xf32>
    %add3A_859 = arith.addf %add3A_843, %mul3A_858 : vector<16xf32>
    %mul3A_860 = arith.mulf %get3A_855, %get3A_855 : vector<16xf32>
    %add3A_861 = arith.addf %add3A_845, %mul3A_860 : vector<16xf32>
    %swap3A_862 = arith.constant 5 : i32
    %swap3A_863 = arith.index_cast %swap3A_862 : i32 to index
    %swap3A_864 = arith.constant 0 : index
    %swap3A_865 = tpu.vector_load %arg7[%swap3A_863, %swap3A_864] {strides = array<i32>} : memref<32x48xf32, #tpu.memory_space<vmem>>, vector<1x16xf32>,
    %swap3A_866 = vector.shape_cast %swap3A_865 : vector<1x16xf32> to vector<16xf32>
    %swap3A_867 = vector.shape_cast %add3A_857 : vector<16xf32> to vector<1x16xf32>
    tpu.vector_store %arg7[%swap3A_863, %swap3A_864], %swap3A_867 {strides = array<i32>} : memref<32x48xf32, #tpu.memory_space<vmem>>, vector<1x16xf32>,
    %swap3A_868 = arith.constant 5 : i32
    %swap3A_869 = arith.index_cast %swap3A_868 : i32 to index
    %swap3A_870 = arith.constant 16 : index
    %swap3A_871 = tpu.vector_load %arg7[%swap3A_869, %swap3A_870] {strides = array<i32>} : memref<32x48xf32, #tpu.memory_space<vmem>>, vector<1x16xf32>,
    %swap3A_872 = vector.shape_cast %swap3A_871 : vector<1x16xf32> to vector<16xf32>
    %swap3A_873 = vector.shape_cast %add3A_859 : vector<16xf32> to vector<1x16xf32>
    tpu.vector_store %arg7[%swap3A_869, %swap3A_870], %swap3A_873 {strides = array<i32>} : memref<32x48xf32, #tpu.memory_space<vmem>>, vector<1x16xf32>,
    %swap3A_874 = arith.constant 5 : i32
    %swap3A_875 = arith.index_cast %swap3A_874 : i32 to index
    %swap3A_876 = arith.constant 32 : index
    %swap3A_877 = tpu.vector_load %arg7[%swap3A_875, %swap3A_876] {strides = array<i32>} : memref<32x48xf32, #tpu.memory_space<vmem>>, vector<1x16xf32>,
    %swap3A_878 = vector.shape_cast %swap3A_877 : vector<1x16xf32> to vector<16xf32>
    %swap3A_879 = vector.shape_cast %add3A_861 : vector<16xf32> to vector<1x16xf32>
    tpu.vector_store %arg7[%swap3A_875, %swap3A_876], %swap3A_879 {strides = array<i32>} : memref<32x48xf32, #tpu.memory_space<vmem>>, vector<1x16xf32>,
    %get3A_880 = arith.constant 6 : i32
    %get3A_881 = arith.index_cast %get3A_880 : i32 to index
    %get3A_882 = arith.constant 0 : index
    %get3A_883 = tpu.vector_load %arg6[%get3A_881, %get3A_882] {strides = array<i32>} : memref<64x128xf32, #tpu.memory_space<vmem>>, vector<1x16xf32>,
    %get3A_884 = vector.shape_cast %get3A_883 : vector<1x16xf32> to vector<16xf32>
    %get3A_885 = arith.constant 38 : i32
    %get3A_886 = arith.index_cast %get3A_885 : i32 to index
    %get3A_887 = arith.constant 0 : index
    %get3A_888 = tpu.vector_load %arg6[%get3A_886, %get3A_887] {strides = array<i32>} : memref<64x128xf32, #tpu.memory_space<vmem>>, vector<1x16xf32>,
    %get3A_889 = vector.shape_cast %get3A_888 : vector<1x16xf32> to vector<16xf32>
    %mul3A_890 = arith.mulf %get3A_884, %get3A_889 : vector<16xf32>
    %add3A_891 = arith.addf %broadcast_in_dim3A_5, %mul3A_890 : vector<16xf32>
    %mul3A_892 = arith.mulf %get3A_884, %get3A_884 : vector<16xf32>
    %add3A_893 = arith.addf %broadcast_in_dim3A_5, %mul3A_892 : vector<16xf32>
    %mul3A_894 = arith.mulf %get3A_889, %get3A_889 : vector<16xf32>
    %add3A_895 = arith.addf %broadcast_in_dim3A_5, %mul3A_894 : vector<16xf32>
    %get3A_896 = arith.constant 6 : i32
    %get3A_897 = arith.index_cast %get3A_896 : i32 to index
    %get3A_898 = arith.constant 16 : index
    %get3A_899 = tpu.vector_load %arg6[%get3A_897, %get3A_898] {strides = array<i32>} : memref<64x128xf32, #tpu.memory_space<vmem>>, vector<1x16xf32>,
    %get3A_900 = vector.shape_cast %get3A_899 : vector<1x16xf32> to vector<16xf32>
    %get3A_901 = arith.constant 38 : i32
    %get3A_902 = arith.index_cast %get3A_901 : i32 to index
    %get3A_903 = arith.constant 16 : index
    %get3A_904 = tpu.vector_load %arg6[%get3A_902, %get3A_903] {strides = array<i32>} : memref<64x128xf32, #tpu.memory_space<vmem>>, vector<1x16xf32>,
    %get3A_905 = vector.shape_cast %get3A_904 : vector<1x16xf32> to vector<16xf32>
    %mul3A_906 = arith.mulf %get3A_900, %get3A_905 : vector<16xf32>
    %add3A_907 = arith.addf %add3A_891, %mul3A_906 : vector<16xf32>
    %mul3A_908 = arith.mulf %get3A_900, %get3A_900 : vector<16xf32>
    %add3A_909 = arith.addf %add3A_893, %mul3A_908 : vector<16xf32>
    %mul3A_910 = arith.mulf %get3A_905, %get3A_905 : vector<16xf32>
    %add3A_911 = arith.addf %add3A_895, %mul3A_910 : vector<16xf32>
    %get3A_912 = arith.constant 6 : i32
    %get3A_913 = arith.index_cast %get3A_912 : i32 to index
    %get3A_914 = arith.constant 32 : index
    %get3A_915 = tpu.vector_load %arg6[%get3A_913, %get3A_914] {strides = array<i32>} : memref<64x128xf32, #tpu.memory_space<vmem>>, vector<1x16xf32>,
    %get3A_916 = vector.shape_cast %get3A_915 : vector<1x16xf32> to vector<16xf32>
    %get3A_917 = arith.constant 38 : i32
    %get3A_918 = arith.index_cast %get3A_917 : i32 to index
    %get3A_919 = arith.constant 32 : index
    %get3A_920 = tpu.vector_load %arg6[%get3A_918, %get3A_919] {strides = array<i32>} : memref<64x128xf32, #tpu.memory_space<vmem>>, vector<1x16xf32>,
    %get3A_921 = vector.shape_cast %get3A_920 : vector<1x16xf32> to vector<16xf32>
    %mul3A_922 = arith.mulf %get3A_916, %get3A_921 : vector<16xf32>
    %add3A_923 = arith.addf %add3A_907, %mul3A_922 : vector<16xf32>
    %mul3A_924 = arith.mulf %get3A_916, %get3A_916 : vector<16xf32>
    %add3A_925 = arith.addf %add3A_909, %mul3A_924 : vector<16xf32>
    %mul3A_926 = arith.mulf %get3A_921, %get3A_921 : vector<16xf32>
    %add3A_927 = arith.addf %add3A_911, %mul3A_926 : vector<16xf32>
    %get3A_928 = arith.constant 6 : i32
    %get3A_929 = arith.index_cast %get3A_928 : i32 to index
    %get3A_930 = arith.constant 48 : index
    %get3A_931 = tpu.vector_load %arg6[%get3A_929, %get3A_930] {strides = array<i32>} : memref<64x128xf32, #tpu.memory_space<vmem>>, vector<1x16xf32>,
    %get3A_932 = vector.shape_cast %get3A_931 : vector<1x16xf32> to vector<16xf32>
    %get3A_933 = arith.constant 38 : i32
    %get3A_934 = arith.index_cast %get3A_933 : i32 to index
    %get3A_935 = arith.constant 48 : index
    %get3A_936 = tpu.vector_load %arg6[%get3A_934, %get3A_935] {strides = array<i32>} : memref<64x128xf32, #tpu.memory_space<vmem>>, vector<1x16xf32>,
    %get3A_937 = vector.shape_cast %get3A_936 : vector<1x16xf32> to vector<16xf32>
    %mul3A_938 = arith.mulf %get3A_932, %get3A_937 : vector<16xf32>
    %add3A_939 = arith.addf %add3A_923, %mul3A_938 : vector<16xf32>
    %mul3A_940 = arith.mulf %get3A_932, %get3A_932 : vector<16xf32>
    %add3A_941 = arith.addf %add3A_925, %mul3A_940 : vector<16xf32>
    %mul3A_942 = arith.mulf %get3A_937, %get3A_937 : vector<16xf32>
    %add3A_943 = arith.addf %add3A_927, %mul3A_942 : vector<16xf32>
    %get3A_944 = arith.constant 6 : i32
    %get3A_945 = arith.index_cast %get3A_944 : i32 to index
    %get3A_946 = arith.constant 64 : index
    %get3A_947 = tpu.vector_load %arg6[%get3A_945, %get3A_946] {strides = array<i32>} : memref<64x128xf32, #tpu.memory_space<vmem>>, vector<1x16xf32>,
    %get3A_948 = vector.shape_cast %get3A_947 : vector<1x16xf32> to vector<16xf32>
    %get3A_949 = arith.constant 38 : i32
    %get3A_950 = arith.index_cast %get3A_949 : i32 to index
    %get3A_951 = arith.constant 64 : index
    %get3A_952 = tpu.vector_load %arg6[%get3A_950, %get3A_951] {strides = array<i32>} : memref<64x128xf32, #tpu.memory_space<vmem>>, vector<1x16xf32>,
    %get3A_953 = vector.shape_cast %get3A_952 : vector<1x16xf32> to vector<16xf32>
    %mul3A_954 = arith.mulf %get3A_948, %get3A_953 : vector<16xf32>
    %add3A_955 = arith.addf %add3A_939, %mul3A_954 : vector<16xf32>
    %mul3A_956 = arith.mulf %get3A_948, %get3A_948 : vector<16xf32>
    %add3A_957 = arith.addf %add3A_941, %mul3A_956 : vector<16xf32>
    %mul3A_958 = arith.mulf %get3A_953, %get3A_953 : vector<16xf32>
    %add3A_959 = arith.addf %add3A_943, %mul3A_958 : vector<16xf32>
    %get3A_960 = arith.constant 6 : i32
    %get3A_961 = arith.index_cast %get3A_960 : i32 to index
    %get3A_962 = arith.constant 80 : index
    %get3A_963 = tpu.vector_load %arg6[%get3A_961, %get3A_962] {strides = array<i32>} : memref<64x128xf32, #tpu.memory_space<vmem>>, vector<1x16xf32>,
    %get3A_964 = vector.shape_cast %get3A_963 : vector<1x16xf32> to vector<16xf32>
    %get3A_965 = arith.constant 38 : i32
    %get3A_966 = arith.index_cast %get3A_965 : i32 to index
    %get3A_967 = arith.constant 80 : index
    %get3A_968 = tpu.vector_load %arg6[%get3A_966, %get3A_967] {strides = array<i32>} : memref<64x128xf32, #tpu.memory_space<vmem>>, vector<1x16xf32>,
    %get3A_969 = vector.shape_cast %get3A_968 : vector<1x16xf32> to vector<16xf32>
    %mul3A_970 = arith.mulf %get3A_964, %get3A_969 : vector<16xf32>
    %add3A_971 = arith.addf %add3A_955, %mul3A_970 : vector<16xf32>
    %mul3A_972 = arith.mulf %get3A_964, %get3A_964 : vector<16xf32>
    %add3A_973 = arith.addf %add3A_957, %mul3A_972 : vector<16xf32>
    %mul3A_974 = arith.mulf %get3A_969, %get3A_969 : vector<16xf32>
    %add3A_975 = arith.addf %add3A_959, %mul3A_974 : vector<16xf32>
    %get3A_976 = arith.constant 6 : i32
    %get3A_977 = arith.index_cast %get3A_976 : i32 to index
    %get3A_978 = arith.constant 96 : index
    %get3A_979 = tpu.vector_load %arg6[%get3A_977, %get3A_978] {strides = array<i32>} : memref<64x128xf32, #tpu.memory_space<vmem>>, vector<1x16xf32>,
    %get3A_980 = vector.shape_cast %get3A_979 : vector<1x16xf32> to vector<16xf32>
    %get3A_981 = arith.constant 38 : i32
    %get3A_982 = arith.index_cast %get3A_981 : i32 to index
    %get3A_983 = arith.constant 96 : index
    %get3A_984 = tpu.vector_load %arg6[%get3A_982, %get3A_983] {strides = array<i32>} : memref<64x128xf32, #tpu.memory_space<vmem>>, vector<1x16xf32>,
    %get3A_985 = vector.shape_cast %get3A_984 : vector<1x16xf32> to vector<16xf32>
    %mul3A_986 = arith.mulf %get3A_980, %get3A_985 : vector<16xf32>
    %add3A_987 = arith.addf %add3A_971, %mul3A_986 : vector<16xf32>
    %mul3A_988 = arith.mulf %get3A_980, %get3A_980 : vector<16xf32>
    %add3A_989 = arith.addf %add3A_973, %mul3A_988 : vector<16xf32>
    %mul3A_990 = arith.mulf %get3A_985, %get3A_985 : vector<16xf32>
    %add3A_991 = arith.addf %add3A_975, %mul3A_990 : vector<16xf32>
    %get3A_992 = arith.constant 6 : i32
    %get3A_993 = arith.index_cast %get3A_992 : i32 to index
    %get3A_994 = arith.constant 112 : index
    %get3A_995 = tpu.vector_load %arg6[%get3A_993, %get3A_994] {strides = array<i32>} : memref<64x128xf32, #tpu.memory_space<vmem>>, vector<1x16xf32>,
    %get3A_996 = vector.shape_cast %get3A_995 : vector<1x16xf32> to vector<16xf32>
    %get3A_997 = arith.constant 38 : i32
    %get3A_998 = arith.index_cast %get3A_997 : i32 to index
    %get3A_999 = arith.constant 112 : index
    %get3A_1000 = tpu.vector_load %arg6[%get3A_998, %get3A_999] {strides = array<i32>} : memref<64x128xf32, #tpu.memory_space<vmem>>, vector<1x16xf32>,
    %get3A_1001 = vector.shape_cast %get3A_1000 : vector<1x16xf32> to vector<16xf32>
    %mul3A_1002 = arith.mulf %get3A_996, %get3A_1001 : vector<16xf32>
    %add3A_1003 = arith.addf %add3A_987, %mul3A_1002 : vector<16xf32>
    %mul3A_1004 = arith.mulf %get3A_996, %get3A_996 : vector<16xf32>
    %add3A_1005 = arith.addf %add3A_989, %mul3A_1004 : vector<16xf32>
    %mul3A_1006 = arith.mulf %get3A_1001, %get3A_1001 : vector<16xf32>
    %add3A_1007 = arith.addf %add3A_991, %mul3A_1006 : vector<16xf32>
    %swap3A_1008 = arith.constant 6 : i32
    %swap3A_1009 = arith.index_cast %swap3A_1008 : i32 to index
    %swap3A_1010 = arith.constant 0 : index
    %swap3A_1011 = tpu.vector_load %arg7[%swap3A_1009, %swap3A_1010] {strides = array<i32>} : memref<32x48xf32, #tpu.memory_space<vmem>>, vector<1x16xf32>,
    %swap3A_1012 = vector.shape_cast %swap3A_1011 : vector<1x16xf32> to vector<16xf32>
    %swap3A_1013 = vector.shape_cast %add3A_1003 : vector<16xf32> to vector<1x16xf32>
    tpu.vector_store %arg7[%swap3A_1009, %swap3A_1010], %swap3A_1013 {strides = array<i32>} : memref<32x48xf32, #tpu.memory_space<vmem>>, vector<1x16xf32>,
    %swap3A_1014 = arith.constant 6 : i32
    %swap3A_1015 = arith.index_cast %swap3A_1014 : i32 to index
    %swap3A_1016 = arith.constant 16 : index
    %swap3A_1017 = tpu.vector_load %arg7[%swap3A_1015, %swap3A_1016] {strides = array<i32>} : memref<32x48xf32, #tpu.memory_space<vmem>>, vector<1x16xf32>,
    %swap3A_1018 = vector.shape_cast %swap3A_1017 : vector<1x16xf32> to vector<16xf32>
    %swap3A_1019 = vector.shape_cast %add3A_1005 : vector<16xf32> to vector<1x16xf32>
    tpu.vector_store %arg7[%swap3A_1015, %swap3A_1016], %swap3A_1019 {strides = array<i32>} : memref<32x48xf32, #tpu.memory_space<vmem>>, vector<1x16xf32>,
    %swap3A_1020 = arith.constant 6 : i32
    %swap3A_1021 = arith.index_cast %swap3A_1020 : i32 to index
    %swap3A_1022 = arith.constant 32 : index
    %swap3A_1023 = tpu.vector_load %arg7[%swap3A_1021, %swap3A_1022] {strides = array<i32>} : memref<32x48xf32, #tpu.memory_space<vmem>>, vector<1x16xf32>,
    %swap3A_1024 = vector.shape_cast %swap3A_1023 : vector<1x16xf32> to vector<16xf32>
    %swap3A_1025 = vector.shape_cast %add3A_1007 : vector<16xf32> to vector<1x16xf32>
    tpu.vector_store %arg7[%swap3A_1021, %swap3A_1022], %swap3A_1025 {strides = array<i32>} : memref<32x48xf32, #tpu.memory_space<vmem>>, vector<1x16xf32>,
    %get3A_1026 = arith.constant 7 : i32
    %get3A_1027 = arith.index_cast %get3A_1026 : i32 to index
    %get3A_1028 = arith.constant 0 : index
    %get3A_1029 = tpu.vector_load %arg6[%get3A_1027, %get3A_1028] {strides = array<i32>} : memref<64x128xf32, #tpu.memory_space<vmem>>, vector<1x16xf32>,
    %get3A_1030 = vector.shape_cast %get3A_1029 : vector<1x16xf32> to vector<16xf32>
    %get3A_1031 = arith.constant 39 : i32
    %get3A_1032 = arith.index_cast %get3A_1031 : i32 to index
    %get3A_1033 = arith.constant 0 : index
    %get3A_1034 = tpu.vector_load %arg6[%get3A_1032, %get3A_1033] {strides = array<i32>} : memref<64x128xf32, #tpu.memory_space<vmem>>, vector<1x16xf32>,
    %get3A_1035 = vector.shape_cast %get3A_1034 : vector<1x16xf32> to vector<16xf32>
    %mul3A_1036 = arith.mulf %get3A_1030, %get3A_1035 : vector<16xf32>
    %add3A_1037 = arith.addf %broadcast_in_dim3A_5, %mul3A_1036 : vector<16xf32>
    %mul3A_1038 = arith.mulf %get3A_1030, %get3A_1030 : vector<16xf32>
    %add3A_1039 = arith.addf %broadcast_in_dim3A_5, %mul3A_1038 : vector<16xf32>
    %mul3A_1040 = arith.mulf %get3A_1035, %get3A_1035 : vector<16xf32>
    %add3A_1041 = arith.addf %broadcast_in_dim3A_5, %mul3A_1040 : vector<16xf32>
    %get3A_1042 = arith.constant 7 : i32
    %get3A_1043 = arith.index_cast %get3A_1042 : i32 to index
    %get3A_1044 = arith.constant 16 : index
    %get3A_1045 = tpu.vector_load %arg6[%get3A_1043, %get3A_1044] {strides = array<i32>} : memref<64x128xf32, #tpu.memory_space<vmem>>, vector<1x16xf32>,
    %get3A_1046 = vector.shape_cast %get3A_1045 : vector<1x16xf32> to vector<16xf32>
    %get3A_1047 = arith.constant 39 : i32
    %get3A_1048 = arith.index_cast %get3A_1047 : i32 to index
    %get3A_1049 = arith.constant 16 : index
    %get3A_1050 = tpu.vector_load %arg6[%get3A_1048, %get3A_1049] {strides = array<i32>} : memref<64x128xf32, #tpu.memory_space<vmem>>, vector<1x16xf32>,
    %get3A_1051 = vector.shape_cast %get3A_1050 : vector<1x16xf32> to vector<16xf32>
    %mul3A_1052 = arith.mulf %get3A_1046, %get3A_1051 : vector<16xf32>
    %add3A_1053 = arith.addf %add3A_1037, %mul3A_1052 : vector<16xf32>
    %mul3A_1054 = arith.mulf %get3A_1046, %get3A_1046 : vector<16xf32>
    %add3A_1055 = arith.addf %add3A_1039, %mul3A_1054 : vector<16xf32>
    %mul3A_1056 = arith.mulf %get3A_1051, %get3A_1051 : vector<16xf32>
    %add3A_1057 = arith.addf %add3A_1041, %mul3A_1056 : vector<16xf32>
    %get3A_1058 = arith.constant 7 : i32
    %get3A_1059 = arith.index_cast %get3A_1058 : i32 to index
    %get3A_1060 = arith.constant 32 : index
    %get3A_1061 = tpu.vector_load %arg6[%get3A_1059, %get3A_1060] {strides = array<i32>} : memref<64x128xf32, #tpu.memory_space<vmem>>, vector<1x16xf32>,
    %get3A_1062 = vector.shape_cast %get3A_1061 : vector<1x16xf32> to vector<16xf32>
    %get3A_1063 = arith.constant 39 : i32
    %get3A_1064 = arith.index_cast %get3A_1063 : i32 to index
    %get3A_1065 = arith.constant 32 : index
    %get3A_1066 = tpu.vector_load %arg6[%get3A_1064, %get3A_1065] {strides = array<i32>} : memref<64x128xf32, #tpu.memory_space<vmem>>, vector<1x16xf32>,
    %get3A_1067 = vector.shape_cast %get3A_1066 : vector<1x16xf32> to vector<16xf32>
    %mul3A_1068 = arith.mulf %get3A_1062, %get3A_1067 : vector<16xf32>
    %add3A_1069 = arith.addf %add3A_1053, %mul3A_1068 : vector<16xf32>
    %mul3A_1070 = arith.mulf %get3A_1062, %get3A_1062 : vector<16xf32>
    %add3A_1071 = arith.addf %add3A_1055, %mul3A_1070 : vector<16xf32>
    %mul3A_1072 = arith.mulf %get3A_1067, %get3A_1067 : vector<16xf32>
    %add3A_1073 = arith.addf %add3A_1057, %mul3A_1072 : vector<16xf32>
    %get3A_1074 = arith.constant 7 : i32
    %get3A_1075 = arith.index_cast %get3A_1074 : i32 to index
    %get3A_1076 = arith.constant 48 : index
    %get3A_1077 = tpu.vector_load %arg6[%get3A_1075, %get3A_1076] {strides = array<i32>} : memref<64x128xf32, #tpu.memory_space<vmem>>, vector<1x16xf32>,
    %get3A_1078 = vector.shape_cast %get3A_1077 : vector<1x16xf32> to vector<16xf32>
    %get3A_1079 = arith.constant 39 : i32
    %get3A_1080 = arith.index_cast %get3A_1079 : i32 to index
    %get3A_1081 = arith.constant 48 : index
    %get3A_1082 = tpu.vector_load %arg6[%get3A_1080, %get3A_1081] {strides = array<i32>} : memref<64x128xf32, #tpu.memory_space<vmem>>, vector<1x16xf32>,
    %get3A_1083 = vector.shape_cast %get3A_1082 : vector<1x16xf32> to vector<16xf32>
    %mul3A_1084 = arith.mulf %get3A_1078, %get3A_1083 : vector<16xf32>
    %add3A_1085 = arith.addf %add3A_1069, %mul3A_1084 : vector<16xf32>
    %mul3A_1086 = arith.mulf %get3A_1078, %get3A_1078 : vector<16xf32>
    %add3A_1087 = arith.addf %add3A_1071, %mul3A_1086 : vector<16xf32>
    %mul3A_1088 = arith.mulf %get3A_1083, %get3A_1083 : vector<16xf32>
    %add3A_1089 = arith.addf %add3A_1073, %mul3A_1088 : vector<16xf32>
    %get3A_1090 = arith.constant 7 : i32
    %get3A_1091 = arith.index_cast %get3A_1090 : i32 to index
    %get3A_1092 = arith.constant 64 : index
    %get3A_1093 = tpu.vector_load %arg6[%get3A_1091, %get3A_1092] {strides = array<i32>} : memref<64x128xf32, #tpu.memory_space<vmem>>, vector<1x16xf32>,
    %get3A_1094 = vector.shape_cast %get3A_1093 : vector<1x16xf32> to vector<16xf32>
    %get3A_1095 = arith.constant 39 : i32
    %get3A_1096 = arith.index_cast %get3A_1095 : i32 to index
    %get3A_1097 = arith.constant 64 : index
    %get3A_1098 = tpu.vector_load %arg6[%get3A_1096, %get3A_1097] {strides = array<i32>} : memref<64x128xf32, #tpu.memory_space<vmem>>, vector<1x16xf32>,
    %get3A_1099 = vector.shape_cast %get3A_1098 : vector<1x16xf32> to vector<16xf32>
    %mul3A_1100 = arith.mulf %get3A_1094, %get3A_1099 : vector<16xf32>
    %add3A_1101 = arith.addf %add3A_1085, %mul3A_1100 : vector<16xf32>
    %mul3A_1102 = arith.mulf %get3A_1094, %get3A_1094 : vector<16xf32>
    %add3A_1103 = arith.addf %add3A_1087, %mul3A_1102 : vector<16xf32>
    %mul3A_1104 = arith.mulf %get3A_1099, %get3A_1099 : vector<16xf32>
    %add3A_1105 = arith.addf %add3A_1089, %mul3A_1104 : vector<16xf32>
    %get3A_1106 = arith.constant 7 : i32
    %get3A_1107 = arith.index_cast %get3A_1106 : i32 to index
    %get3A_1108 = arith.constant 80 : index
    %get3A_1109 = tpu.vector_load %arg6[%get3A_1107, %get3A_1108] {strides = array<i32>} : memref<64x128xf32, #tpu.memory_space<vmem>>, vector<1x16xf32>,
    %get3A_1110 = vector.shape_cast %get3A_1109 : vector<1x16xf32> to vector<16xf32>
    %get3A_1111 = arith.constant 39 : i32
    %get3A_1112 = arith.index_cast %get3A_1111 : i32 to index
    %get3A_1113 = arith.constant 80 : index
    %get3A_1114 = tpu.vector_load %arg6[%get3A_1112, %get3A_1113] {strides = array<i32>} : memref<64x128xf32, #tpu.memory_space<vmem>>, vector<1x16xf32>,
    %get3A_1115 = vector.shape_cast %get3A_1114 : vector<1x16xf32> to vector<16xf32>
    %mul3A_1116 = arith.mulf %get3A_1110, %get3A_1115 : vector<16xf32>
    %add3A_1117 = arith.addf %add3A_1101, %mul3A_1116 : vector<16xf32>
    %mul3A_1118 = arith.mulf %get3A_1110, %get3A_1110 : vector<16xf32>
    %add3A_1119 = arith.addf %add3A_1103, %mul3A_1118 : vector<16xf32>
    %mul3A_1120 = arith.mulf %get3A_1115, %get3A_1115 : vector<16xf32>
    %add3A_1121 = arith.addf %add3A_1105, %mul3A_1120 : vector<16xf32>
    %get3A_1122 = arith.constant 7 : i32
    %get3A_1123 = arith.index_cast %get3A_1122 : i32 to index
    %get3A_1124 = arith.constant 96 : index
    %get3A_1125 = tpu.vector_load %arg6[%get3A_1123, %get3A_1124] {strides = array<i32>} : memref<64x128xf32, #tpu.memory_space<vmem>>, vector<1x16xf32>,
    %get3A_1126 = vector.shape_cast %get3A_1125 : vector<1x16xf32> to vector<16xf32>
    %get3A_1127 = arith.constant 39 : i32
    %get3A_1128 = arith.index_cast %get3A_1127 : i32 to index
    %get3A_1129 = arith.constant 96 : index
    %get3A_1130 = tpu.vector_load %arg6[%get3A_1128, %get3A_1129] {strides = array<i32>} : memref<64x128xf32, #tpu.memory_space<vmem>>, vector<1x16xf32>,
    %get3A_1131 = vector.shape_cast %get3A_1130 : vector<1x16xf32> to vector<16xf32>
    %mul3A_1132 = arith.mulf %get3A_1126, %get3A_1131 : vector<16xf32>
    %add3A_1133 = arith.addf %add3A_1117, %mul3A_1132 : vector<16xf32>
    %mul3A_1134 = arith.mulf %get3A_1126, %get3A_1126 : vector<16xf32>
    %add3A_1135 = arith.addf %add3A_1119, %mul3A_1134 : vector<16xf32>
    %mul3A_1136 = arith.mulf %get3A_1131, %get3A_1131 : vector<16xf32>
    %add3A_1137 = arith.addf %add3A_1121, %mul3A_1136 : vector<16xf32>
    %get3A_1138 = arith.constant 7 : i32
    %get3A_1139 = arith.index_cast %get3A_1138 : i32 to index
    %get3A_1140 = arith.constant 112 : index
    %get3A_1141 = tpu.vector_load %arg6[%get3A_1139, %get3A_1140] {strides = array<i32>} : memref<64x128xf32, #tpu.memory_space<vmem>>, vector<1x16xf32>,
    %get3A_1142 = vector.shape_cast %get3A_1141 : vector<1x16xf32> to vector<16xf32>
    %get3A_1143 = arith.constant 39 : i32
    %get3A_1144 = arith.index_cast %get3A_1143 : i32 to index
    %get3A_1145 = arith.constant 112 : index
    %get3A_1146 = tpu.vector_load %arg6[%get3A_1144, %get3A_1145] {strides = array<i32>} : memref<64x128xf32, #tpu.memory_space<vmem>>, vector<1x16xf32>,
    %get3A_1147 = vector.shape_cast %get3A_1146 : vector<1x16xf32> to vector<16xf32>
    %mul3A_1148 = arith.mulf %get3A_1142, %get3A_1147 : vector<16xf32>
    %add3A_1149 = arith.addf %add3A_1133, %mul3A_1148 : vector<16xf32>
    %mul3A_1150 = arith.mulf %get3A_1142, %get3A_1142 : vector<16xf32>
    %add3A_1151 = arith.addf %add3A_1135, %mul3A_1150 : vector<16xf32>
    %mul3A_1152 = arith.mulf %get3A_1147, %get3A_1147 : vector<16xf32>
    %add3A_1153 = arith.addf %add3A_1137, %mul3A_1152 : vector<16xf32>
    %swap3A_1154 = arith.constant 7 : i32
    %swap3A_1155 = arith.index_cast %swap3A_1154 : i32 to index
    %swap3A_1156 = arith.constant 0 : index
    %swap3A_1157 = tpu.vector_load %arg7[%swap3A_1155, %swap3A_1156] {strides = array<i32>} : memref<32x48xf32, #tpu.memory_space<vmem>>, vector<1x16xf32>,
    %swap3A_1158 = vector.shape_cast %swap3A_1157 : vector<1x16xf32> to vector<16xf32>
    %swap3A_1159 = vector.shape_cast %add3A_1149 : vector<16xf32> to vector<1x16xf32>
    tpu.vector_store %arg7[%swap3A_1155, %swap3A_1156], %swap3A_1159 {strides = array<i32>} : memref<32x48xf32, #tpu.memory_space<vmem>>, vector<1x16xf32>,
    %swap3A_1160 = arith.constant 7 : i32
    %swap3A_1161 = arith.index_cast %swap3A_1160 : i32 to index
    %swap3A_1162 = arith.constant 16 : index
    %swap3A_1163 = tpu.vector_load %arg7[%swap3A_1161, %swap3A_1162] {strides = array<i32>} : memref<32x48xf32, #tpu.memory_space<vmem>>, vector<1x16xf32>,
    %swap3A_1164 = vector.shape_cast %swap3A_1163 : vector<1x16xf32> to vector<16xf32>
    %swap3A_1165 = vector.shape_cast %add3A_1151 : vector<16xf32> to vector<1x16xf32>
    tpu.vector_store %arg7[%swap3A_1161, %swap3A_1162], %swap3A_1165 {strides = array<i32>} : memref<32x48xf32, #tpu.memory_space<vmem>>, vector<1x16xf32>,
    %swap3A_1166 = arith.constant 7 : i32
    %swap3A_1167 = arith.index_cast %swap3A_1166 : i32 to index
    %swap3A_1168 = arith.constant 32 : index
    %swap3A_1169 = tpu.vector_load %arg7[%swap3A_1167, %swap3A_1168] {strides = array<i32>} : memref<32x48xf32, #tpu.memory_space<vmem>>, vector<1x16xf32>,
    %swap3A_1170 = vector.shape_cast %swap3A_1169 : vector<1x16xf32> to vector<16xf32>
    %swap3A_1171 = vector.shape_cast %add3A_1153 : vector<16xf32> to vector<1x16xf32>
    tpu.vector_store %arg7[%swap3A_1167, %swap3A_1168], %swap3A_1171 {strides = array<i32>} : memref<32x48xf32, #tpu.memory_space<vmem>>, vector<1x16xf32>,
    %get3A_1172 = arith.constant 8 : i32
    %get3A_1173 = arith.index_cast %get3A_1172 : i32 to index
    %get3A_1174 = arith.constant 0 : index
    %get3A_1175 = tpu.vector_load %arg6[%get3A_1173, %get3A_1174] {strides = array<i32>} : memref<64x128xf32, #tpu.memory_space<vmem>>, vector<1x16xf32>,
    %get3A_1176 = vector.shape_cast %get3A_1175 : vector<1x16xf32> to vector<16xf32>
    %get3A_1177 = arith.constant 40 : i32
    %get3A_1178 = arith.index_cast %get3A_1177 : i32 to index
    %get3A_1179 = arith.constant 0 : index
    %get3A_1180 = tpu.vector_load %arg6[%get3A_1178, %get3A_1179] {strides = array<i32>} : memref<64x128xf32, #tpu.memory_space<vmem>>, vector<1x16xf32>,
    %get3A_1181 = vector.shape_cast %get3A_1180 : vector<1x16xf32> to vector<16xf32>
    %mul3A_1182 = arith.mulf %get3A_1176, %get3A_1181 : vector<16xf32>
    %add3A_1183 = arith.addf %broadcast_in_dim3A_5, %mul3A_1182 : vector<16xf32>
    %mul3A_1184 = arith.mulf %get3A_1176, %get3A_1176 : vector<16xf32>
    %add3A_1185 = arith.addf %broadcast_in_dim3A_5, %mul3A_1184 : vector<16xf32>
    %mul3A_1186 = arith.mulf %get3A_1181, %get3A_1181 : vector<16xf32>
    %add3A_1187 = arith.addf %broadcast_in_dim3A_5, %mul3A_1186 : vector<16xf32>
    %get3A_1188 = arith.constant 8 : i32
    %get3A_1189 = arith.index_cast %get3A_1188 : i32 to index
    %get3A_1190 = arith.constant 16 : index
    %get3A_1191 = tpu.vector_load %arg6[%get3A_1189, %get3A_1190] {strides = array<i32>} : memref<64x128xf32, #tpu.memory_space<vmem>>, vector<1x16xf32>,
    %get3A_1192 = vector.shape_cast %get3A_1191 : vector<1x16xf32> to vector<16xf32>
    %get3A_1193 = arith.constant 40 : i32
    %get3A_1194 = arith.index_cast %get3A_1193 : i32 to index
    %get3A_1195 = arith.constant 16 : index
    %get3A_1196 = tpu.vector_load %arg6[%get3A_1194, %get3A_1195] {strides = array<i32>} : memref<64x128xf32, #tpu.memory_space<vmem>>, vector<1x16xf32>,
    %get3A_1197 = vector.shape_cast %get3A_1196 : vector<1x16xf32> to vector<16xf32>
    %mul3A_1198 = arith.mulf %get3A_1192, %get3A_1197 : vector<16xf32>
    %add3A_1199 = arith.addf %add3A_1183, %mul3A_1198 : vector<16xf32>
    %mul3A_1200 = arith.mulf %get3A_1192, %get3A_1192 : vector<16xf32>
    %add3A_1201 = arith.addf %add3A_1185, %mul3A_1200 : vector<16xf32>
    %mul3A_1202 = arith.mulf %get3A_1197, %get3A_1197 : vector<16xf32>
    %add3A_1203 = arith.addf %add3A_1187, %mul3A_1202 : vector<16xf32>
    %get3A_1204 = arith.constant 8 : i32
    %get3A_1205 = arith.index_cast %get3A_1204 : i32 to index
    %get3A_1206 = arith.constant 32 : index
    %get3A_1207 = tpu.vector_load %arg6[%get3A_1205, %get3A_1206] {strides = array<i32>} : memref<64x128xf32, #tpu.memory_space<vmem>>, vector<1x16xf32>,
    %get3A_1208 = vector.shape_cast %get3A_1207 : vector<1x16xf32> to vector<16xf32>
    %get3A_1209 = arith.constant 40 : i32
    %get3A_1210 = arith.index_cast %get3A_1209 : i32 to index
    %get3A_1211 = arith.constant 32 : index
    %get3A_1212 = tpu.vector_load %arg6[%get3A_1210, %get3A_1211] {strides = array<i32>} : memref<64x128xf32, #tpu.memory_space<vmem>>, vector<1x16xf32>,
    %get3A_1213 = vector.shape_cast %get3A_1212 : vector<1x16xf32> to vector<16xf32>
    %mul3A_1214 = arith.mulf %get3A_1208, %get3A_1213 : vector<16xf32>
    %add3A_1215 = arith.addf %add3A_1199, %mul3A_1214 : vector<16xf32>
    %mul3A_1216 = arith.mulf %get3A_1208, %get3A_1208 : vector<16xf32>
    %add3A_1217 = arith.addf %add3A_1201, %mul3A_1216 : vector<16xf32>
    %mul3A_1218 = arith.mulf %get3A_1213, %get3A_1213 : vector<16xf32>
    %add3A_1219 = arith.addf %add3A_1203, %mul3A_1218 : vector<16xf32>
    %get3A_1220 = arith.constant 8 : i32
    %get3A_1221 = arith.index_cast %get3A_1220 : i32 to index
    %get3A_1222 = arith.constant 48 : index
    %get3A_1223 = tpu.vector_load %arg6[%get3A_1221, %get3A_1222] {strides = array<i32>} : memref<64x128xf32, #tpu.memory_space<vmem>>, vector<1x16xf32>,
    %get3A_1224 = vector.shape_cast %get3A_1223 : vector<1x16xf32> to vector<16xf32>
    %get3A_1225 = arith.constant 40 : i32
    %get3A_1226 = arith.index_cast %get3A_1225 : i32 to index
    %get3A_1227 = arith.constant 48 : index
    %get3A_1228 = tpu.vector_load %arg6[%get3A_1226, %get3A_1227] {strides = array<i32>} : memref<64x128xf32, #tpu.memory_space<vmem>>, vector<1x16xf32>,
    %get3A_1229 = vector.shape_cast %get3A_1228 : vector<1x16xf32> to vector<16xf32>
    %mul3A_1230 = arith.mulf %get3A_1224, %get3A_1229 : vector<16xf32>
    %add3A_1231 = arith.addf %add3A_1215, %mul3A_1230 : vector<16xf32>
    %mul3A_1232 = arith.mulf %get3A_1224, %get3A_1224 : vector<16xf32>
    %add3A_1233 = arith.addf %add3A_1217, %mul3A_1232 : vector<16xf32>
    %mul3A_1234 = arith.mulf %get3A_1229, %get3A_1229 : vector<16xf32>
    %add3A_1235 = arith.addf %add3A_1219, %mul3A_1234 : vector<16xf32>
    %get3A_1236 = arith.constant 8 : i32
    %get3A_1237 = arith.index_cast %get3A_1236 : i32 to index
    %get3A_1238 = arith.constant 64 : index
    %get3A_1239 = tpu.vector_load %arg6[%get3A_1237, %get3A_1238] {strides = array<i32>} : memref<64x128xf32, #tpu.memory_space<vmem>>, vector<1x16xf32>,
    %get3A_1240 = vector.shape_cast %get3A_1239 : vector<1x16xf32> to vector<16xf32>
    %get3A_1241 = arith.constant 40 : i32
    %get3A_1242 = arith.index_cast %get3A_1241 : i32 to index
    %get3A_1243 = arith.constant 64 : index
    %get3A_1244 = tpu.vector_load %arg6[%get3A_1242, %get3A_1243] {strides = array<i32>} : memref<64x128xf32, #tpu.memory_space<vmem>>, vector<1x16xf32>,
    %get3A_1245 = vector.shape_cast %get3A_1244 : vector<1x16xf32> to vector<16xf32>
    %mul3A_1246 = arith.mulf %get3A_1240, %get3A_1245 : vector<16xf32>
    %add3A_1247 = arith.addf %add3A_1231, %mul3A_1246 : vector<16xf32>
    %mul3A_1248 = arith.mulf %get3A_1240, %get3A_1240 : vector<16xf32>
    %add3A_1249 = arith.addf %add3A_1233, %mul3A_1248 : vector<16xf32>
    %mul3A_1250 = arith.mulf %get3A_1245, %get3A_1245 : vector<16xf32>
    %add3A_1251 = arith.addf %add3A_1235, %mul3A_1250 : vector<16xf32>
    %get3A_1252 = arith.constant 8 : i32
    %get3A_1253 = arith.index_cast %get3A_1252 : i32 to index
    %get3A_1254 = arith.constant 80 : index
    %get3A_1255 = tpu.vector_load %arg6[%get3A_1253, %get3A_1254] {strides = array<i32>} : memref<64x128xf32, #tpu.memory_space<vmem>>, vector<1x16xf32>,
    %get3A_1256 = vector.shape_cast %get3A_1255 : vector<1x16xf32> to vector<16xf32>
    %get3A_1257 = arith.constant 40 : i32
    %get3A_1258 = arith.index_cast %get3A_1257 : i32 to index
    %get3A_1259 = arith.constant 80 : index
    %get3A_1260 = tpu.vector_load %arg6[%get3A_1258, %get3A_1259] {strides = array<i32>} : memref<64x128xf32, #tpu.memory_space<vmem>>, vector<1x16xf32>,
    %get3A_1261 = vector.shape_cast %get3A_1260 : vector<1x16xf32> to vector<16xf32>
    %mul3A_1262 = arith.mulf %get3A_1256, %get3A_1261 : vector<16xf32>
    %add3A_1263 = arith.addf %add3A_1247, %mul3A_1262 : vector<16xf32>
    %mul3A_1264 = arith.mulf %get3A_1256, %get3A_1256 : vector<16xf32>
    %add3A_1265 = arith.addf %add3A_1249, %mul3A_1264 : vector<16xf32>
    %mul3A_1266 = arith.mulf %get3A_1261, %get3A_1261 : vector<16xf32>
    %add3A_1267 = arith.addf %add3A_1251, %mul3A_1266 : vector<16xf32>
    %get3A_1268 = arith.constant 8 : i32
    %get3A_1269 = arith.index_cast %get3A_1268 : i32 to index
    %get3A_1270 = arith.constant 96 : index
    %get3A_1271 = tpu.vector_load %arg6[%get3A_1269, %get3A_1270] {strides = array<i32>} : memref<64x128xf32, #tpu.memory_space<vmem>>, vector<1x16xf32>,
    %get3A_1272 = vector.shape_cast %get3A_1271 : vector<1x16xf32> to vector<16xf32>
    %get3A_1273 = arith.constant 40 : i32
    %get3A_1274 = arith.index_cast %get3A_1273 : i32 to index
    %get3A_1275 = arith.constant 96 : index
    %get3A_1276 = tpu.vector_load %arg6[%get3A_1274, %get3A_1275] {strides = array<i32>} : memref<64x128xf32, #tpu.memory_space<vmem>>, vector<1x16xf32>,
    %get3A_1277 = vector.shape_cast %get3A_1276 : vector<1x16xf32> to vector<16xf32>
    %mul3A_1278 = arith.mulf %get3A_1272, %get3A_1277 : vector<16xf32>
    %add3A_1279 = arith.addf %add3A_1263, %mul3A_1278 : vector<16xf32>
    %mul3A_1280 = arith.mulf %get3A_1272, %get3A_1272 : vector<16xf32>
    %add3A_1281 = arith.addf %add3A_1265, %mul3A_1280 : vector<16xf32>
    %mul3A_1282 = arith.mulf %get3A_1277, %get3A_1277 : vector<16xf32>
    %add3A_1283 = arith.addf %add3A_1267, %mul3A_1282 : vector<16xf32>
    %get3A_1284 = arith.constant 8 : i32
    %get3A_1285 = arith.index_cast %get3A_1284 : i32 to index
    %get3A_1286 = arith.constant 112 : index
    %get3A_1287 = tpu.vector_load %arg6[%get3A_1285, %get3A_1286] {strides = array<i32>} : memref<64x128xf32, #tpu.memory_space<vmem>>, vector<1x16xf32>,
    %get3A_1288 = vector.shape_cast %get3A_1287 : vector<1x16xf32> to vector<16xf32>
    %get3A_1289 = arith.constant 40 : i32
    %get3A_1290 = arith.index_cast %get3A_1289 : i32 to index
    %get3A_1291 = arith.constant 112 : index
    %get3A_1292 = tpu.vector_load %arg6[%get3A_1290, %get3A_1291] {strides = array<i32>} : memref<64x128xf32, #tpu.memory_space<vmem>>, vector<1x16xf32>,
    %get3A_1293 = vector.shape_cast %get3A_1292 : vector<1x16xf32> to vector<16xf32>
    %mul3A_1294 = arith.mulf %get3A_1288, %get3A_1293 : vector<16xf32>
    %add3A_1295 = arith.addf %add3A_1279, %mul3A_1294 : vector<16xf32>
    %mul3A_1296 = arith.mulf %get3A_1288, %get3A_1288 : vector<16xf32>
    %add3A_1297 = arith.addf %add3A_1281, %mul3A_1296 : vector<16xf32>
    %mul3A_1298 = arith.mulf %get3A_1293, %get3A_1293 : vector<16xf32>
    %add3A_1299 = arith.addf %add3A_1283, %mul3A_1298 : vector<16xf32>
    %swap3A_1300 = arith.constant 8 : i32
    %swap3A_1301 = arith.index_cast %swap3A_1300 : i32 to index
    %swap3A_1302 = arith.constant 0 : index
    %swap3A_1303 = tpu.vector_load %arg7[%swap3A_1301, %swap3A_1302] {strides = array<i32>} : memref<32x48xf32, #tpu.memory_space<vmem>>, vector<1x16xf32>,
    %swap3A_1304 = vector.shape_cast %swap3A_1303 : vector<1x16xf32> to vector<16xf32>
    %swap3A_1305 = vector.shape_cast %add3A_1295 : vector<16xf32> to vector<1x16xf32>
    tpu.vector_store %arg7[%swap3A_1301, %swap3A_1302], %swap3A_1305 {strides = array<i32>} : memref<32x48xf32, #tpu.memory_space<vmem>>, vector<1x16xf32>,
    %swap3A_1306 = arith.constant 8 : i32
    %swap3A_1307 = arith.index_cast %swap3A_1306 : i32 to index
    %swap3A_1308 = arith.constant 16 : index
    %swap3A_1309 = tpu.vector_load %arg7[%swap3A_1307, %swap3A_1308] {strides = array<i32>} : memref<32x48xf32, #tpu.memory_space<vmem>>, vector<1x16xf32>,
    %swap3A_1310 = vector.shape_cast %swap3A_1309 : vector<1x16xf32> to vector<16xf32>
    %swap3A_1311 = vector.shape_cast %add3A_1297 : vector<16xf32> to vector<1x16xf32>
    tpu.vector_store %arg7[%swap3A_1307, %swap3A_1308], %swap3A_1311 {strides = array<i32>} : memref<32x48xf32, #tpu.memory_space<vmem>>, vector<1x16xf32>,
    %swap3A_1312 = arith.constant 8 : i32
    %swap3A_1313 = arith.index_cast %swap3A_1312 : i32 to index
    %swap3A_1314 = arith.constant 32 : index
    %swap3A_1315 = tpu.vector_load %arg7[%swap3A_1313, %swap3A_1314] {strides = array<i32>} : memref<32x48xf32, #tpu.memory_space<vmem>>, vector<1x16xf32>,
    %swap3A_1316 = vector.shape_cast %swap3A_1315 : vector<1x16xf32> to vector<16xf32>
    %swap3A_1317 = vector.shape_cast %add3A_1299 : vector<16xf32> to vector<1x16xf32>
    tpu.vector_store %arg7[%swap3A_1313, %swap3A_1314], %swap3A_1317 {strides = array<i32>} : memref<32x48xf32, #tpu.memory_space<vmem>>, vector<1x16xf32>,
    %get3A_1318 = arith.constant 9 : i32
    %get3A_1319 = arith.index_cast %get3A_1318 : i32 to index
    %get3A_1320 = arith.constant 0 : index
    %get3A_1321 = tpu.vector_load %arg6[%get3A_1319, %get3A_1320] {strides = array<i32>} : memref<64x128xf32, #tpu.memory_space<vmem>>, vector<1x16xf32>,
    %get3A_1322 = vector.shape_cast %get3A_1321 : vector<1x16xf32> to vector<16xf32>
    %get3A_1323 = arith.constant 41 : i32
    %get3A_1324 = arith.index_cast %get3A_1323 : i32 to index
    %get3A_1325 = arith.constant 0 : index
    %get3A_1326 = tpu.vector_load %arg6[%get3A_1324, %get3A_1325] {strides = array<i32>} : memref<64x128xf32, #tpu.memory_space<vmem>>, vector<1x16xf32>,
    %get3A_1327 = vector.shape_cast %get3A_1326 : vector<1x16xf32> to vector<16xf32>
    %mul3A_1328 = arith.mulf %get3A_1322, %get3A_1327 : vector<16xf32>
    %add3A_1329 = arith.addf %broadcast_in_dim3A_5, %mul3A_1328 : vector<16xf32>
    %mul3A_1330 = arith.mulf %get3A_1322, %get3A_1322 : vector<16xf32>
    %add3A_1331 = arith.addf %broadcast_in_dim3A_5, %mul3A_1330 : vector<16xf32>
    %mul3A_1332 = arith.mulf %get3A_1327, %get3A_1327 : vector<16xf32>
    %add3A_1333 = arith.addf %broadcast_in_dim3A_5, %mul3A_1332 : vector<16xf32>
    %get3A_1334 = arith.constant 9 : i32
    %get3A_1335 = arith.index_cast %get3A_1334 : i32 to index
    %get3A_1336 = arith.constant 16 : index
    %get3A_1337 = tpu.vector_load %arg6[%get3A_1335, %get3A_1336] {strides = array<i32>} : memref<64x128xf32, #tpu.memory_space<vmem>>, vector<1x16xf32>,
    %get3A_1338 = vector.shape_cast %get3A_1337 : vector<1x16xf32> to vector<16xf32>
    %get3A_1339 = arith.constant 41 : i32
    %get3A_1340 = arith.index_cast %get3A_1339 : i32 to index
    %get3A_1341 = arith.constant 16 : index
    %get3A_1342 = tpu.vector_load %arg6[%get3A_1340, %get3A_1341] {strides = array<i32>} : memref<64x128xf32, #tpu.memory_space<vmem>>, vector<1x16xf32>,
    %get3A_1343 = vector.shape_cast %get3A_1342 : vector<1x16xf32> to vector<16xf32>
    %mul3A_1344 = arith.mulf %get3A_1338, %get3A_1343 : vector<16xf32>
    %add3A_1345 = arith.addf %add3A_1329, %mul3A_1344 : vector<16xf32>
    %mul3A_1346 = arith.mulf %get3A_1338, %get3A_1338 : vector<16xf32>
    %add3A_1347 = arith.addf %add3A_1331, %mul3A_1346 : vector<16xf32>
    %mul3A_1348 = arith.mulf %get3A_1343, %get3A_1343 : vector<16xf32>
    %add3A_1349 = arith.addf %add3A_1333, %mul3A_1348 : vector<16xf32>
    %get3A_1350 = arith.constant 9 : i32
    %get3A_1351 = arith.index_cast %get3A_1350 : i32 to index
    %get3A_1352 = arith.constant 32 : index
    %get3A_1353 = tpu.vector_load %arg6[%get3A_1351, %get3A_1352] {strides = array<i32>} : memref<64x128xf32, #tpu.memory_space<vmem>>, vector<1x16xf32>,
    %get3A_1354 = vector.shape_cast %get3A_1353 : vector<1x16xf32> to vector<16xf32>
    %get3A_1355 = arith.constant 41 : i32
    %get3A_1356 = arith.index_cast %get3A_1355 : i32 to index
    %get3A_1357 = arith.constant 32 : index
    %get3A_1358 = tpu.vector_load %arg6[%get3A_1356, %get3A_1357] {strides = array<i32>} : memref<64x128xf32, #tpu.memory_space<vmem>>, vector<1x16xf32>,
    %get3A_1359 = vector.shape_cast %get3A_1358 : vector<1x16xf32> to vector<16xf32>
    %mul3A_1360 = arith.mulf %get3A_1354, %get3A_1359 : vector<16xf32>
    %add3A_1361 = arith.addf %add3A_1345, %mul3A_1360 : vector<16xf32>
    %mul3A_1362 = arith.mulf %get3A_1354, %get3A_1354 : vector<16xf32>
    %add3A_1363 = arith.addf %add3A_1347, %mul3A_1362 : vector<16xf32>
    %mul3A_1364 = arith.mulf %get3A_1359, %get3A_1359 : vector<16xf32>
    %add3A_1365 = arith.addf %add3A_1349, %mul3A_1364 : vector<16xf32>
    %get3A_1366 = arith.constant 9 : i32
    %get3A_1367 = arith.index_cast %get3A_1366 : i32 to index
    %get3A_1368 = arith.constant 48 : index
    %get3A_1369 = tpu.vector_load %arg6[%get3A_1367, %get3A_1368] {strides = array<i32>} : memref<64x128xf32, #tpu.memory_space<vmem>>, vector<1x16xf32>,
    %get3A_1370 = vector.shape_cast %get3A_1369 : vector<1x16xf32> to vector<16xf32>
    %get3A_1371 = arith.constant 41 : i32
    %get3A_1372 = arith.index_cast %get3A_1371 : i32 to index
    %get3A_1373 = arith.constant 48 : index
    %get3A_1374 = tpu.vector_load %arg6[%get3A_1372, %get3A_1373] {strides = array<i32>} : memref<64x128xf32, #tpu.memory_space<vmem>>, vector<1x16xf32>,
    %get3A_1375 = vector.shape_cast %get3A_1374 : vector<1x16xf32> to vector<16xf32>
    %mul3A_1376 = arith.mulf %get3A_1370, %get3A_1375 : vector<16xf32>
    %add3A_1377 = arith.addf %add3A_1361, %mul3A_1376 : vector<16xf32>
    %mul3A_1378 = arith.mulf %get3A_1370, %get3A_1370 : vector<16xf32>
    %add3A_1379 = arith.addf %add3A_1363, %mul3A_1378 : vector<16xf32>
    %mul3A_1380 = arith.mulf %get3A_1375, %get3A_1375 : vector<16xf32>
    %add3A_1381 = arith.addf %add3A_1365, %mul3A_1380 : vector<16xf32>
    %get3A_1382 = arith.constant 9 : i32
    %get3A_1383 = arith.index_cast %get3A_1382 : i32 to index
    %get3A_1384 = arith.constant 64 : index
    %get3A_1385 = tpu.vector_load %arg6[%get3A_1383, %get3A_1384] {strides = array<i32>} : memref<64x128xf32, #tpu.memory_space<vmem>>, vector<1x16xf32>,
    %get3A_1386 = vector.shape_cast %get3A_1385 : vector<1x16xf32> to vector<16xf32>
    %get3A_1387 = arith.constant 41 : i32
    %get3A_1388 = arith.index_cast %get3A_1387 : i32 to index
    %get3A_1389 = arith.constant 64 : index
    %get3A_1390 = tpu.vector_load %arg6[%get3A_1388, %get3A_1389] {strides = array<i32>} : memref<64x128xf32, #tpu.memory_space<vmem>>, vector<1x16xf32>,
    %get3A_1391 = vector.shape_cast %get3A_1390 : vector<1x16xf32> to vector<16xf32>
    %mul3A_1392 = arith.mulf %get3A_1386, %get3A_1391 : vector<16xf32>
    %add3A_1393 = arith.addf %add3A_1377, %mul3A_1392 : vector<16xf32>
    %mul3A_1394 = arith.mulf %get3A_1386, %get3A_1386 : vector<16xf32>
    %add3A_1395 = arith.addf %add3A_1379, %mul3A_1394 : vector<16xf32>
    %mul3A_1396 = arith.mulf %get3A_1391, %get3A_1391 : vector<16xf32>
    %add3A_1397 = arith.addf %add3A_1381, %mul3A_1396 : vector<16xf32>
    %get3A_1398 = arith.constant 9 : i32
    %get3A_1399 = arith.index_cast %get3A_1398 : i32 to index
    %get3A_1400 = arith.constant 80 : index
    %get3A_1401 = tpu.vector_load %arg6[%get3A_1399, %get3A_1400] {strides = array<i32>} : memref<64x128xf32, #tpu.memory_space<vmem>>, vector<1x16xf32>,
    %get3A_1402 = vector.shape_cast %get3A_1401 : vector<1x16xf32> to vector<16xf32>
    %get3A_1403 = arith.constant 41 : i32
    %get3A_1404 = arith.index_cast %get3A_1403 : i32 to index
    %get3A_1405 = arith.constant 80 : index
    %get3A_1406 = tpu.vector_load %arg6[%get3A_1404, %get3A_1405] {strides = array<i32>} : memref<64x128xf32, #tpu.memory_space<vmem>>, vector<1x16xf32>,
    %get3A_1407 = vector.shape_cast %get3A_1406 : vector<1x16xf32> to vector<16xf32>
    %mul3A_1408 = arith.mulf %get3A_1402, %get3A_1407 : vector<16xf32>
    %add3A_1409 = arith.addf %add3A_1393, %mul3A_1408 : vector<16xf32>
    %mul3A_1410 = arith.mulf %get3A_1402, %get3A_1402 : vector<16xf32>
    %add3A_1411 = arith.addf %add3A_1395, %mul3A_1410 : vector<16xf32>
    %mul3A_1412 = arith.mulf %get3A_1407, %get3A_1407 : vector<16xf32>
    %add3A_1413 = arith.addf %add3A_1397, %mul3A_1412 : vector<16xf32>
    %get3A_1414 = arith.constant 9 : i32
    %get3A_1415 = arith.index_cast %get3A_1414 : i32 to index
    %get3A_1416 = arith.constant 96 : index
    %get3A_1417 = tpu.vector_load %arg6[%get3A_1415, %get3A_1416] {strides = array<i32>} : memref<64x128xf32, #tpu.memory_space<vmem>>, vector<1x16xf32>,
    %get3A_1418 = vector.shape_cast %get3A_1417 : vector<1x16xf32> to vector<16xf32>
    %get3A_1419 = arith.constant 41 : i32
    %get3A_1420 = arith.index_cast %get3A_1419 : i32 to index
    %get3A_1421 = arith.constant 96 : index
    %get3A_1422 = tpu.vector_load %arg6[%get3A_1420, %get3A_1421] {strides = array<i32>} : memref<64x128xf32, #tpu.memory_space<vmem>>, vector<1x16xf32>,
    %get3A_1423 = vector.shape_cast %get3A_1422 : vector<1x16xf32> to vector<16xf32>
    %mul3A_1424 = arith.mulf %get3A_1418, %get3A_1423 : vector<16xf32>
    %add3A_1425 = arith.addf %add3A_1409, %mul3A_1424 : vector<16xf32>
    %mul3A_1426 = arith.mulf %get3A_1418, %get3A_1418 : vector<16xf32>
    %add3A_1427 = arith.addf %add3A_1411, %mul3A_1426 : vector<16xf32>
    %mul3A_1428 = arith.mulf %get3A_1423, %get3A_1423 : vector<16xf32>
    %add3A_1429 = arith.addf %add3A_1413, %mul3A_1428 : vector<16xf32>
    %get3A_1430 = arith.constant 9 : i32
    %get3A_1431 = arith.index_cast %get3A_1430 : i32 to index
    %get3A_1432 = arith.constant 112 : index
    %get3A_1433 = tpu.vector_load %arg6[%get3A_1431, %get3A_1432] {strides = array<i32>} : memref<64x128xf32, #tpu.memory_space<vmem>>, vector<1x16xf32>,
    %get3A_1434 = vector.shape_cast %get3A_1433 : vector<1x16xf32> to vector<16xf32>
    %get3A_1435 = arith.constant 41 : i32
    %get3A_1436 = arith.index_cast %get3A_1435 : i32 to index
    %get3A_1437 = arith.constant 112 : index
    %get3A_1438 = tpu.vector_load %arg6[%get3A_1436, %get3A_1437] {strides = array<i32>} : memref<64x128xf32, #tpu.memory_space<vmem>>, vector<1x16xf32>,
    %get3A_1439 = vector.shape_cast %get3A_1438 : vector<1x16xf32> to vector<16xf32>
    %mul3A_1440 = arith.mulf %get3A_1434, %get3A_1439 : vector<16xf32>
    %add3A_1441 = arith.addf %add3A_1425, %mul3A_1440 : vector<16xf32>
    %mul3A_1442 = arith.mulf %get3A_1434, %get3A_1434 : vector<16xf32>
    %add3A_1443 = arith.addf %add3A_1427, %mul3A_1442 : vector<16xf32>
    %mul3A_1444 = arith.mulf %get3A_1439, %get3A_1439 : vector<16xf32>
    %add3A_1445 = arith.addf %add3A_1429, %mul3A_1444 : vector<16xf32>
    %swap3A_1446 = arith.constant 9 : i32
    %swap3A_1447 = arith.index_cast %swap3A_1446 : i32 to index
    %swap3A_1448 = arith.constant 0 : index
    %swap3A_1449 = tpu.vector_load %arg7[%swap3A_1447, %swap3A_1448] {strides = array<i32>} : memref<32x48xf32, #tpu.memory_space<vmem>>, vector<1x16xf32>,
    %swap3A_1450 = vector.shape_cast %swap3A_1449 : vector<1x16xf32> to vector<16xf32>
    %swap3A_1451 = vector.shape_cast %add3A_1441 : vector<16xf32> to vector<1x16xf32>
    tpu.vector_store %arg7[%swap3A_1447, %swap3A_1448], %swap3A_1451 {strides = array<i32>} : memref<32x48xf32, #tpu.memory_space<vmem>>, vector<1x16xf32>,
    %swap3A_1452 = arith.constant 9 : i32
    %swap3A_1453 = arith.index_cast %swap3A_1452 : i32 to index
    %swap3A_1454 = arith.constant 16 : index
    %swap3A_1455 = tpu.vector_load %arg7[%swap3A_1453, %swap3A_1454] {strides = array<i32>} : memref<32x48xf32, #tpu.memory_space<vmem>>, vector<1x16xf32>,
    %swap3A_1456 = vector.shape_cast %swap3A_1455 : vector<1x16xf32> to vector<16xf32>
    %swap3A_1457 = vector.shape_cast %add3A_1443 : vector<16xf32> to vector<1x16xf32>
    tpu.vector_store %arg7[%swap3A_1453, %swap3A_1454], %swap3A_1457 {strides = array<i32>} : memref<32x48xf32, #tpu.memory_space<vmem>>, vector<1x16xf32>,
    %swap3A_1458 = arith.constant 9 : i32
    %swap3A_1459 = arith.index_cast %swap3A_1458 : i32 to index
    %swap3A_1460 = arith.constant 32 : index
    %swap3A_1461 = tpu.vector_load %arg7[%swap3A_1459, %swap3A_1460] {strides = array<i32>} : memref<32x48xf32, #tpu.memory_space<vmem>>, vector<1x16xf32>,
    %swap3A_1462 = vector.shape_cast %swap3A_1461 : vector<1x16xf32> to vector<16xf32>
    %swap3A_1463 = vector.shape_cast %add3A_1445 : vector<16xf32> to vector<1x16xf32>
    tpu.vector_store %arg7[%swap3A_1459, %swap3A_1460], %swap3A_1463 {strides = array<i32>} : memref<32x48xf32, #tpu.memory_space<vmem>>, vector<1x16xf32>,
    %get3A_1464 = arith.constant 10 : i32
    %get3A_1465 = arith.index_cast %get3A_1464 : i32 to index
    %get3A_1466 = arith.constant 0 : index
    %get3A_1467 = tpu.vector_load %arg6[%get3A_1465, %get3A_1466] {strides = array<i32>} : memref<64x128xf32, #tpu.memory_space<vmem>>, vector<1x16xf32>,
    %get3A_1468 = vector.shape_cast %get3A_1467 : vector<1x16xf32> to vector<16xf32>
    %get3A_1469 = arith.constant 42 : i32
    %get3A_1470 = arith.index_cast %get3A_1469 : i32 to index
    %get3A_1471 = arith.constant 0 : index
    %get3A_1472 = tpu.vector_load %arg6[%get3A_1470, %get3A_1471] {strides = array<i32>} : memref<64x128xf32, #tpu.memory_space<vmem>>, vector<1x16xf32>,
    %get3A_1473 = vector.shape_cast %get3A_1472 : vector<1x16xf32> to vector<16xf32>
    %mul3A_1474 = arith.mulf %get3A_1468, %get3A_1473 : vector<16xf32>
    %add3A_1475 = arith.addf %broadcast_in_dim3A_5, %mul3A_1474 : vector<16xf32>
    %mul3A_1476 = arith.mulf %get3A_1468, %get3A_1468 : vector<16xf32>
    %add3A_1477 = arith.addf %broadcast_in_dim3A_5, %mul3A_1476 : vector<16xf32>
    %mul3A_1478 = arith.mulf %get3A_1473, %get3A_1473 : vector<16xf32>
    %add3A_1479 = arith.addf %broadcast_in_dim3A_5, %mul3A_1478 : vector<16xf32>
    %get3A_1480 = arith.constant 10 : i32
    %get3A_1481 = arith.index_cast %get3A_1480 : i32 to index
    %get3A_1482 = arith.constant 16 : index
    %get3A_1483 = tpu.vector_load %arg6[%get3A_1481, %get3A_1482] {strides = array<i32>} : memref<64x128xf32, #tpu.memory_space<vmem>>, vector<1x16xf32>,
    %get3A_1484 = vector.shape_cast %get3A_1483 : vector<1x16xf32> to vector<16xf32>
    %get3A_1485 = arith.constant 42 : i32
    %get3A_1486 = arith.index_cast %get3A_1485 : i32 to index
    %get3A_1487 = arith.constant 16 : index
    %get3A_1488 = tpu.vector_load %arg6[%get3A_1486, %get3A_1487] {strides = array<i32>} : memref<64x128xf32, #tpu.memory_space<vmem>>, vector<1x16xf32>,
    %get3A_1489 = vector.shape_cast %get3A_1488 : vector<1x16xf32> to vector<16xf32>
    %mul3A_1490 = arith.mulf %get3A_1484, %get3A_1489 : vector<16xf32>
    %add3A_1491 = arith.addf %add3A_1475, %mul3A_1490 : vector<16xf32>
    %mul3A_1492 = arith.mulf %get3A_1484, %get3A_1484 : vector<16xf32>
    %add3A_1493 = arith.addf %add3A_1477, %mul3A_1492 : vector<16xf32>
    %mul3A_1494 = arith.mulf %get3A_1489, %get3A_1489 : vector<16xf32>
    %add3A_1495 = arith.addf %add3A_1479, %mul3A_1494 : vector<16xf32>
    %get3A_1496 = arith.constant 10 : i32
    %get3A_1497 = arith.index_cast %get3A_1496 : i32 to index
    %get3A_1498 = arith.constant 32 : index
    %get3A_1499 = tpu.vector_load %arg6[%get3A_1497, %get3A_1498] {strides = array<i32>} : memref<64x128xf32, #tpu.memory_space<vmem>>, vector<1x16xf32>,
    %get3A_1500 = vector.shape_cast %get3A_1499 : vector<1x16xf32> to vector<16xf32>
    %get3A_1501 = arith.constant 42 : i32
    %get3A_1502 = arith.index_cast %get3A_1501 : i32 to index
    %get3A_1503 = arith.constant 32 : index
    %get3A_1504 = tpu.vector_load %arg6[%get3A_1502, %get3A_1503] {strides = array<i32>} : memref<64x128xf32, #tpu.memory_space<vmem>>, vector<1x16xf32>,
    %get3A_1505 = vector.shape_cast %get3A_1504 : vector<1x16xf32> to vector<16xf32>
    %mul3A_1506 = arith.mulf %get3A_1500, %get3A_1505 : vector<16xf32>
    %add3A_1507 = arith.addf %add3A_1491, %mul3A_1506 : vector<16xf32>
    %mul3A_1508 = arith.mulf %get3A_1500, %get3A_1500 : vector<16xf32>
    %add3A_1509 = arith.addf %add3A_1493, %mul3A_1508 : vector<16xf32>
    %mul3A_1510 = arith.mulf %get3A_1505, %get3A_1505 : vector<16xf32>
    %add3A_1511 = arith.addf %add3A_1495, %mul3A_1510 : vector<16xf32>
    %get3A_1512 = arith.constant 10 : i32
    %get3A_1513 = arith.index_cast %get3A_1512 : i32 to index
    %get3A_1514 = arith.constant 48 : index
    %get3A_1515 = tpu.vector_load %arg6[%get3A_1513, %get3A_1514] {strides = array<i32>} : memref<64x128xf32, #tpu.memory_space<vmem>>, vector<1x16xf32>,
    %get3A_1516 = vector.shape_cast %get3A_1515 : vector<1x16xf32> to vector<16xf32>
    %get3A_1517 = arith.constant 42 : i32
    %get3A_1518 = arith.index_cast %get3A_1517 : i32 to index
    %get3A_1519 = arith.constant 48 : index
    %get3A_1520 = tpu.vector_load %arg6[%get3A_1518, %get3A_1519] {strides = array<i32>} : memref<64x128xf32, #tpu.memory_space<vmem>>, vector<1x16xf32>,
    %get3A_1521 = vector.shape_cast %get3A_1520 : vector<1x16xf32> to vector<16xf32>
    %mul3A_1522 = arith.mulf %get3A_1516, %get3A_1521 : vector<16xf32>
    %add3A_1523 = arith.addf %add3A_1507, %mul3A_1522 : vector<16xf32>
    %mul3A_1524 = arith.mulf %get3A_1516, %get3A_1516 : vector<16xf32>
    %add3A_1525 = arith.addf %add3A_1509, %mul3A_1524 : vector<16xf32>
    %mul3A_1526 = arith.mulf %get3A_1521, %get3A_1521 : vector<16xf32>
    %add3A_1527 = arith.addf %add3A_1511, %mul3A_1526 : vector<16xf32>
    %get3A_1528 = arith.constant 10 : i32
    %get3A_1529 = arith.index_cast %get3A_1528 : i32 to index
    %get3A_1530 = arith.constant 64 : index
    %get3A_1531 = tpu.vector_load %arg6[%get3A_1529, %get3A_1530] {strides = array<i32>} : memref<64x128xf32, #tpu.memory_space<vmem>>, vector<1x16xf32>,
    %get3A_1532 = vector.shape_cast %get3A_1531 : vector<1x16xf32> to vector<16xf32>
    %get3A_1533 = arith.constant 42 : i32
    %get3A_1534 = arith.index_cast %get3A_1533 : i32 to index
    %get3A_1535 = arith.constant 64 : index
    %get3A_1536 = tpu.vector_load %arg6[%get3A_1534, %get3A_1535] {strides = array<i32>} : memref<64x128xf32, #tpu.memory_space<vmem>>, vector<1x16xf32>,
    %get3A_1537 = vector.shape_cast %get3A_1536 : vector<1x16xf32> to vector<16xf32>
    %mul3A_1538 = arith.mulf %get3A_1532, %get3A_1537 : vector<16xf32>
    %add3A_1539 = arith.addf %add3A_1523, %mul3A_1538 : vector<16xf32>
    %mul3A_1540 = arith.mulf %get3A_1532, %get3A_1532 : vector<16xf32>
    %add3A_1541 = arith.addf %add3A_1525, %mul3A_1540 : vector<16xf32>
    %mul3A_1542 = arith.mulf %get3A_1537, %get3A_1537 : vector<16xf32>
    %add3A_1543 = arith.addf %add3A_1527, %mul3A_1542 : vector<16xf32>
    %get3A_1544 = arith.constant 10 : i32
    %get3A_1545 = arith.index_cast %get3A_1544 : i32 to index
    %get3A_1546 = arith.constant 80 : index
    %get3A_1547 = tpu.vector_load %arg6[%get3A_1545, %get3A_1546] {strides = array<i32>} : memref<64x128xf32, #tpu.memory_space<vmem>>, vector<1x16xf32>,
    %get3A_1548 = vector.shape_cast %get3A_1547 : vector<1x16xf32> to vector<16xf32>
    %get3A_1549 = arith.constant 42 : i32
    %get3A_1550 = arith.index_cast %get3A_1549 : i32 to index
    %get3A_1551 = arith.constant 80 : index
    %get3A_1552 = tpu.vector_load %arg6[%get3A_1550, %get3A_1551] {strides = array<i32>} : memref<64x128xf32, #tpu.memory_space<vmem>>, vector<1x16xf32>,
    %get3A_1553 = vector.shape_cast %get3A_1552 : vector<1x16xf32> to vector<16xf32>
    %mul3A_1554 = arith.mulf %get3A_1548, %get3A_1553 : vector<16xf32>
    %add3A_1555 = arith.addf %add3A_1539, %mul3A_1554 : vector<16xf32>
    %mul3A_1556 = arith.mulf %get3A_1548, %get3A_1548 : vector<16xf32>
    %add3A_1557 = arith.addf %add3A_1541, %mul3A_1556 : vector<16xf32>
    %mul3A_1558 = arith.mulf %get3A_1553, %get3A_1553 : vector<16xf32>
    %add3A_1559 = arith.addf %add3A_1543, %mul3A_1558 : vector<16xf32>
    %get3A_1560 = arith.constant 10 : i32
    %get3A_1561 = arith.index_cast %get3A_1560 : i32 to index
    %get3A_1562 = arith.constant 96 : index
    %get3A_1563 = tpu.vector_load %arg6[%get3A_1561, %get3A_1562] {strides = array<i32>} : memref<64x128xf32, #tpu.memory_space<vmem>>, vector<1x16xf32>,
    %get3A_1564 = vector.shape_cast %get3A_1563 : vector<1x16xf32> to vector<16xf32>
    %get3A_1565 = arith.constant 42 : i32
    %get3A_1566 = arith.index_cast %get3A_1565 : i32 to index
    %get3A_1567 = arith.constant 96 : index
    %get3A_1568 = tpu.vector_load %arg6[%get3A_1566, %get3A_1567] {strides = array<i32>} : memref<64x128xf32, #tpu.memory_space<vmem>>, vector<1x16xf32>,
    %get3A_1569 = vector.shape_cast %get3A_1568 : vector<1x16xf32> to vector<16xf32>
    %mul3A_1570 = arith.mulf %get3A_1564, %get3A_1569 : vector<16xf32>
    %add3A_1571 = arith.addf %add3A_1555, %mul3A_1570 : vector<16xf32>
    %mul3A_1572 = arith.mulf %get3A_1564, %get3A_1564 : vector<16xf32>
    %add3A_1573 = arith.addf %add3A_1557, %mul3A_1572 : vector<16xf32>
    %mul3A_1574 = arith.mulf %get3A_1569, %get3A_1569 : vector<16xf32>
    %add3A_1575 = arith.addf %add3A_1559, %mul3A_1574 : vector<16xf32>
    %get3A_1576 = arith.constant 10 : i32
    %get3A_1577 = arith.index_cast %get3A_1576 : i32 to index
    %get3A_1578 = arith.constant 112 : index
    %get3A_1579 = tpu.vector_load %arg6[%get3A_1577, %get3A_1578] {strides = array<i32>} : memref<64x128xf32, #tpu.memory_space<vmem>>, vector<1x16xf32>,
    %get3A_1580 = vector.shape_cast %get3A_1579 : vector<1x16xf32> to vector<16xf32>
    %get3A_1581 = arith.constant 42 : i32
    %get3A_1582 = arith.index_cast %get3A_1581 : i32 to index
    %get3A_1583 = arith.constant 112 : index
    %get3A_1584 = tpu.vector_load %arg6[%get3A_1582, %get3A_1583] {strides = array<i32>} : memref<64x128xf32, #tpu.memory_space<vmem>>, vector<1x16xf32>,
    %get3A_1585 = vector.shape_cast %get3A_1584 : vector<1x16xf32> to vector<16xf32>
    %mul3A_1586 = arith.mulf %get3A_1580, %get3A_1585 : vector<16xf32>
    %add3A_1587 = arith.addf %add3A_1571, %mul3A_1586 : vector<16xf32>
    %mul3A_1588 = arith.mulf %get3A_1580, %get3A_1580 : vector<16xf32>
    %add3A_1589 = arith.addf %add3A_1573, %mul3A_1588 : vector<16xf32>
    %mul3A_1590 = arith.mulf %get3A_1585, %get3A_1585 : vector<16xf32>
    %add3A_1591 = arith.addf %add3A_1575, %mul3A_1590 : vector<16xf32>
    %swap3A_1592 = arith.constant 10 : i32
    %swap3A_1593 = arith.index_cast %swap3A_1592 : i32 to index
    %swap3A_1594 = arith.constant 0 : index
    %swap3A_1595 = tpu.vector_load %arg7[%swap3A_1593, %swap3A_1594] {strides = array<i32>} : memref<32x48xf32, #tpu.memory_space<vmem>>, vector<1x16xf32>,
    %swap3A_1596 = vector.shape_cast %swap3A_1595 : vector<1x16xf32> to vector<16xf32>
    %swap3A_1597 = vector.shape_cast %add3A_1587 : vector<16xf32> to vector<1x16xf32>
    tpu.vector_store %arg7[%swap3A_1593, %swap3A_1594], %swap3A_1597 {strides = array<i32>} : memref<32x48xf32, #tpu.memory_space<vmem>>, vector<1x16xf32>,
    %swap3A_1598 = arith.constant 10 : i32
    %swap3A_1599 = arith.index_cast %swap3A_1598 : i32 to index
    %swap3A_1600 = arith.constant 16 : index
    %swap3A_1601 = tpu.vector_load %arg7[%swap3A_1599, %swap3A_1600] {strides = array<i32>} : memref<32x48xf32, #tpu.memory_space<vmem>>, vector<1x16xf32>,
    %swap3A_1602 = vector.shape_cast %swap3A_1601 : vector<1x16xf32> to vector<16xf32>
    %swap3A_1603 = vector.shape_cast %add3A_1589 : vector<16xf32> to vector<1x16xf32>
    tpu.vector_store %arg7[%swap3A_1599, %swap3A_1600], %swap3A_1603 {strides = array<i32>} : memref<32x48xf32, #tpu.memory_space<vmem>>, vector<1x16xf32>,
    %swap3A_1604 = arith.constant 10 : i32
    %swap3A_1605 = arith.index_cast %swap3A_1604 : i32 to index
    %swap3A_1606 = arith.constant 32 : index
    %swap3A_1607 = tpu.vector_load %arg7[%swap3A_1605, %swap3A_1606] {strides = array<i32>} : memref<32x48xf32, #tpu.memory_space<vmem>>, vector<1x16xf32>,
    %swap3A_1608 = vector.shape_cast %swap3A_1607 : vector<1x16xf32> to vector<16xf32>
    %swap3A_1609 = vector.shape_cast %add3A_1591 : vector<16xf32> to vector<1x16xf32>
    tpu.vector_store %arg7[%swap3A_1605, %swap3A_1606], %swap3A_1609 {strides = array<i32>} : memref<32x48xf32, #tpu.memory_space<vmem>>, vector<1x16xf32>,
    %get3A_1610 = arith.constant 11 : i32
    %get3A_1611 = arith.index_cast %get3A_1610 : i32 to index
    %get3A_1612 = arith.constant 0 : index
    %get3A_1613 = tpu.vector_load %arg6[%get3A_1611, %get3A_1612] {strides = array<i32>} : memref<64x128xf32, #tpu.memory_space<vmem>>, vector<1x16xf32>,
    %get3A_1614 = vector.shape_cast %get3A_1613 : vector<1x16xf32> to vector<16xf32>
    %get3A_1615 = arith.constant 43 : i32
    %get3A_1616 = arith.index_cast %get3A_1615 : i32 to index
    %get3A_1617 = arith.constant 0 : index
    %get3A_1618 = tpu.vector_load %arg6[%get3A_1616, %get3A_1617] {strides = array<i32>} : memref<64x128xf32, #tpu.memory_space<vmem>>, vector<1x16xf32>,
    %get3A_1619 = vector.shape_cast %get3A_1618 : vector<1x16xf32> to vector<16xf32>
    %mul3A_1620 = arith.mulf %get3A_1614, %get3A_1619 : vector<16xf32>
    %add3A_1621 = arith.addf %broadcast_in_dim3A_5, %mul3A_1620 : vector<16xf32>
    %mul3A_1622 = arith.mulf %get3A_1614, %get3A_1614 : vector<16xf32>
    %add3A_1623 = arith.addf %broadcast_in_dim3A_5, %mul3A_1622 : vector<16xf32>
    %mul3A_1624 = arith.mulf %get3A_1619, %get3A_1619 : vector<16xf32>
    %add3A_1625 = arith.addf %broadcast_in_dim3A_5, %mul3A_1624 : vector<16xf32>
    %get3A_1626 = arith.constant 11 : i32
    %get3A_1627 = arith.index_cast %get3A_1626 : i32 to index
    %get3A_1628 = arith.constant 16 : index
    %get3A_1629 = tpu.vector_load %arg6[%get3A_1627, %get3A_1628] {strides = array<i32>} : memref<64x128xf32, #tpu.memory_space<vmem>>, vector<1x16xf32>,
    %get3A_1630 = vector.shape_cast %get3A_1629 : vector<1x16xf32> to vector<16xf32>
    %get3A_1631 = arith.constant 43 : i32
    %get3A_1632 = arith.index_cast %get3A_1631 : i32 to index
    %get3A_1633 = arith.constant 16 : index
    %get3A_1634 = tpu.vector_load %arg6[%get3A_1632, %get3A_1633] {strides = array<i32>} : memref<64x128xf32, #tpu.memory_space<vmem>>, vector<1x16xf32>,
    %get3A_1635 = vector.shape_cast %get3A_1634 : vector<1x16xf32> to vector<16xf32>
    %mul3A_1636 = arith.mulf %get3A_1630, %get3A_1635 : vector<16xf32>
    %add3A_1637 = arith.addf %add3A_1621, %mul3A_1636 : vector<16xf32>
    %mul3A_1638 = arith.mulf %get3A_1630, %get3A_1630 : vector<16xf32>
    %add3A_1639 = arith.addf %add3A_1623, %mul3A_1638 : vector<16xf32>
    %mul3A_1640 = arith.mulf %get3A_1635, %get3A_1635 : vector<16xf32>
    %add3A_1641 = arith.addf %add3A_1625, %mul3A_1640 : vector<16xf32>
    %get3A_1642 = arith.constant 11 : i32
    %get3A_1643 = arith.index_cast %get3A_1642 : i32 to index
    %get3A_1644 = arith.constant 32 : index
    %get3A_1645 = tpu.vector_load %arg6[%get3A_1643, %get3A_1644] {strides = array<i32>} : memref<64x128xf32, #tpu.memory_space<vmem>>, vector<1x16xf32>,
    %get3A_1646 = vector.shape_cast %get3A_1645 : vector<1x16xf32> to vector<16xf32>
    %get3A_1647 = arith.constant 43 : i32
    %get3A_1648 = arith.index_cast %get3A_1647 : i32 to index
    %get3A_1649 = arith.constant 32 : index
    %get3A_1650 = tpu.vector_load %arg6[%get3A_1648, %get3A_1649] {strides = array<i32>} : memref<64x128xf32, #tpu.memory_space<vmem>>, vector<1x16xf32>,
    %get3A_1651 = vector.shape_cast %get3A_1650 : vector<1x16xf32> to vector<16xf32>
    %mul3A_1652 = arith.mulf %get3A_1646, %get3A_1651 : vector<16xf32>
    %add3A_1653 = arith.addf %add3A_1637, %mul3A_1652 : vector<16xf32>
    %mul3A_1654 = arith.mulf %get3A_1646, %get3A_1646 : vector<16xf32>
    %add3A_1655 = arith.addf %add3A_1639, %mul3A_1654 : vector<16xf32>
    %mul3A_1656 = arith.mulf %get3A_1651, %get3A_1651 : vector<16xf32>
    %add3A_1657 = arith.addf %add3A_1641, %mul3A_1656 : vector<16xf32>
    %get3A_1658 = arith.constant 11 : i32
    %get3A_1659 = arith.index_cast %get3A_1658 : i32 to index
    %get3A_1660 = arith.constant 48 : index
    %get3A_1661 = tpu.vector_load %arg6[%get3A_1659, %get3A_1660] {strides = array<i32>} : memref<64x128xf32, #tpu.memory_space<vmem>>, vector<1x16xf32>,
    %get3A_1662 = vector.shape_cast %get3A_1661 : vector<1x16xf32> to vector<16xf32>
    %get3A_1663 = arith.constant 43 : i32
    %get3A_1664 = arith.index_cast %get3A_1663 : i32 to index
    %get3A_1665 = arith.constant 48 : index
    %get3A_1666 = tpu.vector_load %arg6[%get3A_1664, %get3A_1665] {strides = array<i32>} : memref<64x128xf32, #tpu.memory_space<vmem>>, vector<1x16xf32>,
    %get3A_1667 = vector.shape_cast %get3A_1666 : vector<1x16xf32> to vector<16xf32>
    %mul3A_1668 = arith.mulf %get3A_1662, %get3A_1667 : vector<16xf32>
    %add3A_1669 = arith.addf %add3A_1653, %mul3A_1668 : vector<16xf32>
    %mul3A_1670 = arith.mulf %get3A_1662, %get3A_1662 : vector<16xf32>
    %add3A_1671 = arith.addf %add3A_1655, %mul3A_1670 : vector<16xf32>
    %mul3A_1672 = arith.mulf %get3A_1667, %get3A_1667 : vector<16xf32>
    %add3A_1673 = arith.addf %add3A_1657, %mul3A_1672 : vector<16xf32>
    %get3A_1674 = arith.constant 11 : i32
    %get3A_1675 = arith.index_cast %get3A_1674 : i32 to index
    %get3A_1676 = arith.constant 64 : index
    %get3A_1677 = tpu.vector_load %arg6[%get3A_1675, %get3A_1676] {strides = array<i32>} : memref<64x128xf32, #tpu.memory_space<vmem>>, vector<1x16xf32>,
    %get3A_1678 = vector.shape_cast %get3A_1677 : vector<1x16xf32> to vector<16xf32>
    %get3A_1679 = arith.constant 43 : i32
    %get3A_1680 = arith.index_cast %get3A_1679 : i32 to index
    %get3A_1681 = arith.constant 64 : index
    %get3A_1682 = tpu.vector_load %arg6[%get3A_1680, %get3A_1681] {strides = array<i32>} : memref<64x128xf32, #tpu.memory_space<vmem>>, vector<1x16xf32>,
    %get3A_1683 = vector.shape_cast %get3A_1682 : vector<1x16xf32> to vector<16xf32>
    %mul3A_1684 = arith.mulf %get3A_1678, %get3A_1683 : vector<16xf32>
    %add3A_1685 = arith.addf %add3A_1669, %mul3A_1684 : vector<16xf32>
    %mul3A_1686 = arith.mulf %get3A_1678, %get3A_1678 : vector<16xf32>
    %add3A_1687 = arith.addf %add3A_1671, %mul3A_1686 : vector<16xf32>
    %mul3A_1688 = arith.mulf %get3A_1683, %get3A_1683 : vector<16xf32>
    %add3A_1689 = arith.addf %add3A_1673, %mul3A_1688 : vector<16xf32>
    %get3A_1690 = arith.constant 11 : i32
    %get3A_1691 = arith.index_cast %get3A_1690 : i32 to index
    %get3A_1692 = arith.constant 80 : index
    %get3A_1693 = tpu.vector_load %arg6[%get3A_1691, %get3A_1692] {strides = array<i32>} : memref<64x128xf32, #tpu.memory_space<vmem>>, vector<1x16xf32>,
    %get3A_1694 = vector.shape_cast %get3A_1693 : vector<1x16xf32> to vector<16xf32>
    %get3A_1695 = arith.constant 43 : i32
    %get3A_1696 = arith.index_cast %get3A_1695 : i32 to index
    %get3A_1697 = arith.constant 80 : index
    %get3A_1698 = tpu.vector_load %arg6[%get3A_1696, %get3A_1697] {strides = array<i32>} : memref<64x128xf32, #tpu.memory_space<vmem>>, vector<1x16xf32>,
    %get3A_1699 = vector.shape_cast %get3A_1698 : vector<1x16xf32> to vector<16xf32>
    %mul3A_1700 = arith.mulf %get3A_1694, %get3A_1699 : vector<16xf32>
    %add3A_1701 = arith.addf %add3A_1685, %mul3A_1700 : vector<16xf32>
    %mul3A_1702 = arith.mulf %get3A_1694, %get3A_1694 : vector<16xf32>
    %add3A_1703 = arith.addf %add3A_1687, %mul3A_1702 : vector<16xf32>
    %mul3A_1704 = arith.mulf %get3A_1699, %get3A_1699 : vector<16xf32>
    %add3A_1705 = arith.addf %add3A_1689, %mul3A_1704 : vector<16xf32>
    %get3A_1706 = arith.constant 11 : i32
    %get3A_1707 = arith.index_cast %get3A_1706 : i32 to index
    %get3A_1708 = arith.constant 96 : index
    %get3A_1709 = tpu.vector_load %arg6[%get3A_1707, %get3A_1708] {strides = array<i32>} : memref<64x128xf32, #tpu.memory_space<vmem>>, vector<1x16xf32>,
    %get3A_1710 = vector.shape_cast %get3A_1709 : vector<1x16xf32> to vector<16xf32>
    %get3A_1711 = arith.constant 43 : i32
    %get3A_1712 = arith.index_cast %get3A_1711 : i32 to index
    %get3A_1713 = arith.constant 96 : index
    %get3A_1714 = tpu.vector_load %arg6[%get3A_1712, %get3A_1713] {strides = array<i32>} : memref<64x128xf32, #tpu.memory_space<vmem>>, vector<1x16xf32>,
    %get3A_1715 = vector.shape_cast %get3A_1714 : vector<1x16xf32> to vector<16xf32>
    %mul3A_1716 = arith.mulf %get3A_1710, %get3A_1715 : vector<16xf32>
    %add3A_1717 = arith.addf %add3A_1701, %mul3A_1716 : vector<16xf32>
    %mul3A_1718 = arith.mulf %get3A_1710, %get3A_1710 : vector<16xf32>
    %add3A_1719 = arith.addf %add3A_1703, %mul3A_1718 : vector<16xf32>
    %mul3A_1720 = arith.mulf %get3A_1715, %get3A_1715 : vector<16xf32>
    %add3A_1721 = arith.addf %add3A_1705, %mul3A_1720 : vector<16xf32>
    %get3A_1722 = arith.constant 11 : i32
    %get3A_1723 = arith.index_cast %get3A_1722 : i32 to index
    %get3A_1724 = arith.constant 112 : index
    %get3A_1725 = tpu.vector_load %arg6[%get3A_1723, %get3A_1724] {strides = array<i32>} : memref<64x128xf32, #tpu.memory_space<vmem>>, vector<1x16xf32>,
    %get3A_1726 = vector.shape_cast %get3A_1725 : vector<1x16xf32> to vector<16xf32>
    %get3A_1727 = arith.constant 43 : i32
    %get3A_1728 = arith.index_cast %get3A_1727 : i32 to index
    %get3A_1729 = arith.constant 112 : index
    %get3A_1730 = tpu.vector_load %arg6[%get3A_1728, %get3A_1729] {strides = array<i32>} : memref<64x128xf32, #tpu.memory_space<vmem>>, vector<1x16xf32>,
    %get3A_1731 = vector.shape_cast %get3A_1730 : vector<1x16xf32> to vector<16xf32>
    %mul3A_1732 = arith.mulf %get3A_1726, %get3A_1731 : vector<16xf32>
    %add3A_1733 = arith.addf %add3A_1717, %mul3A_1732 : vector<16xf32>
    %mul3A_1734 = arith.mulf %get3A_1726, %get3A_1726 : vector<16xf32>
    %add3A_1735 = arith.addf %add3A_1719, %mul3A_1734 : vector<16xf32>
    %mul3A_1736 = arith.mulf %get3A_1731, %get3A_1731 : vector<16xf32>
    %add3A_1737 = arith.addf %add3A_1721, %mul3A_1736 : vector<16xf32>
    %swap3A_1738 = arith.constant 11 : i32
    %swap3A_1739 = arith.index_cast %swap3A_1738 : i32 to index
    %swap3A_1740 = arith.constant 0 : index
    %swap3A_1741 = tpu.vector_load %arg7[%swap3A_1739, %swap3A_1740] {strides = array<i32>} : memref<32x48xf32, #tpu.memory_space<vmem>>, vector<1x16xf32>,
    %swap3A_1742 = vector.shape_cast %swap3A_1741 : vector<1x16xf32> to vector<16xf32>
    %swap3A_1743 = vector.shape_cast %add3A_1733 : vector<16xf32> to vector<1x16xf32>
    tpu.vector_store %arg7[%swap3A_1739, %swap3A_1740], %swap3A_1743 {strides = array<i32>} : memref<32x48xf32, #tpu.memory_space<vmem>>, vector<1x16xf32>,
    %swap3A_1744 = arith.constant 11 : i32
    %swap3A_1745 = arith.index_cast %swap3A_1744 : i32 to index
    %swap3A_1746 = arith.constant 16 : index
    %swap3A_1747 = tpu.vector_load %arg7[%swap3A_1745, %swap3A_1746] {strides = array<i32>} : memref<32x48xf32, #tpu.memory_space<vmem>>, vector<1x16xf32>,
    %swap3A_1748 = vector.shape_cast %swap3A_1747 : vector<1x16xf32> to vector<16xf32>
    %swap3A_1749 = vector.shape_cast %add3A_1735 : vector<16xf32> to vector<1x16xf32>
    tpu.vector_store %arg7[%swap3A_1745, %swap3A_1746], %swap3A_1749 {strides = array<i32>} : memref<32x48xf32, #tpu.memory_space<vmem>>, vector<1x16xf32>,
    %swap3A_1750 = arith.constant 11 : i32
    %swap3A_1751 = arith.index_cast %swap3A_1750 : i32 to index
    %swap3A_1752 = arith.constant 32 : index
    %swap3A_1753 = tpu.vector_load %arg7[%swap3A_1751, %swap3A_1752] {strides = array<i32>} : memref<32x48xf32, #tpu.memory_space<vmem>>, vector<1x16xf32>,
    %swap3A_1754 = vector.shape_cast %swap3A_1753 : vector<1x16xf32> to vector<16xf32>
    %swap3A_1755 = vector.shape_cast %add3A_1737 : vector<16xf32> to vector<1x16xf32>
    tpu.vector_store %arg7[%swap3A_1751, %swap3A_1752], %swap3A_1755 {strides = array<i32>} : memref<32x48xf32, #tpu.memory_space<vmem>>, vector<1x16xf32>,
    %get3A_1756 = arith.constant 12 : i32
    %get3A_1757 = arith.index_cast %get3A_1756 : i32 to index
    %get3A_1758 = arith.constant 0 : index
    %get3A_1759 = tpu.vector_load %arg6[%get3A_1757, %get3A_1758] {strides = array<i32>} : memref<64x128xf32, #tpu.memory_space<vmem>>, vector<1x16xf32>,
    %get3A_1760 = vector.shape_cast %get3A_1759 : vector<1x16xf32> to vector<16xf32>
    %get3A_1761 = arith.constant 44 : i32
    %get3A_1762 = arith.index_cast %get3A_1761 : i32 to index
    %get3A_1763 = arith.constant 0 : index
    %get3A_1764 = tpu.vector_load %arg6[%get3A_1762, %get3A_1763] {strides = array<i32>} : memref<64x128xf32, #tpu.memory_space<vmem>>, vector<1x16xf32>,
    %get3A_1765 = vector.shape_cast %get3A_1764 : vector<1x16xf32> to vector<16xf32>
    %mul3A_1766 = arith.mulf %get3A_1760, %get3A_1765 : vector<16xf32>
    %add3A_1767 = arith.addf %broadcast_in_dim3A_5, %mul3A_1766 : vector<16xf32>
    %mul3A_1768 = arith.mulf %get3A_1760, %get3A_1760 : vector<16xf32>
    %add3A_1769 = arith.addf %broadcast_in_dim3A_5, %mul3A_1768 : vector<16xf32>
    %mul3A_1770 = arith.mulf %get3A_1765, %get3A_1765 : vector<16xf32>
    %add3A_1771 = arith.addf %broadcast_in_dim3A_5, %mul3A_1770 : vector<16xf32>
    %get3A_1772 = arith.constant 12 : i32
    %get3A_1773 = arith.index_cast %get3A_1772 : i32 to index
    %get3A_1774 = arith.constant 16 : index
    %get3A_1775 = tpu.vector_load %arg6[%get3A_1773, %get3A_1774] {strides = array<i32>} : memref<64x128xf32, #tpu.memory_space<vmem>>, vector<1x16xf32>,
    %get3A_1776 = vector.shape_cast %get3A_1775 : vector<1x16xf32> to vector<16xf32>
    %get3A_1777 = arith.constant 44 : i32
    %get3A_1778 = arith.index_cast %get3A_1777 : i32 to index
    %get3A_1779 = arith.constant 16 : index
    %get3A_1780 = tpu.vector_load %arg6[%get3A_1778, %get3A_1779] {strides = array<i32>} : memref<64x128xf32, #tpu.memory_space<vmem>>, vector<1x16xf32>,
    %get3A_1781 = vector.shape_cast %get3A_1780 : vector<1x16xf32> to vector<16xf32>
    %mul3A_1782 = arith.mulf %get3A_1776, %get3A_1781 : vector<16xf32>
    %add3A_1783 = arith.addf %add3A_1767, %mul3A_1782 : vector<16xf32>
    %mul3A_1784 = arith.mulf %get3A_1776, %get3A_1776 : vector<16xf32>
    %add3A_1785 = arith.addf %add3A_1769, %mul3A_1784 : vector<16xf32>
    %mul3A_1786 = arith.mulf %get3A_1781, %get3A_1781 : vector<16xf32>
    %add3A_1787 = arith.addf %add3A_1771, %mul3A_1786 : vector<16xf32>
    %get3A_1788 = arith.constant 12 : i32
    %get3A_1789 = arith.index_cast %get3A_1788 : i32 to index
    %get3A_1790 = arith.constant 32 : index
    %get3A_1791 = tpu.vector_load %arg6[%get3A_1789, %get3A_1790] {strides = array<i32>} : memref<64x128xf32, #tpu.memory_space<vmem>>, vector<1x16xf32>,
    %get3A_1792 = vector.shape_cast %get3A_1791 : vector<1x16xf32> to vector<16xf32>
    %get3A_1793 = arith.constant 44 : i32
    %get3A_1794 = arith.index_cast %get3A_1793 : i32 to index
    %get3A_1795 = arith.constant 32 : index
    %get3A_1796 = tpu.vector_load %arg6[%get3A_1794, %get3A_1795] {strides = array<i32>} : memref<64x128xf32, #tpu.memory_space<vmem>>, vector<1x16xf32>,
    %get3A_1797 = vector.shape_cast %get3A_1796 : vector<1x16xf32> to vector<16xf32>
    %mul3A_1798 = arith.mulf %get3A_1792, %get3A_1797 : vector<16xf32>
    %add3A_1799 = arith.addf %add3A_1783, %mul3A_1798 : vector<16xf32>
    %mul3A_1800 = arith.mulf %get3A_1792, %get3A_1792 : vector<16xf32>
    %add3A_1801 = arith.addf %add3A_1785, %mul3A_1800 : vector<16xf32>
    %mul3A_1802 = arith.mulf %get3A_1797, %get3A_1797 : vector<16xf32>
    %add3A_1803 = arith.addf %add3A_1787, %mul3A_1802 : vector<16xf32>
    %get3A_1804 = arith.constant 12 : i32
    %get3A_1805 = arith.index_cast %get3A_1804 : i32 to index
    %get3A_1806 = arith.constant 48 : index
    %get3A_1807 = tpu.vector_load %arg6[%get3A_1805, %get3A_1806] {strides = array<i32>} : memref<64x128xf32, #tpu.memory_space<vmem>>, vector<1x16xf32>,
    %get3A_1808 = vector.shape_cast %get3A_1807 : vector<1x16xf32> to vector<16xf32>
    %get3A_1809 = arith.constant 44 : i32
    %get3A_1810 = arith.index_cast %get3A_1809 : i32 to index
    %get3A_1811 = arith.constant 48 : index
    %get3A_1812 = tpu.vector_load %arg6[%get3A_1810, %get3A_1811] {strides = array<i32>} : memref<64x128xf32, #tpu.memory_space<vmem>>, vector<1x16xf32>,
    %get3A_1813 = vector.shape_cast %get3A_1812 : vector<1x16xf32> to vector<16xf32>
    %mul3A_1814 = arith.mulf %get3A_1808, %get3A_1813 : vector<16xf32>
    %add3A_1815 = arith.addf %add3A_1799, %mul3A_1814 : vector<16xf32>
    %mul3A_1816 = arith.mulf %get3A_1808, %get3A_1808 : vector<16xf32>
    %add3A_1817 = arith.addf %add3A_1801, %mul3A_1816 : vector<16xf32>
    %mul3A_1818 = arith.mulf %get3A_1813, %get3A_1813 : vector<16xf32>
    %add3A_1819 = arith.addf %add3A_1803, %mul3A_1818 : vector<16xf32>
    %get3A_1820 = arith.constant 12 : i32
    %get3A_1821 = arith.index_cast %get3A_1820 : i32 to index
    %get3A_1822 = arith.constant 64 : index
    %get3A_1823 = tpu.vector_load %arg6[%get3A_1821, %get3A_1822] {strides = array<i32>} : memref<64x128xf32, #tpu.memory_space<vmem>>, vector<1x16xf32>,
    %get3A_1824 = vector.shape_cast %get3A_1823 : vector<1x16xf32> to vector<16xf32>
    %get3A_1825 = arith.constant 44 : i32
    %get3A_1826 = arith.index_cast %get3A_1825 : i32 to index
    %get3A_1827 = arith.constant 64 : index
    %get3A_1828 = tpu.vector_load %arg6[%get3A_1826, %get3A_1827] {strides = array<i32>} : memref<64x128xf32, #tpu.memory_space<vmem>>, vector<1x16xf32>,
    %get3A_1829 = vector.shape_cast %get3A_1828 : vector<1x16xf32> to vector<16xf32>
    %mul3A_1830 = arith.mulf %get3A_1824, %get3A_1829 : vector<16xf32>
    %add3A_1831 = arith.addf %add3A_1815, %mul3A_1830 : vector<16xf32>
    %mul3A_1832 = arith.mulf %get3A_1824, %get3A_1824 : vector<16xf32>
    %add3A_1833 = arith.addf %add3A_1817, %mul3A_1832 : vector<16xf32>
    %mul3A_1834 = arith.mulf %get3A_1829, %get3A_1829 : vector<16xf32>
    %add3A_1835 = arith.addf %add3A_1819, %mul3A_1834 : vector<16xf32>
    %get3A_1836 = arith.constant 12 : i32
    %get3A_1837 = arith.index_cast %get3A_1836 : i32 to index
    %get3A_1838 = arith.constant 80 : index
    %get3A_1839 = tpu.vector_load %arg6[%get3A_1837, %get3A_1838] {strides = array<i32>} : memref<64x128xf32, #tpu.memory_space<vmem>>, vector<1x16xf32>,
    %get3A_1840 = vector.shape_cast %get3A_1839 : vector<1x16xf32> to vector<16xf32>
    %get3A_1841 = arith.constant 44 : i32
    %get3A_1842 = arith.index_cast %get3A_1841 : i32 to index
    %get3A_1843 = arith.constant 80 : index
    %get3A_1844 = tpu.vector_load %arg6[%get3A_1842, %get3A_1843] {strides = array<i32>} : memref<64x128xf32, #tpu.memory_space<vmem>>, vector<1x16xf32>,
    %get3A_1845 = vector.shape_cast %get3A_1844 : vector<1x16xf32> to vector<16xf32>
    %mul3A_1846 = arith.mulf %get3A_1840, %get3A_1845 : vector<16xf32>
    %add3A_1847 = arith.addf %add3A_1831, %mul3A_1846 : vector<16xf32>
    %mul3A_1848 = arith.mulf %get3A_1840, %get3A_1840 : vector<16xf32>
    %add3A_1849 = arith.addf %add3A_1833, %mul3A_1848 : vector<16xf32>
    %mul3A_1850 = arith.mulf %get3A_1845, %get3A_1845 : vector<16xf32>
    %add3A_1851 = arith.addf %add3A_1835, %mul3A_1850 : vector<16xf32>
    %get3A_1852 = arith.constant 12 : i32
    %get3A_1853 = arith.index_cast %get3A_1852 : i32 to index
    %get3A_1854 = arith.constant 96 : index
    %get3A_1855 = tpu.vector_load %arg6[%get3A_1853, %get3A_1854] {strides = array<i32>} : memref<64x128xf32, #tpu.memory_space<vmem>>, vector<1x16xf32>,
    %get3A_1856 = vector.shape_cast %get3A_1855 : vector<1x16xf32> to vector<16xf32>
    %get3A_1857 = arith.constant 44 : i32
    %get3A_1858 = arith.index_cast %get3A_1857 : i32 to index
    %get3A_1859 = arith.constant 96 : index
    %get3A_1860 = tpu.vector_load %arg6[%get3A_1858, %get3A_1859] {strides = array<i32>} : memref<64x128xf32, #tpu.memory_space<vmem>>, vector<1x16xf32>,
    %get3A_1861 = vector.shape_cast %get3A_1860 : vector<1x16xf32> to vector<16xf32>
    %mul3A_1862 = arith.mulf %get3A_1856, %get3A_1861 : vector<16xf32>
    %add3A_1863 = arith.addf %add3A_1847, %mul3A_1862 : vector<16xf32>
    %mul3A_1864 = arith.mulf %get3A_1856, %get3A_1856 : vector<16xf32>
    %add3A_1865 = arith.addf %add3A_1849, %mul3A_1864 : vector<16xf32>
    %mul3A_1866 = arith.mulf %get3A_1861, %get3A_1861 : vector<16xf32>
    %add3A_1867 = arith.addf %add3A_1851, %mul3A_1866 : vector<16xf32>
    %get3A_1868 = arith.constant 12 : i32
    %get3A_1869 = arith.index_cast %get3A_1868 : i32 to index
    %get3A_1870 = arith.constant 112 : index
    %get3A_1871 = tpu.vector_load %arg6[%get3A_1869, %get3A_1870] {strides = array<i32>} : memref<64x128xf32, #tpu.memory_space<vmem>>, vector<1x16xf32>,
    %get3A_1872 = vector.shape_cast %get3A_1871 : vector<1x16xf32> to vector<16xf32>
    %get3A_1873 = arith.constant 44 : i32
    %get3A_1874 = arith.index_cast %get3A_1873 : i32 to index
    %get3A_1875 = arith.constant 112 : index
    %get3A_1876 = tpu.vector_load %arg6[%get3A_1874, %get3A_1875] {strides = array<i32>} : memref<64x128xf32, #tpu.memory_space<vmem>>, vector<1x16xf32>,
    %get3A_1877 = vector.shape_cast %get3A_1876 : vector<1x16xf32> to vector<16xf32>
    %mul3A_1878 = arith.mulf %get3A_1872, %get3A_1877 : vector<16xf32>
    %add3A_1879 = arith.addf %add3A_1863, %mul3A_1878 : vector<16xf32>
    %mul3A_1880 = arith.mulf %get3A_1872, %get3A_1872 : vector<16xf32>
    %add3A_1881 = arith.addf %add3A_1865, %mul3A_1880 : vector<16xf32>
    %mul3A_1882 = arith.mulf %get3A_1877, %get3A_1877 : vector<16xf32>
    %add3A_1883 = arith.addf %add3A_1867, %mul3A_1882 : vector<16xf32>
    %swap3A_1884 = arith.constant 12 : i32
    %swap3A_1885 = arith.index_cast %swap3A_1884 : i32 to index
    %swap3A_1886 = arith.constant 0 : index
    %swap3A_1887 = tpu.vector_load %arg7[%swap3A_1885, %swap3A_1886] {strides = array<i32>} : memref<32x48xf32, #tpu.memory_space<vmem>>, vector<1x16xf32>,
    %swap3A_1888 = vector.shape_cast %swap3A_1887 : vector<1x16xf32> to vector<16xf32>
    %swap3A_1889 = vector.shape_cast %add3A_1879 : vector<16xf32> to vector<1x16xf32>
    tpu.vector_store %arg7[%swap3A_1885, %swap3A_1886], %swap3A_1889 {strides = array<i32>} : memref<32x48xf32, #tpu.memory_space<vmem>>, vector<1x16xf32>,
    %swap3A_1890 = arith.constant 12 : i32
    %swap3A_1891 = arith.index_cast %swap3A_1890 : i32 to index
    %swap3A_1892 = arith.constant 16 : index
    %swap3A_1893 = tpu.vector_load %arg7[%swap3A_1891, %swap3A_1892] {strides = array<i32>} : memref<32x48xf32, #tpu.memory_space<vmem>>, vector<1x16xf32>,
    %swap3A_1894 = vector.shape_cast %swap3A_1893 : vector<1x16xf32> to vector<16xf32>
    %swap3A_1895 = vector.shape_cast %add3A_1881 : vector<16xf32> to vector<1x16xf32>
    tpu.vector_store %arg7[%swap3A_1891, %swap3A_1892], %swap3A_1895 {strides = array<i32>} : memref<32x48xf32, #tpu.memory_space<vmem>>, vector<1x16xf32>,
    %swap3A_1896 = arith.constant 12 : i32
    %swap3A_1897 = arith.index_cast %swap3A_1896 : i32 to index
    %swap3A_1898 = arith.constant 32 : index
    %swap3A_1899 = tpu.vector_load %arg7[%swap3A_1897, %swap3A_1898] {strides = array<i32>} : memref<32x48xf32, #tpu.memory_space<vmem>>, vector<1x16xf32>,
    %swap3A_1900 = vector.shape_cast %swap3A_1899 : vector<1x16xf32> to vector<16xf32>
    %swap3A_1901 = vector.shape_cast %add3A_1883 : vector<16xf32> to vector<1x16xf32>
    tpu.vector_store %arg7[%swap3A_1897, %swap3A_1898], %swap3A_1901 {strides = array<i32>} : memref<32x48xf32, #tpu.memory_space<vmem>>, vector<1x16xf32>,
    %get3A_1902 = arith.constant 13 : i32
    %get3A_1903 = arith.index_cast %get3A_1902 : i32 to index
    %get3A_1904 = arith.constant 0 : index
    %get3A_1905 = tpu.vector_load %arg6[%get3A_1903, %get3A_1904] {strides = array<i32>} : memref<64x128xf32, #tpu.memory_space<vmem>>, vector<1x16xf32>,
    %get3A_1906 = vector.shape_cast %get3A_1905 : vector<1x16xf32> to vector<16xf32>
    %get3A_1907 = arith.constant 45 : i32
    %get3A_1908 = arith.index_cast %get3A_1907 : i32 to index
    %get3A_1909 = arith.constant 0 : index
    %get3A_1910 = tpu.vector_load %arg6[%get3A_1908, %get3A_1909] {strides = array<i32>} : memref<64x128xf32, #tpu.memory_space<vmem>>, vector<1x16xf32>,
    %get3A_1911 = vector.shape_cast %get3A_1910 : vector<1x16xf32> to vector<16xf32>
    %mul3A_1912 = arith.mulf %get3A_1906, %get3A_1911 : vector<16xf32>
    %add3A_1913 = arith.addf %broadcast_in_dim3A_5, %mul3A_1912 : vector<16xf32>
    %mul3A_1914 = arith.mulf %get3A_1906, %get3A_1906 : vector<16xf32>
    %add3A_1915 = arith.addf %broadcast_in_dim3A_5, %mul3A_1914 : vector<16xf32>
    %mul3A_1916 = arith.mulf %get3A_1911, %get3A_1911 : vector<16xf32>
    %add3A_1917 = arith.addf %broadcast_in_dim3A_5, %mul3A_1916 : vector<16xf32>
    %get3A_1918 = arith.constant 13 : i32
    %get3A_1919 = arith.index_cast %get3A_1918 : i32 to index
    %get3A_1920 = arith.constant 16 : index
    %get3A_1921 = tpu.vector_load %arg6[%get3A_1919, %get3A_1920] {strides = array<i32>} : memref<64x128xf32, #tpu.memory_space<vmem>>, vector<1x16xf32>,
    %get3A_1922 = vector.shape_cast %get3A_1921 : vector<1x16xf32> to vector<16xf32>
    %get3A_1923 = arith.constant 45 : i32
    %get3A_1924 = arith.index_cast %get3A_1923 : i32 to index
    %get3A_1925 = arith.constant 16 : index
    %get3A_1926 = tpu.vector_load %arg6[%get3A_1924, %get3A_1925] {strides = array<i32>} : memref<64x128xf32, #tpu.memory_space<vmem>>, vector<1x16xf32>,
    %get3A_1927 = vector.shape_cast %get3A_1926 : vector<1x16xf32> to vector<16xf32>
    %mul3A_1928 = arith.mulf %get3A_1922, %get3A_1927 : vector<16xf32>
    %add3A_1929 = arith.addf %add3A_1913, %mul3A_1928 : vector<16xf32>
    %mul3A_1930 = arith.mulf %get3A_1922, %get3A_1922 : vector<16xf32>
    %add3A_1931 = arith.addf %add3A_1915, %mul3A_1930 : vector<16xf32>
    %mul3A_1932 = arith.mulf %get3A_1927, %get3A_1927 : vector<16xf32>
    %add3A_1933 = arith.addf %add3A_1917, %mul3A_1932 : vector<16xf32>
    %get3A_1934 = arith.constant 13 : i32
    %get3A_1935 = arith.index_cast %get3A_1934 : i32 to index
    %get3A_1936 = arith.constant 32 : index
    %get3A_1937 = tpu.vector_load %arg6[%get3A_1935, %get3A_1936] {strides = array<i32>} : memref<64x128xf32, #tpu.memory_space<vmem>>, vector<1x16xf32>,
    %get3A_1938 = vector.shape_cast %get3A_1937 : vector<1x16xf32> to vector<16xf32>
    %get3A_1939 = arith.constant 45 : i32
    %get3A_1940 = arith.index_cast %get3A_1939 : i32 to index
    %get3A_1941 = arith.constant 32 : index
    %get3A_1942 = tpu.vector_load %arg6[%get3A_1940, %get3A_1941] {strides = array<i32>} : memref<64x128xf32, #tpu.memory_space<vmem>>, vector<1x16xf32>,
    %get3A_1943 = vector.shape_cast %get3A_1942 : vector<1x16xf32> to vector<16xf32>
    %mul3A_1944 = arith.mulf %get3A_1938, %get3A_1943 : vector<16xf32>
    %add3A_1945 = arith.addf %add3A_1929, %mul3A_1944 : vector<16xf32>
    %mul3A_1946 = arith.mulf %get3A_1938, %get3A_1938 : vector<16xf32>
    %add3A_1947 = arith.addf %add3A_1931, %mul3A_1946 : vector<16xf32>
    %mul3A_1948 = arith.mulf %get3A_1943, %get3A_1943 : vector<16xf32>
    %add3A_1949 = arith.addf %add3A_1933, %mul3A_1948 : vector<16xf32>
    %get3A_1950 = arith.constant 13 : i32
    %get3A_1951 = arith.index_cast %get3A_1950 : i32 to index
    %get3A_1952 = arith.constant 48 : index
    %get3A_1953 = tpu.vector_load %arg6[%get3A_1951, %get3A_1952] {strides = array<i32>} : memref<64x128xf32, #tpu.memory_space<vmem>>, vector<1x16xf32>,
    %get3A_1954 = vector.shape_cast %get3A_1953 : vector<1x16xf32> to vector<16xf32>
    %get3A_1955 = arith.constant 45 : i32
    %get3A_1956 = arith.index_cast %get3A_1955 : i32 to index
    %get3A_1957 = arith.constant 48 : index
    %get3A_1958 = tpu.vector_load %arg6[%get3A_1956, %get3A_1957] {strides = array<i32>} : memref<64x128xf32, #tpu.memory_space<vmem>>, vector<1x16xf32>,
    %get3A_1959 = vector.shape_cast %get3A_1958 : vector<1x16xf32> to vector<16xf32>
    %mul3A_1960 = arith.mulf %get3A_1954, %get3A_1959 : vector<16xf32>
    %add3A_1961 = arith.addf %add3A_1945, %mul3A_1960 : vector<16xf32>
    %mul3A_1962 = arith.mulf %get3A_1954, %get3A_1954 : vector<16xf32>
    %add3A_1963 = arith.addf %add3A_1947, %mul3A_1962 : vector<16xf32>
    %mul3A_1964 = arith.mulf %get3A_1959, %get3A_1959 : vector<16xf32>
    %add3A_1965 = arith.addf %add3A_1949, %mul3A_1964 : vector<16xf32>
    %get3A_1966 = arith.constant 13 : i32
    %get3A_1967 = arith.index_cast %get3A_1966 : i32 to index
    %get3A_1968 = arith.constant 64 : index
    %get3A_1969 = tpu.vector_load %arg6[%get3A_1967, %get3A_1968] {strides = array<i32>} : memref<64x128xf32, #tpu.memory_space<vmem>>, vector<1x16xf32>,
    %get3A_1970 = vector.shape_cast %get3A_1969 : vector<1x16xf32> to vector<16xf32>
    %get3A_1971 = arith.constant 45 : i32
    %get3A_1972 = arith.index_cast %get3A_1971 : i32 to index
    %get3A_1973 = arith.constant 64 : index
    %get3A_1974 = tpu.vector_load %arg6[%get3A_1972, %get3A_1973] {strides = array<i32>} : memref<64x128xf32, #tpu.memory_space<vmem>>, vector<1x16xf32>,
    %get3A_1975 = vector.shape_cast %get3A_1974 : vector<1x16xf32> to vector<16xf32>
    %mul3A_1976 = arith.mulf %get3A_1970, %get3A_1975 : vector<16xf32>
    %add3A_1977 = arith.addf %add3A_1961, %mul3A_1976 : vector<16xf32>
    %mul3A_1978 = arith.mulf %get3A_1970, %get3A_1970 : vector<16xf32>
    %add3A_1979 = arith.addf %add3A_1963, %mul3A_1978 : vector<16xf32>
    %mul3A_1980 = arith.mulf %get3A_1975, %get3A_1975 : vector<16xf32>
    %add3A_1981 = arith.addf %add3A_1965, %mul3A_1980 : vector<16xf32>
    %get3A_1982 = arith.constant 13 : i32
    %get3A_1983 = arith.index_cast %get3A_1982 : i32 to index
    %get3A_1984 = arith.constant 80 : index
    %get3A_1985 = tpu.vector_load %arg6[%get3A_1983, %get3A_1984] {strides = array<i32>} : memref<64x128xf32, #tpu.memory_space<vmem>>, vector<1x16xf32>,
    %get3A_1986 = vector.shape_cast %get3A_1985 : vector<1x16xf32> to vector<16xf32>
    %get3A_1987 = arith.constant 45 : i32
    %get3A_1988 = arith.index_cast %get3A_1987 : i32 to index
    %get3A_1989 = arith.constant 80 : index
    %get3A_1990 = tpu.vector_load %arg6[%get3A_1988, %get3A_1989] {strides = array<i32>} : memref<64x128xf32, #tpu.memory_space<vmem>>, vector<1x16xf32>,
    %get3A_1991 = vector.shape_cast %get3A_1990 : vector<1x16xf32> to vector<16xf32>
    %mul3A_1992 = arith.mulf %get3A_1986, %get3A_1991 : vector<16xf32>
    %add3A_1993 = arith.addf %add3A_1977, %mul3A_1992 : vector<16xf32>
    %mul3A_1994 = arith.mulf %get3A_1986, %get3A_1986 : vector<16xf32>
    %add3A_1995 = arith.addf %add3A_1979, %mul3A_1994 : vector<16xf32>
    %mul3A_1996 = arith.mulf %get3A_1991, %get3A_1991 : vector<16xf32>
    %add3A_1997 = arith.addf %add3A_1981, %mul3A_1996 : vector<16xf32>
    %get3A_1998 = arith.constant 13 : i32
    %get3A_1999 = arith.index_cast %get3A_1998 : i32 to index
    %get3A_2000 = arith.constant 96 : index
    %get3A_2001 = tpu.vector_load %arg6[%get3A_1999, %get3A_2000] {strides = array<i32>} : memref<64x128xf32, #tpu.memory_space<vmem>>, vector<1x16xf32>,
    %get3A_2002 = vector.shape_cast %get3A_2001 : vector<1x16xf32> to vector<16xf32>
    %get3A_2003 = arith.constant 45 : i32
    %get3A_2004 = arith.index_cast %get3A_2003 : i32 to index
    %get3A_2005 = arith.constant 96 : index
    %get3A_2006 = tpu.vector_load %arg6[%get3A_2004, %get3A_2005] {strides = array<i32>} : memref<64x128xf32, #tpu.memory_space<vmem>>, vector<1x16xf32>,
    %get3A_2007 = vector.shape_cast %get3A_2006 : vector<1x16xf32> to vector<16xf32>
    %mul3A_2008 = arith.mulf %get3A_2002, %get3A_2007 : vector<16xf32>
    %add3A_2009 = arith.addf %add3A_1993, %mul3A_2008 : vector<16xf32>
    %mul3A_2010 = arith.mulf %get3A_2002, %get3A_2002 : vector<16xf32>
    %add3A_2011 = arith.addf %add3A_1995, %mul3A_2010 : vector<16xf32>
    %mul3A_2012 = arith.mulf %get3A_2007, %get3A_2007 : vector<16xf32>
    %add3A_2013 = arith.addf %add3A_1997, %mul3A_2012 : vector<16xf32>
    %get3A_2014 = arith.constant 13 : i32
    %get3A_2015 = arith.index_cast %get3A_2014 : i32 to index
    %get3A_2016 = arith.constant 112 : index
    %get3A_2017 = tpu.vector_load %arg6[%get3A_2015, %get3A_2016] {strides = array<i32>} : memref<64x128xf32, #tpu.memory_space<vmem>>, vector<1x16xf32>,
    %get3A_2018 = vector.shape_cast %get3A_2017 : vector<1x16xf32> to vector<16xf32>
    %get3A_2019 = arith.constant 45 : i32
    %get3A_2020 = arith.index_cast %get3A_2019 : i32 to index
    %get3A_2021 = arith.constant 112 : index
    %get3A_2022 = tpu.vector_load %arg6[%get3A_2020, %get3A_2021] {strides = array<i32>} : memref<64x128xf32, #tpu.memory_space<vmem>>, vector<1x16xf32>,
    %get3A_2023 = vector.shape_cast %get3A_2022 : vector<1x16xf32> to vector<16xf32>
    %mul3A_2024 = arith.mulf %get3A_2018, %get3A_2023 : vector<16xf32>
    %add3A_2025 = arith.addf %add3A_2009, %mul3A_2024 : vector<16xf32>
    %mul3A_2026 = arith.mulf %get3A_2018, %get3A_2018 : vector<16xf32>
    %add3A_2027 = arith.addf %add3A_2011, %mul3A_2026 : vector<16xf32>
    %mul3A_2028 = arith.mulf %get3A_2023, %get3A_2023 : vector<16xf32>
    %add3A_2029 = arith.addf %add3A_2013, %mul3A_2028 : vector<16xf32>
    %swap3A_2030 = arith.constant 13 : i32
    %swap3A_2031 = arith.index_cast %swap3A_2030 : i32 to index
    %swap3A_2032 = arith.constant 0 : index
    %swap3A_2033 = tpu.vector_load %arg7[%swap3A_2031, %swap3A_2032] {strides = array<i32>} : memref<32x48xf32, #tpu.memory_space<vmem>>, vector<1x16xf32>,
    %swap3A_2034 = vector.shape_cast %swap3A_2033 : vector<1x16xf32> to vector<16xf32>
    %swap3A_2035 = vector.shape_cast %add3A_2025 : vector<16xf32> to vector<1x16xf32>
    tpu.vector_store %arg7[%swap3A_2031, %swap3A_2032], %swap3A_2035 {strides = array<i32>} : memref<32x48xf32, #tpu.memory_space<vmem>>, vector<1x16xf32>,
    %swap3A_2036 = arith.constant 13 : i32
    %swap3A_2037 = arith.index_cast %swap3A_2036 : i32 to index
    %swap3A_2038 = arith.constant 16 : index
    %swap3A_2039 = tpu.vector_load %arg7[%swap3A_2037, %swap3A_2038] {strides = array<i32>} : memref<32x48xf32, #tpu.memory_space<vmem>>, vector<1x16xf32>,
    %swap3A_2040 = vector.shape_cast %swap3A_2039 : vector<1x16xf32> to vector<16xf32>
    %swap3A_2041 = vector.shape_cast %add3A_2027 : vector<16xf32> to vector<1x16xf32>
    tpu.vector_store %arg7[%swap3A_2037, %swap3A_2038], %swap3A_2041 {strides = array<i32>} : memref<32x48xf32, #tpu.memory_space<vmem>>, vector<1x16xf32>,
    %swap3A_2042 = arith.constant 13 : i32
    %swap3A_2043 = arith.index_cast %swap3A_2042 : i32 to index
    %swap3A_2044 = arith.constant 32 : index
    %swap3A_2045 = tpu.vector_load %arg7[%swap3A_2043, %swap3A_2044] {strides = array<i32>} : memref<32x48xf32, #tpu.memory_space<vmem>>, vector<1x16xf32>,
    %swap3A_2046 = vector.shape_cast %swap3A_2045 : vector<1x16xf32> to vector<16xf32>
    %swap3A_2047 = vector.shape_cast %add3A_2029 : vector<16xf32> to vector<1x16xf32>
    tpu.vector_store %arg7[%swap3A_2043, %swap3A_2044], %swap3A_2047 {strides = array<i32>} : memref<32x48xf32, #tpu.memory_space<vmem>>, vector<1x16xf32>,
    %get3A_2048 = arith.constant 14 : i32
    %get3A_2049 = arith.index_cast %get3A_2048 : i32 to index
    %get3A_2050 = arith.constant 0 : index
    %get3A_2051 = tpu.vector_load %arg6[%get3A_2049, %get3A_2050] {strides = array<i32>} : memref<64x128xf32, #tpu.memory_space<vmem>>, vector<1x16xf32>,
    %get3A_2052 = vector.shape_cast %get3A_2051 : vector<1x16xf32> to vector<16xf32>
    %get3A_2053 = arith.constant 46 : i32
    %get3A_2054 = arith.index_cast %get3A_2053 : i32 to index
    %get3A_2055 = arith.constant 0 : index
    %get3A_2056 = tpu.vector_load %arg6[%get3A_2054, %get3A_2055] {strides = array<i32>} : memref<64x128xf32, #tpu.memory_space<vmem>>, vector<1x16xf32>,
    %get3A_2057 = vector.shape_cast %get3A_2056 : vector<1x16xf32> to vector<16xf32>
    %mul3A_2058 = arith.mulf %get3A_2052, %get3A_2057 : vector<16xf32>
    %add3A_2059 = arith.addf %broadcast_in_dim3A_5, %mul3A_2058 : vector<16xf32>
    %mul3A_2060 = arith.mulf %get3A_2052, %get3A_2052 : vector<16xf32>
    %add3A_2061 = arith.addf %broadcast_in_dim3A_5, %mul3A_2060 : vector<16xf32>
    %mul3A_2062 = arith.mulf %get3A_2057, %get3A_2057 : vector<16xf32>
    %add3A_2063 = arith.addf %broadcast_in_dim3A_5, %mul3A_2062 : vector<16xf32>
    %get3A_2064 = arith.constant 14 : i32
    %get3A_2065 = arith.index_cast %get3A_2064 : i32 to index
    %get3A_2066 = arith.constant 16 : index
    %get3A_2067 = tpu.vector_load %arg6[%get3A_2065, %get3A_2066] {strides = array<i32>} : memref<64x128xf32, #tpu.memory_space<vmem>>, vector<1x16xf32>,
    %get3A_2068 = vector.shape_cast %get3A_2067 : vector<1x16xf32> to vector<16xf32>
    %get3A_2069 = arith.constant 46 : i32
    %get3A_2070 = arith.index_cast %get3A_2069 : i32 to index
    %get3A_2071 = arith.constant 16 : index
    %get3A_2072 = tpu.vector_load %arg6[%get3A_2070, %get3A_2071] {strides = array<i32>} : memref<64x128xf32, #tpu.memory_space<vmem>>, vector<1x16xf32>,
    %get3A_2073 = vector.shape_cast %get3A_2072 : vector<1x16xf32> to vector<16xf32>
    %mul3A_2074 = arith.mulf %get3A_2068, %get3A_2073 : vector<16xf32>
    %add3A_2075 = arith.addf %add3A_2059, %mul3A_2074 : vector<16xf32>
    %mul3A_2076 = arith.mulf %get3A_2068, %get3A_2068 : vector<16xf32>
    %add3A_2077 = arith.addf %add3A_2061, %mul3A_2076 : vector<16xf32>
    %mul3A_2078 = arith.mulf %get3A_2073, %get3A_2073 : vector<16xf32>
    %add3A_2079 = arith.addf %add3A_2063, %mul3A_2078 : vector<16xf32>
    %get3A_2080 = arith.constant 14 : i32
    %get3A_2081 = arith.index_cast %get3A_2080 : i32 to index
    %get3A_2082 = arith.constant 32 : index
    %get3A_2083 = tpu.vector_load %arg6[%get3A_2081, %get3A_2082] {strides = array<i32>} : memref<64x128xf32, #tpu.memory_space<vmem>>, vector<1x16xf32>,
    %get3A_2084 = vector.shape_cast %get3A_2083 : vector<1x16xf32> to vector<16xf32>
    %get3A_2085 = arith.constant 46 : i32
    %get3A_2086 = arith.index_cast %get3A_2085 : i32 to index
    %get3A_2087 = arith.constant 32 : index
    %get3A_2088 = tpu.vector_load %arg6[%get3A_2086, %get3A_2087] {strides = array<i32>} : memref<64x128xf32, #tpu.memory_space<vmem>>, vector<1x16xf32>,
    %get3A_2089 = vector.shape_cast %get3A_2088 : vector<1x16xf32> to vector<16xf32>
    %mul3A_2090 = arith.mulf %get3A_2084, %get3A_2089 : vector<16xf32>
    %add3A_2091 = arith.addf %add3A_2075, %mul3A_2090 : vector<16xf32>
    %mul3A_2092 = arith.mulf %get3A_2084, %get3A_2084 : vector<16xf32>
    %add3A_2093 = arith.addf %add3A_2077, %mul3A_2092 : vector<16xf32>
    %mul3A_2094 = arith.mulf %get3A_2089, %get3A_2089 : vector<16xf32>
    %add3A_2095 = arith.addf %add3A_2079, %mul3A_2094 : vector<16xf32>
    %get3A_2096 = arith.constant 14 : i32
    %get3A_2097 = arith.index_cast %get3A_2096 : i32 to index
    %get3A_2098 = arith.constant 48 : index
    %get3A_2099 = tpu.vector_load %arg6[%get3A_2097, %get3A_2098] {strides = array<i32>} : memref<64x128xf32, #tpu.memory_space<vmem>>, vector<1x16xf32>,
    %get3A_2100 = vector.shape_cast %get3A_2099 : vector<1x16xf32> to vector<16xf32>
    %get3A_2101 = arith.constant 46 : i32
    %get3A_2102 = arith.index_cast %get3A_2101 : i32 to index
    %get3A_2103 = arith.constant 48 : index
    %get3A_2104 = tpu.vector_load %arg6[%get3A_2102, %get3A_2103] {strides = array<i32>} : memref<64x128xf32, #tpu.memory_space<vmem>>, vector<1x16xf32>,
    %get3A_2105 = vector.shape_cast %get3A_2104 : vector<1x16xf32> to vector<16xf32>
    %mul3A_2106 = arith.mulf %get3A_2100, %get3A_2105 : vector<16xf32>
    %add3A_2107 = arith.addf %add3A_2091, %mul3A_2106 : vector<16xf32>
    %mul3A_2108 = arith.mulf %get3A_2100, %get3A_2100 : vector<16xf32>
    %add3A_2109 = arith.addf %add3A_2093, %mul3A_2108 : vector<16xf32>
    %mul3A_2110 = arith.mulf %get3A_2105, %get3A_2105 : vector<16xf32>
    %add3A_2111 = arith.addf %add3A_2095, %mul3A_2110 : vector<16xf32>
    %get3A_2112 = arith.constant 14 : i32
    %get3A_2113 = arith.index_cast %get3A_2112 : i32 to index
    %get3A_2114 = arith.constant 64 : index
    %get3A_2115 = tpu.vector_load %arg6[%get3A_2113, %get3A_2114] {strides = array<i32>} : memref<64x128xf32, #tpu.memory_space<vmem>>, vector<1x16xf32>,
    %get3A_2116 = vector.shape_cast %get3A_2115 : vector<1x16xf32> to vector<16xf32>
    %get3A_2117 = arith.constant 46 : i32
    %get3A_2118 = arith.index_cast %get3A_2117 : i32 to index
    %get3A_2119 = arith.constant 64 : index
    %get3A_2120 = tpu.vector_load %arg6[%get3A_2118, %get3A_2119] {strides = array<i32>} : memref<64x128xf32, #tpu.memory_space<vmem>>, vector<1x16xf32>,
    %get3A_2121 = vector.shape_cast %get3A_2120 : vector<1x16xf32> to vector<16xf32>
    %mul3A_2122 = arith.mulf %get3A_2116, %get3A_2121 : vector<16xf32>
    %add3A_2123 = arith.addf %add3A_2107, %mul3A_2122 : vector<16xf32>
    %mul3A_2124 = arith.mulf %get3A_2116, %get3A_2116 : vector<16xf32>
    %add3A_2125 = arith.addf %add3A_2109, %mul3A_2124 : vector<16xf32>
    %mul3A_2126 = arith.mulf %get3A_2121, %get3A_2121 : vector<16xf32>
    %add3A_2127 = arith.addf %add3A_2111, %mul3A_2126 : vector<16xf32>
    %get3A_2128 = arith.constant 14 : i32
    %get3A_2129 = arith.index_cast %get3A_2128 : i32 to index
    %get3A_2130 = arith.constant 80 : index
    %get3A_2131 = tpu.vector_load %arg6[%get3A_2129, %get3A_2130] {strides = array<i32>} : memref<64x128xf32, #tpu.memory_space<vmem>>, vector<1x16xf32>,
    %get3A_2132 = vector.shape_cast %get3A_2131 : vector<1x16xf32> to vector<16xf32>
    %get3A_2133 = arith.constant 46 : i32
    %get3A_2134 = arith.index_cast %get3A_2133 : i32 to index
    %get3A_2135 = arith.constant 80 : index
    %get3A_2136 = tpu.vector_load %arg6[%get3A_2134, %get3A_2135] {strides = array<i32>} : memref<64x128xf32, #tpu.memory_space<vmem>>, vector<1x16xf32>,
    %get3A_2137 = vector.shape_cast %get3A_2136 : vector<1x16xf32> to vector<16xf32>
    %mul3A_2138 = arith.mulf %get3A_2132, %get3A_2137 : vector<16xf32>
    %add3A_2139 = arith.addf %add3A_2123, %mul3A_2138 : vector<16xf32>
    %mul3A_2140 = arith.mulf %get3A_2132, %get3A_2132 : vector<16xf32>
    %add3A_2141 = arith.addf %add3A_2125, %mul3A_2140 : vector<16xf32>
    %mul3A_2142 = arith.mulf %get3A_2137, %get3A_2137 : vector<16xf32>
    %add3A_2143 = arith.addf %add3A_2127, %mul3A_2142 : vector<16xf32>
    %get3A_2144 = arith.constant 14 : i32
    %get3A_2145 = arith.index_cast %get3A_2144 : i32 to index
    %get3A_2146 = arith.constant 96 : index
    %get3A_2147 = tpu.vector_load %arg6[%get3A_2145, %get3A_2146] {strides = array<i32>} : memref<64x128xf32, #tpu.memory_space<vmem>>, vector<1x16xf32>,
    %get3A_2148 = vector.shape_cast %get3A_2147 : vector<1x16xf32> to vector<16xf32>
    %get3A_2149 = arith.constant 46 : i32
    %get3A_2150 = arith.index_cast %get3A_2149 : i32 to index
    %get3A_2151 = arith.constant 96 : index
    %get3A_2152 = tpu.vector_load %arg6[%get3A_2150, %get3A_2151] {strides = array<i32>} : memref<64x128xf32, #tpu.memory_space<vmem>>, vector<1x16xf32>,
    %get3A_2153 = vector.shape_cast %get3A_2152 : vector<1x16xf32> to vector<16xf32>
    %mul3A_2154 = arith.mulf %get3A_2148, %get3A_2153 : vector<16xf32>
    %add3A_2155 = arith.addf %add3A_2139, %mul3A_2154 : vector<16xf32>
    %mul3A_2156 = arith.mulf %get3A_2148, %get3A_2148 : vector<16xf32>
    %add3A_2157 = arith.addf %add3A_2141, %mul3A_2156 : vector<16xf32>
    %mul3A_2158 = arith.mulf %get3A_2153, %get3A_2153 : vector<16xf32>
    %add3A_2159 = arith.addf %add3A_2143, %mul3A_2158 : vector<16xf32>
    %get3A_2160 = arith.constant 14 : i32
    %get3A_2161 = arith.index_cast %get3A_2160 : i32 to index
    %get3A_2162 = arith.constant 112 : index
    %get3A_2163 = tpu.vector_load %arg6[%get3A_2161, %get3A_2162] {strides = array<i32>} : memref<64x128xf32, #tpu.memory_space<vmem>>, vector<1x16xf32>,
    %get3A_2164 = vector.shape_cast %get3A_2163 : vector<1x16xf32> to vector<16xf32>
    %get3A_2165 = arith.constant 46 : i32
    %get3A_2166 = arith.index_cast %get3A_2165 : i32 to index
    %get3A_2167 = arith.constant 112 : index
    %get3A_2168 = tpu.vector_load %arg6[%get3A_2166, %get3A_2167] {strides = array<i32>} : memref<64x128xf32, #tpu.memory_space<vmem>>, vector<1x16xf32>,
    %get3A_2169 = vector.shape_cast %get3A_2168 : vector<1x16xf32> to vector<16xf32>
    %mul3A_2170 = arith.mulf %get3A_2164, %get3A_2169 : vector<16xf32>
    %add3A_2171 = arith.addf %add3A_2155, %mul3A_2170 : vector<16xf32>
    %mul3A_2172 = arith.mulf %get3A_2164, %get3A_2164 : vector<16xf32>
    %add3A_2173 = arith.addf %add3A_2157, %mul3A_2172 : vector<16xf32>
    %mul3A_2174 = arith.mulf %get3A_2169, %get3A_2169 : vector<16xf32>
    %add3A_2175 = arith.addf %add3A_2159, %mul3A_2174 : vector<16xf32>
    %swap3A_2176 = arith.constant 14 : i32
    %swap3A_2177 = arith.index_cast %swap3A_2176 : i32 to index
    %swap3A_2178 = arith.constant 0 : index
    %swap3A_2179 = tpu.vector_load %arg7[%swap3A_2177, %swap3A_2178] {strides = array<i32>} : memref<32x48xf32, #tpu.memory_space<vmem>>, vector<1x16xf32>,
    %swap3A_2180 = vector.shape_cast %swap3A_2179 : vector<1x16xf32> to vector<16xf32>
    %swap3A_2181 = vector.shape_cast %add3A_2171 : vector<16xf32> to vector<1x16xf32>
    tpu.vector_store %arg7[%swap3A_2177, %swap3A_2178], %swap3A_2181 {strides = array<i32>} : memref<32x48xf32, #tpu.memory_space<vmem>>, vector<1x16xf32>,
    %swap3A_2182 = arith.constant 14 : i32
    %swap3A_2183 = arith.index_cast %swap3A_2182 : i32 to index
    %swap3A_2184 = arith.constant 16 : index
    %swap3A_2185 = tpu.vector_load %arg7[%swap3A_2183, %swap3A_2184] {strides = array<i32>} : memref<32x48xf32, #tpu.memory_space<vmem>>, vector<1x16xf32>,
    %swap3A_2186 = vector.shape_cast %swap3A_2185 : vector<1x16xf32> to vector<16xf32>
    %swap3A_2187 = vector.shape_cast %add3A_2173 : vector<16xf32> to vector<1x16xf32>
    tpu.vector_store %arg7[%swap3A_2183, %swap3A_2184], %swap3A_2187 {strides = array<i32>} : memref<32x48xf32, #tpu.memory_space<vmem>>, vector<1x16xf32>,
    %swap3A_2188 = arith.constant 14 : i32
    %swap3A_2189 = arith.index_cast %swap3A_2188 : i32 to index
    %swap3A_2190 = arith.constant 32 : index
    %swap3A_2191 = tpu.vector_load %arg7[%swap3A_2189, %swap3A_2190] {strides = array<i32>} : memref<32x48xf32, #tpu.memory_space<vmem>>, vector<1x16xf32>,
    %swap3A_2192 = vector.shape_cast %swap3A_2191 : vector<1x16xf32> to vector<16xf32>
    %swap3A_2193 = vector.shape_cast %add3A_2175 : vector<16xf32> to vector<1x16xf32>
    tpu.vector_store %arg7[%swap3A_2189, %swap3A_2190], %swap3A_2193 {strides = array<i32>} : memref<32x48xf32, #tpu.memory_space<vmem>>, vector<1x16xf32>,
    %get3A_2194 = arith.constant 15 : i32
    %get3A_2195 = arith.index_cast %get3A_2194 : i32 to index
    %get3A_2196 = arith.constant 0 : index
    %get3A_2197 = tpu.vector_load %arg6[%get3A_2195, %get3A_2196] {strides = array<i32>} : memref<64x128xf32, #tpu.memory_space<vmem>>, vector<1x16xf32>,
    %get3A_2198 = vector.shape_cast %get3A_2197 : vector<1x16xf32> to vector<16xf32>
    %get3A_2199 = arith.constant 47 : i32
    %get3A_2200 = arith.index_cast %get3A_2199 : i32 to index
    %get3A_2201 = arith.constant 0 : index
    %get3A_2202 = tpu.vector_load %arg6[%get3A_2200, %get3A_2201] {strides = array<i32>} : memref<64x128xf32, #tpu.memory_space<vmem>>, vector<1x16xf32>,
    %get3A_2203 = vector.shape_cast %get3A_2202 : vector<1x16xf32> to vector<16xf32>
    %mul3A_2204 = arith.mulf %get3A_2198, %get3A_2203 : vector<16xf32>
    %add3A_2205 = arith.addf %broadcast_in_dim3A_5, %mul3A_2204 : vector<16xf32>
    %mul3A_2206 = arith.mulf %get3A_2198, %get3A_2198 : vector<16xf32>
    %add3A_2207 = arith.addf %broadcast_in_dim3A_5, %mul3A_2206 : vector<16xf32>
    %mul3A_2208 = arith.mulf %get3A_2203, %get3A_2203 : vector<16xf32>
    %add3A_2209 = arith.addf %broadcast_in_dim3A_5, %mul3A_2208 : vector<16xf32>
    %get3A_2210 = arith.constant 15 : i32
    %get3A_2211 = arith.index_cast %get3A_2210 : i32 to index
    %get3A_2212 = arith.constant 16 : index
    %get3A_2213 = tpu.vector_load %arg6[%get3A_2211, %get3A_2212] {strides = array<i32>} : memref<64x128xf32, #tpu.memory_space<vmem>>, vector<1x16xf32>,
    %get3A_2214 = vector.shape_cast %get3A_2213 : vector<1x16xf32> to vector<16xf32>
    %get3A_2215 = arith.constant 47 : i32
    %get3A_2216 = arith.index_cast %get3A_2215 : i32 to index
    %get3A_2217 = arith.constant 16 : index
    %get3A_2218 = tpu.vector_load %arg6[%get3A_2216, %get3A_2217] {strides = array<i32>} : memref<64x128xf32, #tpu.memory_space<vmem>>, vector<1x16xf32>,
    %get3A_2219 = vector.shape_cast %get3A_2218 : vector<1x16xf32> to vector<16xf32>
    %mul3A_2220 = arith.mulf %get3A_2214, %get3A_2219 : vector<16xf32>
    %add3A_2221 = arith.addf %add3A_2205, %mul3A_2220 : vector<16xf32>
    %mul3A_2222 = arith.mulf %get3A_2214, %get3A_2214 : vector<16xf32>
    %add3A_2223 = arith.addf %add3A_2207, %mul3A_2222 : vector<16xf32>
    %mul3A_2224 = arith.mulf %get3A_2219, %get3A_2219 : vector<16xf32>
    %add3A_2225 = arith.addf %add3A_2209, %mul3A_2224 : vector<16xf32>
    %get3A_2226 = arith.constant 15 : i32
    %get3A_2227 = arith.index_cast %get3A_2226 : i32 to index
    %get3A_2228 = arith.constant 32 : index
    %get3A_2229 = tpu.vector_load %arg6[%get3A_2227, %get3A_2228] {strides = array<i32>} : memref<64x128xf32, #tpu.memory_space<vmem>>, vector<1x16xf32>,
    %get3A_2230 = vector.shape_cast %get3A_2229 : vector<1x16xf32> to vector<16xf32>
    %get3A_2231 = arith.constant 47 : i32
    %get3A_2232 = arith.index_cast %get3A_2231 : i32 to index
    %get3A_2233 = arith.constant 32 : index
    %get3A_2234 = tpu.vector_load %arg6[%get3A_2232, %get3A_2233] {strides = array<i32>} : memref<64x128xf32, #tpu.memory_space<vmem>>, vector<1x16xf32>,
    %get3A_2235 = vector.shape_cast %get3A_2234 : vector<1x16xf32> to vector<16xf32>
    %mul3A_2236 = arith.mulf %get3A_2230, %get3A_2235 : vector<16xf32>
    %add3A_2237 = arith.addf %add3A_2221, %mul3A_2236 : vector<16xf32>
    %mul3A_2238 = arith.mulf %get3A_2230, %get3A_2230 : vector<16xf32>
    %add3A_2239 = arith.addf %add3A_2223, %mul3A_2238 : vector<16xf32>
    %mul3A_2240 = arith.mulf %get3A_2235, %get3A_2235 : vector<16xf32>
    %add3A_2241 = arith.addf %add3A_2225, %mul3A_2240 : vector<16xf32>
    %get3A_2242 = arith.constant 15 : i32
    %get3A_2243 = arith.index_cast %get3A_2242 : i32 to index
    %get3A_2244 = arith.constant 48 : index
    %get3A_2245 = tpu.vector_load %arg6[%get3A_2243, %get3A_2244] {strides = array<i32>} : memref<64x128xf32, #tpu.memory_space<vmem>>, vector<1x16xf32>,
    %get3A_2246 = vector.shape_cast %get3A_2245 : vector<1x16xf32> to vector<16xf32>
    %get3A_2247 = arith.constant 47 : i32
    %get3A_2248 = arith.index_cast %get3A_2247 : i32 to index
    %get3A_2249 = arith.constant 48 : index
    %get3A_2250 = tpu.vector_load %arg6[%get3A_2248, %get3A_2249] {strides = array<i32>} : memref<64x128xf32, #tpu.memory_space<vmem>>, vector<1x16xf32>,
    %get3A_2251 = vector.shape_cast %get3A_2250 : vector<1x16xf32> to vector<16xf32>
    %mul3A_2252 = arith.mulf %get3A_2246, %get3A_2251 : vector<16xf32>
    %add3A_2253 = arith.addf %add3A_2237, %mul3A_2252 : vector<16xf32>
    %mul3A_2254 = arith.mulf %get3A_2246, %get3A_2246 : vector<16xf32>
    %add3A_2255 = arith.addf %add3A_2239, %mul3A_2254 : vector<16xf32>
    %mul3A_2256 = arith.mulf %get3A_2251, %get3A_2251 : vector<16xf32>
    %add3A_2257 = arith.addf %add3A_2241, %mul3A_2256 : vector<16xf32>
    %get3A_2258 = arith.constant 15 : i32
    %get3A_2259 = arith.index_cast %get3A_2258 : i32 to index
    %get3A_2260 = arith.constant 64 : index
    %get3A_2261 = tpu.vector_load %arg6[%get3A_2259, %get3A_2260] {strides = array<i32>} : memref<64x128xf32, #tpu.memory_space<vmem>>, vector<1x16xf32>,
    %get3A_2262 = vector.shape_cast %get3A_2261 : vector<1x16xf32> to vector<16xf32>
    %get3A_2263 = arith.constant 47 : i32
    %get3A_2264 = arith.index_cast %get3A_2263 : i32 to index
    %get3A_2265 = arith.constant 64 : index
    %get3A_2266 = tpu.vector_load %arg6[%get3A_2264, %get3A_2265] {strides = array<i32>} : memref<64x128xf32, #tpu.memory_space<vmem>>, vector<1x16xf32>,
    %get3A_2267 = vector.shape_cast %get3A_2266 : vector<1x16xf32> to vector<16xf32>
    %mul3A_2268 = arith.mulf %get3A_2262, %get3A_2267 : vector<16xf32>
    %add3A_2269 = arith.addf %add3A_2253, %mul3A_2268 : vector<16xf32>
    %mul3A_2270 = arith.mulf %get3A_2262, %get3A_2262 : vector<16xf32>
    %add3A_2271 = arith.addf %add3A_2255, %mul3A_2270 : vector<16xf32>
    %mul3A_2272 = arith.mulf %get3A_2267, %get3A_2267 : vector<16xf32>
    %add3A_2273 = arith.addf %add3A_2257, %mul3A_2272 : vector<16xf32>
    %get3A_2274 = arith.constant 15 : i32
    %get3A_2275 = arith.index_cast %get3A_2274 : i32 to index
    %get3A_2276 = arith.constant 80 : index
    %get3A_2277 = tpu.vector_load %arg6[%get3A_2275, %get3A_2276] {strides = array<i32>} : memref<64x128xf32, #tpu.memory_space<vmem>>, vector<1x16xf32>,
    %get3A_2278 = vector.shape_cast %get3A_2277 : vector<1x16xf32> to vector<16xf32>
    %get3A_2279 = arith.constant 47 : i32
    %get3A_2280 = arith.index_cast %get3A_2279 : i32 to index
    %get3A_2281 = arith.constant 80 : index
    %get3A_2282 = tpu.vector_load %arg6[%get3A_2280, %get3A_2281] {strides = array<i32>} : memref<64x128xf32, #tpu.memory_space<vmem>>, vector<1x16xf32>,
    %get3A_2283 = vector.shape_cast %get3A_2282 : vector<1x16xf32> to vector<16xf32>
    %mul3A_2284 = arith.mulf %get3A_2278, %get3A_2283 : vector<16xf32>
    %add3A_2285 = arith.addf %add3A_2269, %mul3A_2284 : vector<16xf32>
    %mul3A_2286 = arith.mulf %get3A_2278, %get3A_2278 : vector<16xf32>
    %add3A_2287 = arith.addf %add3A_2271, %mul3A_2286 : vector<16xf32>
    %mul3A_2288 = arith.mulf %get3A_2283, %get3A_2283 : vector<16xf32>
    %add3A_2289 = arith.addf %add3A_2273, %mul3A_2288 : vector<16xf32>
    %get3A_2290 = arith.constant 15 : i32
    %get3A_2291 = arith.index_cast %get3A_2290 : i32 to index
    %get3A_2292 = arith.constant 96 : index
    %get3A_2293 = tpu.vector_load %arg6[%get3A_2291, %get3A_2292] {strides = array<i32>} : memref<64x128xf32, #tpu.memory_space<vmem>>, vector<1x16xf32>,
    %get3A_2294 = vector.shape_cast %get3A_2293 : vector<1x16xf32> to vector<16xf32>
    %get3A_2295 = arith.constant 47 : i32
    %get3A_2296 = arith.index_cast %get3A_2295 : i32 to index
    %get3A_2297 = arith.constant 96 : index
    %get3A_2298 = tpu.vector_load %arg6[%get3A_2296, %get3A_2297] {strides = array<i32>} : memref<64x128xf32, #tpu.memory_space<vmem>>, vector<1x16xf32>,
    %get3A_2299 = vector.shape_cast %get3A_2298 : vector<1x16xf32> to vector<16xf32>
    %mul3A_2300 = arith.mulf %get3A_2294, %get3A_2299 : vector<16xf32>
    %add3A_2301 = arith.addf %add3A_2285, %mul3A_2300 : vector<16xf32>
    %mul3A_2302 = arith.mulf %get3A_2294, %get3A_2294 : vector<16xf32>
    %add3A_2303 = arith.addf %add3A_2287, %mul3A_2302 : vector<16xf32>
    %mul3A_2304 = arith.mulf %get3A_2299, %get3A_2299 : vector<16xf32>
    %add3A_2305 = arith.addf %add3A_2289, %mul3A_2304 : vector<16xf32>
    %get3A_2306 = arith.constant 15 : i32
    %get3A_2307 = arith.index_cast %get3A_2306 : i32 to index
    %get3A_2308 = arith.constant 112 : index
    %get3A_2309 = tpu.vector_load %arg6[%get3A_2307, %get3A_2308] {strides = array<i32>} : memref<64x128xf32, #tpu.memory_space<vmem>>, vector<1x16xf32>,
    %get3A_2310 = vector.shape_cast %get3A_2309 : vector<1x16xf32> to vector<16xf32>
    %get3A_2311 = arith.constant 47 : i32
    %get3A_2312 = arith.index_cast %get3A_2311 : i32 to index
    %get3A_2313 = arith.constant 112 : index
    %get3A_2314 = tpu.vector_load %arg6[%get3A_2312, %get3A_2313] {strides = array<i32>} : memref<64x128xf32, #tpu.memory_space<vmem>>, vector<1x16xf32>,
    %get3A_2315 = vector.shape_cast %get3A_2314 : vector<1x16xf32> to vector<16xf32>
    %mul3A_2316 = arith.mulf %get3A_2310, %get3A_2315 : vector<16xf32>
    %add3A_2317 = arith.addf %add3A_2301, %mul3A_2316 : vector<16xf32>
    %mul3A_2318 = arith.mulf %get3A_2310, %get3A_2310 : vector<16xf32>
    %add3A_2319 = arith.addf %add3A_2303, %mul3A_2318 : vector<16xf32>
    %mul3A_2320 = arith.mulf %get3A_2315, %get3A_2315 : vector<16xf32>
    %add3A_2321 = arith.addf %add3A_2305, %mul3A_2320 : vector<16xf32>
    %swap3A_2322 = arith.constant 15 : i32
    %swap3A_2323 = arith.index_cast %swap3A_2322 : i32 to index
    %swap3A_2324 = arith.constant 0 : index
    %swap3A_2325 = tpu.vector_load %arg7[%swap3A_2323, %swap3A_2324] {strides = array<i32>} : memref<32x48xf32, #tpu.memory_space<vmem>>, vector<1x16xf32>,
    %swap3A_2326 = vector.shape_cast %swap3A_2325 : vector<1x16xf32> to vector<16xf32>
    %swap3A_2327 = vector.shape_cast %add3A_2317 : vector<16xf32> to vector<1x16xf32>
    tpu.vector_store %arg7[%swap3A_2323, %swap3A_2324], %swap3A_2327 {strides = array<i32>} : memref<32x48xf32, #tpu.memory_space<vmem>>, vector<1x16xf32>,
    %swap3A_2328 = arith.constant 15 : i32
    %swap3A_2329 = arith.index_cast %swap3A_2328 : i32 to index
    %swap3A_2330 = arith.constant 16 : index
    %swap3A_2331 = tpu.vector_load %arg7[%swap3A_2329, %swap3A_2330] {strides = array<i32>} : memref<32x48xf32, #tpu.memory_space<vmem>>, vector<1x16xf32>,
    %swap3A_2332 = vector.shape_cast %swap3A_2331 : vector<1x16xf32> to vector<16xf32>
    %swap3A_2333 = vector.shape_cast %add3A_2319 : vector<16xf32> to vector<1x16xf32>
    tpu.vector_store %arg7[%swap3A_2329, %swap3A_2330], %swap3A_2333 {strides = array<i32>} : memref<32x48xf32, #tpu.memory_space<vmem>>, vector<1x16xf32>,
    %swap3A_2334 = arith.constant 15 : i32
    %swap3A_2335 = arith.index_cast %swap3A_2334 : i32 to index
    %swap3A_2336 = arith.constant 32 : index
    %swap3A_2337 = tpu.vector_load %arg7[%swap3A_2335, %swap3A_2336] {strides = array<i32>} : memref<32x48xf32, #tpu.memory_space<vmem>>, vector<1x16xf32>,
    %swap3A_2338 = vector.shape_cast %swap3A_2337 : vector<1x16xf32> to vector<16xf32>
    %swap3A_2339 = vector.shape_cast %add3A_2321 : vector<16xf32> to vector<1x16xf32>
    tpu.vector_store %arg7[%swap3A_2335, %swap3A_2336], %swap3A_2339 {strides = array<i32>} : memref<32x48xf32, #tpu.memory_space<vmem>>, vector<1x16xf32>,
    %get3A_2340 = arith.constant 16 : i32
    %get3A_2341 = arith.index_cast %get3A_2340 : i32 to index
    %get3A_2342 = arith.constant 0 : index
    %get3A_2343 = tpu.vector_load %arg6[%get3A_2341, %get3A_2342] {strides = array<i32>} : memref<64x128xf32, #tpu.memory_space<vmem>>, vector<1x16xf32>,
    %get3A_2344 = vector.shape_cast %get3A_2343 : vector<1x16xf32> to vector<16xf32>
    %get3A_2345 = arith.constant 48 : i32
    %get3A_2346 = arith.index_cast %get3A_2345 : i32 to index
    %get3A_2347 = arith.constant 0 : index
    %get3A_2348 = tpu.vector_load %arg6[%get3A_2346, %get3A_2347] {strides = array<i32>} : memref<64x128xf32, #tpu.memory_space<vmem>>, vector<1x16xf32>,
    %get3A_2349 = vector.shape_cast %get3A_2348 : vector<1x16xf32> to vector<16xf32>
    %mul3A_2350 = arith.mulf %get3A_2344, %get3A_2349 : vector<16xf32>
    %add3A_2351 = arith.addf %broadcast_in_dim3A_5, %mul3A_2350 : vector<16xf32>
    %mul3A_2352 = arith.mulf %get3A_2344, %get3A_2344 : vector<16xf32>
    %add3A_2353 = arith.addf %broadcast_in_dim3A_5, %mul3A_2352 : vector<16xf32>
    %mul3A_2354 = arith.mulf %get3A_2349, %get3A_2349 : vector<16xf32>
    %add3A_2355 = arith.addf %broadcast_in_dim3A_5, %mul3A_2354 : vector<16xf32>
    %get3A_2356 = arith.constant 16 : i32
    %get3A_2357 = arith.index_cast %get3A_2356 : i32 to index
    %get3A_2358 = arith.constant 16 : index
    %get3A_2359 = tpu.vector_load %arg6[%get3A_2357, %get3A_2358] {strides = array<i32>} : memref<64x128xf32, #tpu.memory_space<vmem>>, vector<1x16xf32>,
    %get3A_2360 = vector.shape_cast %get3A_2359 : vector<1x16xf32> to vector<16xf32>
    %get3A_2361 = arith.constant 48 : i32
    %get3A_2362 = arith.index_cast %get3A_2361 : i32 to index
    %get3A_2363 = arith.constant 16 : index
    %get3A_2364 = tpu.vector_load %arg6[%get3A_2362, %get3A_2363] {strides = array<i32>} : memref<64x128xf32, #tpu.memory_space<vmem>>, vector<1x16xf32>,
    %get3A_2365 = vector.shape_cast %get3A_2364 : vector<1x16xf32> to vector<16xf32>
    %mul3A_2366 = arith.mulf %get3A_2360, %get3A_2365 : vector<16xf32>
    %add3A_2367 = arith.addf %add3A_2351, %mul3A_2366 : vector<16xf32>
    %mul3A_2368 = arith.mulf %get3A_2360, %get3A_2360 : vector<16xf32>
    %add3A_2369 = arith.addf %add3A_2353, %mul3A_2368 : vector<16xf32>
    %mul3A_2370 = arith.mulf %get3A_2365, %get3A_2365 : vector<16xf32>
    %add3A_2371 = arith.addf %add3A_2355, %mul3A_2370 : vector<16xf32>
    %get3A_2372 = arith.constant 16 : i32
    %get3A_2373 = arith.index_cast %get3A_2372 : i32 to index
    %get3A_2374 = arith.constant 32 : index
    %get3A_2375 = tpu.vector_load %arg6[%get3A_2373, %get3A_2374] {strides = array<i32>} : memref<64x128xf32, #tpu.memory_space<vmem>>, vector<1x16xf32>,
    %get3A_2376 = vector.shape_cast %get3A_2375 : vector<1x16xf32> to vector<16xf32>
    %get3A_2377 = arith.constant 48 : i32
    %get3A_2378 = arith.index_cast %get3A_2377 : i32 to index
    %get3A_2379 = arith.constant 32 : index
    %get3A_2380 = tpu.vector_load %arg6[%get3A_2378, %get3A_2379] {strides = array<i32>} : memref<64x128xf32, #tpu.memory_space<vmem>>, vector<1x16xf32>,
    %get3A_2381 = vector.shape_cast %get3A_2380 : vector<1x16xf32> to vector<16xf32>
    %mul3A_2382 = arith.mulf %get3A_2376, %get3A_2381 : vector<16xf32>
    %add3A_2383 = arith.addf %add3A_2367, %mul3A_2382 : vector<16xf32>
    %mul3A_2384 = arith.mulf %get3A_2376, %get3A_2376 : vector<16xf32>
    %add3A_2385 = arith.addf %add3A_2369, %mul3A_2384 : vector<16xf32>
    %mul3A_2386 = arith.mulf %get3A_2381, %get3A_2381 : vector<16xf32>
    %add3A_2387 = arith.addf %add3A_2371, %mul3A_2386 : vector<16xf32>
    %get3A_2388 = arith.constant 16 : i32
    %get3A_2389 = arith.index_cast %get3A_2388 : i32 to index
    %get3A_2390 = arith.constant 48 : index
    %get3A_2391 = tpu.vector_load %arg6[%get3A_2389, %get3A_2390] {strides = array<i32>} : memref<64x128xf32, #tpu.memory_space<vmem>>, vector<1x16xf32>,
    %get3A_2392 = vector.shape_cast %get3A_2391 : vector<1x16xf32> to vector<16xf32>
    %get3A_2393 = arith.constant 48 : i32
    %get3A_2394 = arith.index_cast %get3A_2393 : i32 to index
    %get3A_2395 = arith.constant 48 : index
    %get3A_2396 = tpu.vector_load %arg6[%get3A_2394, %get3A_2395] {strides = array<i32>} : memref<64x128xf32, #tpu.memory_space<vmem>>, vector<1x16xf32>,
    %get3A_2397 = vector.shape_cast %get3A_2396 : vector<1x16xf32> to vector<16xf32>
    %mul3A_2398 = arith.mulf %get3A_2392, %get3A_2397 : vector<16xf32>
    %add3A_2399 = arith.addf %add3A_2383, %mul3A_2398 : vector<16xf32>
    %mul3A_2400 = arith.mulf %get3A_2392, %get3A_2392 : vector<16xf32>
    %add3A_2401 = arith.addf %add3A_2385, %mul3A_2400 : vector<16xf32>
    %mul3A_2402 = arith.mulf %get3A_2397, %get3A_2397 : vector<16xf32>
    %add3A_2403 = arith.addf %add3A_2387, %mul3A_2402 : vector<16xf32>
    %get3A_2404 = arith.constant 16 : i32
    %get3A_2405 = arith.index_cast %get3A_2404 : i32 to index
    %get3A_2406 = arith.constant 64 : index
    %get3A_2407 = tpu.vector_load %arg6[%get3A_2405, %get3A_2406] {strides = array<i32>} : memref<64x128xf32, #tpu.memory_space<vmem>>, vector<1x16xf32>,
    %get3A_2408 = vector.shape_cast %get3A_2407 : vector<1x16xf32> to vector<16xf32>
    %get3A_2409 = arith.constant 48 : i32
    %get3A_2410 = arith.index_cast %get3A_2409 : i32 to index
    %get3A_2411 = arith.constant 64 : index
    %get3A_2412 = tpu.vector_load %arg6[%get3A_2410, %get3A_2411] {strides = array<i32>} : memref<64x128xf32, #tpu.memory_space<vmem>>, vector<1x16xf32>,
    %get3A_2413 = vector.shape_cast %get3A_2412 : vector<1x16xf32> to vector<16xf32>
    %mul3A_2414 = arith.mulf %get3A_2408, %get3A_2413 : vector<16xf32>
    %add3A_2415 = arith.addf %add3A_2399, %mul3A_2414 : vector<16xf32>
    %mul3A_2416 = arith.mulf %get3A_2408, %get3A_2408 : vector<16xf32>
    %add3A_2417 = arith.addf %add3A_2401, %mul3A_2416 : vector<16xf32>
    %mul3A_2418 = arith.mulf %get3A_2413, %get3A_2413 : vector<16xf32>
    %add3A_2419 = arith.addf %add3A_2403, %mul3A_2418 : vector<16xf32>
    %get3A_2420 = arith.constant 16 : i32
    %get3A_2421 = arith.index_cast %get3A_2420 : i32 to index
    %get3A_2422 = arith.constant 80 : index
    %get3A_2423 = tpu.vector_load %arg6[%get3A_2421, %get3A_2422] {strides = array<i32>} : memref<64x128xf32, #tpu.memory_space<vmem>>, vector<1x16xf32>,
    %get3A_2424 = vector.shape_cast %get3A_2423 : vector<1x16xf32> to vector<16xf32>
    %get3A_2425 = arith.constant 48 : i32
    %get3A_2426 = arith.index_cast %get3A_2425 : i32 to index
    %get3A_2427 = arith.constant 80 : index
    %get3A_2428 = tpu.vector_load %arg6[%get3A_2426, %get3A_2427] {strides = array<i32>} : memref<64x128xf32, #tpu.memory_space<vmem>>, vector<1x16xf32>,
    %get3A_2429 = vector.shape_cast %get3A_2428 : vector<1x16xf32> to vector<16xf32>
    %mul3A_2430 = arith.mulf %get3A_2424, %get3A_2429 : vector<16xf32>
    %add3A_2431 = arith.addf %add3A_2415, %mul3A_2430 : vector<16xf32>
    %mul3A_2432 = arith.mulf %get3A_2424, %get3A_2424 : vector<16xf32>
    %add3A_2433 = arith.addf %add3A_2417, %mul3A_2432 : vector<16xf32>
    %mul3A_2434 = arith.mulf %get3A_2429, %get3A_2429 : vector<16xf32>
    %add3A_2435 = arith.addf %add3A_2419, %mul3A_2434 : vector<16xf32>
    %get3A_2436 = arith.constant 16 : i32
    %get3A_2437 = arith.index_cast %get3A_2436 : i32 to index
    %get3A_2438 = arith.constant 96 : index
    %get3A_2439 = tpu.vector_load %arg6[%get3A_2437, %get3A_2438] {strides = array<i32>} : memref<64x128xf32, #tpu.memory_space<vmem>>, vector<1x16xf32>,
    %get3A_2440 = vector.shape_cast %get3A_2439 : vector<1x16xf32> to vector<16xf32>
    %get3A_2441 = arith.constant 48 : i32
    %get3A_2442 = arith.index_cast %get3A_2441 : i32 to index
    %get3A_2443 = arith.constant 96 : index
    %get3A_2444 = tpu.vector_load %arg6[%get3A_2442, %get3A_2443] {strides = array<i32>} : memref<64x128xf32, #tpu.memory_space<vmem>>, vector<1x16xf32>,
    %get3A_2445 = vector.shape_cast %get3A_2444 : vector<1x16xf32> to vector<16xf32>
    %mul3A_2446 = arith.mulf %get3A_2440, %get3A_2445 : vector<16xf32>
    %add3A_2447 = arith.addf %add3A_2431, %mul3A_2446 : vector<16xf32>
    %mul3A_2448 = arith.mulf %get3A_2440, %get3A_2440 : vector<16xf32>
    %add3A_2449 = arith.addf %add3A_2433, %mul3A_2448 : vector<16xf32>
    %mul3A_2450 = arith.mulf %get3A_2445, %get3A_2445 : vector<16xf32>
    %add3A_2451 = arith.addf %add3A_2435, %mul3A_2450 : vector<16xf32>
    %get3A_2452 = arith.constant 16 : i32
    %get3A_2453 = arith.index_cast %get3A_2452 : i32 to index
    %get3A_2454 = arith.constant 112 : index
    %get3A_2455 = tpu.vector_load %arg6[%get3A_2453, %get3A_2454] {strides = array<i32>} : memref<64x128xf32, #tpu.memory_space<vmem>>, vector<1x16xf32>,
    %get3A_2456 = vector.shape_cast %get3A_2455 : vector<1x16xf32> to vector<16xf32>
    %get3A_2457 = arith.constant 48 : i32
    %get3A_2458 = arith.index_cast %get3A_2457 : i32 to index
    %get3A_2459 = arith.constant 112 : index
    %get3A_2460 = tpu.vector_load %arg6[%get3A_2458, %get3A_2459] {strides = array<i32>} : memref<64x128xf32, #tpu.memory_space<vmem>>, vector<1x16xf32>,
    %get3A_2461 = vector.shape_cast %get3A_2460 : vector<1x16xf32> to vector<16xf32>
    %mul3A_2462 = arith.mulf %get3A_2456, %get3A_2461 : vector<16xf32>
    %add3A_2463 = arith.addf %add3A_2447, %mul3A_2462 : vector<16xf32>
    %mul3A_2464 = arith.mulf %get3A_2456, %get3A_2456 : vector<16xf32>
    %add3A_2465 = arith.addf %add3A_2449, %mul3A_2464 : vector<16xf32>
    %mul3A_2466 = arith.mulf %get3A_2461, %get3A_2461 : vector<16xf32>
    %add3A_2467 = arith.addf %add3A_2451, %mul3A_2466 : vector<16xf32>
    %swap3A_2468 = arith.constant 16 : i32
    %swap3A_2469 = arith.index_cast %swap3A_2468 : i32 to index
    %swap3A_2470 = arith.constant 0 : index
    %swap3A_2471 = tpu.vector_load %arg7[%swap3A_2469, %swap3A_2470] {strides = array<i32>} : memref<32x48xf32, #tpu.memory_space<vmem>>, vector<1x16xf32>,
    %swap3A_2472 = vector.shape_cast %swap3A_2471 : vector<1x16xf32> to vector<16xf32>
    %swap3A_2473 = vector.shape_cast %add3A_2463 : vector<16xf32> to vector<1x16xf32>
    tpu.vector_store %arg7[%swap3A_2469, %swap3A_2470], %swap3A_2473 {strides = array<i32>} : memref<32x48xf32, #tpu.memory_space<vmem>>, vector<1x16xf32>,
    %swap3A_2474 = arith.constant 16 : i32
    %swap3A_2475 = arith.index_cast %swap3A_2474 : i32 to index
    %swap3A_2476 = arith.constant 16 : index
    %swap3A_2477 = tpu.vector_load %arg7[%swap3A_2475, %swap3A_2476] {strides = array<i32>} : memref<32x48xf32, #tpu.memory_space<vmem>>, vector<1x16xf32>,
    %swap3A_2478 = vector.shape_cast %swap3A_2477 : vector<1x16xf32> to vector<16xf32>
    %swap3A_2479 = vector.shape_cast %add3A_2465 : vector<16xf32> to vector<1x16xf32>
    tpu.vector_store %arg7[%swap3A_2475, %swap3A_2476], %swap3A_2479 {strides = array<i32>} : memref<32x48xf32, #tpu.memory_space<vmem>>, vector<1x16xf32>,
    %swap3A_2480 = arith.constant 16 : i32
    %swap3A_2481 = arith.index_cast %swap3A_2480 : i32 to index
    %swap3A_2482 = arith.constant 32 : index
    %swap3A_2483 = tpu.vector_load %arg7[%swap3A_2481, %swap3A_2482] {strides = array<i32>} : memref<32x48xf32, #tpu.memory_space<vmem>>, vector<1x16xf32>,
    %swap3A_2484 = vector.shape_cast %swap3A_2483 : vector<1x16xf32> to vector<16xf32>
    %swap3A_2485 = vector.shape_cast %add3A_2467 : vector<16xf32> to vector<1x16xf32>
    tpu.vector_store %arg7[%swap3A_2481, %swap3A_2482], %swap3A_2485 {strides = array<i32>} : memref<32x48xf32, #tpu.memory_space<vmem>>, vector<1x16xf32>,
    %get3A_2486 = arith.constant 17 : i32
    %get3A_2487 = arith.index_cast %get3A_2486 : i32 to index
    %get3A_2488 = arith.constant 0 : index
    %get3A_2489 = tpu.vector_load %arg6[%get3A_2487, %get3A_2488] {strides = array<i32>} : memref<64x128xf32, #tpu.memory_space<vmem>>, vector<1x16xf32>,
    %get3A_2490 = vector.shape_cast %get3A_2489 : vector<1x16xf32> to vector<16xf32>
    %get3A_2491 = arith.constant 49 : i32
    %get3A_2492 = arith.index_cast %get3A_2491 : i32 to index
    %get3A_2493 = arith.constant 0 : index
    %get3A_2494 = tpu.vector_load %arg6[%get3A_2492, %get3A_2493] {strides = array<i32>} : memref<64x128xf32, #tpu.memory_space<vmem>>, vector<1x16xf32>,
    %get3A_2495 = vector.shape_cast %get3A_2494 : vector<1x16xf32> to vector<16xf32>
    %mul3A_2496 = arith.mulf %get3A_2490, %get3A_2495 : vector<16xf32>
    %add3A_2497 = arith.addf %broadcast_in_dim3A_5, %mul3A_2496 : vector<16xf32>
    %mul3A_2498 = arith.mulf %get3A_2490, %get3A_2490 : vector<16xf32>
    %add3A_2499 = arith.addf %broadcast_in_dim3A_5, %mul3A_2498 : vector<16xf32>
    %mul3A_2500 = arith.mulf %get3A_2495, %get3A_2495 : vector<16xf32>
    %add3A_2501 = arith.addf %broadcast_in_dim3A_5, %mul3A_2500 : vector<16xf32>
    %get3A_2502 = arith.constant 17 : i32
    %get3A_2503 = arith.index_cast %get3A_2502 : i32 to index
    %get3A_2504 = arith.constant 16 : index
    %get3A_2505 = tpu.vector_load %arg6[%get3A_2503, %get3A_2504] {strides = array<i32>} : memref<64x128xf32, #tpu.memory_space<vmem>>, vector<1x16xf32>,
    %get3A_2506 = vector.shape_cast %get3A_2505 : vector<1x16xf32> to vector<16xf32>
    %get3A_2507 = arith.constant 49 : i32
    %get3A_2508 = arith.index_cast %get3A_2507 : i32 to index
    %get3A_2509 = arith.constant 16 : index
    %get3A_2510 = tpu.vector_load %arg6[%get3A_2508, %get3A_2509] {strides = array<i32>} : memref<64x128xf32, #tpu.memory_space<vmem>>, vector<1x16xf32>,
    %get3A_2511 = vector.shape_cast %get3A_2510 : vector<1x16xf32> to vector<16xf32>
    %mul3A_2512 = arith.mulf %get3A_2506, %get3A_2511 : vector<16xf32>
    %add3A_2513 = arith.addf %add3A_2497, %mul3A_2512 : vector<16xf32>
    %mul3A_2514 = arith.mulf %get3A_2506, %get3A_2506 : vector<16xf32>
    %add3A_2515 = arith.addf %add3A_2499, %mul3A_2514 : vector<16xf32>
    %mul3A_2516 = arith.mulf %get3A_2511, %get3A_2511 : vector<16xf32>
    %add3A_2517 = arith.addf %add3A_2501, %mul3A_2516 : vector<16xf32>
    %get3A_2518 = arith.constant 17 : i32
    %get3A_2519 = arith.index_cast %get3A_2518 : i32 to index
    %get3A_2520 = arith.constant 32 : index
    %get3A_2521 = tpu.vector_load %arg6[%get3A_2519, %get3A_2520] {strides = array<i32>} : memref<64x128xf32, #tpu.memory_space<vmem>>, vector<1x16xf32>,
    %get3A_2522 = vector.shape_cast %get3A_2521 : vector<1x16xf32> to vector<16xf32>
    %get3A_2523 = arith.constant 49 : i32
    %get3A_2524 = arith.index_cast %get3A_2523 : i32 to index
    %get3A_2525 = arith.constant 32 : index
    %get3A_2526 = tpu.vector_load %arg6[%get3A_2524, %get3A_2525] {strides = array<i32>} : memref<64x128xf32, #tpu.memory_space<vmem>>, vector<1x16xf32>,
    %get3A_2527 = vector.shape_cast %get3A_2526 : vector<1x16xf32> to vector<16xf32>
    %mul3A_2528 = arith.mulf %get3A_2522, %get3A_2527 : vector<16xf32>
    %add3A_2529 = arith.addf %add3A_2513, %mul3A_2528 : vector<16xf32>
    %mul3A_2530 = arith.mulf %get3A_2522, %get3A_2522 : vector<16xf32>
    %add3A_2531 = arith.addf %add3A_2515, %mul3A_2530 : vector<16xf32>
    %mul3A_2532 = arith.mulf %get3A_2527, %get3A_2527 : vector<16xf32>
    %add3A_2533 = arith.addf %add3A_2517, %mul3A_2532 : vector<16xf32>
    %get3A_2534 = arith.constant 17 : i32
    %get3A_2535 = arith.index_cast %get3A_2534 : i32 to index
    %get3A_2536 = arith.constant 48 : index
    %get3A_2537 = tpu.vector_load %arg6[%get3A_2535, %get3A_2536] {strides = array<i32>} : memref<64x128xf32, #tpu.memory_space<vmem>>, vector<1x16xf32>,
    %get3A_2538 = vector.shape_cast %get3A_2537 : vector<1x16xf32> to vector<16xf32>
    %get3A_2539 = arith.constant 49 : i32
    %get3A_2540 = arith.index_cast %get3A_2539 : i32 to index
    %get3A_2541 = arith.constant 48 : index
    %get3A_2542 = tpu.vector_load %arg6[%get3A_2540, %get3A_2541] {strides = array<i32>} : memref<64x128xf32, #tpu.memory_space<vmem>>, vector<1x16xf32>,
    %get3A_2543 = vector.shape_cast %get3A_2542 : vector<1x16xf32> to vector<16xf32>
    %mul3A_2544 = arith.mulf %get3A_2538, %get3A_2543 : vector<16xf32>
    %add3A_2545 = arith.addf %add3A_2529, %mul3A_2544 : vector<16xf32>
    %mul3A_2546 = arith.mulf %get3A_2538, %get3A_2538 : vector<16xf32>
    %add3A_2547 = arith.addf %add3A_2531, %mul3A_2546 : vector<16xf32>
    %mul3A_2548 = arith.mulf %get3A_2543, %get3A_2543 : vector<16xf32>
    %add3A_2549 = arith.addf %add3A_2533, %mul3A_2548 : vector<16xf32>
    %get3A_2550 = arith.constant 17 : i32
    %get3A_2551 = arith.index_cast %get3A_2550 : i32 to index
    %get3A_2552 = arith.constant 64 : index
    %get3A_2553 = tpu.vector_load %arg6[%get3A_2551, %get3A_2552] {strides = array<i32>} : memref<64x128xf32, #tpu.memory_space<vmem>>, vector<1x16xf32>,
    %get3A_2554 = vector.shape_cast %get3A_2553 : vector<1x16xf32> to vector<16xf32>
    %get3A_2555 = arith.constant 49 : i32
    %get3A_2556 = arith.index_cast %get3A_2555 : i32 to index
    %get3A_2557 = arith.constant 64 : index
    %get3A_2558 = tpu.vector_load %arg6[%get3A_2556, %get3A_2557] {strides = array<i32>} : memref<64x128xf32, #tpu.memory_space<vmem>>, vector<1x16xf32>,
    %get3A_2559 = vector.shape_cast %get3A_2558 : vector<1x16xf32> to vector<16xf32>
    %mul3A_2560 = arith.mulf %get3A_2554, %get3A_2559 : vector<16xf32>
    %add3A_2561 = arith.addf %add3A_2545, %mul3A_2560 : vector<16xf32>
    %mul3A_2562 = arith.mulf %get3A_2554, %get3A_2554 : vector<16xf32>
    %add3A_2563 = arith.addf %add3A_2547, %mul3A_2562 : vector<16xf32>
    %mul3A_2564 = arith.mulf %get3A_2559, %get3A_2559 : vector<16xf32>
    %add3A_2565 = arith.addf %add3A_2549, %mul3A_2564 : vector<16xf32>
    %get3A_2566 = arith.constant 17 : i32
    %get3A_2567 = arith.index_cast %get3A_2566 : i32 to index
    %get3A_2568 = arith.constant 80 : index
    %get3A_2569 = tpu.vector_load %arg6[%get3A_2567, %get3A_2568] {strides = array<i32>} : memref<64x128xf32, #tpu.memory_space<vmem>>, vector<1x16xf32>,
    %get3A_2570 = vector.shape_cast %get3A_2569 : vector<1x16xf32> to vector<16xf32>
    %get3A_2571 = arith.constant 49 : i32
    %get3A_2572 = arith.index_cast %get3A_2571 : i32 to index
    %get3A_2573 = arith.constant 80 : index
    %get3A_2574 = tpu.vector_load %arg6[%get3A_2572, %get3A_2573] {strides = array<i32>} : memref<64x128xf32, #tpu.memory_space<vmem>>, vector<1x16xf32>,
    %get3A_2575 = vector.shape_cast %get3A_2574 : vector<1x16xf32> to vector<16xf32>
    %mul3A_2576 = arith.mulf %get3A_2570, %get3A_2575 : vector<16xf32>
    %add3A_2577 = arith.addf %add3A_2561, %mul3A_2576 : vector<16xf32>
    %mul3A_2578 = arith.mulf %get3A_2570, %get3A_2570 : vector<16xf32>
    %add3A_2579 = arith.addf %add3A_2563, %mul3A_2578 : vector<16xf32>
    %mul3A_2580 = arith.mulf %get3A_2575, %get3A_2575 : vector<16xf32>
    %add3A_2581 = arith.addf %add3A_2565, %mul3A_2580 : vector<16xf32>
    %get3A_2582 = arith.constant 17 : i32
    %get3A_2583 = arith.index_cast %get3A_2582 : i32 to index
    %get3A_2584 = arith.constant 96 : index
    %get3A_2585 = tpu.vector_load %arg6[%get3A_2583, %get3A_2584] {strides = array<i32>} : memref<64x128xf32, #tpu.memory_space<vmem>>, vector<1x16xf32>,
    %get3A_2586 = vector.shape_cast %get3A_2585 : vector<1x16xf32> to vector<16xf32>
    %get3A_2587 = arith.constant 49 : i32
    %get3A_2588 = arith.index_cast %get3A_2587 : i32 to index
    %get3A_2589 = arith.constant 96 : index
    %get3A_2590 = tpu.vector_load %arg6[%get3A_2588, %get3A_2589] {strides = array<i32>} : memref<64x128xf32, #tpu.memory_space<vmem>>, vector<1x16xf32>,
    %get3A_2591 = vector.shape_cast %get3A_2590 : vector<1x16xf32> to vector<16xf32>
    %mul3A_2592 = arith.mulf %get3A_2586, %get3A_2591 : vector<16xf32>
    %add3A_2593 = arith.addf %add3A_2577, %mul3A_2592 : vector<16xf32>
    %mul3A_2594 = arith.mulf %get3A_2586, %get3A_2586 : vector<16xf32>
    %add3A_2595 = arith.addf %add3A_2579, %mul3A_2594 : vector<16xf32>
    %mul3A_2596 = arith.mulf %get3A_2591, %get3A_2591 : vector<16xf32>
    %add3A_2597 = arith.addf %add3A_2581, %mul3A_2596 : vector<16xf32>
    %get3A_2598 = arith.constant 17 : i32
    %get3A_2599 = arith.index_cast %get3A_2598 : i32 to index
    %get3A_2600 = arith.constant 112 : index
    %get3A_2601 = tpu.vector_load %arg6[%get3A_2599, %get3A_2600] {strides = array<i32>} : memref<64x128xf32, #tpu.memory_space<vmem>>, vector<1x16xf32>,
    %get3A_2602 = vector.shape_cast %get3A_2601 : vector<1x16xf32> to vector<16xf32>
    %get3A_2603 = arith.constant 49 : i32
    %get3A_2604 = arith.index_cast %get3A_2603 : i32 to index
    %get3A_2605 = arith.constant 112 : index
    %get3A_2606 = tpu.vector_load %arg6[%get3A_2604, %get3A_2605] {strides = array<i32>} : memref<64x128xf32, #tpu.memory_space<vmem>>, vector<1x16xf32>,
    %get3A_2607 = vector.shape_cast %get3A_2606 : vector<1x16xf32> to vector<16xf32>
    %mul3A_2608 = arith.mulf %get3A_2602, %get3A_2607 : vector<16xf32>
    %add3A_2609 = arith.addf %add3A_2593, %mul3A_2608 : vector<16xf32>
    %mul3A_2610 = arith.mulf %get3A_2602, %get3A_2602 : vector<16xf32>
    %add3A_2611 = arith.addf %add3A_2595, %mul3A_2610 : vector<16xf32>
    %mul3A_2612 = arith.mulf %get3A_2607, %get3A_2607 : vector<16xf32>
    %add3A_2613 = arith.addf %add3A_2597, %mul3A_2612 : vector<16xf32>
    %swap3A_2614 = arith.constant 17 : i32
    %swap3A_2615 = arith.index_cast %swap3A_2614 : i32 to index
    %swap3A_2616 = arith.constant 0 : index
    %swap3A_2617 = tpu.vector_load %arg7[%swap3A_2615, %swap3A_2616] {strides = array<i32>} : memref<32x48xf32, #tpu.memory_space<vmem>>, vector<1x16xf32>,
    %swap3A_2618 = vector.shape_cast %swap3A_2617 : vector<1x16xf32> to vector<16xf32>
    %swap3A_2619 = vector.shape_cast %add3A_2609 : vector<16xf32> to vector<1x16xf32>
    tpu.vector_store %arg7[%swap3A_2615, %swap3A_2616], %swap3A_2619 {strides = array<i32>} : memref<32x48xf32, #tpu.memory_space<vmem>>, vector<1x16xf32>,
    %swap3A_2620 = arith.constant 17 : i32
    %swap3A_2621 = arith.index_cast %swap3A_2620 : i32 to index
    %swap3A_2622 = arith.constant 16 : index
    %swap3A_2623 = tpu.vector_load %arg7[%swap3A_2621, %swap3A_2622] {strides = array<i32>} : memref<32x48xf32, #tpu.memory_space<vmem>>, vector<1x16xf32>,
    %swap3A_2624 = vector.shape_cast %swap3A_2623 : vector<1x16xf32> to vector<16xf32>
    %swap3A_2625 = vector.shape_cast %add3A_2611 : vector<16xf32> to vector<1x16xf32>
    tpu.vector_store %arg7[%swap3A_2621, %swap3A_2622], %swap3A_2625 {strides = array<i32>} : memref<32x48xf32, #tpu.memory_space<vmem>>, vector<1x16xf32>,
    %swap3A_2626 = arith.constant 17 : i32
    %swap3A_2627 = arith.index_cast %swap3A_2626 : i32 to index
    %swap3A_2628 = arith.constant 32 : index
    %swap3A_2629 = tpu.vector_load %arg7[%swap3A_2627, %swap3A_2628] {strides = array<i32>} : memref<32x48xf32, #tpu.memory_space<vmem>>, vector<1x16xf32>,
    %swap3A_2630 = vector.shape_cast %swap3A_2629 : vector<1x16xf32> to vector<16xf32>
    %swap3A_2631 = vector.shape_cast %add3A_2613 : vector<16xf32> to vector<1x16xf32>
    tpu.vector_store %arg7[%swap3A_2627, %swap3A_2628], %swap3A_2631 {strides = array<i32>} : memref<32x48xf32, #tpu.memory_space<vmem>>, vector<1x16xf32>,
    %get3A_2632 = arith.constant 18 : i32
    %get3A_2633 = arith.index_cast %get3A_2632 : i32 to index
    %get3A_2634 = arith.constant 0 : index
    %get3A_2635 = tpu.vector_load %arg6[%get3A_2633, %get3A_2634] {strides = array<i32>} : memref<64x128xf32, #tpu.memory_space<vmem>>, vector<1x16xf32>,
    %get3A_2636 = vector.shape_cast %get3A_2635 : vector<1x16xf32> to vector<16xf32>
    %get3A_2637 = arith.constant 50 : i32
    %get3A_2638 = arith.index_cast %get3A_2637 : i32 to index
    %get3A_2639 = arith.constant 0 : index
    %get3A_2640 = tpu.vector_load %arg6[%get3A_2638, %get3A_2639] {strides = array<i32>} : memref<64x128xf32, #tpu.memory_space<vmem>>, vector<1x16xf32>,
    %get3A_2641 = vector.shape_cast %get3A_2640 : vector<1x16xf32> to vector<16xf32>
    %mul3A_2642 = arith.mulf %get3A_2636, %get3A_2641 : vector<16xf32>
    %add3A_2643 = arith.addf %broadcast_in_dim3A_5, %mul3A_2642 : vector<16xf32>
    %mul3A_2644 = arith.mulf %get3A_2636, %get3A_2636 : vector<16xf32>
    %add3A_2645 = arith.addf %broadcast_in_dim3A_5, %mul3A_2644 : vector<16xf32>
    %mul3A_2646 = arith.mulf %get3A_2641, %get3A_2641 : vector<16xf32>
    %add3A_2647 = arith.addf %broadcast_in_dim3A_5, %mul3A_2646 : vector<16xf32>
    %get3A_2648 = arith.constant 18 : i32
    %get3A_2649 = arith.index_cast %get3A_2648 : i32 to index
    %get3A_2650 = arith.constant 16 : index
    %get3A_2651 = tpu.vector_load %arg6[%get3A_2649, %get3A_2650] {strides = array<i32>} : memref<64x128xf32, #tpu.memory_space<vmem>>, vector<1x16xf32>,
    %get3A_2652 = vector.shape_cast %get3A_2651 : vector<1x16xf32> to vector<16xf32>
    %get3A_2653 = arith.constant 50 : i32
    %get3A_2654 = arith.index_cast %get3A_2653 : i32 to index
    %get3A_2655 = arith.constant 16 : index
    %get3A_2656 = tpu.vector_load %arg6[%get3A_2654, %get3A_2655] {strides = array<i32>} : memref<64x128xf32, #tpu.memory_space<vmem>>, vector<1x16xf32>,
    %get3A_2657 = vector.shape_cast %get3A_2656 : vector<1x16xf32> to vector<16xf32>
    %mul3A_2658 = arith.mulf %get3A_2652, %get3A_2657 : vector<16xf32>
    %add3A_2659 = arith.addf %add3A_2643, %mul3A_2658 : vector<16xf32>
    %mul3A_2660 = arith.mulf %get3A_2652, %get3A_2652 : vector<16xf32>
    %add3A_2661 = arith.addf %add3A_2645, %mul3A_2660 : vector<16xf32>
    %mul3A_2662 = arith.mulf %get3A_2657, %get3A_2657 : vector<16xf32>
    %add3A_2663 = arith.addf %add3A_2647, %mul3A_2662 : vector<16xf32>
    %get3A_2664 = arith.constant 18 : i32
    %get3A_2665 = arith.index_cast %get3A_2664 : i32 to index
    %get3A_2666 = arith.constant 32 : index
    %get3A_2667 = tpu.vector_load %arg6[%get3A_2665, %get3A_2666] {strides = array<i32>} : memref<64x128xf32, #tpu.memory_space<vmem>>, vector<1x16xf32>,
    %get3A_2668 = vector.shape_cast %get3A_2667 : vector<1x16xf32> to vector<16xf32>
    %get3A_2669 = arith.constant 50 : i32
    %get3A_2670 = arith.index_cast %get3A_2669 : i32 to index
    %get3A_2671 = arith.constant 32 : index
    %get3A_2672 = tpu.vector_load %arg6[%get3A_2670, %get3A_2671] {strides = array<i32>} : memref<64x128xf32, #tpu.memory_space<vmem>>, vector<1x16xf32>,
    %get3A_2673 = vector.shape_cast %get3A_2672 : vector<1x16xf32> to vector<16xf32>
    %mul3A_2674 = arith.mulf %get3A_2668, %get3A_2673 : vector<16xf32>
    %add3A_2675 = arith.addf %add3A_2659, %mul3A_2674 : vector<16xf32>
    %mul3A_2676 = arith.mulf %get3A_2668, %get3A_2668 : vector<16xf32>
    %add3A_2677 = arith.addf %add3A_2661, %mul3A_2676 : vector<16xf32>
    %mul3A_2678 = arith.mulf %get3A_2673, %get3A_2673 : vector<16xf32>
    %add3A_2679 = arith.addf %add3A_2663, %mul3A_2678 : vector<16xf32>
    %get3A_2680 = arith.constant 18 : i32
    %get3A_2681 = arith.index_cast %get3A_2680 : i32 to index
    %get3A_2682 = arith.constant 48 : index
    %get3A_2683 = tpu.vector_load %arg6[%get3A_2681, %get3A_2682] {strides = array<i32>} : memref<64x128xf32, #tpu.memory_space<vmem>>, vector<1x16xf32>,
    %get3A_2684 = vector.shape_cast %get3A_2683 : vector<1x16xf32> to vector<16xf32>
    %get3A_2685 = arith.constant 50 : i32
    %get3A_2686 = arith.index_cast %get3A_2685 : i32 to index
    %get3A_2687 = arith.constant 48 : index
    %get3A_2688 = tpu.vector_load %arg6[%get3A_2686, %get3A_2687] {strides = array<i32>} : memref<64x128xf32, #tpu.memory_space<vmem>>, vector<1x16xf32>,
    %get3A_2689 = vector.shape_cast %get3A_2688 : vector<1x16xf32> to vector<16xf32>
    %mul3A_2690 = arith.mulf %get3A_2684, %get3A_2689 : vector<16xf32>
    %add3A_2691 = arith.addf %add3A_2675, %mul3A_2690 : vector<16xf32>
    %mul3A_2692 = arith.mulf %get3A_2684, %get3A_2684 : vector<16xf32>
    %add3A_2693 = arith.addf %add3A_2677, %mul3A_2692 : vector<16xf32>
    %mul3A_2694 = arith.mulf %get3A_2689, %get3A_2689 : vector<16xf32>
    %add3A_2695 = arith.addf %add3A_2679, %mul3A_2694 : vector<16xf32>
    %get3A_2696 = arith.constant 18 : i32
    %get3A_2697 = arith.index_cast %get3A_2696 : i32 to index
    %get3A_2698 = arith.constant 64 : index
    %get3A_2699 = tpu.vector_load %arg6[%get3A_2697, %get3A_2698] {strides = array<i32>} : memref<64x128xf32, #tpu.memory_space<vmem>>, vector<1x16xf32>,
    %get3A_2700 = vector.shape_cast %get3A_2699 : vector<1x16xf32> to vector<16xf32>
    %get3A_2701 = arith.constant 50 : i32
    %get3A_2702 = arith.index_cast %get3A_2701 : i32 to index
    %get3A_2703 = arith.constant 64 : index
    %get3A_2704 = tpu.vector_load %arg6[%get3A_2702, %get3A_2703] {strides = array<i32>} : memref<64x128xf32, #tpu.memory_space<vmem>>, vector<1x16xf32>,
    %get3A_2705 = vector.shape_cast %get3A_2704 : vector<1x16xf32> to vector<16xf32>
    %mul3A_2706 = arith.mulf %get3A_2700, %get3A_2705 : vector<16xf32>
    %add3A_2707 = arith.addf %add3A_2691, %mul3A_2706 : vector<16xf32>
    %mul3A_2708 = arith.mulf %get3A_2700, %get3A_2700 : vector<16xf32>
    %add3A_2709 = arith.addf %add3A_2693, %mul3A_2708 : vector<16xf32>
    %mul3A_2710 = arith.mulf %get3A_2705, %get3A_2705 : vector<16xf32>
    %add3A_2711 = arith.addf %add3A_2695, %mul3A_2710 : vector<16xf32>
    %get3A_2712 = arith.constant 18 : i32
    %get3A_2713 = arith.index_cast %get3A_2712 : i32 to index
    %get3A_2714 = arith.constant 80 : index
    %get3A_2715 = tpu.vector_load %arg6[%get3A_2713, %get3A_2714] {strides = array<i32>} : memref<64x128xf32, #tpu.memory_space<vmem>>, vector<1x16xf32>,
    %get3A_2716 = vector.shape_cast %get3A_2715 : vector<1x16xf32> to vector<16xf32>
    %get3A_2717 = arith.constant 50 : i32
    %get3A_2718 = arith.index_cast %get3A_2717 : i32 to index
    %get3A_2719 = arith.constant 80 : index
    %get3A_2720 = tpu.vector_load %arg6[%get3A_2718, %get3A_2719] {strides = array<i32>} : memref<64x128xf32, #tpu.memory_space<vmem>>, vector<1x16xf32>,
    %get3A_2721 = vector.shape_cast %get3A_2720 : vector<1x16xf32> to vector<16xf32>
    %mul3A_2722 = arith.mulf %get3A_2716, %get3A_2721 : vector<16xf32>
    %add3A_2723 = arith.addf %add3A_2707, %mul3A_2722 : vector<16xf32>
    %mul3A_2724 = arith.mulf %get3A_2716, %get3A_2716 : vector<16xf32>
    %add3A_2725 = arith.addf %add3A_2709, %mul3A_2724 : vector<16xf32>
    %mul3A_2726 = arith.mulf %get3A_2721, %get3A_2721 : vector<16xf32>
    %add3A_2727 = arith.addf %add3A_2711, %mul3A_2726 : vector<16xf32>
    %get3A_2728 = arith.constant 18 : i32
    %get3A_2729 = arith.index_cast %get3A_2728 : i32 to index
    %get3A_2730 = arith.constant 96 : index
    %get3A_2731 = tpu.vector_load %arg6[%get3A_2729, %get3A_2730] {strides = array<i32>} : memref<64x128xf32, #tpu.memory_space<vmem>>, vector<1x16xf32>,
    %get3A_2732 = vector.shape_cast %get3A_2731 : vector<1x16xf32> to vector<16xf32>
    %get3A_2733 = arith.constant 50 : i32
    %get3A_2734 = arith.index_cast %get3A_2733 : i32 to index
    %get3A_2735 = arith.constant 96 : index
    %get3A_2736 = tpu.vector_load %arg6[%get3A_2734, %get3A_2735] {strides = array<i32>} : memref<64x128xf32, #tpu.memory_space<vmem>>, vector<1x16xf32>,
    %get3A_2737 = vector.shape_cast %get3A_2736 : vector<1x16xf32> to vector<16xf32>
    %mul3A_2738 = arith.mulf %get3A_2732, %get3A_2737 : vector<16xf32>
    %add3A_2739 = arith.addf %add3A_2723, %mul3A_2738 : vector<16xf32>
    %mul3A_2740 = arith.mulf %get3A_2732, %get3A_2732 : vector<16xf32>
    %add3A_2741 = arith.addf %add3A_2725, %mul3A_2740 : vector<16xf32>
    %mul3A_2742 = arith.mulf %get3A_2737, %get3A_2737 : vector<16xf32>
    %add3A_2743 = arith.addf %add3A_2727, %mul3A_2742 : vector<16xf32>
    %get3A_2744 = arith.constant 18 : i32
    %get3A_2745 = arith.index_cast %get3A_2744 : i32 to index
    %get3A_2746 = arith.constant 112 : index
    %get3A_2747 = tpu.vector_load %arg6[%get3A_2745, %get3A_2746] {strides = array<i32>} : memref<64x128xf32, #tpu.memory_space<vmem>>, vector<1x16xf32>,
    %get3A_2748 = vector.shape_cast %get3A_2747 : vector<1x16xf32> to vector<16xf32>
    %get3A_2749 = arith.constant 50 : i32
    %get3A_2750 = arith.index_cast %get3A_2749 : i32 to index
    %get3A_2751 = arith.constant 112 : index
    %get3A_2752 = tpu.vector_load %arg6[%get3A_2750, %get3A_2751] {strides = array<i32>} : memref<64x128xf32, #tpu.memory_space<vmem>>, vector<1x16xf32>,
    %get3A_2753 = vector.shape_cast %get3A_2752 : vector<1x16xf32> to vector<16xf32>
    %mul3A_2754 = arith.mulf %get3A_2748, %get3A_2753 : vector<16xf32>
    %add3A_2755 = arith.addf %add3A_2739, %mul3A_2754 : vector<16xf32>
    %mul3A_2756 = arith.mulf %get3A_2748, %get3A_2748 : vector<16xf32>
    %add3A_2757 = arith.addf %add3A_2741, %mul3A_2756 : vector<16xf32>
    %mul3A_2758 = arith.mulf %get3A_2753, %get3A_2753 : vector<16xf32>
    %add3A_2759 = arith.addf %add3A_2743, %mul3A_2758 : vector<16xf32>
    %swap3A_2760 = arith.constant 18 : i32
    %swap3A_2761 = arith.index_cast %swap3A_2760 : i32 to index
    %swap3A_2762 = arith.constant 0 : index
    %swap3A_2763 = tpu.vector_load %arg7[%swap3A_2761, %swap3A_2762] {strides = array<i32>} : memref<32x48xf32, #tpu.memory_space<vmem>>, vector<1x16xf32>,
    %swap3A_2764 = vector.shape_cast %swap3A_2763 : vector<1x16xf32> to vector<16xf32>
    %swap3A_2765 = vector.shape_cast %add3A_2755 : vector<16xf32> to vector<1x16xf32>
    tpu.vector_store %arg7[%swap3A_2761, %swap3A_2762], %swap3A_2765 {strides = array<i32>} : memref<32x48xf32, #tpu.memory_space<vmem>>, vector<1x16xf32>,
    %swap3A_2766 = arith.constant 18 : i32
    %swap3A_2767 = arith.index_cast %swap3A_2766 : i32 to index
    %swap3A_2768 = arith.constant 16 : index
    %swap3A_2769 = tpu.vector_load %arg7[%swap3A_2767, %swap3A_2768] {strides = array<i32>} : memref<32x48xf32, #tpu.memory_space<vmem>>, vector<1x16xf32>,
    %swap3A_2770 = vector.shape_cast %swap3A_2769 : vector<1x16xf32> to vector<16xf32>
    %swap3A_2771 = vector.shape_cast %add3A_2757 : vector<16xf32> to vector<1x16xf32>
    tpu.vector_store %arg7[%swap3A_2767, %swap3A_2768], %swap3A_2771 {strides = array<i32>} : memref<32x48xf32, #tpu.memory_space<vmem>>, vector<1x16xf32>,
    %swap3A_2772 = arith.constant 18 : i32
    %swap3A_2773 = arith.index_cast %swap3A_2772 : i32 to index
    %swap3A_2774 = arith.constant 32 : index
    %swap3A_2775 = tpu.vector_load %arg7[%swap3A_2773, %swap3A_2774] {strides = array<i32>} : memref<32x48xf32, #tpu.memory_space<vmem>>, vector<1x16xf32>,
    %swap3A_2776 = vector.shape_cast %swap3A_2775 : vector<1x16xf32> to vector<16xf32>
    %swap3A_2777 = vector.shape_cast %add3A_2759 : vector<16xf32> to vector<1x16xf32>
    tpu.vector_store %arg7[%swap3A_2773, %swap3A_2774], %swap3A_2777 {strides = array<i32>} : memref<32x48xf32, #tpu.memory_space<vmem>>, vector<1x16xf32>,
    %get3A_2778 = arith.constant 19 : i32
    %get3A_2779 = arith.index_cast %get3A_2778 : i32 to index
    %get3A_2780 = arith.constant 0 : index
    %get3A_2781 = tpu.vector_load %arg6[%get3A_2779, %get3A_2780] {strides = array<i32>} : memref<64x128xf32, #tpu.memory_space<vmem>>, vector<1x16xf32>,
    %get3A_2782 = vector.shape_cast %get3A_2781 : vector<1x16xf32> to vector<16xf32>
    %get3A_2783 = arith.constant 51 : i32
    %get3A_2784 = arith.index_cast %get3A_2783 : i32 to index
    %get3A_2785 = arith.constant 0 : index
    %get3A_2786 = tpu.vector_load %arg6[%get3A_2784, %get3A_2785] {strides = array<i32>} : memref<64x128xf32, #tpu.memory_space<vmem>>, vector<1x16xf32>,
    %get3A_2787 = vector.shape_cast %get3A_2786 : vector<1x16xf32> to vector<16xf32>
    %mul3A_2788 = arith.mulf %get3A_2782, %get3A_2787 : vector<16xf32>
    %add3A_2789 = arith.addf %broadcast_in_dim3A_5, %mul3A_2788 : vector<16xf32>
    %mul3A_2790 = arith.mulf %get3A_2782, %get3A_2782 : vector<16xf32>
    %add3A_2791 = arith.addf %broadcast_in_dim3A_5, %mul3A_2790 : vector<16xf32>
    %mul3A_2792 = arith.mulf %get3A_2787, %get3A_2787 : vector<16xf32>
    %add3A_2793 = arith.addf %broadcast_in_dim3A_5, %mul3A_2792 : vector<16xf32>
    %get3A_2794 = arith.constant 19 : i32
    %get3A_2795 = arith.index_cast %get3A_2794 : i32 to index
    %get3A_2796 = arith.constant 16 : index
    %get3A_2797 = tpu.vector_load %arg6[%get3A_2795, %get3A_2796] {strides = array<i32>} : memref<64x128xf32, #tpu.memory_space<vmem>>, vector<1x16xf32>,
    %get3A_2798 = vector.shape_cast %get3A_2797 : vector<1x16xf32> to vector<16xf32>
    %get3A_2799 = arith.constant 51 : i32
    %get3A_2800 = arith.index_cast %get3A_2799 : i32 to index
    %get3A_2801 = arith.constant 16 : index
    %get3A_2802 = tpu.vector_load %arg6[%get3A_2800, %get3A_2801] {strides = array<i32>} : memref<64x128xf32, #tpu.memory_space<vmem>>, vector<1x16xf32>,
    %get3A_2803 = vector.shape_cast %get3A_2802 : vector<1x16xf32> to vector<16xf32>
    %mul3A_2804 = arith.mulf %get3A_2798, %get3A_2803 : vector<16xf32>
    %add3A_2805 = arith.addf %add3A_2789, %mul3A_2804 : vector<16xf32>
    %mul3A_2806 = arith.mulf %get3A_2798, %get3A_2798 : vector<16xf32>
    %add3A_2807 = arith.addf %add3A_2791, %mul3A_2806 : vector<16xf32>
    %mul3A_2808 = arith.mulf %get3A_2803, %get3A_2803 : vector<16xf32>
    %add3A_2809 = arith.addf %add3A_2793, %mul3A_2808 : vector<16xf32>
    %get3A_2810 = arith.constant 19 : i32
    %get3A_2811 = arith.index_cast %get3A_2810 : i32 to index
    %get3A_2812 = arith.constant 32 : index
    %get3A_2813 = tpu.vector_load %arg6[%get3A_2811, %get3A_2812] {strides = array<i32>} : memref<64x128xf32, #tpu.memory_space<vmem>>, vector<1x16xf32>,
    %get3A_2814 = vector.shape_cast %get3A_2813 : vector<1x16xf32> to vector<16xf32>
    %get3A_2815 = arith.constant 51 : i32
    %get3A_2816 = arith.index_cast %get3A_2815 : i32 to index
    %get3A_2817 = arith.constant 32 : index
    %get3A_2818 = tpu.vector_load %arg6[%get3A_2816, %get3A_2817] {strides = array<i32>} : memref<64x128xf32, #tpu.memory_space<vmem>>, vector<1x16xf32>,
    %get3A_2819 = vector.shape_cast %get3A_2818 : vector<1x16xf32> to vector<16xf32>
    %mul3A_2820 = arith.mulf %get3A_2814, %get3A_2819 : vector<16xf32>
    %add3A_2821 = arith.addf %add3A_2805, %mul3A_2820 : vector<16xf32>
    %mul3A_2822 = arith.mulf %get3A_2814, %get3A_2814 : vector<16xf32>
    %add3A_2823 = arith.addf %add3A_2807, %mul3A_2822 : vector<16xf32>
    %mul3A_2824 = arith.mulf %get3A_2819, %get3A_2819 : vector<16xf32>
    %add3A_2825 = arith.addf %add3A_2809, %mul3A_2824 : vector<16xf32>
    %get3A_2826 = arith.constant 19 : i32
    %get3A_2827 = arith.index_cast %get3A_2826 : i32 to index
    %get3A_2828 = arith.constant 48 : index
    %get3A_2829 = tpu.vector_load %arg6[%get3A_2827, %get3A_2828] {strides = array<i32>} : memref<64x128xf32, #tpu.memory_space<vmem>>, vector<1x16xf32>,
    %get3A_2830 = vector.shape_cast %get3A_2829 : vector<1x16xf32> to vector<16xf32>
    %get3A_2831 = arith.constant 51 : i32
    %get3A_2832 = arith.index_cast %get3A_2831 : i32 to index
    %get3A_2833 = arith.constant 48 : index
    %get3A_2834 = tpu.vector_load %arg6[%get3A_2832, %get3A_2833] {strides = array<i32>} : memref<64x128xf32, #tpu.memory_space<vmem>>, vector<1x16xf32>,
    %get3A_2835 = vector.shape_cast %get3A_2834 : vector<1x16xf32> to vector<16xf32>
    %mul3A_2836 = arith.mulf %get3A_2830, %get3A_2835 : vector<16xf32>
    %add3A_2837 = arith.addf %add3A_2821, %mul3A_2836 : vector<16xf32>
    %mul3A_2838 = arith.mulf %get3A_2830, %get3A_2830 : vector<16xf32>
    %add3A_2839 = arith.addf %add3A_2823, %mul3A_2838 : vector<16xf32>
    %mul3A_2840 = arith.mulf %get3A_2835, %get3A_2835 : vector<16xf32>
    %add3A_2841 = arith.addf %add3A_2825, %mul3A_2840 : vector<16xf32>
    %get3A_2842 = arith.constant 19 : i32
    %get3A_2843 = arith.index_cast %get3A_2842 : i32 to index
    %get3A_2844 = arith.constant 64 : index
    %get3A_2845 = tpu.vector_load %arg6[%get3A_2843, %get3A_2844] {strides = array<i32>} : memref<64x128xf32, #tpu.memory_space<vmem>>, vector<1x16xf32>,
    %get3A_2846 = vector.shape_cast %get3A_2845 : vector<1x16xf32> to vector<16xf32>
    %get3A_2847 = arith.constant 51 : i32
    %get3A_2848 = arith.index_cast %get3A_2847 : i32 to index
    %get3A_2849 = arith.constant 64 : index
    %get3A_2850 = tpu.vector_load %arg6[%get3A_2848, %get3A_2849] {strides = array<i32>} : memref<64x128xf32, #tpu.memory_space<vmem>>, vector<1x16xf32>,
    %get3A_2851 = vector.shape_cast %get3A_2850 : vector<1x16xf32> to vector<16xf32>
    %mul3A_2852 = arith.mulf %get3A_2846, %get3A_2851 : vector<16xf32>
    %add3A_2853 = arith.addf %add3A_2837, %mul3A_2852 : vector<16xf32>
    %mul3A_2854 = arith.mulf %get3A_2846, %get3A_2846 : vector<16xf32>
    %add3A_2855 = arith.addf %add3A_2839, %mul3A_2854 : vector<16xf32>
    %mul3A_2856 = arith.mulf %get3A_2851, %get3A_2851 : vector<16xf32>
    %add3A_2857 = arith.addf %add3A_2841, %mul3A_2856 : vector<16xf32>
    %get3A_2858 = arith.constant 19 : i32
    %get3A_2859 = arith.index_cast %get3A_2858 : i32 to index
    %get3A_2860 = arith.constant 80 : index
    %get3A_2861 = tpu.vector_load %arg6[%get3A_2859, %get3A_2860] {strides = array<i32>} : memref<64x128xf32, #tpu.memory_space<vmem>>, vector<1x16xf32>,
    %get3A_2862 = vector.shape_cast %get3A_2861 : vector<1x16xf32> to vector<16xf32>
    %get3A_2863 = arith.constant 51 : i32
    %get3A_2864 = arith.index_cast %get3A_2863 : i32 to index
    %get3A_2865 = arith.constant 80 : index
    %get3A_2866 = tpu.vector_load %arg6[%get3A_2864, %get3A_2865] {strides = array<i32>} : memref<64x128xf32, #tpu.memory_space<vmem>>, vector<1x16xf32>,
    %get3A_2867 = vector.shape_cast %get3A_2866 : vector<1x16xf32> to vector<16xf32>
    %mul3A_2868 = arith.mulf %get3A_2862, %get3A_2867 : vector<16xf32>
    %add3A_2869 = arith.addf %add3A_2853, %mul3A_2868 : vector<16xf32>
    %mul3A_2870 = arith.mulf %get3A_2862, %get3A_2862 : vector<16xf32>
    %add3A_2871 = arith.addf %add3A_2855, %mul3A_2870 : vector<16xf32>
    %mul3A_2872 = arith.mulf %get3A_2867, %get3A_2867 : vector<16xf32>
    %add3A_2873 = arith.addf %add3A_2857, %mul3A_2872 : vector<16xf32>
    %get3A_2874 = arith.constant 19 : i32
    %get3A_2875 = arith.index_cast %get3A_2874 : i32 to index
    %get3A_2876 = arith.constant 96 : index
    %get3A_2877 = tpu.vector_load %arg6[%get3A_2875, %get3A_2876] {strides = array<i32>} : memref<64x128xf32, #tpu.memory_space<vmem>>, vector<1x16xf32>,
    %get3A_2878 = vector.shape_cast %get3A_2877 : vector<1x16xf32> to vector<16xf32>
    %get3A_2879 = arith.constant 51 : i32
    %get3A_2880 = arith.index_cast %get3A_2879 : i32 to index
    %get3A_2881 = arith.constant 96 : index
    %get3A_2882 = tpu.vector_load %arg6[%get3A_2880, %get3A_2881] {strides = array<i32>} : memref<64x128xf32, #tpu.memory_space<vmem>>, vector<1x16xf32>,
    %get3A_2883 = vector.shape_cast %get3A_2882 : vector<1x16xf32> to vector<16xf32>
    %mul3A_2884 = arith.mulf %get3A_2878, %get3A_2883 : vector<16xf32>
    %add3A_2885 = arith.addf %add3A_2869, %mul3A_2884 : vector<16xf32>
    %mul3A_2886 = arith.mulf %get3A_2878, %get3A_2878 : vector<16xf32>
    %add3A_2887 = arith.addf %add3A_2871, %mul3A_2886 : vector<16xf32>
    %mul3A_2888 = arith.mulf %get3A_2883, %get3A_2883 : vector<16xf32>
    %add3A_2889 = arith.addf %add3A_2873, %mul3A_2888 : vector<16xf32>
    %get3A_2890 = arith.constant 19 : i32
    %get3A_2891 = arith.index_cast %get3A_2890 : i32 to index
    %get3A_2892 = arith.constant 112 : index
    %get3A_2893 = tpu.vector_load %arg6[%get3A_2891, %get3A_2892] {strides = array<i32>} : memref<64x128xf32, #tpu.memory_space<vmem>>, vector<1x16xf32>,
    %get3A_2894 = vector.shape_cast %get3A_2893 : vector<1x16xf32> to vector<16xf32>
    %get3A_2895 = arith.constant 51 : i32
    %get3A_2896 = arith.index_cast %get3A_2895 : i32 to index
    %get3A_2897 = arith.constant 112 : index
    %get3A_2898 = tpu.vector_load %arg6[%get3A_2896, %get3A_2897] {strides = array<i32>} : memref<64x128xf32, #tpu.memory_space<vmem>>, vector<1x16xf32>,
    %get3A_2899 = vector.shape_cast %get3A_2898 : vector<1x16xf32> to vector<16xf32>
    %mul3A_2900 = arith.mulf %get3A_2894, %get3A_2899 : vector<16xf32>
    %add3A_2901 = arith.addf %add3A_2885, %mul3A_2900 : vector<16xf32>
    %mul3A_2902 = arith.mulf %get3A_2894, %get3A_2894 : vector<16xf32>
    %add3A_2903 = arith.addf %add3A_2887, %mul3A_2902 : vector<16xf32>
    %mul3A_2904 = arith.mulf %get3A_2899, %get3A_2899 : vector<16xf32>
    %add3A_2905 = arith.addf %add3A_2889, %mul3A_2904 : vector<16xf32>
    %swap3A_2906 = arith.constant 19 : i32
    %swap3A_2907 = arith.index_cast %swap3A_2906 : i32 to index
    %swap3A_2908 = arith.constant 0 : index
    %swap3A_2909 = tpu.vector_load %arg7[%swap3A_2907, %swap3A_2908] {strides = array<i32>} : memref<32x48xf32, #tpu.memory_space<vmem>>, vector<1x16xf32>,
    %swap3A_2910 = vector.shape_cast %swap3A_2909 : vector<1x16xf32> to vector<16xf32>
    %swap3A_2911 = vector.shape_cast %add3A_2901 : vector<16xf32> to vector<1x16xf32>
    tpu.vector_store %arg7[%swap3A_2907, %swap3A_2908], %swap3A_2911 {strides = array<i32>} : memref<32x48xf32, #tpu.memory_space<vmem>>, vector<1x16xf32>,
    %swap3A_2912 = arith.constant 19 : i32
    %swap3A_2913 = arith.index_cast %swap3A_2912 : i32 to index
    %swap3A_2914 = arith.constant 16 : index
    %swap3A_2915 = tpu.vector_load %arg7[%swap3A_2913, %swap3A_2914] {strides = array<i32>} : memref<32x48xf32, #tpu.memory_space<vmem>>, vector<1x16xf32>,
    %swap3A_2916 = vector.shape_cast %swap3A_2915 : vector<1x16xf32> to vector<16xf32>
    %swap3A_2917 = vector.shape_cast %add3A_2903 : vector<16xf32> to vector<1x16xf32>
    tpu.vector_store %arg7[%swap3A_2913, %swap3A_2914], %swap3A_2917 {strides = array<i32>} : memref<32x48xf32, #tpu.memory_space<vmem>>, vector<1x16xf32>,
    %swap3A_2918 = arith.constant 19 : i32
    %swap3A_2919 = arith.index_cast %swap3A_2918 : i32 to index
    %swap3A_2920 = arith.constant 32 : index
    %swap3A_2921 = tpu.vector_load %arg7[%swap3A_2919, %swap3A_2920] {strides = array<i32>} : memref<32x48xf32, #tpu.memory_space<vmem>>, vector<1x16xf32>,
    %swap3A_2922 = vector.shape_cast %swap3A_2921 : vector<1x16xf32> to vector<16xf32>
    %swap3A_2923 = vector.shape_cast %add3A_2905 : vector<16xf32> to vector<1x16xf32>
    tpu.vector_store %arg7[%swap3A_2919, %swap3A_2920], %swap3A_2923 {strides = array<i32>} : memref<32x48xf32, #tpu.memory_space<vmem>>, vector<1x16xf32>,
    %get3A_2924 = arith.constant 20 : i32
    %get3A_2925 = arith.index_cast %get3A_2924 : i32 to index
    %get3A_2926 = arith.constant 0 : index
    %get3A_2927 = tpu.vector_load %arg6[%get3A_2925, %get3A_2926] {strides = array<i32>} : memref<64x128xf32, #tpu.memory_space<vmem>>, vector<1x16xf32>,
    %get3A_2928 = vector.shape_cast %get3A_2927 : vector<1x16xf32> to vector<16xf32>
    %get3A_2929 = arith.constant 52 : i32
    %get3A_2930 = arith.index_cast %get3A_2929 : i32 to index
    %get3A_2931 = arith.constant 0 : index
    %get3A_2932 = tpu.vector_load %arg6[%get3A_2930, %get3A_2931] {strides = array<i32>} : memref<64x128xf32, #tpu.memory_space<vmem>>, vector<1x16xf32>,
    %get3A_2933 = vector.shape_cast %get3A_2932 : vector<1x16xf32> to vector<16xf32>
    %mul3A_2934 = arith.mulf %get3A_2928, %get3A_2933 : vector<16xf32>
    %add3A_2935 = arith.addf %broadcast_in_dim3A_5, %mul3A_2934 : vector<16xf32>
    %mul3A_2936 = arith.mulf %get3A_2928, %get3A_2928 : vector<16xf32>
    %add3A_2937 = arith.addf %broadcast_in_dim3A_5, %mul3A_2936 : vector<16xf32>
    %mul3A_2938 = arith.mulf %get3A_2933, %get3A_2933 : vector<16xf32>
    %add3A_2939 = arith.addf %broadcast_in_dim3A_5, %mul3A_2938 : vector<16xf32>
    %get3A_2940 = arith.constant 20 : i32
    %get3A_2941 = arith.index_cast %get3A_2940 : i32 to index
    %get3A_2942 = arith.constant 16 : index
    %get3A_2943 = tpu.vector_load %arg6[%get3A_2941, %get3A_2942] {strides = array<i32>} : memref<64x128xf32, #tpu.memory_space<vmem>>, vector<1x16xf32>,
    %get3A_2944 = vector.shape_cast %get3A_2943 : vector<1x16xf32> to vector<16xf32>
    %get3A_2945 = arith.constant 52 : i32
    %get3A_2946 = arith.index_cast %get3A_2945 : i32 to index
    %get3A_2947 = arith.constant 16 : index
    %get3A_2948 = tpu.vector_load %arg6[%get3A_2946, %get3A_2947] {strides = array<i32>} : memref<64x128xf32, #tpu.memory_space<vmem>>, vector<1x16xf32>,
    %get3A_2949 = vector.shape_cast %get3A_2948 : vector<1x16xf32> to vector<16xf32>
    %mul3A_2950 = arith.mulf %get3A_2944, %get3A_2949 : vector<16xf32>
    %add3A_2951 = arith.addf %add3A_2935, %mul3A_2950 : vector<16xf32>
    %mul3A_2952 = arith.mulf %get3A_2944, %get3A_2944 : vector<16xf32>
    %add3A_2953 = arith.addf %add3A_2937, %mul3A_2952 : vector<16xf32>
    %mul3A_2954 = arith.mulf %get3A_2949, %get3A_2949 : vector<16xf32>
    %add3A_2955 = arith.addf %add3A_2939, %mul3A_2954 : vector<16xf32>
    %get3A_2956 = arith.constant 20 : i32
    %get3A_2957 = arith.index_cast %get3A_2956 : i32 to index
    %get3A_2958 = arith.constant 32 : index
    %get3A_2959 = tpu.vector_load %arg6[%get3A_2957, %get3A_2958] {strides = array<i32>} : memref<64x128xf32, #tpu.memory_space<vmem>>, vector<1x16xf32>,
    %get3A_2960 = vector.shape_cast %get3A_2959 : vector<1x16xf32> to vector<16xf32>
    %get3A_2961 = arith.constant 52 : i32
    %get3A_2962 = arith.index_cast %get3A_2961 : i32 to index
    %get3A_2963 = arith.constant 32 : index
    %get3A_2964 = tpu.vector_load %arg6[%get3A_2962, %get3A_2963] {strides = array<i32>} : memref<64x128xf32, #tpu.memory_space<vmem>>, vector<1x16xf32>,
    %get3A_2965 = vector.shape_cast %get3A_2964 : vector<1x16xf32> to vector<16xf32>
    %mul3A_2966 = arith.mulf %get3A_2960, %get3A_2965 : vector<16xf32>
    %add3A_2967 = arith.addf %add3A_2951, %mul3A_2966 : vector<16xf32>
    %mul3A_2968 = arith.mulf %get3A_2960, %get3A_2960 : vector<16xf32>
    %add3A_2969 = arith.addf %add3A_2953, %mul3A_2968 : vector<16xf32>
    %mul3A_2970 = arith.mulf %get3A_2965, %get3A_2965 : vector<16xf32>
    %add3A_2971 = arith.addf %add3A_2955, %mul3A_2970 : vector<16xf32>
    %get3A_2972 = arith.constant 20 : i32
    %get3A_2973 = arith.index_cast %get3A_2972 : i32 to index
    %get3A_2974 = arith.constant 48 : index
    %get3A_2975 = tpu.vector_load %arg6[%get3A_2973, %get3A_2974] {strides = array<i32>} : memref<64x128xf32, #tpu.memory_space<vmem>>, vector<1x16xf32>,
    %get3A_2976 = vector.shape_cast %get3A_2975 : vector<1x16xf32> to vector<16xf32>
    %get3A_2977 = arith.constant 52 : i32
    %get3A_2978 = arith.index_cast %get3A_2977 : i32 to index
    %get3A_2979 = arith.constant 48 : index
    %get3A_2980 = tpu.vector_load %arg6[%get3A_2978, %get3A_2979] {strides = array<i32>} : memref<64x128xf32, #tpu.memory_space<vmem>>, vector<1x16xf32>,
    %get3A_2981 = vector.shape_cast %get3A_2980 : vector<1x16xf32> to vector<16xf32>
    %mul3A_2982 = arith.mulf %get3A_2976, %get3A_2981 : vector<16xf32>
    %add3A_2983 = arith.addf %add3A_2967, %mul3A_2982 : vector<16xf32>
    %mul3A_2984 = arith.mulf %get3A_2976, %get3A_2976 : vector<16xf32>
    %add3A_2985 = arith.addf %add3A_2969, %mul3A_2984 : vector<16xf32>
    %mul3A_2986 = arith.mulf %get3A_2981, %get3A_2981 : vector<16xf32>
    %add3A_2987 = arith.addf %add3A_2971, %mul3A_2986 : vector<16xf32>
    %get3A_2988 = arith.constant 20 : i32
    %get3A_2989 = arith.index_cast %get3A_2988 : i32 to index
    %get3A_2990 = arith.constant 64 : index
    %get3A_2991 = tpu.vector_load %arg6[%get3A_2989, %get3A_2990] {strides = array<i32>} : memref<64x128xf32, #tpu.memory_space<vmem>>, vector<1x16xf32>,
    %get3A_2992 = vector.shape_cast %get3A_2991 : vector<1x16xf32> to vector<16xf32>
    %get3A_2993 = arith.constant 52 : i32
    %get3A_2994 = arith.index_cast %get3A_2993 : i32 to index
    %get3A_2995 = arith.constant 64 : index
    %get3A_2996 = tpu.vector_load %arg6[%get3A_2994, %get3A_2995] {strides = array<i32>} : memref<64x128xf32, #tpu.memory_space<vmem>>, vector<1x16xf32>,
    %get3A_2997 = vector.shape_cast %get3A_2996 : vector<1x16xf32> to vector<16xf32>
    %mul3A_2998 = arith.mulf %get3A_2992, %get3A_2997 : vector<16xf32>
    %add3A_2999 = arith.addf %add3A_2983, %mul3A_2998 : vector<16xf32>
    %mul3A_3000 = arith.mulf %get3A_2992, %get3A_2992 : vector<16xf32>
    %add3A_3001 = arith.addf %add3A_2985, %mul3A_3000 : vector<16xf32>
    %mul3A_3002 = arith.mulf %get3A_2997, %get3A_2997 : vector<16xf32>
    %add3A_3003 = arith.addf %add3A_2987, %mul3A_3002 : vector<16xf32>
    %get3A_3004 = arith.constant 20 : i32
    %get3A_3005 = arith.index_cast %get3A_3004 : i32 to index
    %get3A_3006 = arith.constant 80 : index
    %get3A_3007 = tpu.vector_load %arg6[%get3A_3005, %get3A_3006] {strides = array<i32>} : memref<64x128xf32, #tpu.memory_space<vmem>>, vector<1x16xf32>,
    %get3A_3008 = vector.shape_cast %get3A_3007 : vector<1x16xf32> to vector<16xf32>
    %get3A_3009 = arith.constant 52 : i32
    %get3A_3010 = arith.index_cast %get3A_3009 : i32 to index
    %get3A_3011 = arith.constant 80 : index
    %get3A_3012 = tpu.vector_load %arg6[%get3A_3010, %get3A_3011] {strides = array<i32>} : memref<64x128xf32, #tpu.memory_space<vmem>>, vector<1x16xf32>,
    %get3A_3013 = vector.shape_cast %get3A_3012 : vector<1x16xf32> to vector<16xf32>
    %mul3A_3014 = arith.mulf %get3A_3008, %get3A_3013 : vector<16xf32>
    %add3A_3015 = arith.addf %add3A_2999, %mul3A_3014 : vector<16xf32>
    %mul3A_3016 = arith.mulf %get3A_3008, %get3A_3008 : vector<16xf32>
    %add3A_3017 = arith.addf %add3A_3001, %mul3A_3016 : vector<16xf32>
    %mul3A_3018 = arith.mulf %get3A_3013, %get3A_3013 : vector<16xf32>
    %add3A_3019 = arith.addf %add3A_3003, %mul3A_3018 : vector<16xf32>
    %get3A_3020 = arith.constant 20 : i32
    %get3A_3021 = arith.index_cast %get3A_3020 : i32 to index
    %get3A_3022 = arith.constant 96 : index
    %get3A_3023 = tpu.vector_load %arg6[%get3A_3021, %get3A_3022] {strides = array<i32>} : memref<64x128xf32, #tpu.memory_space<vmem>>, vector<1x16xf32>,
    %get3A_3024 = vector.shape_cast %get3A_3023 : vector<1x16xf32> to vector<16xf32>
    %get3A_3025 = arith.constant 52 : i32
    %get3A_3026 = arith.index_cast %get3A_3025 : i32 to index
    %get3A_3027 = arith.constant 96 : index
    %get3A_3028 = tpu.vector_load %arg6[%get3A_3026, %get3A_3027] {strides = array<i32>} : memref<64x128xf32, #tpu.memory_space<vmem>>, vector<1x16xf32>,
    %get3A_3029 = vector.shape_cast %get3A_3028 : vector<1x16xf32> to vector<16xf32>
    %mul3A_3030 = arith.mulf %get3A_3024, %get3A_3029 : vector<16xf32>
    %add3A_3031 = arith.addf %add3A_3015, %mul3A_3030 : vector<16xf32>
    %mul3A_3032 = arith.mulf %get3A_3024, %get3A_3024 : vector<16xf32>
    %add3A_3033 = arith.addf %add3A_3017, %mul3A_3032 : vector<16xf32>
    %mul3A_3034 = arith.mulf %get3A_3029, %get3A_3029 : vector<16xf32>
    %add3A_3035 = arith.addf %add3A_3019, %mul3A_3034 : vector<16xf32>
    %get3A_3036 = arith.constant 20 : i32
    %get3A_3037 = arith.index_cast %get3A_3036 : i32 to index
    %get3A_3038 = arith.constant 112 : index
    %get3A_3039 = tpu.vector_load %arg6[%get3A_3037, %get3A_3038] {strides = array<i32>} : memref<64x128xf32, #tpu.memory_space<vmem>>, vector<1x16xf32>,
    %get3A_3040 = vector.shape_cast %get3A_3039 : vector<1x16xf32> to vector<16xf32>
    %get3A_3041 = arith.constant 52 : i32
    %get3A_3042 = arith.index_cast %get3A_3041 : i32 to index
    %get3A_3043 = arith.constant 112 : index
    %get3A_3044 = tpu.vector_load %arg6[%get3A_3042, %get3A_3043] {strides = array<i32>} : memref<64x128xf32, #tpu.memory_space<vmem>>, vector<1x16xf32>,
    %get3A_3045 = vector.shape_cast %get3A_3044 : vector<1x16xf32> to vector<16xf32>
    %mul3A_3046 = arith.mulf %get3A_3040, %get3A_3045 : vector<16xf32>
    %add3A_3047 = arith.addf %add3A_3031, %mul3A_3046 : vector<16xf32>
    %mul3A_3048 = arith.mulf %get3A_3040, %get3A_3040 : vector<16xf32>
    %add3A_3049 = arith.addf %add3A_3033, %mul3A_3048 : vector<16xf32>
    %mul3A_3050 = arith.mulf %get3A_3045, %get3A_3045 : vector<16xf32>
    %add3A_3051 = arith.addf %add3A_3035, %mul3A_3050 : vector<16xf32>
    %swap3A_3052 = arith.constant 20 : i32
    %swap3A_3053 = arith.index_cast %swap3A_3052 : i32 to index
    %swap3A_3054 = arith.constant 0 : index
    %swap3A_3055 = tpu.vector_load %arg7[%swap3A_3053, %swap3A_3054] {strides = array<i32>} : memref<32x48xf32, #tpu.memory_space<vmem>>, vector<1x16xf32>,
    %swap3A_3056 = vector.shape_cast %swap3A_3055 : vector<1x16xf32> to vector<16xf32>
    %swap3A_3057 = vector.shape_cast %add3A_3047 : vector<16xf32> to vector<1x16xf32>
    tpu.vector_store %arg7[%swap3A_3053, %swap3A_3054], %swap3A_3057 {strides = array<i32>} : memref<32x48xf32, #tpu.memory_space<vmem>>, vector<1x16xf32>,
    %swap3A_3058 = arith.constant 20 : i32
    %swap3A_3059 = arith.index_cast %swap3A_3058 : i32 to index
    %swap3A_3060 = arith.constant 16 : index
    %swap3A_3061 = tpu.vector_load %arg7[%swap3A_3059, %swap3A_3060] {strides = array<i32>} : memref<32x48xf32, #tpu.memory_space<vmem>>, vector<1x16xf32>,
    %swap3A_3062 = vector.shape_cast %swap3A_3061 : vector<1x16xf32> to vector<16xf32>
    %swap3A_3063 = vector.shape_cast %add3A_3049 : vector<16xf32> to vector<1x16xf32>
    tpu.vector_store %arg7[%swap3A_3059, %swap3A_3060], %swap3A_3063 {strides = array<i32>} : memref<32x48xf32, #tpu.memory_space<vmem>>, vector<1x16xf32>,
    %swap3A_3064 = arith.constant 20 : i32
    %swap3A_3065 = arith.index_cast %swap3A_3064 : i32 to index
    %swap3A_3066 = arith.constant 32 : index
    %swap3A_3067 = tpu.vector_load %arg7[%swap3A_3065, %swap3A_3066] {strides = array<i32>} : memref<32x48xf32, #tpu.memory_space<vmem>>, vector<1x16xf32>,
    %swap3A_3068 = vector.shape_cast %swap3A_3067 : vector<1x16xf32> to vector<16xf32>
    %swap3A_3069 = vector.shape_cast %add3A_3051 : vector<16xf32> to vector<1x16xf32>
    tpu.vector_store %arg7[%swap3A_3065, %swap3A_3066], %swap3A_3069 {strides = array<i32>} : memref<32x48xf32, #tpu.memory_space<vmem>>, vector<1x16xf32>,
    %get3A_3070 = arith.constant 21 : i32
    %get3A_3071 = arith.index_cast %get3A_3070 : i32 to index
    %get3A_3072 = arith.constant 0 : index
    %get3A_3073 = tpu.vector_load %arg6[%get3A_3071, %get3A_3072] {strides = array<i32>} : memref<64x128xf32, #tpu.memory_space<vmem>>, vector<1x16xf32>,
    %get3A_3074 = vector.shape_cast %get3A_3073 : vector<1x16xf32> to vector<16xf32>
    %get3A_3075 = arith.constant 53 : i32
    %get3A_3076 = arith.index_cast %get3A_3075 : i32 to index
    %get3A_3077 = arith.constant 0 : index
    %get3A_3078 = tpu.vector_load %arg6[%get3A_3076, %get3A_3077] {strides = array<i32>} : memref<64x128xf32, #tpu.memory_space<vmem>>, vector<1x16xf32>,
    %get3A_3079 = vector.shape_cast %get3A_3078 : vector<1x16xf32> to vector<16xf32>
    %mul3A_3080 = arith.mulf %get3A_3074, %get3A_3079 : vector<16xf32>
    %add3A_3081 = arith.addf %broadcast_in_dim3A_5, %mul3A_3080 : vector<16xf32>
    %mul3A_3082 = arith.mulf %get3A_3074, %get3A_3074 : vector<16xf32>
    %add3A_3083 = arith.addf %broadcast_in_dim3A_5, %mul3A_3082 : vector<16xf32>
    %mul3A_3084 = arith.mulf %get3A_3079, %get3A_3079 : vector<16xf32>
    %add3A_3085 = arith.addf %broadcast_in_dim3A_5, %mul3A_3084 : vector<16xf32>
    %get3A_3086 = arith.constant 21 : i32
    %get3A_3087 = arith.index_cast %get3A_3086 : i32 to index
    %get3A_3088 = arith.constant 16 : index
    %get3A_3089 = tpu.vector_load %arg6[%get3A_3087, %get3A_3088] {strides = array<i32>} : memref<64x128xf32, #tpu.memory_space<vmem>>, vector<1x16xf32>,
    %get3A_3090 = vector.shape_cast %get3A_3089 : vector<1x16xf32> to vector<16xf32>
    %get3A_3091 = arith.constant 53 : i32
    %get3A_3092 = arith.index_cast %get3A_3091 : i32 to index
    %get3A_3093 = arith.constant 16 : index
    %get3A_3094 = tpu.vector_load %arg6[%get3A_3092, %get3A_3093] {strides = array<i32>} : memref<64x128xf32, #tpu.memory_space<vmem>>, vector<1x16xf32>,
    %get3A_3095 = vector.shape_cast %get3A_3094 : vector<1x16xf32> to vector<16xf32>
    %mul3A_3096 = arith.mulf %get3A_3090, %get3A_3095 : vector<16xf32>
    %add3A_3097 = arith.addf %add3A_3081, %mul3A_3096 : vector<16xf32>
    %mul3A_3098 = arith.mulf %get3A_3090, %get3A_3090 : vector<16xf32>
    %add3A_3099 = arith.addf %add3A_3083, %mul3A_3098 : vector<16xf32>
    %mul3A_3100 = arith.mulf %get3A_3095, %get3A_3095 : vector<16xf32>
    %add3A_3101 = arith.addf %add3A_3085, %mul3A_3100 : vector<16xf32>
    %get3A_3102 = arith.constant 21 : i32
    %get3A_3103 = arith.index_cast %get3A_3102 : i32 to index
    %get3A_3104 = arith.constant 32 : index
    %get3A_3105 = tpu.vector_load %arg6[%get3A_3103, %get3A_3104] {strides = array<i32>} : memref<64x128xf32, #tpu.memory_space<vmem>>, vector<1x16xf32>,
    %get3A_3106 = vector.shape_cast %get3A_3105 : vector<1x16xf32> to vector<16xf32>
    %get3A_3107 = arith.constant 53 : i32
    %get3A_3108 = arith.index_cast %get3A_3107 : i32 to index
    %get3A_3109 = arith.constant 32 : index
    %get3A_3110 = tpu.vector_load %arg6[%get3A_3108, %get3A_3109] {strides = array<i32>} : memref<64x128xf32, #tpu.memory_space<vmem>>, vector<1x16xf32>,
    %get3A_3111 = vector.shape_cast %get3A_3110 : vector<1x16xf32> to vector<16xf32>
    %mul3A_3112 = arith.mulf %get3A_3106, %get3A_3111 : vector<16xf32>
    %add3A_3113 = arith.addf %add3A_3097, %mul3A_3112 : vector<16xf32>
    %mul3A_3114 = arith.mulf %get3A_3106, %get3A_3106 : vector<16xf32>
    %add3A_3115 = arith.addf %add3A_3099, %mul3A_3114 : vector<16xf32>
    %mul3A_3116 = arith.mulf %get3A_3111, %get3A_3111 : vector<16xf32>
    %add3A_3117 = arith.addf %add3A_3101, %mul3A_3116 : vector<16xf32>
    %get3A_3118 = arith.constant 21 : i32
    %get3A_3119 = arith.index_cast %get3A_3118 : i32 to index
    %get3A_3120 = arith.constant 48 : index
    %get3A_3121 = tpu.vector_load %arg6[%get3A_3119, %get3A_3120] {strides = array<i32>} : memref<64x128xf32, #tpu.memory_space<vmem>>, vector<1x16xf32>,
    %get3A_3122 = vector.shape_cast %get3A_3121 : vector<1x16xf32> to vector<16xf32>
    %get3A_3123 = arith.constant 53 : i32
    %get3A_3124 = arith.index_cast %get3A_3123 : i32 to index
    %get3A_3125 = arith.constant 48 : index
    %get3A_3126 = tpu.vector_load %arg6[%get3A_3124, %get3A_3125] {strides = array<i32>} : memref<64x128xf32, #tpu.memory_space<vmem>>, vector<1x16xf32>,
    %get3A_3127 = vector.shape_cast %get3A_3126 : vector<1x16xf32> to vector<16xf32>
    %mul3A_3128 = arith.mulf %get3A_3122, %get3A_3127 : vector<16xf32>
    %add3A_3129 = arith.addf %add3A_3113, %mul3A_3128 : vector<16xf32>
    %mul3A_3130 = arith.mulf %get3A_3122, %get3A_3122 : vector<16xf32>
    %add3A_3131 = arith.addf %add3A_3115, %mul3A_3130 : vector<16xf32>
    %mul3A_3132 = arith.mulf %get3A_3127, %get3A_3127 : vector<16xf32>
    %add3A_3133 = arith.addf %add3A_3117, %mul3A_3132 : vector<16xf32>
    %get3A_3134 = arith.constant 21 : i32
    %get3A_3135 = arith.index_cast %get3A_3134 : i32 to index
    %get3A_3136 = arith.constant 64 : index
    %get3A_3137 = tpu.vector_load %arg6[%get3A_3135, %get3A_3136] {strides = array<i32>} : memref<64x128xf32, #tpu.memory_space<vmem>>, vector<1x16xf32>,
    %get3A_3138 = vector.shape_cast %get3A_3137 : vector<1x16xf32> to vector<16xf32>
    %get3A_3139 = arith.constant 53 : i32
    %get3A_3140 = arith.index_cast %get3A_3139 : i32 to index
    %get3A_3141 = arith.constant 64 : index
    %get3A_3142 = tpu.vector_load %arg6[%get3A_3140, %get3A_3141] {strides = array<i32>} : memref<64x128xf32, #tpu.memory_space<vmem>>, vector<1x16xf32>,
    %get3A_3143 = vector.shape_cast %get3A_3142 : vector<1x16xf32> to vector<16xf32>
    %mul3A_3144 = arith.mulf %get3A_3138, %get3A_3143 : vector<16xf32>
    %add3A_3145 = arith.addf %add3A_3129, %mul3A_3144 : vector<16xf32>
    %mul3A_3146 = arith.mulf %get3A_3138, %get3A_3138 : vector<16xf32>
    %add3A_3147 = arith.addf %add3A_3131, %mul3A_3146 : vector<16xf32>
    %mul3A_3148 = arith.mulf %get3A_3143, %get3A_3143 : vector<16xf32>
    %add3A_3149 = arith.addf %add3A_3133, %mul3A_3148 : vector<16xf32>
    %get3A_3150 = arith.constant 21 : i32
    %get3A_3151 = arith.index_cast %get3A_3150 : i32 to index
    %get3A_3152 = arith.constant 80 : index
    %get3A_3153 = tpu.vector_load %arg6[%get3A_3151, %get3A_3152] {strides = array<i32>} : memref<64x128xf32, #tpu.memory_space<vmem>>, vector<1x16xf32>,
    %get3A_3154 = vector.shape_cast %get3A_3153 : vector<1x16xf32> to vector<16xf32>
    %get3A_3155 = arith.constant 53 : i32
    %get3A_3156 = arith.index_cast %get3A_3155 : i32 to index
    %get3A_3157 = arith.constant 80 : index
    %get3A_3158 = tpu.vector_load %arg6[%get3A_3156, %get3A_3157] {strides = array<i32>} : memref<64x128xf32, #tpu.memory_space<vmem>>, vector<1x16xf32>,
    %get3A_3159 = vector.shape_cast %get3A_3158 : vector<1x16xf32> to vector<16xf32>
    %mul3A_3160 = arith.mulf %get3A_3154, %get3A_3159 : vector<16xf32>
    %add3A_3161 = arith.addf %add3A_3145, %mul3A_3160 : vector<16xf32>
    %mul3A_3162 = arith.mulf %get3A_3154, %get3A_3154 : vector<16xf32>
    %add3A_3163 = arith.addf %add3A_3147, %mul3A_3162 : vector<16xf32>
    %mul3A_3164 = arith.mulf %get3A_3159, %get3A_3159 : vector<16xf32>
    %add3A_3165 = arith.addf %add3A_3149, %mul3A_3164 : vector<16xf32>
    %get3A_3166 = arith.constant 21 : i32
    %get3A_3167 = arith.index_cast %get3A_3166 : i32 to index
    %get3A_3168 = arith.constant 96 : index
    %get3A_3169 = tpu.vector_load %arg6[%get3A_3167, %get3A_3168] {strides = array<i32>} : memref<64x128xf32, #tpu.memory_space<vmem>>, vector<1x16xf32>,
    %get3A_3170 = vector.shape_cast %get3A_3169 : vector<1x16xf32> to vector<16xf32>
    %get3A_3171 = arith.constant 53 : i32
    %get3A_3172 = arith.index_cast %get3A_3171 : i32 to index
    %get3A_3173 = arith.constant 96 : index
    %get3A_3174 = tpu.vector_load %arg6[%get3A_3172, %get3A_3173] {strides = array<i32>} : memref<64x128xf32, #tpu.memory_space<vmem>>, vector<1x16xf32>,
    %get3A_3175 = vector.shape_cast %get3A_3174 : vector<1x16xf32> to vector<16xf32>
    %mul3A_3176 = arith.mulf %get3A_3170, %get3A_3175 : vector<16xf32>
    %add3A_3177 = arith.addf %add3A_3161, %mul3A_3176 : vector<16xf32>
    %mul3A_3178 = arith.mulf %get3A_3170, %get3A_3170 : vector<16xf32>
    %add3A_3179 = arith.addf %add3A_3163, %mul3A_3178 : vector<16xf32>
    %mul3A_3180 = arith.mulf %get3A_3175, %get3A_3175 : vector<16xf32>
    %add3A_3181 = arith.addf %add3A_3165, %mul3A_3180 : vector<16xf32>
    %get3A_3182 = arith.constant 21 : i32
    %get3A_3183 = arith.index_cast %get3A_3182 : i32 to index
    %get3A_3184 = arith.constant 112 : index
    %get3A_3185 = tpu.vector_load %arg6[%get3A_3183, %get3A_3184] {strides = array<i32>} : memref<64x128xf32, #tpu.memory_space<vmem>>, vector<1x16xf32>,
    %get3A_3186 = vector.shape_cast %get3A_3185 : vector<1x16xf32> to vector<16xf32>
    %get3A_3187 = arith.constant 53 : i32
    %get3A_3188 = arith.index_cast %get3A_3187 : i32 to index
    %get3A_3189 = arith.constant 112 : index
    %get3A_3190 = tpu.vector_load %arg6[%get3A_3188, %get3A_3189] {strides = array<i32>} : memref<64x128xf32, #tpu.memory_space<vmem>>, vector<1x16xf32>,
    %get3A_3191 = vector.shape_cast %get3A_3190 : vector<1x16xf32> to vector<16xf32>
    %mul3A_3192 = arith.mulf %get3A_3186, %get3A_3191 : vector<16xf32>
    %add3A_3193 = arith.addf %add3A_3177, %mul3A_3192 : vector<16xf32>
    %mul3A_3194 = arith.mulf %get3A_3186, %get3A_3186 : vector<16xf32>
    %add3A_3195 = arith.addf %add3A_3179, %mul3A_3194 : vector<16xf32>
    %mul3A_3196 = arith.mulf %get3A_3191, %get3A_3191 : vector<16xf32>
    %add3A_3197 = arith.addf %add3A_3181, %mul3A_3196 : vector<16xf32>
    %swap3A_3198 = arith.constant 21 : i32
    %swap3A_3199 = arith.index_cast %swap3A_3198 : i32 to index
    %swap3A_3200 = arith.constant 0 : index
    %swap3A_3201 = tpu.vector_load %arg7[%swap3A_3199, %swap3A_3200] {strides = array<i32>} : memref<32x48xf32, #tpu.memory_space<vmem>>, vector<1x16xf32>,
    %swap3A_3202 = vector.shape_cast %swap3A_3201 : vector<1x16xf32> to vector<16xf32>
    %swap3A_3203 = vector.shape_cast %add3A_3193 : vector<16xf32> to vector<1x16xf32>
    tpu.vector_store %arg7[%swap3A_3199, %swap3A_3200], %swap3A_3203 {strides = array<i32>} : memref<32x48xf32, #tpu.memory_space<vmem>>, vector<1x16xf32>,
    %swap3A_3204 = arith.constant 21 : i32
    %swap3A_3205 = arith.index_cast %swap3A_3204 : i32 to index
    %swap3A_3206 = arith.constant 16 : index
    %swap3A_3207 = tpu.vector_load %arg7[%swap3A_3205, %swap3A_3206] {strides = array<i32>} : memref<32x48xf32, #tpu.memory_space<vmem>>, vector<1x16xf32>,
    %swap3A_3208 = vector.shape_cast %swap3A_3207 : vector<1x16xf32> to vector<16xf32>
    %swap3A_3209 = vector.shape_cast %add3A_3195 : vector<16xf32> to vector<1x16xf32>
    tpu.vector_store %arg7[%swap3A_3205, %swap3A_3206], %swap3A_3209 {strides = array<i32>} : memref<32x48xf32, #tpu.memory_space<vmem>>, vector<1x16xf32>,
    %swap3A_3210 = arith.constant 21 : i32
    %swap3A_3211 = arith.index_cast %swap3A_3210 : i32 to index
    %swap3A_3212 = arith.constant 32 : index
    %swap3A_3213 = tpu.vector_load %arg7[%swap3A_3211, %swap3A_3212] {strides = array<i32>} : memref<32x48xf32, #tpu.memory_space<vmem>>, vector<1x16xf32>,
    %swap3A_3214 = vector.shape_cast %swap3A_3213 : vector<1x16xf32> to vector<16xf32>
    %swap3A_3215 = vector.shape_cast %add3A_3197 : vector<16xf32> to vector<1x16xf32>
    tpu.vector_store %arg7[%swap3A_3211, %swap3A_3212], %swap3A_3215 {strides = array<i32>} : memref<32x48xf32, #tpu.memory_space<vmem>>, vector<1x16xf32>,
    %get3A_3216 = arith.constant 22 : i32
    %get3A_3217 = arith.index_cast %get3A_3216 : i32 to index
    %get3A_3218 = arith.constant 0 : index
    %get3A_3219 = tpu.vector_load %arg6[%get3A_3217, %get3A_3218] {strides = array<i32>} : memref<64x128xf32, #tpu.memory_space<vmem>>, vector<1x16xf32>,
    %get3A_3220 = vector.shape_cast %get3A_3219 : vector<1x16xf32> to vector<16xf32>
    %get3A_3221 = arith.constant 54 : i32
    %get3A_3222 = arith.index_cast %get3A_3221 : i32 to index
    %get3A_3223 = arith.constant 0 : index
    %get3A_3224 = tpu.vector_load %arg6[%get3A_3222, %get3A_3223] {strides = array<i32>} : memref<64x128xf32, #tpu.memory_space<vmem>>, vector<1x16xf32>,
    %get3A_3225 = vector.shape_cast %get3A_3224 : vector<1x16xf32> to vector<16xf32>
    %mul3A_3226 = arith.mulf %get3A_3220, %get3A_3225 : vector<16xf32>
    %add3A_3227 = arith.addf %broadcast_in_dim3A_5, %mul3A_3226 : vector<16xf32>
    %mul3A_3228 = arith.mulf %get3A_3220, %get3A_3220 : vector<16xf32>
    %add3A_3229 = arith.addf %broadcast_in_dim3A_5, %mul3A_3228 : vector<16xf32>
    %mul3A_3230 = arith.mulf %get3A_3225, %get3A_3225 : vector<16xf32>
    %add3A_3231 = arith.addf %broadcast_in_dim3A_5, %mul3A_3230 : vector<16xf32>
    %get3A_3232 = arith.constant 22 : i32
    %get3A_3233 = arith.index_cast %get3A_3232 : i32 to index
    %get3A_3234 = arith.constant 16 : index
    %get3A_3235 = tpu.vector_load %arg6[%get3A_3233, %get3A_3234] {strides = array<i32>} : memref<64x128xf32, #tpu.memory_space<vmem>>, vector<1x16xf32>,
    %get3A_3236 = vector.shape_cast %get3A_3235 : vector<1x16xf32> to vector<16xf32>
    %get3A_3237 = arith.constant 54 : i32
    %get3A_3238 = arith.index_cast %get3A_3237 : i32 to index
    %get3A_3239 = arith.constant 16 : index
    %get3A_3240 = tpu.vector_load %arg6[%get3A_3238, %get3A_3239] {strides = array<i32>} : memref<64x128xf32, #tpu.memory_space<vmem>>, vector<1x16xf32>,
    %get3A_3241 = vector.shape_cast %get3A_3240 : vector<1x16xf32> to vector<16xf32>
    %mul3A_3242 = arith.mulf %get3A_3236, %get3A_3241 : vector<16xf32>
    %add3A_3243 = arith.addf %add3A_3227, %mul3A_3242 : vector<16xf32>
    %mul3A_3244 = arith.mulf %get3A_3236, %get3A_3236 : vector<16xf32>
    %add3A_3245 = arith.addf %add3A_3229, %mul3A_3244 : vector<16xf32>
    %mul3A_3246 = arith.mulf %get3A_3241, %get3A_3241 : vector<16xf32>
    %add3A_3247 = arith.addf %add3A_3231, %mul3A_3246 : vector<16xf32>
    %get3A_3248 = arith.constant 22 : i32
    %get3A_3249 = arith.index_cast %get3A_3248 : i32 to index
    %get3A_3250 = arith.constant 32 : index
    %get3A_3251 = tpu.vector_load %arg6[%get3A_3249, %get3A_3250] {strides = array<i32>} : memref<64x128xf32, #tpu.memory_space<vmem>>, vector<1x16xf32>,
    %get3A_3252 = vector.shape_cast %get3A_3251 : vector<1x16xf32> to vector<16xf32>
    %get3A_3253 = arith.constant 54 : i32
    %get3A_3254 = arith.index_cast %get3A_3253 : i32 to index
    %get3A_3255 = arith.constant 32 : index
    %get3A_3256 = tpu.vector_load %arg6[%get3A_3254, %get3A_3255] {strides = array<i32>} : memref<64x128xf32, #tpu.memory_space<vmem>>, vector<1x16xf32>,
    %get3A_3257 = vector.shape_cast %get3A_3256 : vector<1x16xf32> to vector<16xf32>
    %mul3A_3258 = arith.mulf %get3A_3252, %get3A_3257 : vector<16xf32>
    %add3A_3259 = arith.addf %add3A_3243, %mul3A_3258 : vector<16xf32>
    %mul3A_3260 = arith.mulf %get3A_3252, %get3A_3252 : vector<16xf32>
    %add3A_3261 = arith.addf %add3A_3245, %mul3A_3260 : vector<16xf32>
    %mul3A_3262 = arith.mulf %get3A_3257, %get3A_3257 : vector<16xf32>
    %add3A_3263 = arith.addf %add3A_3247, %mul3A_3262 : vector<16xf32>
    %get3A_3264 = arith.constant 22 : i32
    %get3A_3265 = arith.index_cast %get3A_3264 : i32 to index
    %get3A_3266 = arith.constant 48 : index
    %get3A_3267 = tpu.vector_load %arg6[%get3A_3265, %get3A_3266] {strides = array<i32>} : memref<64x128xf32, #tpu.memory_space<vmem>>, vector<1x16xf32>,
    %get3A_3268 = vector.shape_cast %get3A_3267 : vector<1x16xf32> to vector<16xf32>
    %get3A_3269 = arith.constant 54 : i32
    %get3A_3270 = arith.index_cast %get3A_3269 : i32 to index
    %get3A_3271 = arith.constant 48 : index
    %get3A_3272 = tpu.vector_load %arg6[%get3A_3270, %get3A_3271] {strides = array<i32>} : memref<64x128xf32, #tpu.memory_space<vmem>>, vector<1x16xf32>,
    %get3A_3273 = vector.shape_cast %get3A_3272 : vector<1x16xf32> to vector<16xf32>
    %mul3A_3274 = arith.mulf %get3A_3268, %get3A_3273 : vector<16xf32>
    %add3A_3275 = arith.addf %add3A_3259, %mul3A_3274 : vector<16xf32>
    %mul3A_3276 = arith.mulf %get3A_3268, %get3A_3268 : vector<16xf32>
    %add3A_3277 = arith.addf %add3A_3261, %mul3A_3276 : vector<16xf32>
    %mul3A_3278 = arith.mulf %get3A_3273, %get3A_3273 : vector<16xf32>
    %add3A_3279 = arith.addf %add3A_3263, %mul3A_3278 : vector<16xf32>
    %get3A_3280 = arith.constant 22 : i32
    %get3A_3281 = arith.index_cast %get3A_3280 : i32 to index
    %get3A_3282 = arith.constant 64 : index
    %get3A_3283 = tpu.vector_load %arg6[%get3A_3281, %get3A_3282] {strides = array<i32>} : memref<64x128xf32, #tpu.memory_space<vmem>>, vector<1x16xf32>,
    %get3A_3284 = vector.shape_cast %get3A_3283 : vector<1x16xf32> to vector<16xf32>
    %get3A_3285 = arith.constant 54 : i32
    %get3A_3286 = arith.index_cast %get3A_3285 : i32 to index
    %get3A_3287 = arith.constant 64 : index
    %get3A_3288 = tpu.vector_load %arg6[%get3A_3286, %get3A_3287] {strides = array<i32>} : memref<64x128xf32, #tpu.memory_space<vmem>>, vector<1x16xf32>,
    %get3A_3289 = vector.shape_cast %get3A_3288 : vector<1x16xf32> to vector<16xf32>
    %mul3A_3290 = arith.mulf %get3A_3284, %get3A_3289 : vector<16xf32>
    %add3A_3291 = arith.addf %add3A_3275, %mul3A_3290 : vector<16xf32>
    %mul3A_3292 = arith.mulf %get3A_3284, %get3A_3284 : vector<16xf32>
    %add3A_3293 = arith.addf %add3A_3277, %mul3A_3292 : vector<16xf32>
    %mul3A_3294 = arith.mulf %get3A_3289, %get3A_3289 : vector<16xf32>
    %add3A_3295 = arith.addf %add3A_3279, %mul3A_3294 : vector<16xf32>
    %get3A_3296 = arith.constant 22 : i32
    %get3A_3297 = arith.index_cast %get3A_3296 : i32 to index
    %get3A_3298 = arith.constant 80 : index
    %get3A_3299 = tpu.vector_load %arg6[%get3A_3297, %get3A_3298] {strides = array<i32>} : memref<64x128xf32, #tpu.memory_space<vmem>>, vector<1x16xf32>,
    %get3A_3300 = vector.shape_cast %get3A_3299 : vector<1x16xf32> to vector<16xf32>
    %get3A_3301 = arith.constant 54 : i32
    %get3A_3302 = arith.index_cast %get3A_3301 : i32 to index
    %get3A_3303 = arith.constant 80 : index
    %get3A_3304 = tpu.vector_load %arg6[%get3A_3302, %get3A_3303] {strides = array<i32>} : memref<64x128xf32, #tpu.memory_space<vmem>>, vector<1x16xf32>,
    %get3A_3305 = vector.shape_cast %get3A_3304 : vector<1x16xf32> to vector<16xf32>
    %mul3A_3306 = arith.mulf %get3A_3300, %get3A_3305 : vector<16xf32>
    %add3A_3307 = arith.addf %add3A_3291, %mul3A_3306 : vector<16xf32>
    %mul3A_3308 = arith.mulf %get3A_3300, %get3A_3300 : vector<16xf32>
    %add3A_3309 = arith.addf %add3A_3293, %mul3A_3308 : vector<16xf32>
    %mul3A_3310 = arith.mulf %get3A_3305, %get3A_3305 : vector<16xf32>
    %add3A_3311 = arith.addf %add3A_3295, %mul3A_3310 : vector<16xf32>
    %get3A_3312 = arith.constant 22 : i32
    %get3A_3313 = arith.index_cast %get3A_3312 : i32 to index
    %get3A_3314 = arith.constant 96 : index
    %get3A_3315 = tpu.vector_load %arg6[%get3A_3313, %get3A_3314] {strides = array<i32>} : memref<64x128xf32, #tpu.memory_space<vmem>>, vector<1x16xf32>,
    %get3A_3316 = vector.shape_cast %get3A_3315 : vector<1x16xf32> to vector<16xf32>
    %get3A_3317 = arith.constant 54 : i32
    %get3A_3318 = arith.index_cast %get3A_3317 : i32 to index
    %get3A_3319 = arith.constant 96 : index
    %get3A_3320 = tpu.vector_load %arg6[%get3A_3318, %get3A_3319] {strides = array<i32>} : memref<64x128xf32, #tpu.memory_space<vmem>>, vector<1x16xf32>,
    %get3A_3321 = vector.shape_cast %get3A_3320 : vector<1x16xf32> to vector<16xf32>
    %mul3A_3322 = arith.mulf %get3A_3316, %get3A_3321 : vector<16xf32>
    %add3A_3323 = arith.addf %add3A_3307, %mul3A_3322 : vector<16xf32>
    %mul3A_3324 = arith.mulf %get3A_3316, %get3A_3316 : vector<16xf32>
    %add3A_3325 = arith.addf %add3A_3309, %mul3A_3324 : vector<16xf32>
    %mul3A_3326 = arith.mulf %get3A_3321, %get3A_3321 : vector<16xf32>
    %add3A_3327 = arith.addf %add3A_3311, %mul3A_3326 : vector<16xf32>
    %get3A_3328 = arith.constant 22 : i32
    %get3A_3329 = arith.index_cast %get3A_3328 : i32 to index
    %get3A_3330 = arith.constant 112 : index
    %get3A_3331 = tpu.vector_load %arg6[%get3A_3329, %get3A_3330] {strides = array<i32>} : memref<64x128xf32, #tpu.memory_space<vmem>>, vector<1x16xf32>,
    %get3A_3332 = vector.shape_cast %get3A_3331 : vector<1x16xf32> to vector<16xf32>
    %get3A_3333 = arith.constant 54 : i32
    %get3A_3334 = arith.index_cast %get3A_3333 : i32 to index
    %get3A_3335 = arith.constant 112 : index
    %get3A_3336 = tpu.vector_load %arg6[%get3A_3334, %get3A_3335] {strides = array<i32>} : memref<64x128xf32, #tpu.memory_space<vmem>>, vector<1x16xf32>,
    %get3A_3337 = vector.shape_cast %get3A_3336 : vector<1x16xf32> to vector<16xf32>
    %mul3A_3338 = arith.mulf %get3A_3332, %get3A_3337 : vector<16xf32>
    %add3A_3339 = arith.addf %add3A_3323, %mul3A_3338 : vector<16xf32>
    %mul3A_3340 = arith.mulf %get3A_3332, %get3A_3332 : vector<16xf32>
    %add3A_3341 = arith.addf %add3A_3325, %mul3A_3340 : vector<16xf32>
    %mul3A_3342 = arith.mulf %get3A_3337, %get3A_3337 : vector<16xf32>
    %add3A_3343 = arith.addf %add3A_3327, %mul3A_3342 : vector<16xf32>
    %swap3A_3344 = arith.constant 22 : i32
    %swap3A_3345 = arith.index_cast %swap3A_3344 : i32 to index
    %swap3A_3346 = arith.constant 0 : index
    %swap3A_3347 = tpu.vector_load %arg7[%swap3A_3345, %swap3A_3346] {strides = array<i32>} : memref<32x48xf32, #tpu.memory_space<vmem>>, vector<1x16xf32>,
    %swap3A_3348 = vector.shape_cast %swap3A_3347 : vector<1x16xf32> to vector<16xf32>
    %swap3A_3349 = vector.shape_cast %add3A_3339 : vector<16xf32> to vector<1x16xf32>
    tpu.vector_store %arg7[%swap3A_3345, %swap3A_3346], %swap3A_3349 {strides = array<i32>} : memref<32x48xf32, #tpu.memory_space<vmem>>, vector<1x16xf32>,
    %swap3A_3350 = arith.constant 22 : i32
    %swap3A_3351 = arith.index_cast %swap3A_3350 : i32 to index
    %swap3A_3352 = arith.constant 16 : index
    %swap3A_3353 = tpu.vector_load %arg7[%swap3A_3351, %swap3A_3352] {strides = array<i32>} : memref<32x48xf32, #tpu.memory_space<vmem>>, vector<1x16xf32>,
    %swap3A_3354 = vector.shape_cast %swap3A_3353 : vector<1x16xf32> to vector<16xf32>
    %swap3A_3355 = vector.shape_cast %add3A_3341 : vector<16xf32> to vector<1x16xf32>
    tpu.vector_store %arg7[%swap3A_3351, %swap3A_3352], %swap3A_3355 {strides = array<i32>} : memref<32x48xf32, #tpu.memory_space<vmem>>, vector<1x16xf32>,
    %swap3A_3356 = arith.constant 22 : i32
    %swap3A_3357 = arith.index_cast %swap3A_3356 : i32 to index
    %swap3A_3358 = arith.constant 32 : index
    %swap3A_3359 = tpu.vector_load %arg7[%swap3A_3357, %swap3A_3358] {strides = array<i32>} : memref<32x48xf32, #tpu.memory_space<vmem>>, vector<1x16xf32>,
    %swap3A_3360 = vector.shape_cast %swap3A_3359 : vector<1x16xf32> to vector<16xf32>
    %swap3A_3361 = vector.shape_cast %add3A_3343 : vector<16xf32> to vector<1x16xf32>
    tpu.vector_store %arg7[%swap3A_3357, %swap3A_3358], %swap3A_3361 {strides = array<i32>} : memref<32x48xf32, #tpu.memory_space<vmem>>, vector<1x16xf32>,
    %get3A_3362 = arith.constant 23 : i32
    %get3A_3363 = arith.index_cast %get3A_3362 : i32 to index
    %get3A_3364 = arith.constant 0 : index
    %get3A_3365 = tpu.vector_load %arg6[%get3A_3363, %get3A_3364] {strides = array<i32>} : memref<64x128xf32, #tpu.memory_space<vmem>>, vector<1x16xf32>,
    %get3A_3366 = vector.shape_cast %get3A_3365 : vector<1x16xf32> to vector<16xf32>
    %get3A_3367 = arith.constant 55 : i32
    %get3A_3368 = arith.index_cast %get3A_3367 : i32 to index
    %get3A_3369 = arith.constant 0 : index
    %get3A_3370 = tpu.vector_load %arg6[%get3A_3368, %get3A_3369] {strides = array<i32>} : memref<64x128xf32, #tpu.memory_space<vmem>>, vector<1x16xf32>,
    %get3A_3371 = vector.shape_cast %get3A_3370 : vector<1x16xf32> to vector<16xf32>
    %mul3A_3372 = arith.mulf %get3A_3366, %get3A_3371 : vector<16xf32>
    %add3A_3373 = arith.addf %broadcast_in_dim3A_5, %mul3A_3372 : vector<16xf32>
    %mul3A_3374 = arith.mulf %get3A_3366, %get3A_3366 : vector<16xf32>
    %add3A_3375 = arith.addf %broadcast_in_dim3A_5, %mul3A_3374 : vector<16xf32>
    %mul3A_3376 = arith.mulf %get3A_3371, %get3A_3371 : vector<16xf32>
    %add3A_3377 = arith.addf %broadcast_in_dim3A_5, %mul3A_3376 : vector<16xf32>
    %get3A_3378 = arith.constant 23 : i32
    %get3A_3379 = arith.index_cast %get3A_3378 : i32 to index
    %get3A_3380 = arith.constant 16 : index
    %get3A_3381 = tpu.vector_load %arg6[%get3A_3379, %get3A_3380] {strides = array<i32>} : memref<64x128xf32, #tpu.memory_space<vmem>>, vector<1x16xf32>,
    %get3A_3382 = vector.shape_cast %get3A_3381 : vector<1x16xf32> to vector<16xf32>
    %get3A_3383 = arith.constant 55 : i32
    %get3A_3384 = arith.index_cast %get3A_3383 : i32 to index
    %get3A_3385 = arith.constant 16 : index
    %get3A_3386 = tpu.vector_load %arg6[%get3A_3384, %get3A_3385] {strides = array<i32>} : memref<64x128xf32, #tpu.memory_space<vmem>>, vector<1x16xf32>,
    %get3A_3387 = vector.shape_cast %get3A_3386 : vector<1x16xf32> to vector<16xf32>
    %mul3A_3388 = arith.mulf %get3A_3382, %get3A_3387 : vector<16xf32>
    %add3A_3389 = arith.addf %add3A_3373, %mul3A_3388 : vector<16xf32>
    %mul3A_3390 = arith.mulf %get3A_3382, %get3A_3382 : vector<16xf32>
    %add3A_3391 = arith.addf %add3A_3375, %mul3A_3390 : vector<16xf32>
    %mul3A_3392 = arith.mulf %get3A_3387, %get3A_3387 : vector<16xf32>
    %add3A_3393 = arith.addf %add3A_3377, %mul3A_3392 : vector<16xf32>
    %get3A_3394 = arith.constant 23 : i32
    %get3A_3395 = arith.index_cast %get3A_3394 : i32 to index
    %get3A_3396 = arith.constant 32 : index
    %get3A_3397 = tpu.vector_load %arg6[%get3A_3395, %get3A_3396] {strides = array<i32>} : memref<64x128xf32, #tpu.memory_space<vmem>>, vector<1x16xf32>,
    %get3A_3398 = vector.shape_cast %get3A_3397 : vector<1x16xf32> to vector<16xf32>
    %get3A_3399 = arith.constant 55 : i32
    %get3A_3400 = arith.index_cast %get3A_3399 : i32 to index
    %get3A_3401 = arith.constant 32 : index
    %get3A_3402 = tpu.vector_load %arg6[%get3A_3400, %get3A_3401] {strides = array<i32>} : memref<64x128xf32, #tpu.memory_space<vmem>>, vector<1x16xf32>,
    %get3A_3403 = vector.shape_cast %get3A_3402 : vector<1x16xf32> to vector<16xf32>
    %mul3A_3404 = arith.mulf %get3A_3398, %get3A_3403 : vector<16xf32>
    %add3A_3405 = arith.addf %add3A_3389, %mul3A_3404 : vector<16xf32>
    %mul3A_3406 = arith.mulf %get3A_3398, %get3A_3398 : vector<16xf32>
    %add3A_3407 = arith.addf %add3A_3391, %mul3A_3406 : vector<16xf32>
    %mul3A_3408 = arith.mulf %get3A_3403, %get3A_3403 : vector<16xf32>
    %add3A_3409 = arith.addf %add3A_3393, %mul3A_3408 : vector<16xf32>
    %get3A_3410 = arith.constant 23 : i32
    %get3A_3411 = arith.index_cast %get3A_3410 : i32 to index
    %get3A_3412 = arith.constant 48 : index
    %get3A_3413 = tpu.vector_load %arg6[%get3A_3411, %get3A_3412] {strides = array<i32>} : memref<64x128xf32, #tpu.memory_space<vmem>>, vector<1x16xf32>,
    %get3A_3414 = vector.shape_cast %get3A_3413 : vector<1x16xf32> to vector<16xf32>
    %get3A_3415 = arith.constant 55 : i32
    %get3A_3416 = arith.index_cast %get3A_3415 : i32 to index
    %get3A_3417 = arith.constant 48 : index
    %get3A_3418 = tpu.vector_load %arg6[%get3A_3416, %get3A_3417] {strides = array<i32>} : memref<64x128xf32, #tpu.memory_space<vmem>>, vector<1x16xf32>,
    %get3A_3419 = vector.shape_cast %get3A_3418 : vector<1x16xf32> to vector<16xf32>
    %mul3A_3420 = arith.mulf %get3A_3414, %get3A_3419 : vector<16xf32>
    %add3A_3421 = arith.addf %add3A_3405, %mul3A_3420 : vector<16xf32>
    %mul3A_3422 = arith.mulf %get3A_3414, %get3A_3414 : vector<16xf32>
    %add3A_3423 = arith.addf %add3A_3407, %mul3A_3422 : vector<16xf32>
    %mul3A_3424 = arith.mulf %get3A_3419, %get3A_3419 : vector<16xf32>
    %add3A_3425 = arith.addf %add3A_3409, %mul3A_3424 : vector<16xf32>
    %get3A_3426 = arith.constant 23 : i32
    %get3A_3427 = arith.index_cast %get3A_3426 : i32 to index
    %get3A_3428 = arith.constant 64 : index
    %get3A_3429 = tpu.vector_load %arg6[%get3A_3427, %get3A_3428] {strides = array<i32>} : memref<64x128xf32, #tpu.memory_space<vmem>>, vector<1x16xf32>,
    %get3A_3430 = vector.shape_cast %get3A_3429 : vector<1x16xf32> to vector<16xf32>
    %get3A_3431 = arith.constant 55 : i32
    %get3A_3432 = arith.index_cast %get3A_3431 : i32 to index
    %get3A_3433 = arith.constant 64 : index
    %get3A_3434 = tpu.vector_load %arg6[%get3A_3432, %get3A_3433] {strides = array<i32>} : memref<64x128xf32, #tpu.memory_space<vmem>>, vector<1x16xf32>,
    %get3A_3435 = vector.shape_cast %get3A_3434 : vector<1x16xf32> to vector<16xf32>
    %mul3A_3436 = arith.mulf %get3A_3430, %get3A_3435 : vector<16xf32>
    %add3A_3437 = arith.addf %add3A_3421, %mul3A_3436 : vector<16xf32>
    %mul3A_3438 = arith.mulf %get3A_3430, %get3A_3430 : vector<16xf32>
    %add3A_3439 = arith.addf %add3A_3423, %mul3A_3438 : vector<16xf32>
    %mul3A_3440 = arith.mulf %get3A_3435, %get3A_3435 : vector<16xf32>
    %add3A_3441 = arith.addf %add3A_3425, %mul3A_3440 : vector<16xf32>
    %get3A_3442 = arith.constant 23 : i32
    %get3A_3443 = arith.index_cast %get3A_3442 : i32 to index
    %get3A_3444 = arith.constant 80 : index
    %get3A_3445 = tpu.vector_load %arg6[%get3A_3443, %get3A_3444] {strides = array<i32>} : memref<64x128xf32, #tpu.memory_space<vmem>>, vector<1x16xf32>,
    %get3A_3446 = vector.shape_cast %get3A_3445 : vector<1x16xf32> to vector<16xf32>
    %get3A_3447 = arith.constant 55 : i32
    %get3A_3448 = arith.index_cast %get3A_3447 : i32 to index
    %get3A_3449 = arith.constant 80 : index
    %get3A_3450 = tpu.vector_load %arg6[%get3A_3448, %get3A_3449] {strides = array<i32>} : memref<64x128xf32, #tpu.memory_space<vmem>>, vector<1x16xf32>,
    %get3A_3451 = vector.shape_cast %get3A_3450 : vector<1x16xf32> to vector<16xf32>
    %mul3A_3452 = arith.mulf %get3A_3446, %get3A_3451 : vector<16xf32>
    %add3A_3453 = arith.addf %add3A_3437, %mul3A_3452 : vector<16xf32>
    %mul3A_3454 = arith.mulf %get3A_3446, %get3A_3446 : vector<16xf32>
    %add3A_3455 = arith.addf %add3A_3439, %mul3A_3454 : vector<16xf32>
    %mul3A_3456 = arith.mulf %get3A_3451, %get3A_3451 : vector<16xf32>
    %add3A_3457 = arith.addf %add3A_3441, %mul3A_3456 : vector<16xf32>
    %get3A_3458 = arith.constant 23 : i32
    %get3A_3459 = arith.index_cast %get3A_3458 : i32 to index
    %get3A_3460 = arith.constant 96 : index
    %get3A_3461 = tpu.vector_load %arg6[%get3A_3459, %get3A_3460] {strides = array<i32>} : memref<64x128xf32, #tpu.memory_space<vmem>>, vector<1x16xf32>,
    %get3A_3462 = vector.shape_cast %get3A_3461 : vector<1x16xf32> to vector<16xf32>
    %get3A_3463 = arith.constant 55 : i32
    %get3A_3464 = arith.index_cast %get3A_3463 : i32 to index
    %get3A_3465 = arith.constant 96 : index
    %get3A_3466 = tpu.vector_load %arg6[%get3A_3464, %get3A_3465] {strides = array<i32>} : memref<64x128xf32, #tpu.memory_space<vmem>>, vector<1x16xf32>,
    %get3A_3467 = vector.shape_cast %get3A_3466 : vector<1x16xf32> to vector<16xf32>
    %mul3A_3468 = arith.mulf %get3A_3462, %get3A_3467 : vector<16xf32>
    %add3A_3469 = arith.addf %add3A_3453, %mul3A_3468 : vector<16xf32>
    %mul3A_3470 = arith.mulf %get3A_3462, %get3A_3462 : vector<16xf32>
    %add3A_3471 = arith.addf %add3A_3455, %mul3A_3470 : vector<16xf32>
    %mul3A_3472 = arith.mulf %get3A_3467, %get3A_3467 : vector<16xf32>
    %add3A_3473 = arith.addf %add3A_3457, %mul3A_3472 : vector<16xf32>
    %get3A_3474 = arith.constant 23 : i32
    %get3A_3475 = arith.index_cast %get3A_3474 : i32 to index
    %get3A_3476 = arith.constant 112 : index
    %get3A_3477 = tpu.vector_load %arg6[%get3A_3475, %get3A_3476] {strides = array<i32>} : memref<64x128xf32, #tpu.memory_space<vmem>>, vector<1x16xf32>,
    %get3A_3478 = vector.shape_cast %get3A_3477 : vector<1x16xf32> to vector<16xf32>
    %get3A_3479 = arith.constant 55 : i32
    %get3A_3480 = arith.index_cast %get3A_3479 : i32 to index
    %get3A_3481 = arith.constant 112 : index
    %get3A_3482 = tpu.vector_load %arg6[%get3A_3480, %get3A_3481] {strides = array<i32>} : memref<64x128xf32, #tpu.memory_space<vmem>>, vector<1x16xf32>,
    %get3A_3483 = vector.shape_cast %get3A_3482 : vector<1x16xf32> to vector<16xf32>
    %mul3A_3484 = arith.mulf %get3A_3478, %get3A_3483 : vector<16xf32>
    %add3A_3485 = arith.addf %add3A_3469, %mul3A_3484 : vector<16xf32>
    %mul3A_3486 = arith.mulf %get3A_3478, %get3A_3478 : vector<16xf32>
    %add3A_3487 = arith.addf %add3A_3471, %mul3A_3486 : vector<16xf32>
    %mul3A_3488 = arith.mulf %get3A_3483, %get3A_3483 : vector<16xf32>
    %add3A_3489 = arith.addf %add3A_3473, %mul3A_3488 : vector<16xf32>
    %swap3A_3490 = arith.constant 23 : i32
    %swap3A_3491 = arith.index_cast %swap3A_3490 : i32 to index
    %swap3A_3492 = arith.constant 0 : index
    %swap3A_3493 = tpu.vector_load %arg7[%swap3A_3491, %swap3A_3492] {strides = array<i32>} : memref<32x48xf32, #tpu.memory_space<vmem>>, vector<1x16xf32>,
    %swap3A_3494 = vector.shape_cast %swap3A_3493 : vector<1x16xf32> to vector<16xf32>
    %swap3A_3495 = vector.shape_cast %add3A_3485 : vector<16xf32> to vector<1x16xf32>
    tpu.vector_store %arg7[%swap3A_3491, %swap3A_3492], %swap3A_3495 {strides = array<i32>} : memref<32x48xf32, #tpu.memory_space<vmem>>, vector<1x16xf32>,
    %swap3A_3496 = arith.constant 23 : i32
    %swap3A_3497 = arith.index_cast %swap3A_3496 : i32 to index
    %swap3A_3498 = arith.constant 16 : index
    %swap3A_3499 = tpu.vector_load %arg7[%swap3A_3497, %swap3A_3498] {strides = array<i32>} : memref<32x48xf32, #tpu.memory_space<vmem>>, vector<1x16xf32>,
    %swap3A_3500 = vector.shape_cast %swap3A_3499 : vector<1x16xf32> to vector<16xf32>
    %swap3A_3501 = vector.shape_cast %add3A_3487 : vector<16xf32> to vector<1x16xf32>
    tpu.vector_store %arg7[%swap3A_3497, %swap3A_3498], %swap3A_3501 {strides = array<i32>} : memref<32x48xf32, #tpu.memory_space<vmem>>, vector<1x16xf32>,
    %swap3A_3502 = arith.constant 23 : i32
    %swap3A_3503 = arith.index_cast %swap3A_3502 : i32 to index
    %swap3A_3504 = arith.constant 32 : index
    %swap3A_3505 = tpu.vector_load %arg7[%swap3A_3503, %swap3A_3504] {strides = array<i32>} : memref<32x48xf32, #tpu.memory_space<vmem>>, vector<1x16xf32>,
    %swap3A_3506 = vector.shape_cast %swap3A_3505 : vector<1x16xf32> to vector<16xf32>
    %swap3A_3507 = vector.shape_cast %add3A_3489 : vector<16xf32> to vector<1x16xf32>
    tpu.vector_store %arg7[%swap3A_3503, %swap3A_3504], %swap3A_3507 {strides = array<i32>} : memref<32x48xf32, #tpu.memory_space<vmem>>, vector<1x16xf32>,
    %get3A_3508 = arith.constant 24 : i32
    %get3A_3509 = arith.index_cast %get3A_3508 : i32 to index
    %get3A_3510 = arith.constant 0 : index
    %get3A_3511 = tpu.vector_load %arg6[%get3A_3509, %get3A_3510] {strides = array<i32>} : memref<64x128xf32, #tpu.memory_space<vmem>>, vector<1x16xf32>,
    %get3A_3512 = vector.shape_cast %get3A_3511 : vector<1x16xf32> to vector<16xf32>
    %get3A_3513 = arith.constant 56 : i32
    %get3A_3514 = arith.index_cast %get3A_3513 : i32 to index
    %get3A_3515 = arith.constant 0 : index
    %get3A_3516 = tpu.vector_load %arg6[%get3A_3514, %get3A_3515] {strides = array<i32>} : memref<64x128xf32, #tpu.memory_space<vmem>>, vector<1x16xf32>,
    %get3A_3517 = vector.shape_cast %get3A_3516 : vector<1x16xf32> to vector<16xf32>
    %mul3A_3518 = arith.mulf %get3A_3512, %get3A_3517 : vector<16xf32>
    %add3A_3519 = arith.addf %broadcast_in_dim3A_5, %mul3A_3518 : vector<16xf32>
    %mul3A_3520 = arith.mulf %get3A_3512, %get3A_3512 : vector<16xf32>
    %add3A_3521 = arith.addf %broadcast_in_dim3A_5, %mul3A_3520 : vector<16xf32>
    %mul3A_3522 = arith.mulf %get3A_3517, %get3A_3517 : vector<16xf32>
    %add3A_3523 = arith.addf %broadcast_in_dim3A_5, %mul3A_3522 : vector<16xf32>
    %get3A_3524 = arith.constant 24 : i32
    %get3A_3525 = arith.index_cast %get3A_3524 : i32 to index
    %get3A_3526 = arith.constant 16 : index
    %get3A_3527 = tpu.vector_load %arg6[%get3A_3525, %get3A_3526] {strides = array<i32>} : memref<64x128xf32, #tpu.memory_space<vmem>>, vector<1x16xf32>,
    %get3A_3528 = vector.shape_cast %get3A_3527 : vector<1x16xf32> to vector<16xf32>
    %get3A_3529 = arith.constant 56 : i32
    %get3A_3530 = arith.index_cast %get3A_3529 : i32 to index
    %get3A_3531 = arith.constant 16 : index
    %get3A_3532 = tpu.vector_load %arg6[%get3A_3530, %get3A_3531] {strides = array<i32>} : memref<64x128xf32, #tpu.memory_space<vmem>>, vector<1x16xf32>,
    %get3A_3533 = vector.shape_cast %get3A_3532 : vector<1x16xf32> to vector<16xf32>
    %mul3A_3534 = arith.mulf %get3A_3528, %get3A_3533 : vector<16xf32>
    %add3A_3535 = arith.addf %add3A_3519, %mul3A_3534 : vector<16xf32>
    %mul3A_3536 = arith.mulf %get3A_3528, %get3A_3528 : vector<16xf32>
    %add3A_3537 = arith.addf %add3A_3521, %mul3A_3536 : vector<16xf32>
    %mul3A_3538 = arith.mulf %get3A_3533, %get3A_3533 : vector<16xf32>
    %add3A_3539 = arith.addf %add3A_3523, %mul3A_3538 : vector<16xf32>
    %get3A_3540 = arith.constant 24 : i32
    %get3A_3541 = arith.index_cast %get3A_3540 : i32 to index
    %get3A_3542 = arith.constant 32 : index
    %get3A_3543 = tpu.vector_load %arg6[%get3A_3541, %get3A_3542] {strides = array<i32>} : memref<64x128xf32, #tpu.memory_space<vmem>>, vector<1x16xf32>,
    %get3A_3544 = vector.shape_cast %get3A_3543 : vector<1x16xf32> to vector<16xf32>
    %get3A_3545 = arith.constant 56 : i32
    %get3A_3546 = arith.index_cast %get3A_3545 : i32 to index
    %get3A_3547 = arith.constant 32 : index
    %get3A_3548 = tpu.vector_load %arg6[%get3A_3546, %get3A_3547] {strides = array<i32>} : memref<64x128xf32, #tpu.memory_space<vmem>>, vector<1x16xf32>,
    %get3A_3549 = vector.shape_cast %get3A_3548 : vector<1x16xf32> to vector<16xf32>
    %mul3A_3550 = arith.mulf %get3A_3544, %get3A_3549 : vector<16xf32>
    %add3A_3551 = arith.addf %add3A_3535, %mul3A_3550 : vector<16xf32>
    %mul3A_3552 = arith.mulf %get3A_3544, %get3A_3544 : vector<16xf32>
    %add3A_3553 = arith.addf %add3A_3537, %mul3A_3552 : vector<16xf32>
    %mul3A_3554 = arith.mulf %get3A_3549, %get3A_3549 : vector<16xf32>
    %add3A_3555 = arith.addf %add3A_3539, %mul3A_3554 : vector<16xf32>
    %get3A_3556 = arith.constant 24 : i32
    %get3A_3557 = arith.index_cast %get3A_3556 : i32 to index
    %get3A_3558 = arith.constant 48 : index
    %get3A_3559 = tpu.vector_load %arg6[%get3A_3557, %get3A_3558] {strides = array<i32>} : memref<64x128xf32, #tpu.memory_space<vmem>>, vector<1x16xf32>,
    %get3A_3560 = vector.shape_cast %get3A_3559 : vector<1x16xf32> to vector<16xf32>
    %get3A_3561 = arith.constant 56 : i32
    %get3A_3562 = arith.index_cast %get3A_3561 : i32 to index
    %get3A_3563 = arith.constant 48 : index
    %get3A_3564 = tpu.vector_load %arg6[%get3A_3562, %get3A_3563] {strides = array<i32>} : memref<64x128xf32, #tpu.memory_space<vmem>>, vector<1x16xf32>,
    %get3A_3565 = vector.shape_cast %get3A_3564 : vector<1x16xf32> to vector<16xf32>
    %mul3A_3566 = arith.mulf %get3A_3560, %get3A_3565 : vector<16xf32>
    %add3A_3567 = arith.addf %add3A_3551, %mul3A_3566 : vector<16xf32>
    %mul3A_3568 = arith.mulf %get3A_3560, %get3A_3560 : vector<16xf32>
    %add3A_3569 = arith.addf %add3A_3553, %mul3A_3568 : vector<16xf32>
    %mul3A_3570 = arith.mulf %get3A_3565, %get3A_3565 : vector<16xf32>
    %add3A_3571 = arith.addf %add3A_3555, %mul3A_3570 : vector<16xf32>
    %get3A_3572 = arith.constant 24 : i32
    %get3A_3573 = arith.index_cast %get3A_3572 : i32 to index
    %get3A_3574 = arith.constant 64 : index
    %get3A_3575 = tpu.vector_load %arg6[%get3A_3573, %get3A_3574] {strides = array<i32>} : memref<64x128xf32, #tpu.memory_space<vmem>>, vector<1x16xf32>,
    %get3A_3576 = vector.shape_cast %get3A_3575 : vector<1x16xf32> to vector<16xf32>
    %get3A_3577 = arith.constant 56 : i32
    %get3A_3578 = arith.index_cast %get3A_3577 : i32 to index
    %get3A_3579 = arith.constant 64 : index
    %get3A_3580 = tpu.vector_load %arg6[%get3A_3578, %get3A_3579] {strides = array<i32>} : memref<64x128xf32, #tpu.memory_space<vmem>>, vector<1x16xf32>,
    %get3A_3581 = vector.shape_cast %get3A_3580 : vector<1x16xf32> to vector<16xf32>
    %mul3A_3582 = arith.mulf %get3A_3576, %get3A_3581 : vector<16xf32>
    %add3A_3583 = arith.addf %add3A_3567, %mul3A_3582 : vector<16xf32>
    %mul3A_3584 = arith.mulf %get3A_3576, %get3A_3576 : vector<16xf32>
    %add3A_3585 = arith.addf %add3A_3569, %mul3A_3584 : vector<16xf32>
    %mul3A_3586 = arith.mulf %get3A_3581, %get3A_3581 : vector<16xf32>
    %add3A_3587 = arith.addf %add3A_3571, %mul3A_3586 : vector<16xf32>
    %get3A_3588 = arith.constant 24 : i32
    %get3A_3589 = arith.index_cast %get3A_3588 : i32 to index
    %get3A_3590 = arith.constant 80 : index
    %get3A_3591 = tpu.vector_load %arg6[%get3A_3589, %get3A_3590] {strides = array<i32>} : memref<64x128xf32, #tpu.memory_space<vmem>>, vector<1x16xf32>,
    %get3A_3592 = vector.shape_cast %get3A_3591 : vector<1x16xf32> to vector<16xf32>
    %get3A_3593 = arith.constant 56 : i32
    %get3A_3594 = arith.index_cast %get3A_3593 : i32 to index
    %get3A_3595 = arith.constant 80 : index
    %get3A_3596 = tpu.vector_load %arg6[%get3A_3594, %get3A_3595] {strides = array<i32>} : memref<64x128xf32, #tpu.memory_space<vmem>>, vector<1x16xf32>,
    %get3A_3597 = vector.shape_cast %get3A_3596 : vector<1x16xf32> to vector<16xf32>
    %mul3A_3598 = arith.mulf %get3A_3592, %get3A_3597 : vector<16xf32>
    %add3A_3599 = arith.addf %add3A_3583, %mul3A_3598 : vector<16xf32>
    %mul3A_3600 = arith.mulf %get3A_3592, %get3A_3592 : vector<16xf32>
    %add3A_3601 = arith.addf %add3A_3585, %mul3A_3600 : vector<16xf32>
    %mul3A_3602 = arith.mulf %get3A_3597, %get3A_3597 : vector<16xf32>
    %add3A_3603 = arith.addf %add3A_3587, %mul3A_3602 : vector<16xf32>
    %get3A_3604 = arith.constant 24 : i32
    %get3A_3605 = arith.index_cast %get3A_3604 : i32 to index
    %get3A_3606 = arith.constant 96 : index
    %get3A_3607 = tpu.vector_load %arg6[%get3A_3605, %get3A_3606] {strides = array<i32>} : memref<64x128xf32, #tpu.memory_space<vmem>>, vector<1x16xf32>,
    %get3A_3608 = vector.shape_cast %get3A_3607 : vector<1x16xf32> to vector<16xf32>
    %get3A_3609 = arith.constant 56 : i32
    %get3A_3610 = arith.index_cast %get3A_3609 : i32 to index
    %get3A_3611 = arith.constant 96 : index
    %get3A_3612 = tpu.vector_load %arg6[%get3A_3610, %get3A_3611] {strides = array<i32>} : memref<64x128xf32, #tpu.memory_space<vmem>>, vector<1x16xf32>,
    %get3A_3613 = vector.shape_cast %get3A_3612 : vector<1x16xf32> to vector<16xf32>
    %mul3A_3614 = arith.mulf %get3A_3608, %get3A_3613 : vector<16xf32>
    %add3A_3615 = arith.addf %add3A_3599, %mul3A_3614 : vector<16xf32>
    %mul3A_3616 = arith.mulf %get3A_3608, %get3A_3608 : vector<16xf32>
    %add3A_3617 = arith.addf %add3A_3601, %mul3A_3616 : vector<16xf32>
    %mul3A_3618 = arith.mulf %get3A_3613, %get3A_3613 : vector<16xf32>
    %add3A_3619 = arith.addf %add3A_3603, %mul3A_3618 : vector<16xf32>
    %get3A_3620 = arith.constant 24 : i32
    %get3A_3621 = arith.index_cast %get3A_3620 : i32 to index
    %get3A_3622 = arith.constant 112 : index
    %get3A_3623 = tpu.vector_load %arg6[%get3A_3621, %get3A_3622] {strides = array<i32>} : memref<64x128xf32, #tpu.memory_space<vmem>>, vector<1x16xf32>,
    %get3A_3624 = vector.shape_cast %get3A_3623 : vector<1x16xf32> to vector<16xf32>
    %get3A_3625 = arith.constant 56 : i32
    %get3A_3626 = arith.index_cast %get3A_3625 : i32 to index
    %get3A_3627 = arith.constant 112 : index
    %get3A_3628 = tpu.vector_load %arg6[%get3A_3626, %get3A_3627] {strides = array<i32>} : memref<64x128xf32, #tpu.memory_space<vmem>>, vector<1x16xf32>,
    %get3A_3629 = vector.shape_cast %get3A_3628 : vector<1x16xf32> to vector<16xf32>
    %mul3A_3630 = arith.mulf %get3A_3624, %get3A_3629 : vector<16xf32>
    %add3A_3631 = arith.addf %add3A_3615, %mul3A_3630 : vector<16xf32>
    %mul3A_3632 = arith.mulf %get3A_3624, %get3A_3624 : vector<16xf32>
    %add3A_3633 = arith.addf %add3A_3617, %mul3A_3632 : vector<16xf32>
    %mul3A_3634 = arith.mulf %get3A_3629, %get3A_3629 : vector<16xf32>
    %add3A_3635 = arith.addf %add3A_3619, %mul3A_3634 : vector<16xf32>
    %swap3A_3636 = arith.constant 24 : i32
    %swap3A_3637 = arith.index_cast %swap3A_3636 : i32 to index
    %swap3A_3638 = arith.constant 0 : index
    %swap3A_3639 = tpu.vector_load %arg7[%swap3A_3637, %swap3A_3638] {strides = array<i32>} : memref<32x48xf32, #tpu.memory_space<vmem>>, vector<1x16xf32>,
    %swap3A_3640 = vector.shape_cast %swap3A_3639 : vector<1x16xf32> to vector<16xf32>
    %swap3A_3641 = vector.shape_cast %add3A_3631 : vector<16xf32> to vector<1x16xf32>
    tpu.vector_store %arg7[%swap3A_3637, %swap3A_3638], %swap3A_3641 {strides = array<i32>} : memref<32x48xf32, #tpu.memory_space<vmem>>, vector<1x16xf32>,
    %swap3A_3642 = arith.constant 24 : i32
    %swap3A_3643 = arith.index_cast %swap3A_3642 : i32 to index
    %swap3A_3644 = arith.constant 16 : index
    %swap3A_3645 = tpu.vector_load %arg7[%swap3A_3643, %swap3A_3644] {strides = array<i32>} : memref<32x48xf32, #tpu.memory_space<vmem>>, vector<1x16xf32>,
    %swap3A_3646 = vector.shape_cast %swap3A_3645 : vector<1x16xf32> to vector<16xf32>
    %swap3A_3647 = vector.shape_cast %add3A_3633 : vector<16xf32> to vector<1x16xf32>
    tpu.vector_store %arg7[%swap3A_3643, %swap3A_3644], %swap3A_3647 {strides = array<i32>} : memref<32x48xf32, #tpu.memory_space<vmem>>, vector<1x16xf32>,
    %swap3A_3648 = arith.constant 24 : i32
    %swap3A_3649 = arith.index_cast %swap3A_3648 : i32 to index
    %swap3A_3650 = arith.constant 32 : index
    %swap3A_3651 = tpu.vector_load %arg7[%swap3A_3649, %swap3A_3650] {strides = array<i32>} : memref<32x48xf32, #tpu.memory_space<vmem>>, vector<1x16xf32>,
    %swap3A_3652 = vector.shape_cast %swap3A_3651 : vector<1x16xf32> to vector<16xf32>
    %swap3A_3653 = vector.shape_cast %add3A_3635 : vector<16xf32> to vector<1x16xf32>
    tpu.vector_store %arg7[%swap3A_3649, %swap3A_3650], %swap3A_3653 {strides = array<i32>} : memref<32x48xf32, #tpu.memory_space<vmem>>, vector<1x16xf32>,
    %get3A_3654 = arith.constant 25 : i32
    %get3A_3655 = arith.index_cast %get3A_3654 : i32 to index
    %get3A_3656 = arith.constant 0 : index
    %get3A_3657 = tpu.vector_load %arg6[%get3A_3655, %get3A_3656] {strides = array<i32>} : memref<64x128xf32, #tpu.memory_space<vmem>>, vector<1x16xf32>,
    %get3A_3658 = vector.shape_cast %get3A_3657 : vector<1x16xf32> to vector<16xf32>
    %get3A_3659 = arith.constant 57 : i32
    %get3A_3660 = arith.index_cast %get3A_3659 : i32 to index
    %get3A_3661 = arith.constant 0 : index
    %get3A_3662 = tpu.vector_load %arg6[%get3A_3660, %get3A_3661] {strides = array<i32>} : memref<64x128xf32, #tpu.memory_space<vmem>>, vector<1x16xf32>,
    %get3A_3663 = vector.shape_cast %get3A_3662 : vector<1x16xf32> to vector<16xf32>
    %mul3A_3664 = arith.mulf %get3A_3658, %get3A_3663 : vector<16xf32>
    %add3A_3665 = arith.addf %broadcast_in_dim3A_5, %mul3A_3664 : vector<16xf32>
    %mul3A_3666 = arith.mulf %get3A_3658, %get3A_3658 : vector<16xf32>
    %add3A_3667 = arith.addf %broadcast_in_dim3A_5, %mul3A_3666 : vector<16xf32>
    %mul3A_3668 = arith.mulf %get3A_3663, %get3A_3663 : vector<16xf32>
    %add3A_3669 = arith.addf %broadcast_in_dim3A_5, %mul3A_3668 : vector<16xf32>
    %get3A_3670 = arith.constant 25 : i32
    %get3A_3671 = arith.index_cast %get3A_3670 : i32 to index
    %get3A_3672 = arith.constant 16 : index
    %get3A_3673 = tpu.vector_load %arg6[%get3A_3671, %get3A_3672] {strides = array<i32>} : memref<64x128xf32, #tpu.memory_space<vmem>>, vector<1x16xf32>,
    %get3A_3674 = vector.shape_cast %get3A_3673 : vector<1x16xf32> to vector<16xf32>
    %get3A_3675 = arith.constant 57 : i32
    %get3A_3676 = arith.index_cast %get3A_3675 : i32 to index
    %get3A_3677 = arith.constant 16 : index
    %get3A_3678 = tpu.vector_load %arg6[%get3A_3676, %get3A_3677] {strides = array<i32>} : memref<64x128xf32, #tpu.memory_space<vmem>>, vector<1x16xf32>,
    %get3A_3679 = vector.shape_cast %get3A_3678 : vector<1x16xf32> to vector<16xf32>
    %mul3A_3680 = arith.mulf %get3A_3674, %get3A_3679 : vector<16xf32>
    %add3A_3681 = arith.addf %add3A_3665, %mul3A_3680 : vector<16xf32>
    %mul3A_3682 = arith.mulf %get3A_3674, %get3A_3674 : vector<16xf32>
    %add3A_3683 = arith.addf %add3A_3667, %mul3A_3682 : vector<16xf32>
    %mul3A_3684 = arith.mulf %get3A_3679, %get3A_3679 : vector<16xf32>
    %add3A_3685 = arith.addf %add3A_3669, %mul3A_3684 : vector<16xf32>
    %get3A_3686 = arith.constant 25 : i32
    %get3A_3687 = arith.index_cast %get3A_3686 : i32 to index
    %get3A_3688 = arith.constant 32 : index
    %get3A_3689 = tpu.vector_load %arg6[%get3A_3687, %get3A_3688] {strides = array<i32>} : memref<64x128xf32, #tpu.memory_space<vmem>>, vector<1x16xf32>,
    %get3A_3690 = vector.shape_cast %get3A_3689 : vector<1x16xf32> to vector<16xf32>
    %get3A_3691 = arith.constant 57 : i32
    %get3A_3692 = arith.index_cast %get3A_3691 : i32 to index
    %get3A_3693 = arith.constant 32 : index
    %get3A_3694 = tpu.vector_load %arg6[%get3A_3692, %get3A_3693] {strides = array<i32>} : memref<64x128xf32, #tpu.memory_space<vmem>>, vector<1x16xf32>,
    %get3A_3695 = vector.shape_cast %get3A_3694 : vector<1x16xf32> to vector<16xf32>
    %mul3A_3696 = arith.mulf %get3A_3690, %get3A_3695 : vector<16xf32>
    %add3A_3697 = arith.addf %add3A_3681, %mul3A_3696 : vector<16xf32>
    %mul3A_3698 = arith.mulf %get3A_3690, %get3A_3690 : vector<16xf32>
    %add3A_3699 = arith.addf %add3A_3683, %mul3A_3698 : vector<16xf32>
    %mul3A_3700 = arith.mulf %get3A_3695, %get3A_3695 : vector<16xf32>
    %add3A_3701 = arith.addf %add3A_3685, %mul3A_3700 : vector<16xf32>
    %get3A_3702 = arith.constant 25 : i32
    %get3A_3703 = arith.index_cast %get3A_3702 : i32 to index
    %get3A_3704 = arith.constant 48 : index
    %get3A_3705 = tpu.vector_load %arg6[%get3A_3703, %get3A_3704] {strides = array<i32>} : memref<64x128xf32, #tpu.memory_space<vmem>>, vector<1x16xf32>,
    %get3A_3706 = vector.shape_cast %get3A_3705 : vector<1x16xf32> to vector<16xf32>
    %get3A_3707 = arith.constant 57 : i32
    %get3A_3708 = arith.index_cast %get3A_3707 : i32 to index
    %get3A_3709 = arith.constant 48 : index
    %get3A_3710 = tpu.vector_load %arg6[%get3A_3708, %get3A_3709] {strides = array<i32>} : memref<64x128xf32, #tpu.memory_space<vmem>>, vector<1x16xf32>,
    %get3A_3711 = vector.shape_cast %get3A_3710 : vector<1x16xf32> to vector<16xf32>
    %mul3A_3712 = arith.mulf %get3A_3706, %get3A_3711 : vector<16xf32>
    %add3A_3713 = arith.addf %add3A_3697, %mul3A_3712 : vector<16xf32>
    %mul3A_3714 = arith.mulf %get3A_3706, %get3A_3706 : vector<16xf32>
    %add3A_3715 = arith.addf %add3A_3699, %mul3A_3714 : vector<16xf32>
    %mul3A_3716 = arith.mulf %get3A_3711, %get3A_3711 : vector<16xf32>
    %add3A_3717 = arith.addf %add3A_3701, %mul3A_3716 : vector<16xf32>
    %get3A_3718 = arith.constant 25 : i32
    %get3A_3719 = arith.index_cast %get3A_3718 : i32 to index
    %get3A_3720 = arith.constant 64 : index
    %get3A_3721 = tpu.vector_load %arg6[%get3A_3719, %get3A_3720] {strides = array<i32>} : memref<64x128xf32, #tpu.memory_space<vmem>>, vector<1x16xf32>,
    %get3A_3722 = vector.shape_cast %get3A_3721 : vector<1x16xf32> to vector<16xf32>
    %get3A_3723 = arith.constant 57 : i32
    %get3A_3724 = arith.index_cast %get3A_3723 : i32 to index
    %get3A_3725 = arith.constant 64 : index
    %get3A_3726 = tpu.vector_load %arg6[%get3A_3724, %get3A_3725] {strides = array<i32>} : memref<64x128xf32, #tpu.memory_space<vmem>>, vector<1x16xf32>,
    %get3A_3727 = vector.shape_cast %get3A_3726 : vector<1x16xf32> to vector<16xf32>
    %mul3A_3728 = arith.mulf %get3A_3722, %get3A_3727 : vector<16xf32>
    %add3A_3729 = arith.addf %add3A_3713, %mul3A_3728 : vector<16xf32>
    %mul3A_3730 = arith.mulf %get3A_3722, %get3A_3722 : vector<16xf32>
    %add3A_3731 = arith.addf %add3A_3715, %mul3A_3730 : vector<16xf32>
    %mul3A_3732 = arith.mulf %get3A_3727, %get3A_3727 : vector<16xf32>
    %add3A_3733 = arith.addf %add3A_3717, %mul3A_3732 : vector<16xf32>
    %get3A_3734 = arith.constant 25 : i32
    %get3A_3735 = arith.index_cast %get3A_3734 : i32 to index
    %get3A_3736 = arith.constant 80 : index
    %get3A_3737 = tpu.vector_load %arg6[%get3A_3735, %get3A_3736] {strides = array<i32>} : memref<64x128xf32, #tpu.memory_space<vmem>>, vector<1x16xf32>,
    %get3A_3738 = vector.shape_cast %get3A_3737 : vector<1x16xf32> to vector<16xf32>
    %get3A_3739 = arith.constant 57 : i32
    %get3A_3740 = arith.index_cast %get3A_3739 : i32 to index
    %get3A_3741 = arith.constant 80 : index
    %get3A_3742 = tpu.vector_load %arg6[%get3A_3740, %get3A_3741] {strides = array<i32>} : memref<64x128xf32, #tpu.memory_space<vmem>>, vector<1x16xf32>,
    %get3A_3743 = vector.shape_cast %get3A_3742 : vector<1x16xf32> to vector<16xf32>
    %mul3A_3744 = arith.mulf %get3A_3738, %get3A_3743 : vector<16xf32>
    %add3A_3745 = arith.addf %add3A_3729, %mul3A_3744 : vector<16xf32>
    %mul3A_3746 = arith.mulf %get3A_3738, %get3A_3738 : vector<16xf32>
    %add3A_3747 = arith.addf %add3A_3731, %mul3A_3746 : vector<16xf32>
    %mul3A_3748 = arith.mulf %get3A_3743, %get3A_3743 : vector<16xf32>
    %add3A_3749 = arith.addf %add3A_3733, %mul3A_3748 : vector<16xf32>
    %get3A_3750 = arith.constant 25 : i32
    %get3A_3751 = arith.index_cast %get3A_3750 : i32 to index
    %get3A_3752 = arith.constant 96 : index
    %get3A_3753 = tpu.vector_load %arg6[%get3A_3751, %get3A_3752] {strides = array<i32>} : memref<64x128xf32, #tpu.memory_space<vmem>>, vector<1x16xf32>,
    %get3A_3754 = vector.shape_cast %get3A_3753 : vector<1x16xf32> to vector<16xf32>
    %get3A_3755 = arith.constant 57 : i32
    %get3A_3756 = arith.index_cast %get3A_3755 : i32 to index
    %get3A_3757 = arith.constant 96 : index
    %get3A_3758 = tpu.vector_load %arg6[%get3A_3756, %get3A_3757] {strides = array<i32>} : memref<64x128xf32, #tpu.memory_space<vmem>>, vector<1x16xf32>,
    %get3A_3759 = vector.shape_cast %get3A_3758 : vector<1x16xf32> to vector<16xf32>
    %mul3A_3760 = arith.mulf %get3A_3754, %get3A_3759 : vector<16xf32>
    %add3A_3761 = arith.addf %add3A_3745, %mul3A_3760 : vector<16xf32>
    %mul3A_3762 = arith.mulf %get3A_3754, %get3A_3754 : vector<16xf32>
    %add3A_3763 = arith.addf %add3A_3747, %mul3A_3762 : vector<16xf32>
    %mul3A_3764 = arith.mulf %get3A_3759, %get3A_3759 : vector<16xf32>
    %add3A_3765 = arith.addf %add3A_3749, %mul3A_3764 : vector<16xf32>
    %get3A_3766 = arith.constant 25 : i32
    %get3A_3767 = arith.index_cast %get3A_3766 : i32 to index
    %get3A_3768 = arith.constant 112 : index
    %get3A_3769 = tpu.vector_load %arg6[%get3A_3767, %get3A_3768] {strides = array<i32>} : memref<64x128xf32, #tpu.memory_space<vmem>>, vector<1x16xf32>,
    %get3A_3770 = vector.shape_cast %get3A_3769 : vector<1x16xf32> to vector<16xf32>
    %get3A_3771 = arith.constant 57 : i32
    %get3A_3772 = arith.index_cast %get3A_3771 : i32 to index
    %get3A_3773 = arith.constant 112 : index
    %get3A_3774 = tpu.vector_load %arg6[%get3A_3772, %get3A_3773] {strides = array<i32>} : memref<64x128xf32, #tpu.memory_space<vmem>>, vector<1x16xf32>,
    %get3A_3775 = vector.shape_cast %get3A_3774 : vector<1x16xf32> to vector<16xf32>
    %mul3A_3776 = arith.mulf %get3A_3770, %get3A_3775 : vector<16xf32>
    %add3A_3777 = arith.addf %add3A_3761, %mul3A_3776 : vector<16xf32>
    %mul3A_3778 = arith.mulf %get3A_3770, %get3A_3770 : vector<16xf32>
    %add3A_3779 = arith.addf %add3A_3763, %mul3A_3778 : vector<16xf32>
    %mul3A_3780 = arith.mulf %get3A_3775, %get3A_3775 : vector<16xf32>
    %add3A_3781 = arith.addf %add3A_3765, %mul3A_3780 : vector<16xf32>
    %swap3A_3782 = arith.constant 25 : i32
    %swap3A_3783 = arith.index_cast %swap3A_3782 : i32 to index
    %swap3A_3784 = arith.constant 0 : index
    %swap3A_3785 = tpu.vector_load %arg7[%swap3A_3783, %swap3A_3784] {strides = array<i32>} : memref<32x48xf32, #tpu.memory_space<vmem>>, vector<1x16xf32>,
    %swap3A_3786 = vector.shape_cast %swap3A_3785 : vector<1x16xf32> to vector<16xf32>
    %swap3A_3787 = vector.shape_cast %add3A_3777 : vector<16xf32> to vector<1x16xf32>
    tpu.vector_store %arg7[%swap3A_3783, %swap3A_3784], %swap3A_3787 {strides = array<i32>} : memref<32x48xf32, #tpu.memory_space<vmem>>, vector<1x16xf32>,
    %swap3A_3788 = arith.constant 25 : i32
    %swap3A_3789 = arith.index_cast %swap3A_3788 : i32 to index
    %swap3A_3790 = arith.constant 16 : index
    %swap3A_3791 = tpu.vector_load %arg7[%swap3A_3789, %swap3A_3790] {strides = array<i32>} : memref<32x48xf32, #tpu.memory_space<vmem>>, vector<1x16xf32>,
    %swap3A_3792 = vector.shape_cast %swap3A_3791 : vector<1x16xf32> to vector<16xf32>
    %swap3A_3793 = vector.shape_cast %add3A_3779 : vector<16xf32> to vector<1x16xf32>
    tpu.vector_store %arg7[%swap3A_3789, %swap3A_3790], %swap3A_3793 {strides = array<i32>} : memref<32x48xf32, #tpu.memory_space<vmem>>, vector<1x16xf32>,
    %swap3A_3794 = arith.constant 25 : i32
    %swap3A_3795 = arith.index_cast %swap3A_3794 : i32 to index
    %swap3A_3796 = arith.constant 32 : index
    %swap3A_3797 = tpu.vector_load %arg7[%swap3A_3795, %swap3A_3796] {strides = array<i32>} : memref<32x48xf32, #tpu.memory_space<vmem>>, vector<1x16xf32>,
    %swap3A_3798 = vector.shape_cast %swap3A_3797 : vector<1x16xf32> to vector<16xf32>
    %swap3A_3799 = vector.shape_cast %add3A_3781 : vector<16xf32> to vector<1x16xf32>
    tpu.vector_store %arg7[%swap3A_3795, %swap3A_3796], %swap3A_3799 {strides = array<i32>} : memref<32x48xf32, #tpu.memory_space<vmem>>, vector<1x16xf32>,
    %get3A_3800 = arith.constant 26 : i32
    %get3A_3801 = arith.index_cast %get3A_3800 : i32 to index
    %get3A_3802 = arith.constant 0 : index
    %get3A_3803 = tpu.vector_load %arg6[%get3A_3801, %get3A_3802] {strides = array<i32>} : memref<64x128xf32, #tpu.memory_space<vmem>>, vector<1x16xf32>,
    %get3A_3804 = vector.shape_cast %get3A_3803 : vector<1x16xf32> to vector<16xf32>
    %get3A_3805 = arith.constant 58 : i32
    %get3A_3806 = arith.index_cast %get3A_3805 : i32 to index
    %get3A_3807 = arith.constant 0 : index
    %get3A_3808 = tpu.vector_load %arg6[%get3A_3806, %get3A_3807] {strides = array<i32>} : memref<64x128xf32, #tpu.memory_space<vmem>>, vector<1x16xf32>,
    %get3A_3809 = vector.shape_cast %get3A_3808 : vector<1x16xf32> to vector<16xf32>
    %mul3A_3810 = arith.mulf %get3A_3804, %get3A_3809 : vector<16xf32>
    %add3A_3811 = arith.addf %broadcast_in_dim3A_5, %mul3A_3810 : vector<16xf32>
    %mul3A_3812 = arith.mulf %get3A_3804, %get3A_3804 : vector<16xf32>
    %add3A_3813 = arith.addf %broadcast_in_dim3A_5, %mul3A_3812 : vector<16xf32>
    %mul3A_3814 = arith.mulf %get3A_3809, %get3A_3809 : vector<16xf32>
    %add3A_3815 = arith.addf %broadcast_in_dim3A_5, %mul3A_3814 : vector<16xf32>
    %get3A_3816 = arith.constant 26 : i32
    %get3A_3817 = arith.index_cast %get3A_3816 : i32 to index
    %get3A_3818 = arith.constant 16 : index
    %get3A_3819 = tpu.vector_load %arg6[%get3A_3817, %get3A_3818] {strides = array<i32>} : memref<64x128xf32, #tpu.memory_space<vmem>>, vector<1x16xf32>,
    %get3A_3820 = vector.shape_cast %get3A_3819 : vector<1x16xf32> to vector<16xf32>
    %get3A_3821 = arith.constant 58 : i32
    %get3A_3822 = arith.index_cast %get3A_3821 : i32 to index
    %get3A_3823 = arith.constant 16 : index
    %get3A_3824 = tpu.vector_load %arg6[%get3A_3822, %get3A_3823] {strides = array<i32>} : memref<64x128xf32, #tpu.memory_space<vmem>>, vector<1x16xf32>,
    %get3A_3825 = vector.shape_cast %get3A_3824 : vector<1x16xf32> to vector<16xf32>
    %mul3A_3826 = arith.mulf %get3A_3820, %get3A_3825 : vector<16xf32>
    %add3A_3827 = arith.addf %add3A_3811, %mul3A_3826 : vector<16xf32>
    %mul3A_3828 = arith.mulf %get3A_3820, %get3A_3820 : vector<16xf32>
    %add3A_3829 = arith.addf %add3A_3813, %mul3A_3828 : vector<16xf32>
    %mul3A_3830 = arith.mulf %get3A_3825, %get3A_3825 : vector<16xf32>
    %add3A_3831 = arith.addf %add3A_3815, %mul3A_3830 : vector<16xf32>
    %get3A_3832 = arith.constant 26 : i32
    %get3A_3833 = arith.index_cast %get3A_3832 : i32 to index
    %get3A_3834 = arith.constant 32 : index
    %get3A_3835 = tpu.vector_load %arg6[%get3A_3833, %get3A_3834] {strides = array<i32>} : memref<64x128xf32, #tpu.memory_space<vmem>>, vector<1x16xf32>,
    %get3A_3836 = vector.shape_cast %get3A_3835 : vector<1x16xf32> to vector<16xf32>
    %get3A_3837 = arith.constant 58 : i32
    %get3A_3838 = arith.index_cast %get3A_3837 : i32 to index
    %get3A_3839 = arith.constant 32 : index
    %get3A_3840 = tpu.vector_load %arg6[%get3A_3838, %get3A_3839] {strides = array<i32>} : memref<64x128xf32, #tpu.memory_space<vmem>>, vector<1x16xf32>,
    %get3A_3841 = vector.shape_cast %get3A_3840 : vector<1x16xf32> to vector<16xf32>
    %mul3A_3842 = arith.mulf %get3A_3836, %get3A_3841 : vector<16xf32>
    %add3A_3843 = arith.addf %add3A_3827, %mul3A_3842 : vector<16xf32>
    %mul3A_3844 = arith.mulf %get3A_3836, %get3A_3836 : vector<16xf32>
    %add3A_3845 = arith.addf %add3A_3829, %mul3A_3844 : vector<16xf32>
    %mul3A_3846 = arith.mulf %get3A_3841, %get3A_3841 : vector<16xf32>
    %add3A_3847 = arith.addf %add3A_3831, %mul3A_3846 : vector<16xf32>
    %get3A_3848 = arith.constant 26 : i32
    %get3A_3849 = arith.index_cast %get3A_3848 : i32 to index
    %get3A_3850 = arith.constant 48 : index
    %get3A_3851 = tpu.vector_load %arg6[%get3A_3849, %get3A_3850] {strides = array<i32>} : memref<64x128xf32, #tpu.memory_space<vmem>>, vector<1x16xf32>,
    %get3A_3852 = vector.shape_cast %get3A_3851 : vector<1x16xf32> to vector<16xf32>
    %get3A_3853 = arith.constant 58 : i32
    %get3A_3854 = arith.index_cast %get3A_3853 : i32 to index
    %get3A_3855 = arith.constant 48 : index
    %get3A_3856 = tpu.vector_load %arg6[%get3A_3854, %get3A_3855] {strides = array<i32>} : memref<64x128xf32, #tpu.memory_space<vmem>>, vector<1x16xf32>,
    %get3A_3857 = vector.shape_cast %get3A_3856 : vector<1x16xf32> to vector<16xf32>
    %mul3A_3858 = arith.mulf %get3A_3852, %get3A_3857 : vector<16xf32>
    %add3A_3859 = arith.addf %add3A_3843, %mul3A_3858 : vector<16xf32>
    %mul3A_3860 = arith.mulf %get3A_3852, %get3A_3852 : vector<16xf32>
    %add3A_3861 = arith.addf %add3A_3845, %mul3A_3860 : vector<16xf32>
    %mul3A_3862 = arith.mulf %get3A_3857, %get3A_3857 : vector<16xf32>
    %add3A_3863 = arith.addf %add3A_3847, %mul3A_3862 : vector<16xf32>
    %get3A_3864 = arith.constant 26 : i32
    %get3A_3865 = arith.index_cast %get3A_3864 : i32 to index
    %get3A_3866 = arith.constant 64 : index
    %get3A_3867 = tpu.vector_load %arg6[%get3A_3865, %get3A_3866] {strides = array<i32>} : memref<64x128xf32, #tpu.memory_space<vmem>>, vector<1x16xf32>,
    %get3A_3868 = vector.shape_cast %get3A_3867 : vector<1x16xf32> to vector<16xf32>
    %get3A_3869 = arith.constant 58 : i32
    %get3A_3870 = arith.index_cast %get3A_3869 : i32 to index
    %get3A_3871 = arith.constant 64 : index
    %get3A_3872 = tpu.vector_load %arg6[%get3A_3870, %get3A_3871] {strides = array<i32>} : memref<64x128xf32, #tpu.memory_space<vmem>>, vector<1x16xf32>,
    %get3A_3873 = vector.shape_cast %get3A_3872 : vector<1x16xf32> to vector<16xf32>
    %mul3A_3874 = arith.mulf %get3A_3868, %get3A_3873 : vector<16xf32>
    %add3A_3875 = arith.addf %add3A_3859, %mul3A_3874 : vector<16xf32>
    %mul3A_3876 = arith.mulf %get3A_3868, %get3A_3868 : vector<16xf32>
    %add3A_3877 = arith.addf %add3A_3861, %mul3A_3876 : vector<16xf32>
    %mul3A_3878 = arith.mulf %get3A_3873, %get3A_3873 : vector<16xf32>
    %add3A_3879 = arith.addf %add3A_3863, %mul3A_3878 : vector<16xf32>
    %get3A_3880 = arith.constant 26 : i32
    %get3A_3881 = arith.index_cast %get3A_3880 : i32 to index
    %get3A_3882 = arith.constant 80 : index
    %get3A_3883 = tpu.vector_load %arg6[%get3A_3881, %get3A_3882] {strides = array<i32>} : memref<64x128xf32, #tpu.memory_space<vmem>>, vector<1x16xf32>,
    %get3A_3884 = vector.shape_cast %get3A_3883 : vector<1x16xf32> to vector<16xf32>
    %get3A_3885 = arith.constant 58 : i32
    %get3A_3886 = arith.index_cast %get3A_3885 : i32 to index
    %get3A_3887 = arith.constant 80 : index
    %get3A_3888 = tpu.vector_load %arg6[%get3A_3886, %get3A_3887] {strides = array<i32>} : memref<64x128xf32, #tpu.memory_space<vmem>>, vector<1x16xf32>,
    %get3A_3889 = vector.shape_cast %get3A_3888 : vector<1x16xf32> to vector<16xf32>
    %mul3A_3890 = arith.mulf %get3A_3884, %get3A_3889 : vector<16xf32>
    %add3A_3891 = arith.addf %add3A_3875, %mul3A_3890 : vector<16xf32>
    %mul3A_3892 = arith.mulf %get3A_3884, %get3A_3884 : vector<16xf32>
    %add3A_3893 = arith.addf %add3A_3877, %mul3A_3892 : vector<16xf32>
    %mul3A_3894 = arith.mulf %get3A_3889, %get3A_3889 : vector<16xf32>
    %add3A_3895 = arith.addf %add3A_3879, %mul3A_3894 : vector<16xf32>
    %get3A_3896 = arith.constant 26 : i32
    %get3A_3897 = arith.index_cast %get3A_3896 : i32 to index
    %get3A_3898 = arith.constant 96 : index
    %get3A_3899 = tpu.vector_load %arg6[%get3A_3897, %get3A_3898] {strides = array<i32>} : memref<64x128xf32, #tpu.memory_space<vmem>>, vector<1x16xf32>,
    %get3A_3900 = vector.shape_cast %get3A_3899 : vector<1x16xf32> to vector<16xf32>
    %get3A_3901 = arith.constant 58 : i32
    %get3A_3902 = arith.index_cast %get3A_3901 : i32 to index
    %get3A_3903 = arith.constant 96 : index
    %get3A_3904 = tpu.vector_load %arg6[%get3A_3902, %get3A_3903] {strides = array<i32>} : memref<64x128xf32, #tpu.memory_space<vmem>>, vector<1x16xf32>,
    %get3A_3905 = vector.shape_cast %get3A_3904 : vector<1x16xf32> to vector<16xf32>
    %mul3A_3906 = arith.mulf %get3A_3900, %get3A_3905 : vector<16xf32>
    %add3A_3907 = arith.addf %add3A_3891, %mul3A_3906 : vector<16xf32>
    %mul3A_3908 = arith.mulf %get3A_3900, %get3A_3900 : vector<16xf32>
    %add3A_3909 = arith.addf %add3A_3893, %mul3A_3908 : vector<16xf32>
    %mul3A_3910 = arith.mulf %get3A_3905, %get3A_3905 : vector<16xf32>
    %add3A_3911 = arith.addf %add3A_3895, %mul3A_3910 : vector<16xf32>
    %get3A_3912 = arith.constant 26 : i32
    %get3A_3913 = arith.index_cast %get3A_3912 : i32 to index
    %get3A_3914 = arith.constant 112 : index
    %get3A_3915 = tpu.vector_load %arg6[%get3A_3913, %get3A_3914] {strides = array<i32>} : memref<64x128xf32, #tpu.memory_space<vmem>>, vector<1x16xf32>,
    %get3A_3916 = vector.shape_cast %get3A_3915 : vector<1x16xf32> to vector<16xf32>
    %get3A_3917 = arith.constant 58 : i32
    %get3A_3918 = arith.index_cast %get3A_3917 : i32 to index
    %get3A_3919 = arith.constant 112 : index
    %get3A_3920 = tpu.vector_load %arg6[%get3A_3918, %get3A_3919] {strides = array<i32>} : memref<64x128xf32, #tpu.memory_space<vmem>>, vector<1x16xf32>,
    %get3A_3921 = vector.shape_cast %get3A_3920 : vector<1x16xf32> to vector<16xf32>
    %mul3A_3922 = arith.mulf %get3A_3916, %get3A_3921 : vector<16xf32>
    %add3A_3923 = arith.addf %add3A_3907, %mul3A_3922 : vector<16xf32>
    %mul3A_3924 = arith.mulf %get3A_3916, %get3A_3916 : vector<16xf32>
    %add3A_3925 = arith.addf %add3A_3909, %mul3A_3924 : vector<16xf32>
    %mul3A_3926 = arith.mulf %get3A_3921, %get3A_3921 : vector<16xf32>
    %add3A_3927 = arith.addf %add3A_3911, %mul3A_3926 : vector<16xf32>
    %swap3A_3928 = arith.constant 26 : i32
    %swap3A_3929 = arith.index_cast %swap3A_3928 : i32 to index
    %swap3A_3930 = arith.constant 0 : index
    %swap3A_3931 = tpu.vector_load %arg7[%swap3A_3929, %swap3A_3930] {strides = array<i32>} : memref<32x48xf32, #tpu.memory_space<vmem>>, vector<1x16xf32>,
    %swap3A_3932 = vector.shape_cast %swap3A_3931 : vector<1x16xf32> to vector<16xf32>
    %swap3A_3933 = vector.shape_cast %add3A_3923 : vector<16xf32> to vector<1x16xf32>
    tpu.vector_store %arg7[%swap3A_3929, %swap3A_3930], %swap3A_3933 {strides = array<i32>} : memref<32x48xf32, #tpu.memory_space<vmem>>, vector<1x16xf32>,
    %swap3A_3934 = arith.constant 26 : i32
    %swap3A_3935 = arith.index_cast %swap3A_3934 : i32 to index
    %swap3A_3936 = arith.constant 16 : index
    %swap3A_3937 = tpu.vector_load %arg7[%swap3A_3935, %swap3A_3936] {strides = array<i32>} : memref<32x48xf32, #tpu.memory_space<vmem>>, vector<1x16xf32>,
    %swap3A_3938 = vector.shape_cast %swap3A_3937 : vector<1x16xf32> to vector<16xf32>
    %swap3A_3939 = vector.shape_cast %add3A_3925 : vector<16xf32> to vector<1x16xf32>
    tpu.vector_store %arg7[%swap3A_3935, %swap3A_3936], %swap3A_3939 {strides = array<i32>} : memref<32x48xf32, #tpu.memory_space<vmem>>, vector<1x16xf32>,
    %swap3A_3940 = arith.constant 26 : i32
    %swap3A_3941 = arith.index_cast %swap3A_3940 : i32 to index
    %swap3A_3942 = arith.constant 32 : index
    %swap3A_3943 = tpu.vector_load %arg7[%swap3A_3941, %swap3A_3942] {strides = array<i32>} : memref<32x48xf32, #tpu.memory_space<vmem>>, vector<1x16xf32>,
    %swap3A_3944 = vector.shape_cast %swap3A_3943 : vector<1x16xf32> to vector<16xf32>
    %swap3A_3945 = vector.shape_cast %add3A_3927 : vector<16xf32> to vector<1x16xf32>
    tpu.vector_store %arg7[%swap3A_3941, %swap3A_3942], %swap3A_3945 {strides = array<i32>} : memref<32x48xf32, #tpu.memory_space<vmem>>, vector<1x16xf32>,
    %get3A_3946 = arith.constant 27 : i32
    %get3A_3947 = arith.index_cast %get3A_3946 : i32 to index
    %get3A_3948 = arith.constant 0 : index
    %get3A_3949 = tpu.vector_load %arg6[%get3A_3947, %get3A_3948] {strides = array<i32>} : memref<64x128xf32, #tpu.memory_space<vmem>>, vector<1x16xf32>,
    %get3A_3950 = vector.shape_cast %get3A_3949 : vector<1x16xf32> to vector<16xf32>
    %get3A_3951 = arith.constant 59 : i32
    %get3A_3952 = arith.index_cast %get3A_3951 : i32 to index
    %get3A_3953 = arith.constant 0 : index
    %get3A_3954 = tpu.vector_load %arg6[%get3A_3952, %get3A_3953] {strides = array<i32>} : memref<64x128xf32, #tpu.memory_space<vmem>>, vector<1x16xf32>,
    %get3A_3955 = vector.shape_cast %get3A_3954 : vector<1x16xf32> to vector<16xf32>
    %mul3A_3956 = arith.mulf %get3A_3950, %get3A_3955 : vector<16xf32>
    %add3A_3957 = arith.addf %broadcast_in_dim3A_5, %mul3A_3956 : vector<16xf32>
    %mul3A_3958 = arith.mulf %get3A_3950, %get3A_3950 : vector<16xf32>
    %add3A_3959 = arith.addf %broadcast_in_dim3A_5, %mul3A_3958 : vector<16xf32>
    %mul3A_3960 = arith.mulf %get3A_3955, %get3A_3955 : vector<16xf32>
    %add3A_3961 = arith.addf %broadcast_in_dim3A_5, %mul3A_3960 : vector<16xf32>
    %get3A_3962 = arith.constant 27 : i32
    %get3A_3963 = arith.index_cast %get3A_3962 : i32 to index
    %get3A_3964 = arith.constant 16 : index
    %get3A_3965 = tpu.vector_load %arg6[%get3A_3963, %get3A_3964] {strides = array<i32>} : memref<64x128xf32, #tpu.memory_space<vmem>>, vector<1x16xf32>,
    %get3A_3966 = vector.shape_cast %get3A_3965 : vector<1x16xf32> to vector<16xf32>
    %get3A_3967 = arith.constant 59 : i32
    %get3A_3968 = arith.index_cast %get3A_3967 : i32 to index
    %get3A_3969 = arith.constant 16 : index
    %get3A_3970 = tpu.vector_load %arg6[%get3A_3968, %get3A_3969] {strides = array<i32>} : memref<64x128xf32, #tpu.memory_space<vmem>>, vector<1x16xf32>,
    %get3A_3971 = vector.shape_cast %get3A_3970 : vector<1x16xf32> to vector<16xf32>
    %mul3A_3972 = arith.mulf %get3A_3966, %get3A_3971 : vector<16xf32>
    %add3A_3973 = arith.addf %add3A_3957, %mul3A_3972 : vector<16xf32>
    %mul3A_3974 = arith.mulf %get3A_3966, %get3A_3966 : vector<16xf32>
    %add3A_3975 = arith.addf %add3A_3959, %mul3A_3974 : vector<16xf32>
    %mul3A_3976 = arith.mulf %get3A_3971, %get3A_3971 : vector<16xf32>
    %add3A_3977 = arith.addf %add3A_3961, %mul3A_3976 : vector<16xf32>
    %get3A_3978 = arith.constant 27 : i32
    %get3A_3979 = arith.index_cast %get3A_3978 : i32 to index
    %get3A_3980 = arith.constant 32 : index
    %get3A_3981 = tpu.vector_load %arg6[%get3A_3979, %get3A_3980] {strides = array<i32>} : memref<64x128xf32, #tpu.memory_space<vmem>>, vector<1x16xf32>,
    %get3A_3982 = vector.shape_cast %get3A_3981 : vector<1x16xf32> to vector<16xf32>
    %get3A_3983 = arith.constant 59 : i32
    %get3A_3984 = arith.index_cast %get3A_3983 : i32 to index
    %get3A_3985 = arith.constant 32 : index
    %get3A_3986 = tpu.vector_load %arg6[%get3A_3984, %get3A_3985] {strides = array<i32>} : memref<64x128xf32, #tpu.memory_space<vmem>>, vector<1x16xf32>,
    %get3A_3987 = vector.shape_cast %get3A_3986 : vector<1x16xf32> to vector<16xf32>
    %mul3A_3988 = arith.mulf %get3A_3982, %get3A_3987 : vector<16xf32>
    %add3A_3989 = arith.addf %add3A_3973, %mul3A_3988 : vector<16xf32>
    %mul3A_3990 = arith.mulf %get3A_3982, %get3A_3982 : vector<16xf32>
    %add3A_3991 = arith.addf %add3A_3975, %mul3A_3990 : vector<16xf32>
    %mul3A_3992 = arith.mulf %get3A_3987, %get3A_3987 : vector<16xf32>
    %add3A_3993 = arith.addf %add3A_3977, %mul3A_3992 : vector<16xf32>
    %get3A_3994 = arith.constant 27 : i32
    %get3A_3995 = arith.index_cast %get3A_3994 : i32 to index
    %get3A_3996 = arith.constant 48 : index
    %get3A_3997 = tpu.vector_load %arg6[%get3A_3995, %get3A_3996] {strides = array<i32>} : memref<64x128xf32, #tpu.memory_space<vmem>>, vector<1x16xf32>,
    %get3A_3998 = vector.shape_cast %get3A_3997 : vector<1x16xf32> to vector<16xf32>
    %get3A_3999 = arith.constant 59 : i32
    %get3A_4000 = arith.index_cast %get3A_3999 : i32 to index
    %get3A_4001 = arith.constant 48 : index
    %get3A_4002 = tpu.vector_load %arg6[%get3A_4000, %get3A_4001] {strides = array<i32>} : memref<64x128xf32, #tpu.memory_space<vmem>>, vector<1x16xf32>,
    %get3A_4003 = vector.shape_cast %get3A_4002 : vector<1x16xf32> to vector<16xf32>
    %mul3A_4004 = arith.mulf %get3A_3998, %get3A_4003 : vector<16xf32>
    %add3A_4005 = arith.addf %add3A_3989, %mul3A_4004 : vector<16xf32>
    %mul3A_4006 = arith.mulf %get3A_3998, %get3A_3998 : vector<16xf32>
    %add3A_4007 = arith.addf %add3A_3991, %mul3A_4006 : vector<16xf32>
    %mul3A_4008 = arith.mulf %get3A_4003, %get3A_4003 : vector<16xf32>
    %add3A_4009 = arith.addf %add3A_3993, %mul3A_4008 : vector<16xf32>
    %get3A_4010 = arith.constant 27 : i32
    %get3A_4011 = arith.index_cast %get3A_4010 : i32 to index
    %get3A_4012 = arith.constant 64 : index
    %get3A_4013 = tpu.vector_load %arg6[%get3A_4011, %get3A_4012] {strides = array<i32>} : memref<64x128xf32, #tpu.memory_space<vmem>>, vector<1x16xf32>,
    %get3A_4014 = vector.shape_cast %get3A_4013 : vector<1x16xf32> to vector<16xf32>
    %get3A_4015 = arith.constant 59 : i32
    %get3A_4016 = arith.index_cast %get3A_4015 : i32 to index
    %get3A_4017 = arith.constant 64 : index
    %get3A_4018 = tpu.vector_load %arg6[%get3A_4016, %get3A_4017] {strides = array<i32>} : memref<64x128xf32, #tpu.memory_space<vmem>>, vector<1x16xf32>,
    %get3A_4019 = vector.shape_cast %get3A_4018 : vector<1x16xf32> to vector<16xf32>
    %mul3A_4020 = arith.mulf %get3A_4014, %get3A_4019 : vector<16xf32>
    %add3A_4021 = arith.addf %add3A_4005, %mul3A_4020 : vector<16xf32>
    %mul3A_4022 = arith.mulf %get3A_4014, %get3A_4014 : vector<16xf32>
    %add3A_4023 = arith.addf %add3A_4007, %mul3A_4022 : vector<16xf32>
    %mul3A_4024 = arith.mulf %get3A_4019, %get3A_4019 : vector<16xf32>
    %add3A_4025 = arith.addf %add3A_4009, %mul3A_4024 : vector<16xf32>
    %get3A_4026 = arith.constant 27 : i32
    %get3A_4027 = arith.index_cast %get3A_4026 : i32 to index
    %get3A_4028 = arith.constant 80 : index
    %get3A_4029 = tpu.vector_load %arg6[%get3A_4027, %get3A_4028] {strides = array<i32>} : memref<64x128xf32, #tpu.memory_space<vmem>>, vector<1x16xf32>,
    %get3A_4030 = vector.shape_cast %get3A_4029 : vector<1x16xf32> to vector<16xf32>
    %get3A_4031 = arith.constant 59 : i32
    %get3A_4032 = arith.index_cast %get3A_4031 : i32 to index
    %get3A_4033 = arith.constant 80 : index
    %get3A_4034 = tpu.vector_load %arg6[%get3A_4032, %get3A_4033] {strides = array<i32>} : memref<64x128xf32, #tpu.memory_space<vmem>>, vector<1x16xf32>,
    %get3A_4035 = vector.shape_cast %get3A_4034 : vector<1x16xf32> to vector<16xf32>
    %mul3A_4036 = arith.mulf %get3A_4030, %get3A_4035 : vector<16xf32>
    %add3A_4037 = arith.addf %add3A_4021, %mul3A_4036 : vector<16xf32>
    %mul3A_4038 = arith.mulf %get3A_4030, %get3A_4030 : vector<16xf32>
    %add3A_4039 = arith.addf %add3A_4023, %mul3A_4038 : vector<16xf32>
    %mul3A_4040 = arith.mulf %get3A_4035, %get3A_4035 : vector<16xf32>
    %add3A_4041 = arith.addf %add3A_4025, %mul3A_4040 : vector<16xf32>
    %get3A_4042 = arith.constant 27 : i32
    %get3A_4043 = arith.index_cast %get3A_4042 : i32 to index
    %get3A_4044 = arith.constant 96 : index
    %get3A_4045 = tpu.vector_load %arg6[%get3A_4043, %get3A_4044] {strides = array<i32>} : memref<64x128xf32, #tpu.memory_space<vmem>>, vector<1x16xf32>,
    %get3A_4046 = vector.shape_cast %get3A_4045 : vector<1x16xf32> to vector<16xf32>
    %get3A_4047 = arith.constant 59 : i32
    %get3A_4048 = arith.index_cast %get3A_4047 : i32 to index
    %get3A_4049 = arith.constant 96 : index
    %get3A_4050 = tpu.vector_load %arg6[%get3A_4048, %get3A_4049] {strides = array<i32>} : memref<64x128xf32, #tpu.memory_space<vmem>>, vector<1x16xf32>,
    %get3A_4051 = vector.shape_cast %get3A_4050 : vector<1x16xf32> to vector<16xf32>
    %mul3A_4052 = arith.mulf %get3A_4046, %get3A_4051 : vector<16xf32>
    %add3A_4053 = arith.addf %add3A_4037, %mul3A_4052 : vector<16xf32>
    %mul3A_4054 = arith.mulf %get3A_4046, %get3A_4046 : vector<16xf32>
    %add3A_4055 = arith.addf %add3A_4039, %mul3A_4054 : vector<16xf32>
    %mul3A_4056 = arith.mulf %get3A_4051, %get3A_4051 : vector<16xf32>
    %add3A_4057 = arith.addf %add3A_4041, %mul3A_4056 : vector<16xf32>
    %get3A_4058 = arith.constant 27 : i32
    %get3A_4059 = arith.index_cast %get3A_4058 : i32 to index
    %get3A_4060 = arith.constant 112 : index
    %get3A_4061 = tpu.vector_load %arg6[%get3A_4059, %get3A_4060] {strides = array<i32>} : memref<64x128xf32, #tpu.memory_space<vmem>>, vector<1x16xf32>,
    %get3A_4062 = vector.shape_cast %get3A_4061 : vector<1x16xf32> to vector<16xf32>
    %get3A_4063 = arith.constant 59 : i32
    %get3A_4064 = arith.index_cast %get3A_4063 : i32 to index
    %get3A_4065 = arith.constant 112 : index
    %get3A_4066 = tpu.vector_load %arg6[%get3A_4064, %get3A_4065] {strides = array<i32>} : memref<64x128xf32, #tpu.memory_space<vmem>>, vector<1x16xf32>,
    %get3A_4067 = vector.shape_cast %get3A_4066 : vector<1x16xf32> to vector<16xf32>
    %mul3A_4068 = arith.mulf %get3A_4062, %get3A_4067 : vector<16xf32>
    %add3A_4069 = arith.addf %add3A_4053, %mul3A_4068 : vector<16xf32>
    %mul3A_4070 = arith.mulf %get3A_4062, %get3A_4062 : vector<16xf32>
    %add3A_4071 = arith.addf %add3A_4055, %mul3A_4070 : vector<16xf32>
    %mul3A_4072 = arith.mulf %get3A_4067, %get3A_4067 : vector<16xf32>
    %add3A_4073 = arith.addf %add3A_4057, %mul3A_4072 : vector<16xf32>
    %swap3A_4074 = arith.constant 27 : i32
    %swap3A_4075 = arith.index_cast %swap3A_4074 : i32 to index
    %swap3A_4076 = arith.constant 0 : index
    %swap3A_4077 = tpu.vector_load %arg7[%swap3A_4075, %swap3A_4076] {strides = array<i32>} : memref<32x48xf32, #tpu.memory_space<vmem>>, vector<1x16xf32>,
    %swap3A_4078 = vector.shape_cast %swap3A_4077 : vector<1x16xf32> to vector<16xf32>
    %swap3A_4079 = vector.shape_cast %add3A_4069 : vector<16xf32> to vector<1x16xf32>
    tpu.vector_store %arg7[%swap3A_4075, %swap3A_4076], %swap3A_4079 {strides = array<i32>} : memref<32x48xf32, #tpu.memory_space<vmem>>, vector<1x16xf32>,
    %swap3A_4080 = arith.constant 27 : i32
    %swap3A_4081 = arith.index_cast %swap3A_4080 : i32 to index
    %swap3A_4082 = arith.constant 16 : index
    %swap3A_4083 = tpu.vector_load %arg7[%swap3A_4081, %swap3A_4082] {strides = array<i32>} : memref<32x48xf32, #tpu.memory_space<vmem>>, vector<1x16xf32>,
    %swap3A_4084 = vector.shape_cast %swap3A_4083 : vector<1x16xf32> to vector<16xf32>
    %swap3A_4085 = vector.shape_cast %add3A_4071 : vector<16xf32> to vector<1x16xf32>
    tpu.vector_store %arg7[%swap3A_4081, %swap3A_4082], %swap3A_4085 {strides = array<i32>} : memref<32x48xf32, #tpu.memory_space<vmem>>, vector<1x16xf32>,
    %swap3A_4086 = arith.constant 27 : i32
    %swap3A_4087 = arith.index_cast %swap3A_4086 : i32 to index
    %swap3A_4088 = arith.constant 32 : index
    %swap3A_4089 = tpu.vector_load %arg7[%swap3A_4087, %swap3A_4088] {strides = array<i32>} : memref<32x48xf32, #tpu.memory_space<vmem>>, vector<1x16xf32>,
    %swap3A_4090 = vector.shape_cast %swap3A_4089 : vector<1x16xf32> to vector<16xf32>
    %swap3A_4091 = vector.shape_cast %add3A_4073 : vector<16xf32> to vector<1x16xf32>
    tpu.vector_store %arg7[%swap3A_4087, %swap3A_4088], %swap3A_4091 {strides = array<i32>} : memref<32x48xf32, #tpu.memory_space<vmem>>, vector<1x16xf32>,
    %get3A_4092 = arith.constant 28 : i32
    %get3A_4093 = arith.index_cast %get3A_4092 : i32 to index
    %get3A_4094 = arith.constant 0 : index
    %get3A_4095 = tpu.vector_load %arg6[%get3A_4093, %get3A_4094] {strides = array<i32>} : memref<64x128xf32, #tpu.memory_space<vmem>>, vector<1x16xf32>,
    %get3A_4096 = vector.shape_cast %get3A_4095 : vector<1x16xf32> to vector<16xf32>
    %get3A_4097 = arith.constant 60 : i32
    %get3A_4098 = arith.index_cast %get3A_4097 : i32 to index
    %get3A_4099 = arith.constant 0 : index
    %get3A_4100 = tpu.vector_load %arg6[%get3A_4098, %get3A_4099] {strides = array<i32>} : memref<64x128xf32, #tpu.memory_space<vmem>>, vector<1x16xf32>,
    %get3A_4101 = vector.shape_cast %get3A_4100 : vector<1x16xf32> to vector<16xf32>
    %mul3A_4102 = arith.mulf %get3A_4096, %get3A_4101 : vector<16xf32>
    %add3A_4103 = arith.addf %broadcast_in_dim3A_5, %mul3A_4102 : vector<16xf32>
    %mul3A_4104 = arith.mulf %get3A_4096, %get3A_4096 : vector<16xf32>
    %add3A_4105 = arith.addf %broadcast_in_dim3A_5, %mul3A_4104 : vector<16xf32>
    %mul3A_4106 = arith.mulf %get3A_4101, %get3A_4101 : vector<16xf32>
    %add3A_4107 = arith.addf %broadcast_in_dim3A_5, %mul3A_4106 : vector<16xf32>
    %get3A_4108 = arith.constant 28 : i32
    %get3A_4109 = arith.index_cast %get3A_4108 : i32 to index
    %get3A_4110 = arith.constant 16 : index
    %get3A_4111 = tpu.vector_load %arg6[%get3A_4109, %get3A_4110] {strides = array<i32>} : memref<64x128xf32, #tpu.memory_space<vmem>>, vector<1x16xf32>,
    %get3A_4112 = vector.shape_cast %get3A_4111 : vector<1x16xf32> to vector<16xf32>
    %get3A_4113 = arith.constant 60 : i32
    %get3A_4114 = arith.index_cast %get3A_4113 : i32 to index
    %get3A_4115 = arith.constant 16 : index
    %get3A_4116 = tpu.vector_load %arg6[%get3A_4114, %get3A_4115] {strides = array<i32>} : memref<64x128xf32, #tpu.memory_space<vmem>>, vector<1x16xf32>,
    %get3A_4117 = vector.shape_cast %get3A_4116 : vector<1x16xf32> to vector<16xf32>
    %mul3A_4118 = arith.mulf %get3A_4112, %get3A_4117 : vector<16xf32>
    %add3A_4119 = arith.addf %add3A_4103, %mul3A_4118 : vector<16xf32>
    %mul3A_4120 = arith.mulf %get3A_4112, %get3A_4112 : vector<16xf32>
    %add3A_4121 = arith.addf %add3A_4105, %mul3A_4120 : vector<16xf32>
    %mul3A_4122 = arith.mulf %get3A_4117, %get3A_4117 : vector<16xf32>
    %add3A_4123 = arith.addf %add3A_4107, %mul3A_4122 : vector<16xf32>
    %get3A_4124 = arith.constant 28 : i32
    %get3A_4125 = arith.index_cast %get3A_4124 : i32 to index
    %get3A_4126 = arith.constant 32 : index
    %get3A_4127 = tpu.vector_load %arg6[%get3A_4125, %get3A_4126] {strides = array<i32>} : memref<64x128xf32, #tpu.memory_space<vmem>>, vector<1x16xf32>,
    %get3A_4128 = vector.shape_cast %get3A_4127 : vector<1x16xf32> to vector<16xf32>
    %get3A_4129 = arith.constant 60 : i32
    %get3A_4130 = arith.index_cast %get3A_4129 : i32 to index
    %get3A_4131 = arith.constant 32 : index
    %get3A_4132 = tpu.vector_load %arg6[%get3A_4130, %get3A_4131] {strides = array<i32>} : memref<64x128xf32, #tpu.memory_space<vmem>>, vector<1x16xf32>,
    %get3A_4133 = vector.shape_cast %get3A_4132 : vector<1x16xf32> to vector<16xf32>
    %mul3A_4134 = arith.mulf %get3A_4128, %get3A_4133 : vector<16xf32>
    %add3A_4135 = arith.addf %add3A_4119, %mul3A_4134 : vector<16xf32>
    %mul3A_4136 = arith.mulf %get3A_4128, %get3A_4128 : vector<16xf32>
    %add3A_4137 = arith.addf %add3A_4121, %mul3A_4136 : vector<16xf32>
    %mul3A_4138 = arith.mulf %get3A_4133, %get3A_4133 : vector<16xf32>
    %add3A_4139 = arith.addf %add3A_4123, %mul3A_4138 : vector<16xf32>
    %get3A_4140 = arith.constant 28 : i32
    %get3A_4141 = arith.index_cast %get3A_4140 : i32 to index
    %get3A_4142 = arith.constant 48 : index
    %get3A_4143 = tpu.vector_load %arg6[%get3A_4141, %get3A_4142] {strides = array<i32>} : memref<64x128xf32, #tpu.memory_space<vmem>>, vector<1x16xf32>,
    %get3A_4144 = vector.shape_cast %get3A_4143 : vector<1x16xf32> to vector<16xf32>
    %get3A_4145 = arith.constant 60 : i32
    %get3A_4146 = arith.index_cast %get3A_4145 : i32 to index
    %get3A_4147 = arith.constant 48 : index
    %get3A_4148 = tpu.vector_load %arg6[%get3A_4146, %get3A_4147] {strides = array<i32>} : memref<64x128xf32, #tpu.memory_space<vmem>>, vector<1x16xf32>,
    %get3A_4149 = vector.shape_cast %get3A_4148 : vector<1x16xf32> to vector<16xf32>
    %mul3A_4150 = arith.mulf %get3A_4144, %get3A_4149 : vector<16xf32>
    %add3A_4151 = arith.addf %add3A_4135, %mul3A_4150 : vector<16xf32>
    %mul3A_4152 = arith.mulf %get3A_4144, %get3A_4144 : vector<16xf32>
    %add3A_4153 = arith.addf %add3A_4137, %mul3A_4152 : vector<16xf32>
    %mul3A_4154 = arith.mulf %get3A_4149, %get3A_4149 : vector<16xf32>
    %add3A_4155 = arith.addf %add3A_4139, %mul3A_4154 : vector<16xf32>
    %get3A_4156 = arith.constant 28 : i32
    %get3A_4157 = arith.index_cast %get3A_4156 : i32 to index
    %get3A_4158 = arith.constant 64 : index
    %get3A_4159 = tpu.vector_load %arg6[%get3A_4157, %get3A_4158] {strides = array<i32>} : memref<64x128xf32, #tpu.memory_space<vmem>>, vector<1x16xf32>,
    %get3A_4160 = vector.shape_cast %get3A_4159 : vector<1x16xf32> to vector<16xf32>
    %get3A_4161 = arith.constant 60 : i32
    %get3A_4162 = arith.index_cast %get3A_4161 : i32 to index
    %get3A_4163 = arith.constant 64 : index
    %get3A_4164 = tpu.vector_load %arg6[%get3A_4162, %get3A_4163] {strides = array<i32>} : memref<64x128xf32, #tpu.memory_space<vmem>>, vector<1x16xf32>,
    %get3A_4165 = vector.shape_cast %get3A_4164 : vector<1x16xf32> to vector<16xf32>
    %mul3A_4166 = arith.mulf %get3A_4160, %get3A_4165 : vector<16xf32>
    %add3A_4167 = arith.addf %add3A_4151, %mul3A_4166 : vector<16xf32>
    %mul3A_4168 = arith.mulf %get3A_4160, %get3A_4160 : vector<16xf32>
    %add3A_4169 = arith.addf %add3A_4153, %mul3A_4168 : vector<16xf32>
    %mul3A_4170 = arith.mulf %get3A_4165, %get3A_4165 : vector<16xf32>
    %add3A_4171 = arith.addf %add3A_4155, %mul3A_4170 : vector<16xf32>
    %get3A_4172 = arith.constant 28 : i32
    %get3A_4173 = arith.index_cast %get3A_4172 : i32 to index
    %get3A_4174 = arith.constant 80 : index
    %get3A_4175 = tpu.vector_load %arg6[%get3A_4173, %get3A_4174] {strides = array<i32>} : memref<64x128xf32, #tpu.memory_space<vmem>>, vector<1x16xf32>,
    %get3A_4176 = vector.shape_cast %get3A_4175 : vector<1x16xf32> to vector<16xf32>
    %get3A_4177 = arith.constant 60 : i32
    %get3A_4178 = arith.index_cast %get3A_4177 : i32 to index
    %get3A_4179 = arith.constant 80 : index
    %get3A_4180 = tpu.vector_load %arg6[%get3A_4178, %get3A_4179] {strides = array<i32>} : memref<64x128xf32, #tpu.memory_space<vmem>>, vector<1x16xf32>,
    %get3A_4181 = vector.shape_cast %get3A_4180 : vector<1x16xf32> to vector<16xf32>
    %mul3A_4182 = arith.mulf %get3A_4176, %get3A_4181 : vector<16xf32>
    %add3A_4183 = arith.addf %add3A_4167, %mul3A_4182 : vector<16xf32>
    %mul3A_4184 = arith.mulf %get3A_4176, %get3A_4176 : vector<16xf32>
    %add3A_4185 = arith.addf %add3A_4169, %mul3A_4184 : vector<16xf32>
    %mul3A_4186 = arith.mulf %get3A_4181, %get3A_4181 : vector<16xf32>
    %add3A_4187 = arith.addf %add3A_4171, %mul3A_4186 : vector<16xf32>
    %get3A_4188 = arith.constant 28 : i32
    %get3A_4189 = arith.index_cast %get3A_4188 : i32 to index
    %get3A_4190 = arith.constant 96 : index
    %get3A_4191 = tpu.vector_load %arg6[%get3A_4189, %get3A_4190] {strides = array<i32>} : memref<64x128xf32, #tpu.memory_space<vmem>>, vector<1x16xf32>,
    %get3A_4192 = vector.shape_cast %get3A_4191 : vector<1x16xf32> to vector<16xf32>
    %get3A_4193 = arith.constant 60 : i32
    %get3A_4194 = arith.index_cast %get3A_4193 : i32 to index
    %get3A_4195 = arith.constant 96 : index
    %get3A_4196 = tpu.vector_load %arg6[%get3A_4194, %get3A_4195] {strides = array<i32>} : memref<64x128xf32, #tpu.memory_space<vmem>>, vector<1x16xf32>,
    %get3A_4197 = vector.shape_cast %get3A_4196 : vector<1x16xf32> to vector<16xf32>
    %mul3A_4198 = arith.mulf %get3A_4192, %get3A_4197 : vector<16xf32>
    %add3A_4199 = arith.addf %add3A_4183, %mul3A_4198 : vector<16xf32>
    %mul3A_4200 = arith.mulf %get3A_4192, %get3A_4192 : vector<16xf32>
    %add3A_4201 = arith.addf %add3A_4185, %mul3A_4200 : vector<16xf32>
    %mul3A_4202 = arith.mulf %get3A_4197, %get3A_4197 : vector<16xf32>
    %add3A_4203 = arith.addf %add3A_4187, %mul3A_4202 : vector<16xf32>
    %get3A_4204 = arith.constant 28 : i32
    %get3A_4205 = arith.index_cast %get3A_4204 : i32 to index
    %get3A_4206 = arith.constant 112 : index
    %get3A_4207 = tpu.vector_load %arg6[%get3A_4205, %get3A_4206] {strides = array<i32>} : memref<64x128xf32, #tpu.memory_space<vmem>>, vector<1x16xf32>,
    %get3A_4208 = vector.shape_cast %get3A_4207 : vector<1x16xf32> to vector<16xf32>
    %get3A_4209 = arith.constant 60 : i32
    %get3A_4210 = arith.index_cast %get3A_4209 : i32 to index
    %get3A_4211 = arith.constant 112 : index
    %get3A_4212 = tpu.vector_load %arg6[%get3A_4210, %get3A_4211] {strides = array<i32>} : memref<64x128xf32, #tpu.memory_space<vmem>>, vector<1x16xf32>,
    %get3A_4213 = vector.shape_cast %get3A_4212 : vector<1x16xf32> to vector<16xf32>
    %mul3A_4214 = arith.mulf %get3A_4208, %get3A_4213 : vector<16xf32>
    %add3A_4215 = arith.addf %add3A_4199, %mul3A_4214 : vector<16xf32>
    %mul3A_4216 = arith.mulf %get3A_4208, %get3A_4208 : vector<16xf32>
    %add3A_4217 = arith.addf %add3A_4201, %mul3A_4216 : vector<16xf32>
    %mul3A_4218 = arith.mulf %get3A_4213, %get3A_4213 : vector<16xf32>
    %add3A_4219 = arith.addf %add3A_4203, %mul3A_4218 : vector<16xf32>
    %swap3A_4220 = arith.constant 28 : i32
    %swap3A_4221 = arith.index_cast %swap3A_4220 : i32 to index
    %swap3A_4222 = arith.constant 0 : index
    %swap3A_4223 = tpu.vector_load %arg7[%swap3A_4221, %swap3A_4222] {strides = array<i32>} : memref<32x48xf32, #tpu.memory_space<vmem>>, vector<1x16xf32>,
    %swap3A_4224 = vector.shape_cast %swap3A_4223 : vector<1x16xf32> to vector<16xf32>
    %swap3A_4225 = vector.shape_cast %add3A_4215 : vector<16xf32> to vector<1x16xf32>
    tpu.vector_store %arg7[%swap3A_4221, %swap3A_4222], %swap3A_4225 {strides = array<i32>} : memref<32x48xf32, #tpu.memory_space<vmem>>, vector<1x16xf32>,
    %swap3A_4226 = arith.constant 28 : i32
    %swap3A_4227 = arith.index_cast %swap3A_4226 : i32 to index
    %swap3A_4228 = arith.constant 16 : index
    %swap3A_4229 = tpu.vector_load %arg7[%swap3A_4227, %swap3A_4228] {strides = array<i32>} : memref<32x48xf32, #tpu.memory_space<vmem>>, vector<1x16xf32>,
    %swap3A_4230 = vector.shape_cast %swap3A_4229 : vector<1x16xf32> to vector<16xf32>
    %swap3A_4231 = vector.shape_cast %add3A_4217 : vector<16xf32> to vector<1x16xf32>
    tpu.vector_store %arg7[%swap3A_4227, %swap3A_4228], %swap3A_4231 {strides = array<i32>} : memref<32x48xf32, #tpu.memory_space<vmem>>, vector<1x16xf32>,
    %swap3A_4232 = arith.constant 28 : i32
    %swap3A_4233 = arith.index_cast %swap3A_4232 : i32 to index
    %swap3A_4234 = arith.constant 32 : index
    %swap3A_4235 = tpu.vector_load %arg7[%swap3A_4233, %swap3A_4234] {strides = array<i32>} : memref<32x48xf32, #tpu.memory_space<vmem>>, vector<1x16xf32>,
    %swap3A_4236 = vector.shape_cast %swap3A_4235 : vector<1x16xf32> to vector<16xf32>
    %swap3A_4237 = vector.shape_cast %add3A_4219 : vector<16xf32> to vector<1x16xf32>
    tpu.vector_store %arg7[%swap3A_4233, %swap3A_4234], %swap3A_4237 {strides = array<i32>} : memref<32x48xf32, #tpu.memory_space<vmem>>, vector<1x16xf32>,
    %get3A_4238 = arith.constant 29 : i32
    %get3A_4239 = arith.index_cast %get3A_4238 : i32 to index
    %get3A_4240 = arith.constant 0 : index
    %get3A_4241 = tpu.vector_load %arg6[%get3A_4239, %get3A_4240] {strides = array<i32>} : memref<64x128xf32, #tpu.memory_space<vmem>>, vector<1x16xf32>,
    %get3A_4242 = vector.shape_cast %get3A_4241 : vector<1x16xf32> to vector<16xf32>
    %get3A_4243 = arith.constant 61 : i32
    %get3A_4244 = arith.index_cast %get3A_4243 : i32 to index
    %get3A_4245 = arith.constant 0 : index
    %get3A_4246 = tpu.vector_load %arg6[%get3A_4244, %get3A_4245] {strides = array<i32>} : memref<64x128xf32, #tpu.memory_space<vmem>>, vector<1x16xf32>,
    %get3A_4247 = vector.shape_cast %get3A_4246 : vector<1x16xf32> to vector<16xf32>
    %mul3A_4248 = arith.mulf %get3A_4242, %get3A_4247 : vector<16xf32>
    %add3A_4249 = arith.addf %broadcast_in_dim3A_5, %mul3A_4248 : vector<16xf32>
    %mul3A_4250 = arith.mulf %get3A_4242, %get3A_4242 : vector<16xf32>
    %add3A_4251 = arith.addf %broadcast_in_dim3A_5, %mul3A_4250 : vector<16xf32>
    %mul3A_4252 = arith.mulf %get3A_4247, %get3A_4247 : vector<16xf32>
    %add3A_4253 = arith.addf %broadcast_in_dim3A_5, %mul3A_4252 : vector<16xf32>
    %get3A_4254 = arith.constant 29 : i32
    %get3A_4255 = arith.index_cast %get3A_4254 : i32 to index
    %get3A_4256 = arith.constant 16 : index
    %get3A_4257 = tpu.vector_load %arg6[%get3A_4255, %get3A_4256] {strides = array<i32>} : memref<64x128xf32, #tpu.memory_space<vmem>>, vector<1x16xf32>,
    %get3A_4258 = vector.shape_cast %get3A_4257 : vector<1x16xf32> to vector<16xf32>
    %get3A_4259 = arith.constant 61 : i32
    %get3A_4260 = arith.index_cast %get3A_4259 : i32 to index
    %get3A_4261 = arith.constant 16 : index
    %get3A_4262 = tpu.vector_load %arg6[%get3A_4260, %get3A_4261] {strides = array<i32>} : memref<64x128xf32, #tpu.memory_space<vmem>>, vector<1x16xf32>,
    %get3A_4263 = vector.shape_cast %get3A_4262 : vector<1x16xf32> to vector<16xf32>
    %mul3A_4264 = arith.mulf %get3A_4258, %get3A_4263 : vector<16xf32>
    %add3A_4265 = arith.addf %add3A_4249, %mul3A_4264 : vector<16xf32>
    %mul3A_4266 = arith.mulf %get3A_4258, %get3A_4258 : vector<16xf32>
    %add3A_4267 = arith.addf %add3A_4251, %mul3A_4266 : vector<16xf32>
    %mul3A_4268 = arith.mulf %get3A_4263, %get3A_4263 : vector<16xf32>
    %add3A_4269 = arith.addf %add3A_4253, %mul3A_4268 : vector<16xf32>
    %get3A_4270 = arith.constant 29 : i32
    %get3A_4271 = arith.index_cast %get3A_4270 : i32 to index
    %get3A_4272 = arith.constant 32 : index
    %get3A_4273 = tpu.vector_load %arg6[%get3A_4271, %get3A_4272] {strides = array<i32>} : memref<64x128xf32, #tpu.memory_space<vmem>>, vector<1x16xf32>,
    %get3A_4274 = vector.shape_cast %get3A_4273 : vector<1x16xf32> to vector<16xf32>
    %get3A_4275 = arith.constant 61 : i32
    %get3A_4276 = arith.index_cast %get3A_4275 : i32 to index
    %get3A_4277 = arith.constant 32 : index
    %get3A_4278 = tpu.vector_load %arg6[%get3A_4276, %get3A_4277] {strides = array<i32>} : memref<64x128xf32, #tpu.memory_space<vmem>>, vector<1x16xf32>,
    %get3A_4279 = vector.shape_cast %get3A_4278 : vector<1x16xf32> to vector<16xf32>
    %mul3A_4280 = arith.mulf %get3A_4274, %get3A_4279 : vector<16xf32>
    %add3A_4281 = arith.addf %add3A_4265, %mul3A_4280 : vector<16xf32>
    %mul3A_4282 = arith.mulf %get3A_4274, %get3A_4274 : vector<16xf32>
    %add3A_4283 = arith.addf %add3A_4267, %mul3A_4282 : vector<16xf32>
    %mul3A_4284 = arith.mulf %get3A_4279, %get3A_4279 : vector<16xf32>
    %add3A_4285 = arith.addf %add3A_4269, %mul3A_4284 : vector<16xf32>
    %get3A_4286 = arith.constant 29 : i32
    %get3A_4287 = arith.index_cast %get3A_4286 : i32 to index
    %get3A_4288 = arith.constant 48 : index
    %get3A_4289 = tpu.vector_load %arg6[%get3A_4287, %get3A_4288] {strides = array<i32>} : memref<64x128xf32, #tpu.memory_space<vmem>>, vector<1x16xf32>,
    %get3A_4290 = vector.shape_cast %get3A_4289 : vector<1x16xf32> to vector<16xf32>
    %get3A_4291 = arith.constant 61 : i32
    %get3A_4292 = arith.index_cast %get3A_4291 : i32 to index
    %get3A_4293 = arith.constant 48 : index
    %get3A_4294 = tpu.vector_load %arg6[%get3A_4292, %get3A_4293] {strides = array<i32>} : memref<64x128xf32, #tpu.memory_space<vmem>>, vector<1x16xf32>,
    %get3A_4295 = vector.shape_cast %get3A_4294 : vector<1x16xf32> to vector<16xf32>
    %mul3A_4296 = arith.mulf %get3A_4290, %get3A_4295 : vector<16xf32>
    %add3A_4297 = arith.addf %add3A_4281, %mul3A_4296 : vector<16xf32>
    %mul3A_4298 = arith.mulf %get3A_4290, %get3A_4290 : vector<16xf32>
    %add3A_4299 = arith.addf %add3A_4283, %mul3A_4298 : vector<16xf32>
    %mul3A_4300 = arith.mulf %get3A_4295, %get3A_4295 : vector<16xf32>
    %add3A_4301 = arith.addf %add3A_4285, %mul3A_4300 : vector<16xf32>
    %get3A_4302 = arith.constant 29 : i32
    %get3A_4303 = arith.index_cast %get3A_4302 : i32 to index
    %get3A_4304 = arith.constant 64 : index
    %get3A_4305 = tpu.vector_load %arg6[%get3A_4303, %get3A_4304] {strides = array<i32>} : memref<64x128xf32, #tpu.memory_space<vmem>>, vector<1x16xf32>,
    %get3A_4306 = vector.shape_cast %get3A_4305 : vector<1x16xf32> to vector<16xf32>
    %get3A_4307 = arith.constant 61 : i32
    %get3A_4308 = arith.index_cast %get3A_4307 : i32 to index
    %get3A_4309 = arith.constant 64 : index
    %get3A_4310 = tpu.vector_load %arg6[%get3A_4308, %get3A_4309] {strides = array<i32>} : memref<64x128xf32, #tpu.memory_space<vmem>>, vector<1x16xf32>,
    %get3A_4311 = vector.shape_cast %get3A_4310 : vector<1x16xf32> to vector<16xf32>
    %mul3A_4312 = arith.mulf %get3A_4306, %get3A_4311 : vector<16xf32>
    %add3A_4313 = arith.addf %add3A_4297, %mul3A_4312 : vector<16xf32>
    %mul3A_4314 = arith.mulf %get3A_4306, %get3A_4306 : vector<16xf32>
    %add3A_4315 = arith.addf %add3A_4299, %mul3A_4314 : vector<16xf32>
    %mul3A_4316 = arith.mulf %get3A_4311, %get3A_4311 : vector<16xf32>
    %add3A_4317 = arith.addf %add3A_4301, %mul3A_4316 : vector<16xf32>
    %get3A_4318 = arith.constant 29 : i32
    %get3A_4319 = arith.index_cast %get3A_4318 : i32 to index
    %get3A_4320 = arith.constant 80 : index
    %get3A_4321 = tpu.vector_load %arg6[%get3A_4319, %get3A_4320] {strides = array<i32>} : memref<64x128xf32, #tpu.memory_space<vmem>>, vector<1x16xf32>,
    %get3A_4322 = vector.shape_cast %get3A_4321 : vector<1x16xf32> to vector<16xf32>
    %get3A_4323 = arith.constant 61 : i32
    %get3A_4324 = arith.index_cast %get3A_4323 : i32 to index
    %get3A_4325 = arith.constant 80 : index
    %get3A_4326 = tpu.vector_load %arg6[%get3A_4324, %get3A_4325] {strides = array<i32>} : memref<64x128xf32, #tpu.memory_space<vmem>>, vector<1x16xf32>,
    %get3A_4327 = vector.shape_cast %get3A_4326 : vector<1x16xf32> to vector<16xf32>
    %mul3A_4328 = arith.mulf %get3A_4322, %get3A_4327 : vector<16xf32>
    %add3A_4329 = arith.addf %add3A_4313, %mul3A_4328 : vector<16xf32>
    %mul3A_4330 = arith.mulf %get3A_4322, %get3A_4322 : vector<16xf32>
    %add3A_4331 = arith.addf %add3A_4315, %mul3A_4330 : vector<16xf32>
    %mul3A_4332 = arith.mulf %get3A_4327, %get3A_4327 : vector<16xf32>
    %add3A_4333 = arith.addf %add3A_4317, %mul3A_4332 : vector<16xf32>
    %get3A_4334 = arith.constant 29 : i32
    %get3A_4335 = arith.index_cast %get3A_4334 : i32 to index
    %get3A_4336 = arith.constant 96 : index
    %get3A_4337 = tpu.vector_load %arg6[%get3A_4335, %get3A_4336] {strides = array<i32>} : memref<64x128xf32, #tpu.memory_space<vmem>>, vector<1x16xf32>,
    %get3A_4338 = vector.shape_cast %get3A_4337 : vector<1x16xf32> to vector<16xf32>
    %get3A_4339 = arith.constant 61 : i32
    %get3A_4340 = arith.index_cast %get3A_4339 : i32 to index
    %get3A_4341 = arith.constant 96 : index
    %get3A_4342 = tpu.vector_load %arg6[%get3A_4340, %get3A_4341] {strides = array<i32>} : memref<64x128xf32, #tpu.memory_space<vmem>>, vector<1x16xf32>,
    %get3A_4343 = vector.shape_cast %get3A_4342 : vector<1x16xf32> to vector<16xf32>
    %mul3A_4344 = arith.mulf %get3A_4338, %get3A_4343 : vector<16xf32>
    %add3A_4345 = arith.addf %add3A_4329, %mul3A_4344 : vector<16xf32>
    %mul3A_4346 = arith.mulf %get3A_4338, %get3A_4338 : vector<16xf32>
    %add3A_4347 = arith.addf %add3A_4331, %mul3A_4346 : vector<16xf32>
    %mul3A_4348 = arith.mulf %get3A_4343, %get3A_4343 : vector<16xf32>
    %add3A_4349 = arith.addf %add3A_4333, %mul3A_4348 : vector<16xf32>
    %get3A_4350 = arith.constant 29 : i32
    %get3A_4351 = arith.index_cast %get3A_4350 : i32 to index
    %get3A_4352 = arith.constant 112 : index
    %get3A_4353 = tpu.vector_load %arg6[%get3A_4351, %get3A_4352] {strides = array<i32>} : memref<64x128xf32, #tpu.memory_space<vmem>>, vector<1x16xf32>,
    %get3A_4354 = vector.shape_cast %get3A_4353 : vector<1x16xf32> to vector<16xf32>
    %get3A_4355 = arith.constant 61 : i32
    %get3A_4356 = arith.index_cast %get3A_4355 : i32 to index
    %get3A_4357 = arith.constant 112 : index
    %get3A_4358 = tpu.vector_load %arg6[%get3A_4356, %get3A_4357] {strides = array<i32>} : memref<64x128xf32, #tpu.memory_space<vmem>>, vector<1x16xf32>,
    %get3A_4359 = vector.shape_cast %get3A_4358 : vector<1x16xf32> to vector<16xf32>
    %mul3A_4360 = arith.mulf %get3A_4354, %get3A_4359 : vector<16xf32>
    %add3A_4361 = arith.addf %add3A_4345, %mul3A_4360 : vector<16xf32>
    %mul3A_4362 = arith.mulf %get3A_4354, %get3A_4354 : vector<16xf32>
    %add3A_4363 = arith.addf %add3A_4347, %mul3A_4362 : vector<16xf32>
    %mul3A_4364 = arith.mulf %get3A_4359, %get3A_4359 : vector<16xf32>
    %add3A_4365 = arith.addf %add3A_4349, %mul3A_4364 : vector<16xf32>
    %swap3A_4366 = arith.constant 29 : i32
    %swap3A_4367 = arith.index_cast %swap3A_4366 : i32 to index
    %swap3A_4368 = arith.constant 0 : index
    %swap3A_4369 = tpu.vector_load %arg7[%swap3A_4367, %swap3A_4368] {strides = array<i32>} : memref<32x48xf32, #tpu.memory_space<vmem>>, vector<1x16xf32>,
    %swap3A_4370 = vector.shape_cast %swap3A_4369 : vector<1x16xf32> to vector<16xf32>
    %swap3A_4371 = vector.shape_cast %add3A_4361 : vector<16xf32> to vector<1x16xf32>
    tpu.vector_store %arg7[%swap3A_4367, %swap3A_4368], %swap3A_4371 {strides = array<i32>} : memref<32x48xf32, #tpu.memory_space<vmem>>, vector<1x16xf32>,
    %swap3A_4372 = arith.constant 29 : i32
    %swap3A_4373 = arith.index_cast %swap3A_4372 : i32 to index
    %swap3A_4374 = arith.constant 16 : index
    %swap3A_4375 = tpu.vector_load %arg7[%swap3A_4373, %swap3A_4374] {strides = array<i32>} : memref<32x48xf32, #tpu.memory_space<vmem>>, vector<1x16xf32>,
    %swap3A_4376 = vector.shape_cast %swap3A_4375 : vector<1x16xf32> to vector<16xf32>
    %swap3A_4377 = vector.shape_cast %add3A_4363 : vector<16xf32> to vector<1x16xf32>
    tpu.vector_store %arg7[%swap3A_4373, %swap3A_4374], %swap3A_4377 {strides = array<i32>} : memref<32x48xf32, #tpu.memory_space<vmem>>, vector<1x16xf32>,
    %swap3A_4378 = arith.constant 29 : i32
    %swap3A_4379 = arith.index_cast %swap3A_4378 : i32 to index
    %swap3A_4380 = arith.constant 32 : index
    %swap3A_4381 = tpu.vector_load %arg7[%swap3A_4379, %swap3A_4380] {strides = array<i32>} : memref<32x48xf32, #tpu.memory_space<vmem>>, vector<1x16xf32>,
    %swap3A_4382 = vector.shape_cast %swap3A_4381 : vector<1x16xf32> to vector<16xf32>
    %swap3A_4383 = vector.shape_cast %add3A_4365 : vector<16xf32> to vector<1x16xf32>
    tpu.vector_store %arg7[%swap3A_4379, %swap3A_4380], %swap3A_4383 {strides = array<i32>} : memref<32x48xf32, #tpu.memory_space<vmem>>, vector<1x16xf32>,
    %get3A_4384 = arith.constant 30 : i32
    %get3A_4385 = arith.index_cast %get3A_4384 : i32 to index
    %get3A_4386 = arith.constant 0 : index
    %get3A_4387 = tpu.vector_load %arg6[%get3A_4385, %get3A_4386] {strides = array<i32>} : memref<64x128xf32, #tpu.memory_space<vmem>>, vector<1x16xf32>,
    %get3A_4388 = vector.shape_cast %get3A_4387 : vector<1x16xf32> to vector<16xf32>
    %get3A_4389 = arith.constant 62 : i32
    %get3A_4390 = arith.index_cast %get3A_4389 : i32 to index
    %get3A_4391 = arith.constant 0 : index
    %get3A_4392 = tpu.vector_load %arg6[%get3A_4390, %get3A_4391] {strides = array<i32>} : memref<64x128xf32, #tpu.memory_space<vmem>>, vector<1x16xf32>,
    %get3A_4393 = vector.shape_cast %get3A_4392 : vector<1x16xf32> to vector<16xf32>
    %mul3A_4394 = arith.mulf %get3A_4388, %get3A_4393 : vector<16xf32>
    %add3A_4395 = arith.addf %broadcast_in_dim3A_5, %mul3A_4394 : vector<16xf32>
    %mul3A_4396 = arith.mulf %get3A_4388, %get3A_4388 : vector<16xf32>
    %add3A_4397 = arith.addf %broadcast_in_dim3A_5, %mul3A_4396 : vector<16xf32>
    %mul3A_4398 = arith.mulf %get3A_4393, %get3A_4393 : vector<16xf32>
    %add3A_4399 = arith.addf %broadcast_in_dim3A_5, %mul3A_4398 : vector<16xf32>
    %get3A_4400 = arith.constant 30 : i32
    %get3A_4401 = arith.index_cast %get3A_4400 : i32 to index
    %get3A_4402 = arith.constant 16 : index
    %get3A_4403 = tpu.vector_load %arg6[%get3A_4401, %get3A_4402] {strides = array<i32>} : memref<64x128xf32, #tpu.memory_space<vmem>>, vector<1x16xf32>,
    %get3A_4404 = vector.shape_cast %get3A_4403 : vector<1x16xf32> to vector<16xf32>
    %get3A_4405 = arith.constant 62 : i32
    %get3A_4406 = arith.index_cast %get3A_4405 : i32 to index
    %get3A_4407 = arith.constant 16 : index
    %get3A_4408 = tpu.vector_load %arg6[%get3A_4406, %get3A_4407] {strides = array<i32>} : memref<64x128xf32, #tpu.memory_space<vmem>>, vector<1x16xf32>,
    %get3A_4409 = vector.shape_cast %get3A_4408 : vector<1x16xf32> to vector<16xf32>
    %mul3A_4410 = arith.mulf %get3A_4404, %get3A_4409 : vector<16xf32>
    %add3A_4411 = arith.addf %add3A_4395, %mul3A_4410 : vector<16xf32>
    %mul3A_4412 = arith.mulf %get3A_4404, %get3A_4404 : vector<16xf32>
    %add3A_4413 = arith.addf %add3A_4397, %mul3A_4412 : vector<16xf32>
    %mul3A_4414 = arith.mulf %get3A_4409, %get3A_4409 : vector<16xf32>
    %add3A_4415 = arith.addf %add3A_4399, %mul3A_4414 : vector<16xf32>
    %get3A_4416 = arith.constant 30 : i32
    %get3A_4417 = arith.index_cast %get3A_4416 : i32 to index
    %get3A_4418 = arith.constant 32 : index
    %get3A_4419 = tpu.vector_load %arg6[%get3A_4417, %get3A_4418] {strides = array<i32>} : memref<64x128xf32, #tpu.memory_space<vmem>>, vector<1x16xf32>,
    %get3A_4420 = vector.shape_cast %get3A_4419 : vector<1x16xf32> to vector<16xf32>
    %get3A_4421 = arith.constant 62 : i32
    %get3A_4422 = arith.index_cast %get3A_4421 : i32 to index
    %get3A_4423 = arith.constant 32 : index
    %get3A_4424 = tpu.vector_load %arg6[%get3A_4422, %get3A_4423] {strides = array<i32>} : memref<64x128xf32, #tpu.memory_space<vmem>>, vector<1x16xf32>,
    %get3A_4425 = vector.shape_cast %get3A_4424 : vector<1x16xf32> to vector<16xf32>
    %mul3A_4426 = arith.mulf %get3A_4420, %get3A_4425 : vector<16xf32>
    %add3A_4427 = arith.addf %add3A_4411, %mul3A_4426 : vector<16xf32>
    %mul3A_4428 = arith.mulf %get3A_4420, %get3A_4420 : vector<16xf32>
    %add3A_4429 = arith.addf %add3A_4413, %mul3A_4428 : vector<16xf32>
    %mul3A_4430 = arith.mulf %get3A_4425, %get3A_4425 : vector<16xf32>
    %add3A_4431 = arith.addf %add3A_4415, %mul3A_4430 : vector<16xf32>
    %get3A_4432 = arith.constant 30 : i32
    %get3A_4433 = arith.index_cast %get3A_4432 : i32 to index
    %get3A_4434 = arith.constant 48 : index
    %get3A_4435 = tpu.vector_load %arg6[%get3A_4433, %get3A_4434] {strides = array<i32>} : memref<64x128xf32, #tpu.memory_space<vmem>>, vector<1x16xf32>,
    %get3A_4436 = vector.shape_cast %get3A_4435 : vector<1x16xf32> to vector<16xf32>
    %get3A_4437 = arith.constant 62 : i32
    %get3A_4438 = arith.index_cast %get3A_4437 : i32 to index
    %get3A_4439 = arith.constant 48 : index
    %get3A_4440 = tpu.vector_load %arg6[%get3A_4438, %get3A_4439] {strides = array<i32>} : memref<64x128xf32, #tpu.memory_space<vmem>>, vector<1x16xf32>,
    %get3A_4441 = vector.shape_cast %get3A_4440 : vector<1x16xf32> to vector<16xf32>
    %mul3A_4442 = arith.mulf %get3A_4436, %get3A_4441 : vector<16xf32>
    %add3A_4443 = arith.addf %add3A_4427, %mul3A_4442 : vector<16xf32>
    %mul3A_4444 = arith.mulf %get3A_4436, %get3A_4436 : vector<16xf32>
    %add3A_4445 = arith.addf %add3A_4429, %mul3A_4444 : vector<16xf32>
    %mul3A_4446 = arith.mulf %get3A_4441, %get3A_4441 : vector<16xf32>
    %add3A_4447 = arith.addf %add3A_4431, %mul3A_4446 : vector<16xf32>
    %get3A_4448 = arith.constant 30 : i32
    %get3A_4449 = arith.index_cast %get3A_4448 : i32 to index
    %get3A_4450 = arith.constant 64 : index
    %get3A_4451 = tpu.vector_load %arg6[%get3A_4449, %get3A_4450] {strides = array<i32>} : memref<64x128xf32, #tpu.memory_space<vmem>>, vector<1x16xf32>,
    %get3A_4452 = vector.shape_cast %get3A_4451 : vector<1x16xf32> to vector<16xf32>
    %get3A_4453 = arith.constant 62 : i32
    %get3A_4454 = arith.index_cast %get3A_4453 : i32 to index
    %get3A_4455 = arith.constant 64 : index
    %get3A_4456 = tpu.vector_load %arg6[%get3A_4454, %get3A_4455] {strides = array<i32>} : memref<64x128xf32, #tpu.memory_space<vmem>>, vector<1x16xf32>,
    %get3A_4457 = vector.shape_cast %get3A_4456 : vector<1x16xf32> to vector<16xf32>
    %mul3A_4458 = arith.mulf %get3A_4452, %get3A_4457 : vector<16xf32>
    %add3A_4459 = arith.addf %add3A_4443, %mul3A_4458 : vector<16xf32>
    %mul3A_4460 = arith.mulf %get3A_4452, %get3A_4452 : vector<16xf32>
    %add3A_4461 = arith.addf %add3A_4445, %mul3A_4460 : vector<16xf32>
    %mul3A_4462 = arith.mulf %get3A_4457, %get3A_4457 : vector<16xf32>
    %add3A_4463 = arith.addf %add3A_4447, %mul3A_4462 : vector<16xf32>
    %get3A_4464 = arith.constant 30 : i32
    %get3A_4465 = arith.index_cast %get3A_4464 : i32 to index
    %get3A_4466 = arith.constant 80 : index
    %get3A_4467 = tpu.vector_load %arg6[%get3A_4465, %get3A_4466] {strides = array<i32>} : memref<64x128xf32, #tpu.memory_space<vmem>>, vector<1x16xf32>,
    %get3A_4468 = vector.shape_cast %get3A_4467 : vector<1x16xf32> to vector<16xf32>
    %get3A_4469 = arith.constant 62 : i32
    %get3A_4470 = arith.index_cast %get3A_4469 : i32 to index
    %get3A_4471 = arith.constant 80 : index
    %get3A_4472 = tpu.vector_load %arg6[%get3A_4470, %get3A_4471] {strides = array<i32>} : memref<64x128xf32, #tpu.memory_space<vmem>>, vector<1x16xf32>,
    %get3A_4473 = vector.shape_cast %get3A_4472 : vector<1x16xf32> to vector<16xf32>
    %mul3A_4474 = arith.mulf %get3A_4468, %get3A_4473 : vector<16xf32>
    %add3A_4475 = arith.addf %add3A_4459, %mul3A_4474 : vector<16xf32>
    %mul3A_4476 = arith.mulf %get3A_4468, %get3A_4468 : vector<16xf32>
    %add3A_4477 = arith.addf %add3A_4461, %mul3A_4476 : vector<16xf32>
    %mul3A_4478 = arith.mulf %get3A_4473, %get3A_4473 : vector<16xf32>
    %add3A_4479 = arith.addf %add3A_4463, %mul3A_4478 : vector<16xf32>
    %get3A_4480 = arith.constant 30 : i32
    %get3A_4481 = arith.index_cast %get3A_4480 : i32 to index
    %get3A_4482 = arith.constant 96 : index
    %get3A_4483 = tpu.vector_load %arg6[%get3A_4481, %get3A_4482] {strides = array<i32>} : memref<64x128xf32, #tpu.memory_space<vmem>>, vector<1x16xf32>,
    %get3A_4484 = vector.shape_cast %get3A_4483 : vector<1x16xf32> to vector<16xf32>
    %get3A_4485 = arith.constant 62 : i32
    %get3A_4486 = arith.index_cast %get3A_4485 : i32 to index
    %get3A_4487 = arith.constant 96 : index
    %get3A_4488 = tpu.vector_load %arg6[%get3A_4486, %get3A_4487] {strides = array<i32>} : memref<64x128xf32, #tpu.memory_space<vmem>>, vector<1x16xf32>,
    %get3A_4489 = vector.shape_cast %get3A_4488 : vector<1x16xf32> to vector<16xf32>
    %mul3A_4490 = arith.mulf %get3A_4484, %get3A_4489 : vector<16xf32>
    %add3A_4491 = arith.addf %add3A_4475, %mul3A_4490 : vector<16xf32>
    %mul3A_4492 = arith.mulf %get3A_4484, %get3A_4484 : vector<16xf32>
    %add3A_4493 = arith.addf %add3A_4477, %mul3A_4492 : vector<16xf32>
    %mul3A_4494 = arith.mulf %get3A_4489, %get3A_4489 : vector<16xf32>
    %add3A_4495 = arith.addf %add3A_4479, %mul3A_4494 : vector<16xf32>
    %get3A_4496 = arith.constant 30 : i32
    %get3A_4497 = arith.index_cast %get3A_4496 : i32 to index
    %get3A_4498 = arith.constant 112 : index
    %get3A_4499 = tpu.vector_load %arg6[%get3A_4497, %get3A_4498] {strides = array<i32>} : memref<64x128xf32, #tpu.memory_space<vmem>>, vector<1x16xf32>,
    %get3A_4500 = vector.shape_cast %get3A_4499 : vector<1x16xf32> to vector<16xf32>
    %get3A_4501 = arith.constant 62 : i32
    %get3A_4502 = arith.index_cast %get3A_4501 : i32 to index
    %get3A_4503 = arith.constant 112 : index
    %get3A_4504 = tpu.vector_load %arg6[%get3A_4502, %get3A_4503] {strides = array<i32>} : memref<64x128xf32, #tpu.memory_space<vmem>>, vector<1x16xf32>,
    %get3A_4505 = vector.shape_cast %get3A_4504 : vector<1x16xf32> to vector<16xf32>
    %mul3A_4506 = arith.mulf %get3A_4500, %get3A_4505 : vector<16xf32>
    %add3A_4507 = arith.addf %add3A_4491, %mul3A_4506 : vector<16xf32>
    %mul3A_4508 = arith.mulf %get3A_4500, %get3A_4500 : vector<16xf32>
    %add3A_4509 = arith.addf %add3A_4493, %mul3A_4508 : vector<16xf32>
    %mul3A_4510 = arith.mulf %get3A_4505, %get3A_4505 : vector<16xf32>
    %add3A_4511 = arith.addf %add3A_4495, %mul3A_4510 : vector<16xf32>
    %swap3A_4512 = arith.constant 30 : i32
    %swap3A_4513 = arith.index_cast %swap3A_4512 : i32 to index
    %swap3A_4514 = arith.constant 0 : index
    %swap3A_4515 = tpu.vector_load %arg7[%swap3A_4513, %swap3A_4514] {strides = array<i32>} : memref<32x48xf32, #tpu.memory_space<vmem>>, vector<1x16xf32>,
    %swap3A_4516 = vector.shape_cast %swap3A_4515 : vector<1x16xf32> to vector<16xf32>
    %swap3A_4517 = vector.shape_cast %add3A_4507 : vector<16xf32> to vector<1x16xf32>
    tpu.vector_store %arg7[%swap3A_4513, %swap3A_4514], %swap3A_4517 {strides = array<i32>} : memref<32x48xf32, #tpu.memory_space<vmem>>, vector<1x16xf32>,
    %swap3A_4518 = arith.constant 30 : i32
    %swap3A_4519 = arith.index_cast %swap3A_4518 : i32 to index
    %swap3A_4520 = arith.constant 16 : index
    %swap3A_4521 = tpu.vector_load %arg7[%swap3A_4519, %swap3A_4520] {strides = array<i32>} : memref<32x48xf32, #tpu.memory_space<vmem>>, vector<1x16xf32>,
    %swap3A_4522 = vector.shape_cast %swap3A_4521 : vector<1x16xf32> to vector<16xf32>
    %swap3A_4523 = vector.shape_cast %add3A_4509 : vector<16xf32> to vector<1x16xf32>
    tpu.vector_store %arg7[%swap3A_4519, %swap3A_4520], %swap3A_4523 {strides = array<i32>} : memref<32x48xf32, #tpu.memory_space<vmem>>, vector<1x16xf32>,
    %swap3A_4524 = arith.constant 30 : i32
    %swap3A_4525 = arith.index_cast %swap3A_4524 : i32 to index
    %swap3A_4526 = arith.constant 32 : index
    %swap3A_4527 = tpu.vector_load %arg7[%swap3A_4525, %swap3A_4526] {strides = array<i32>} : memref<32x48xf32, #tpu.memory_space<vmem>>, vector<1x16xf32>,
    %swap3A_4528 = vector.shape_cast %swap3A_4527 : vector<1x16xf32> to vector<16xf32>
    %swap3A_4529 = vector.shape_cast %add3A_4511 : vector<16xf32> to vector<1x16xf32>
    tpu.vector_store %arg7[%swap3A_4525, %swap3A_4526], %swap3A_4529 {strides = array<i32>} : memref<32x48xf32, #tpu.memory_space<vmem>>, vector<1x16xf32>,
    %get3A_4530 = arith.constant 31 : i32
    %get3A_4531 = arith.index_cast %get3A_4530 : i32 to index
    %get3A_4532 = arith.constant 0 : index
    %get3A_4533 = tpu.vector_load %arg6[%get3A_4531, %get3A_4532] {strides = array<i32>} : memref<64x128xf32, #tpu.memory_space<vmem>>, vector<1x16xf32>,
    %get3A_4534 = vector.shape_cast %get3A_4533 : vector<1x16xf32> to vector<16xf32>
    %get3A_4535 = arith.constant 63 : i32
    %get3A_4536 = arith.index_cast %get3A_4535 : i32 to index
    %get3A_4537 = arith.constant 0 : index
    %get3A_4538 = tpu.vector_load %arg6[%get3A_4536, %get3A_4537] {strides = array<i32>} : memref<64x128xf32, #tpu.memory_space<vmem>>, vector<1x16xf32>,
    %get3A_4539 = vector.shape_cast %get3A_4538 : vector<1x16xf32> to vector<16xf32>
    %mul3A_4540 = arith.mulf %get3A_4534, %get3A_4539 : vector<16xf32>
    %add3A_4541 = arith.addf %broadcast_in_dim3A_5, %mul3A_4540 : vector<16xf32>
    %mul3A_4542 = arith.mulf %get3A_4534, %get3A_4534 : vector<16xf32>
    %add3A_4543 = arith.addf %broadcast_in_dim3A_5, %mul3A_4542 : vector<16xf32>
    %mul3A_4544 = arith.mulf %get3A_4539, %get3A_4539 : vector<16xf32>
    %add3A_4545 = arith.addf %broadcast_in_dim3A_5, %mul3A_4544 : vector<16xf32>
    %get3A_4546 = arith.constant 31 : i32
    %get3A_4547 = arith.index_cast %get3A_4546 : i32 to index
    %get3A_4548 = arith.constant 16 : index
    %get3A_4549 = tpu.vector_load %arg6[%get3A_4547, %get3A_4548] {strides = array<i32>} : memref<64x128xf32, #tpu.memory_space<vmem>>, vector<1x16xf32>,
    %get3A_4550 = vector.shape_cast %get3A_4549 : vector<1x16xf32> to vector<16xf32>
    %get3A_4551 = arith.constant 63 : i32
    %get3A_4552 = arith.index_cast %get3A_4551 : i32 to index
    %get3A_4553 = arith.constant 16 : index
    %get3A_4554 = tpu.vector_load %arg6[%get3A_4552, %get3A_4553] {strides = array<i32>} : memref<64x128xf32, #tpu.memory_space<vmem>>, vector<1x16xf32>,
    %get3A_4555 = vector.shape_cast %get3A_4554 : vector<1x16xf32> to vector<16xf32>
    %mul3A_4556 = arith.mulf %get3A_4550, %get3A_4555 : vector<16xf32>
    %add3A_4557 = arith.addf %add3A_4541, %mul3A_4556 : vector<16xf32>
    %mul3A_4558 = arith.mulf %get3A_4550, %get3A_4550 : vector<16xf32>
    %add3A_4559 = arith.addf %add3A_4543, %mul3A_4558 : vector<16xf32>
    %mul3A_4560 = arith.mulf %get3A_4555, %get3A_4555 : vector<16xf32>
    %add3A_4561 = arith.addf %add3A_4545, %mul3A_4560 : vector<16xf32>
    %get3A_4562 = arith.constant 31 : i32
    %get3A_4563 = arith.index_cast %get3A_4562 : i32 to index
    %get3A_4564 = arith.constant 32 : index
    %get3A_4565 = tpu.vector_load %arg6[%get3A_4563, %get3A_4564] {strides = array<i32>} : memref<64x128xf32, #tpu.memory_space<vmem>>, vector<1x16xf32>,
    %get3A_4566 = vector.shape_cast %get3A_4565 : vector<1x16xf32> to vector<16xf32>
    %get3A_4567 = arith.constant 63 : i32
    %get3A_4568 = arith.index_cast %get3A_4567 : i32 to index
    %get3A_4569 = arith.constant 32 : index
    %get3A_4570 = tpu.vector_load %arg6[%get3A_4568, %get3A_4569] {strides = array<i32>} : memref<64x128xf32, #tpu.memory_space<vmem>>, vector<1x16xf32>,
    %get3A_4571 = vector.shape_cast %get3A_4570 : vector<1x16xf32> to vector<16xf32>
    %mul3A_4572 = arith.mulf %get3A_4566, %get3A_4571 : vector<16xf32>
    %add3A_4573 = arith.addf %add3A_4557, %mul3A_4572 : vector<16xf32>
    %mul3A_4574 = arith.mulf %get3A_4566, %get3A_4566 : vector<16xf32>
    %add3A_4575 = arith.addf %add3A_4559, %mul3A_4574 : vector<16xf32>
    %mul3A_4576 = arith.mulf %get3A_4571, %get3A_4571 : vector<16xf32>
    %add3A_4577 = arith.addf %add3A_4561, %mul3A_4576 : vector<16xf32>
    %get3A_4578 = arith.constant 31 : i32
    %get3A_4579 = arith.index_cast %get3A_4578 : i32 to index
    %get3A_4580 = arith.constant 48 : index
    %get3A_4581 = tpu.vector_load %arg6[%get3A_4579, %get3A_4580] {strides = array<i32>} : memref<64x128xf32, #tpu.memory_space<vmem>>, vector<1x16xf32>,
    %get3A_4582 = vector.shape_cast %get3A_4581 : vector<1x16xf32> to vector<16xf32>
    %get3A_4583 = arith.constant 63 : i32
    %get3A_4584 = arith.index_cast %get3A_4583 : i32 to index
    %get3A_4585 = arith.constant 48 : index
    %get3A_4586 = tpu.vector_load %arg6[%get3A_4584, %get3A_4585] {strides = array<i32>} : memref<64x128xf32, #tpu.memory_space<vmem>>, vector<1x16xf32>,
    %get3A_4587 = vector.shape_cast %get3A_4586 : vector<1x16xf32> to vector<16xf32>
    %mul3A_4588 = arith.mulf %get3A_4582, %get3A_4587 : vector<16xf32>
    %add3A_4589 = arith.addf %add3A_4573, %mul3A_4588 : vector<16xf32>
    %mul3A_4590 = arith.mulf %get3A_4582, %get3A_4582 : vector<16xf32>
    %add3A_4591 = arith.addf %add3A_4575, %mul3A_4590 : vector<16xf32>
    %mul3A_4592 = arith.mulf %get3A_4587, %get3A_4587 : vector<16xf32>
    %add3A_4593 = arith.addf %add3A_4577, %mul3A_4592 : vector<16xf32>
    %get3A_4594 = arith.constant 31 : i32
    %get3A_4595 = arith.index_cast %get3A_4594 : i32 to index
    %get3A_4596 = arith.constant 64 : index
    %get3A_4597 = tpu.vector_load %arg6[%get3A_4595, %get3A_4596] {strides = array<i32>} : memref<64x128xf32, #tpu.memory_space<vmem>>, vector<1x16xf32>,
    %get3A_4598 = vector.shape_cast %get3A_4597 : vector<1x16xf32> to vector<16xf32>
    %get3A_4599 = arith.constant 63 : i32
    %get3A_4600 = arith.index_cast %get3A_4599 : i32 to index
    %get3A_4601 = arith.constant 64 : index
    %get3A_4602 = tpu.vector_load %arg6[%get3A_4600, %get3A_4601] {strides = array<i32>} : memref<64x128xf32, #tpu.memory_space<vmem>>, vector<1x16xf32>,
    %get3A_4603 = vector.shape_cast %get3A_4602 : vector<1x16xf32> to vector<16xf32>
    %mul3A_4604 = arith.mulf %get3A_4598, %get3A_4603 : vector<16xf32>
    %add3A_4605 = arith.addf %add3A_4589, %mul3A_4604 : vector<16xf32>
    %mul3A_4606 = arith.mulf %get3A_4598, %get3A_4598 : vector<16xf32>
    %add3A_4607 = arith.addf %add3A_4591, %mul3A_4606 : vector<16xf32>
    %mul3A_4608 = arith.mulf %get3A_4603, %get3A_4603 : vector<16xf32>
    %add3A_4609 = arith.addf %add3A_4593, %mul3A_4608 : vector<16xf32>
    %get3A_4610 = arith.constant 31 : i32
    %get3A_4611 = arith.index_cast %get3A_4610 : i32 to index
    %get3A_4612 = arith.constant 80 : index
    %get3A_4613 = tpu.vector_load %arg6[%get3A_4611, %get3A_4612] {strides = array<i32>} : memref<64x128xf32, #tpu.memory_space<vmem>>, vector<1x16xf32>,
    %get3A_4614 = vector.shape_cast %get3A_4613 : vector<1x16xf32> to vector<16xf32>
    %get3A_4615 = arith.constant 63 : i32
    %get3A_4616 = arith.index_cast %get3A_4615 : i32 to index
    %get3A_4617 = arith.constant 80 : index
    %get3A_4618 = tpu.vector_load %arg6[%get3A_4616, %get3A_4617] {strides = array<i32>} : memref<64x128xf32, #tpu.memory_space<vmem>>, vector<1x16xf32>,
    %get3A_4619 = vector.shape_cast %get3A_4618 : vector<1x16xf32> to vector<16xf32>
    %mul3A_4620 = arith.mulf %get3A_4614, %get3A_4619 : vector<16xf32>
    %add3A_4621 = arith.addf %add3A_4605, %mul3A_4620 : vector<16xf32>
    %mul3A_4622 = arith.mulf %get3A_4614, %get3A_4614 : vector<16xf32>
    %add3A_4623 = arith.addf %add3A_4607, %mul3A_4622 : vector<16xf32>
    %mul3A_4624 = arith.mulf %get3A_4619, %get3A_4619 : vector<16xf32>
    %add3A_4625 = arith.addf %add3A_4609, %mul3A_4624 : vector<16xf32>
    %get3A_4626 = arith.constant 31 : i32
    %get3A_4627 = arith.index_cast %get3A_4626 : i32 to index
    %get3A_4628 = arith.constant 96 : index
    %get3A_4629 = tpu.vector_load %arg6[%get3A_4627, %get3A_4628] {strides = array<i32>} : memref<64x128xf32, #tpu.memory_space<vmem>>, vector<1x16xf32>,
    %get3A_4630 = vector.shape_cast %get3A_4629 : vector<1x16xf32> to vector<16xf32>
    %get3A_4631 = arith.constant 63 : i32
    %get3A_4632 = arith.index_cast %get3A_4631 : i32 to index
    %get3A_4633 = arith.constant 96 : index
    %get3A_4634 = tpu.vector_load %arg6[%get3A_4632, %get3A_4633] {strides = array<i32>} : memref<64x128xf32, #tpu.memory_space<vmem>>, vector<1x16xf32>,
    %get3A_4635 = vector.shape_cast %get3A_4634 : vector<1x16xf32> to vector<16xf32>
    %mul3A_4636 = arith.mulf %get3A_4630, %get3A_4635 : vector<16xf32>
    %add3A_4637 = arith.addf %add3A_4621, %mul3A_4636 : vector<16xf32>
    %mul3A_4638 = arith.mulf %get3A_4630, %get3A_4630 : vector<16xf32>
    %add3A_4639 = arith.addf %add3A_4623, %mul3A_4638 : vector<16xf32>
    %mul3A_4640 = arith.mulf %get3A_4635, %get3A_4635 : vector<16xf32>
    %add3A_4641 = arith.addf %add3A_4625, %mul3A_4640 : vector<16xf32>
    %get3A_4642 = arith.constant 31 : i32
    %get3A_4643 = arith.index_cast %get3A_4642 : i32 to index
    %get3A_4644 = arith.constant 112 : index
    %get3A_4645 = tpu.vector_load %arg6[%get3A_4643, %get3A_4644] {strides = array<i32>} : memref<64x128xf32, #tpu.memory_space<vmem>>, vector<1x16xf32>,
    %get3A_4646 = vector.shape_cast %get3A_4645 : vector<1x16xf32> to vector<16xf32>
    %get3A_4647 = arith.constant 63 : i32
    %get3A_4648 = arith.index_cast %get3A_4647 : i32 to index
    %get3A_4649 = arith.constant 112 : index
    %get3A_4650 = tpu.vector_load %arg6[%get3A_4648, %get3A_4649] {strides = array<i32>} : memref<64x128xf32, #tpu.memory_space<vmem>>, vector<1x16xf32>,
    %get3A_4651 = vector.shape_cast %get3A_4650 : vector<1x16xf32> to vector<16xf32>
    %mul3A_4652 = arith.mulf %get3A_4646, %get3A_4651 : vector<16xf32>
    %add3A_4653 = arith.addf %add3A_4637, %mul3A_4652 : vector<16xf32>
    %mul3A_4654 = arith.mulf %get3A_4646, %get3A_4646 : vector<16xf32>
    %add3A_4655 = arith.addf %add3A_4639, %mul3A_4654 : vector<16xf32>
    %mul3A_4656 = arith.mulf %get3A_4651, %get3A_4651 : vector<16xf32>
    %add3A_4657 = arith.addf %add3A_4641, %mul3A_4656 : vector<16xf32>
    %swap3A_4658 = arith.constant 31 : i32
    %swap3A_4659 = arith.index_cast %swap3A_4658 : i32 to index
    %swap3A_4660 = arith.constant 0 : index
    %swap3A_4661 = tpu.vector_load %arg7[%swap3A_4659, %swap3A_4660] {strides = array<i32>} : memref<32x48xf32, #tpu.memory_space<vmem>>, vector<1x16xf32>,
    %swap3A_4662 = vector.shape_cast %swap3A_4661 : vector<1x16xf32> to vector<16xf32>
    %swap3A_4663 = vector.shape_cast %add3A_4653 : vector<16xf32> to vector<1x16xf32>
    tpu.vector_store %arg7[%swap3A_4659, %swap3A_4660], %swap3A_4663 {strides = array<i32>} : memref<32x48xf32, #tpu.memory_space<vmem>>, vector<1x16xf32>,
    %swap3A_4664 = arith.constant 31 : i32
    %swap3A_4665 = arith.index_cast %swap3A_4664 : i32 to index
    %swap3A_4666 = arith.constant 16 : index
    %swap3A_4667 = tpu.vector_load %arg7[%swap3A_4665, %swap3A_4666] {strides = array<i32>} : memref<32x48xf32, #tpu.memory_space<vmem>>, vector<1x16xf32>,
    %swap3A_4668 = vector.shape_cast %swap3A_4667 : vector<1x16xf32> to vector<16xf32>
    %swap3A_4669 = vector.shape_cast %add3A_4655 : vector<16xf32> to vector<1x16xf32>
    tpu.vector_store %arg7[%swap3A_4665, %swap3A_4666], %swap3A_4669 {strides = array<i32>} : memref<32x48xf32, #tpu.memory_space<vmem>>, vector<1x16xf32>,
    %swap3A_4670 = arith.constant 31 : i32
    %swap3A_4671 = arith.index_cast %swap3A_4670 : i32 to index
    %swap3A_4672 = arith.constant 32 : index
    %swap3A_4673 = tpu.vector_load %arg7[%swap3A_4671, %swap3A_4672] {strides = array<i32>} : memref<32x48xf32, #tpu.memory_space<vmem>>, vector<1x16xf32>,
    %swap3A_4674 = vector.shape_cast %swap3A_4673 : vector<1x16xf32> to vector<16xf32>
    %swap3A_4675 = vector.shape_cast %add3A_4657 : vector<16xf32> to vector<1x16xf32>
    tpu.vector_store %arg7[%swap3A_4671, %swap3A_4672], %swap3A_4675 {strides = array<i32>} : memref<32x48xf32, #tpu.memory_space<vmem>>, vector<1x16xf32>,
    %mul3A_4676 = arith.constant 32 : i32
    %mul3A_4677 = arith.muli %add3A, %mul3A_4676 : i32
    "tpu.region"() ({
      %run_scoped3A = tpu.sem_alloc : memref<!tpu.dma_semaphore, #tpu.memory_space<semaphore_mem>>
      %dma_start3A_4678 = arith.constant 0 : i32
      %dma_start3A_4679 = tpu.memref_slice %arg4[%mul3A_4677, %dma_start3A_4678] : memref<1024x48xf32, #tpu.memory_space<hbm>> -> memref<32x48xf32, #tpu.memory_space<hbm>>
      %dma_start3A_4680 = arith.constant 0 : i32
      %dma_start3A_4681 = tpu.memref_slice %arg4[%mul3A_4677, %dma_start3A_4680] : memref<1024x48xf32, #tpu.memory_space<hbm>> -> memref<32x48xf32, #tpu.memory_space<hbm>>
      tpu.enqueue_dma source(%arg7 : memref<32x48xf32, #tpu.memory_space<vmem>>) target(%dma_start3A_4681 : memref<32x48xf32, #tpu.memory_space<hbm>>) target_semaphore(%run_scoped3A : memref<!tpu.dma_semaphore, #tpu.memory_space<semaphore_mem>>)
      %dma_wait3A_4682 = arith.constant 0 : i32
      %dma_wait3A_4683 = tpu.memref_slice %arg4[%mul3A_4677, %dma_wait3A_4682] : memref<1024x48xf32, #tpu.memory_space<hbm>> -> memref<32x48xf32, #tpu.memory_space<hbm>>
      %dma_wait3A_4684 = arith.constant 0 : i32
      %dma_wait3A_4685 = tpu.memref_slice %arg4[%mul3A_4677, %dma_wait3A_4684] : memref<1024x48xf32, #tpu.memory_space<hbm>> -> memref<32x48xf32, #tpu.memory_space<hbm>>
      tpu.wait_dma2 semaphore(%run_scoped3A : memref<!tpu.dma_semaphore, #tpu.memory_space<semaphore_mem>>) src(%arg7 : memref<32x48xf32, #tpu.memory_space<vmem>>) dst(%dma_wait3A_4685 : memref<32x48xf32, #tpu.memory_space<hbm>>)
      tpu.yield
    }) : () -> ()
    return
  }
}

module attributes {stable_mosaic.version = 14 : i64} {
  func.func @_tc_main_body(%arg0: i32, %arg1: memref<2048x128xf32, #tpu.memory_space<vmem>>, %arg2: memref<1024x2xi32, #tpu.memory_space<vmem>>, %arg3: memref<2048xf32, #tpu.memory_space<vmem>>, %arg4: memref<2048xf32, #tpu.memory_space<vmem>>, %arg5: memref<2048x128xf32, #tpu.memory_space<vmem>>, %arg6: memref<2048x1xi32, #tpu.memory_space<vmem>>, %arg7: memref<2048xi32, #tpu.memory_space<vmem>>) attributes {dimension_semantics = [#tpu.dimension_semantics<arbitrary>], iteration_bounds = array<i64: 8>, scalar_prefetch = 0 : i64, scratch_operands = 3 : i64, tpu.core_type = #tpu.core_type<tc>, window_params = [{pipeline_mode = #tpu.pipeline_mode<synchronous>, transform_indices = @transform_0, window_bounds = array<i64: 2048, 128>}, {pipeline_mode = #tpu.pipeline_mode<synchronous>, transform_indices = @transform_1, window_bounds = array<i64: 1024, 2>}, {pipeline_mode = #tpu.pipeline_mode<synchronous>, transform_indices = @transform_2, window_bounds = array<i64: 2048>}, {pipeline_mode = #tpu.pipeline_mode<synchronous>, transform_indices = @transform_3, window_bounds = array<i64: 2048>}]} {
    %eq3A = arith.constant 0 : i32
    %eq3A_0 = arith.cmpi eq, %arg0, %eq3A : i32
    %convert_element_type3A = arith.extui %eq3A_0 : i1 to i32
    %cond3A = arith.constant 0 : i32
    %cond3A_1 = arith.cmpi ne, %convert_element_type3A, %cond3A : i32
    scf.if %cond3A_1 {
      %get3A_36 = arith.constant 0 : index
      %get3A_37 = arith.constant 0 : index
      %get3A_38 = vector.load %arg1[%get3A_36, %get3A_37] : memref<2048x128xf32, #tpu.memory_space<vmem>>, vector<2048x128xf32>
      %mul3A_39 = arith.mulf %get3A_38, %get3A_38 : vector<2048x128xf32>
      %reduce_sum3A_40 = arith.constant dense<0.000000e+00> : vector<2048xf32>
      %reduce_sum3A_41 = vector.multi_reduction <add>, %mul3A_39, %reduce_sum3A_40 [1] : vector<2048x128xf32> to vector<2048xf32>
      %sqrt3A = math.sqrt %reduce_sum3A_41 : vector<2048xf32>
      %max3A = arith.constant 1.000000e-30 : f32
      %max3A_42 = vector.broadcast %max3A : f32 to vector<2048xf32>
      %max3A_43 = arith.maximumf %sqrt3A, %max3A_42 : vector<2048xf32>
      %sqrt3A_44 = arith.constant 2.000000e-01 : f32
      %sqrt3A_45 = math.sqrt %sqrt3A_44 : f32
      %mul3A_46 = vector.broadcast %sqrt3A_45 : f32 to vector<2048xf32>
      %mul3A_47 = arith.mulf %max3A_43, %mul3A_46 : vector<2048xf32>
      %div3A = arith.constant 1.000000e+00 : f32
      %div3A_48 = vector.broadcast %div3A : f32 to vector<2048xf32>
      %div3A_49 = arith.divf %div3A_48, %mul3A_47 : vector<2048xf32>
      %broadcast_in_dim3A_50 = vector.shape_cast %div3A_49 : vector<2048xf32> to vector<2048x1xf32>
      %mul3A_51 = vector.broadcast %broadcast_in_dim3A_50 : vector<2048x1xf32> to vector<2048x128xf32>
      %mul3A_52 = arith.mulf %get3A_38, %mul3A_51 : vector<2048x128xf32>
      %swap3A_53 = arith.constant 0 : index
      %swap3A_54 = arith.constant 0 : index
      %swap3A_55 = vector.load %arg5[%swap3A_53, %swap3A_54] : memref<2048x128xf32, #tpu.memory_space<vmem>>, vector<2048x128xf32>
      tpu.vector_store %arg5[%swap3A_53, %swap3A_54], %mul3A_52 {strides = array<i32>} : memref<2048x128xf32, #tpu.memory_space<vmem>>, vector<2048x128xf32>,
      %get3A_56 = arith.constant 0 : index
      %get3A_57 = arith.constant 0 : index
      %get3A_58 = vector.load %arg2[%get3A_56, %get3A_57] : memref<1024x2xi32, #tpu.memory_space<vmem>>, vector<1024x1xi32>
      %get3A_59 = arith.constant 0 : index
      %get3A_60 = arith.constant 1 : index
      %get3A_61 = vector.load %arg2[%get3A_59, %get3A_60] : memref<1024x2xi32, #tpu.memory_space<vmem>>, vector<1024x1xi32>
      %mul3A_62 = arith.constant 2048 : i32
      %mul3A_63 = vector.broadcast %mul3A_62 : i32 to vector<1024x1xi32>
      %mul3A_64 = arith.muli %get3A_58, %mul3A_63 : vector<1024x1xi32>
      %add3A = arith.addi %mul3A_64, %get3A_61 : vector<1024x1xi32>
      %swap3A_65 = arith.constant 0 : index
      %swap3A_66 = arith.constant 0 : index
      %swap3A_67 = vector.load %arg6[%swap3A_65, %swap3A_66] : memref<2048x1xi32, #tpu.memory_space<vmem>>, vector<1024x1xi32>
      tpu.vector_store %arg6[%swap3A_65, %swap3A_66], %add3A {strides = array<i32>} : memref<2048x1xi32, #tpu.memory_space<vmem>>, vector<1024x1xi32>,
      %mul3A_68 = arith.constant 2048 : i32
      %mul3A_69 = vector.broadcast %mul3A_68 : i32 to vector<1024x1xi32>
      %mul3A_70 = arith.muli %get3A_61, %mul3A_69 : vector<1024x1xi32>
      %add3A_71 = arith.addi %mul3A_70, %get3A_58 : vector<1024x1xi32>
      %swap3A_72 = arith.constant 1024 : index
      %swap3A_73 = arith.constant 0 : index
      %swap3A_74 = vector.load %arg6[%swap3A_72, %swap3A_73] : memref<2048x1xi32, #tpu.memory_space<vmem>>, vector<1024x1xi32>
      tpu.vector_store %arg6[%swap3A_72, %swap3A_73], %add3A_71 {strides = array<i32>} : memref<2048x1xi32, #tpu.memory_space<vmem>>, vector<1024x1xi32>,
      %get3A_75 = arith.constant 0 : index
      %get3A_76 = arith.constant 0 : index
      %get3A_77 = vector.load %arg6[%get3A_75, %get3A_76] : memref<2048x1xi32, #tpu.memory_space<vmem>>, vector<2048x1xi32>
      %reshape3A = vector.shape_cast %get3A_77 : vector<2048x1xi32> to vector<2048xi32>
      %swap3A_78 = arith.constant 0 : index
      %swap3A_79 = vector.load %arg7[%swap3A_78] : memref<2048xi32, #tpu.memory_space<vmem>>, vector<2048xi32>
      tpu.vector_store %arg7[%swap3A_78], %reshape3A {strides = array<i32>} : memref<2048xi32, #tpu.memory_space<vmem>>, vector<2048xi32>,
    } else {
    }
    %get3A = arith.constant 0 : index
    %get3A_2 = arith.constant 0 : index
    %get3A_3 = vector.load %arg5[%get3A, %get3A_2] : memref<2048x128xf32, #tpu.memory_space<vmem>>, vector<2048x128xf32>
    %mul3A = arith.constant 256 : i32
    %mul3A_4 = arith.muli %arg0, %mul3A : i32
    %get3A_5 = arith.index_cast %mul3A_4 : i32 to index
    %get3A_6 = arith.constant 0 : index
    %get3A_7 = vector.load %arg5[%get3A_5, %get3A_6] : memref<2048x128xf32, #tpu.memory_space<vmem>>, vector<256x128xf32>
    %dot_general3A = arith.constant dense<0.000000e+00> : vector<256x2048xf32>
    %dot_general3A_8 = tpu.matmul %get3A_7, %get3A_3, %dot_general3A {dimension_numbers = #tpu.dot_dimension_numbers<[1], [1], [0], [0], [0, 0, 1, 0], [], []>, transpose_lhs_hint = false} : vector<256x128xf32>, vector<2048x128xf32>, vector<256x2048xf32> -> vector<256x2048xf32>
    %exp3A = math.exp %dot_general3A_8 : vector<256x2048xf32>
    %mul3A_9 = arith.mulf %get3A_7, %get3A_7 : vector<256x128xf32>
    %reduce_sum3A = arith.constant dense<0.000000e+00> : vector<256xf32>
    %reduce_sum3A_10 = vector.multi_reduction <add>, %mul3A_9, %reduce_sum3A [1] : vector<256x128xf32> to vector<256xf32>
    %exp3A_11 = math.exp %reduce_sum3A_10 : vector<256xf32>
    %reduce_sum3A_12 = arith.constant dense<0.000000e+00> : vector<256xf32>
    %reduce_sum3A_13 = vector.multi_reduction <add>, %exp3A, %reduce_sum3A_12 [1] : vector<256x2048xf32> to vector<256xf32>
    %sub3A = arith.subf %reduce_sum3A_13, %exp3A_11 : vector<256xf32>
    %mul3A_14 = arith.constant 256 : i32
    %mul3A_15 = arith.muli %arg0, %mul3A_14 : i32
    %swap3A = arith.index_cast %mul3A_15 : i32 to index
    %swap3A_16 = vector.load %arg3[%swap3A] : memref<2048xf32, #tpu.memory_space<vmem>>, vector<256xf32>
    tpu.vector_store %arg3[%swap3A], %sub3A {strides = array<i32>} : memref<2048xf32, #tpu.memory_space<vmem>>, vector<256xf32>,
    %mul3A_17 = arith.constant 256 : i32
    %mul3A_18 = arith.muli %arg0, %mul3A_17 : i32
    %get3A_19 = arith.index_cast %mul3A_18 : i32 to index
    %get3A_20 = arith.constant 0 : index
    %get3A_21 = vector.load %arg6[%get3A_19, %get3A_20] : memref<2048x1xi32, #tpu.memory_space<vmem>>, vector<256x1xi32>
    %get3A_22 = arith.constant 0 : index
    %get3A_23 = vector.load %arg7[%get3A_22] : memref<2048xi32, #tpu.memory_space<vmem>>, vector<2048xi32>
    %broadcast_in_dim3A = vector.shape_cast %get3A_23 : vector<2048xi32> to vector<1x2048xi32>
    %eq3A_24 = vector.broadcast %get3A_21 : vector<256x1xi32> to vector<256x2048xi32>
    %eq3A_25 = vector.broadcast %broadcast_in_dim3A : vector<1x2048xi32> to vector<256x2048xi32>
    %eq3A_26 = arith.cmpi eq, %eq3A_24, %eq3A_25 : vector<256x2048xi32>
    %jit3A = arith.constant 1.000000e+00 : f32
    %jit3A_27 = arith.constant 0.000000e+00 : f32
    %broadcast_in_dim3A_28 = vector.broadcast %jit3A : f32 to vector<256x2048xf32>
    %broadcast_in_dim3A_29 = vector.broadcast %jit3A_27 : f32 to vector<256x2048xf32>
    %select_n3A = arith.select %eq3A_26, %broadcast_in_dim3A_28, %broadcast_in_dim3A_29 : vector<256x2048xi1>, vector<256x2048xf32>
    %reduce_sum3A_30 = arith.constant dense<0.000000e+00> : vector<256xf32>
    %reduce_sum3A_31 = vector.multi_reduction <add>, %select_n3A, %reduce_sum3A_30 [1] : vector<256x2048xf32> to vector<256xf32>
    %mul3A_32 = arith.constant 256 : i32
    %mul3A_33 = arith.muli %arg0, %mul3A_32 : i32
    %swap3A_34 = arith.index_cast %mul3A_33 : i32 to index
    %swap3A_35 = vector.load %arg4[%swap3A_34] : memref<2048xf32, #tpu.memory_space<vmem>>, vector<256xf32>
    tpu.vector_store %arg4[%swap3A_34], %reduce_sum3A_31 {strides = array<i32>} : memref<2048xf32, #tpu.memory_space<vmem>>, vector<256xf32>,
    return
  }
  func.func @transform_0(%arg0: i32) -> (i32, i32) {
    %c0_i32 = arith.constant 0 : i32
    %c0_i32_0 = arith.constant 0 : i32
    %c0_i32_1 = arith.constant 0 : i32
    return %c0_i32, %c0_i32_0 : i32, i32
  }
  func.func @transform_1(%arg0: i32) -> (i32, i32) {
    %c0_i32 = arith.constant 0 : i32
    %c0_i32_0 = arith.constant 0 : i32
    %c0_i32_1 = arith.constant 0 : i32
    return %c0_i32, %c0_i32_0 : i32, i32
  }
  func.func @transform_2(%arg0: i32) -> i32 {
    %c0_i32 = arith.constant 0 : i32
    %c0_i32_0 = arith.constant 0 : i32
    return %c0_i32 : i32
  }
  func.func @transform_3(%arg0: i32) -> i32 {
    %c0_i32 = arith.constant 0 : i32
    %c0_i32_0 = arith.constant 0 : i32
    return %c0_i32 : i32
  }
}

module attributes {stable_mosaic.version = 14 : i64} {
  func.func @_tc_fin_body(%arg0: memref<1024x2xi32, #tpu.memory_space<vmem>>, %arg1: memref<2048xf32, #tpu.memory_space<vmem>>, %arg2: memref<2048xf32, #tpu.memory_space<vmem>>, %arg3: memref<1024x48xf32, #tpu.memory_space<vmem>>, %arg4: memref<1x1xf32, #tpu.memory_space<smem>>) attributes {dimension_semantics = [], scalar_prefetch = 0 : i64, scratch_operands = 0 : i64, tpu.core_type = #tpu.core_type<tc>} {
    %get3A = arith.constant 0 : index
    %get3A_0 = arith.constant 0 : index
    %get3A_1 = vector.load %arg3[%get3A, %get3A_0] : memref<1024x48xf32, #tpu.memory_space<vmem>>, vector<1024x16xf32>
    %reduce_sum3A = arith.constant dense<0.000000e+00> : vector<1024xf32>
    %reduce_sum3A_2 = vector.multi_reduction <add>, %get3A_1, %reduce_sum3A [1] : vector<1024x16xf32> to vector<1024xf32>
    %get3A_3 = arith.constant 0 : index
    %get3A_4 = arith.constant 16 : index
    %get3A_5 = vector.load %arg3[%get3A_3, %get3A_4] : memref<1024x48xf32, #tpu.memory_space<vmem>>, vector<1024x16xf32>
    %reduce_sum3A_6 = arith.constant dense<0.000000e+00> : vector<1024xf32>
    %reduce_sum3A_7 = vector.multi_reduction <add>, %get3A_5, %reduce_sum3A_6 [1] : vector<1024x16xf32> to vector<1024xf32>
    %get3A_8 = arith.constant 0 : index
    %get3A_9 = arith.constant 32 : index
    %get3A_10 = vector.load %arg3[%get3A_8, %get3A_9] : memref<1024x48xf32, #tpu.memory_space<vmem>>, vector<1024x16xf32>
    %reduce_sum3A_11 = arith.constant dense<0.000000e+00> : vector<1024xf32>
    %reduce_sum3A_12 = vector.multi_reduction <add>, %get3A_10, %reduce_sum3A_11 [1] : vector<1024x16xf32> to vector<1024xf32>
    %mul3A = arith.mulf %reduce_sum3A_7, %reduce_sum3A_12 : vector<1024xf32>
    %max3A = arith.constant 0.000000e+00 : f32
    %max3A_13 = vector.broadcast %max3A : f32 to vector<1024xf32>
    %max3A_14 = arith.maximumf %mul3A, %max3A_13 : vector<1024xf32>
    %rsqrt3A = math.rsqrt %max3A_14 : vector<1024xf32>
    %mul3A_15 = arith.mulf %reduce_sum3A_2, %rsqrt3A : vector<1024xf32>
    %mul3A_16 = arith.constant 5.000000e+00 : f32
    %mul3A_17 = vector.broadcast %mul3A_16 : f32 to vector<1024xf32>
    %mul3A_18 = arith.mulf %mul3A_15, %mul3A_17 : vector<1024xf32>
    %exp3A = math.exp %mul3A_18 : vector<1024xf32>
    %get3A_19 = arith.constant 0 : index
    %get3A_20 = arith.constant 0 : index
    %get3A_21 = vector.load %arg0[%get3A_19, %get3A_20] : memref<1024x2xi32, #tpu.memory_space<vmem>>, vector<1024x1xi32>
    %reshape3A = vector.shape_cast %get3A_21 : vector<1024x1xi32> to vector<1024xi32>
    %get3A_22 = arith.constant 0 : index
    %get3A_23 = arith.constant 1 : index
    %get3A_24 = vector.load %arg0[%get3A_22, %get3A_23] : memref<1024x2xi32, #tpu.memory_space<vmem>>, vector<1024x1xi32>
    %reshape3A_25 = vector.shape_cast %get3A_24 : vector<1024x1xi32> to vector<1024xi32>
    %concatenate3A = tpu.concatenate %reshape3A, %reshape3A_25 in 0 : vector<1024xi32>, vector<1024xi32> -> vector<2048xi32>
    %concatenate3A_26 = tpu.concatenate %reshape3A_25, %reshape3A in 0 : vector<1024xi32>, vector<1024xi32> -> vector<2048xi32>
    %eq3A = arith.cmpi eq, %concatenate3A, %concatenate3A_26 : vector<2048xi32>
    %concatenate3A_27 = tpu.concatenate %exp3A, %exp3A in 0 : vector<1024xf32>, vector<1024xf32> -> vector<2048xf32>
    %get3A_28 = arith.constant 0 : index
    %get3A_29 = vector.load %arg2[%get3A_28] : memref<2048xf32, #tpu.memory_space<vmem>>, vector<2048xf32>
    %div3A = arith.divf %concatenate3A_27, %get3A_29 : vector<2048xf32>
    %jit3A = arith.constant 0.000000e+00 : f32
    %broadcast_in_dim3A = vector.broadcast %jit3A : f32 to vector<2048xf32>
    %select_n3A = arith.select %eq3A, %broadcast_in_dim3A, %div3A : vector<2048xi1>, vector<2048xf32>
    %iota3A = tpu.iota {dimensions = array<i32: 0>} : vector<256x2048xi32>
    %add3A = arith.constant 0 : i32
    %add3A_30 = vector.broadcast %add3A : i32 to vector<256x2048xi32>
    %add3A_31 = arith.addi %iota3A, %add3A_30 : vector<256x2048xi32>
    %broadcast_in_dim3A_32 = vector.shape_cast %concatenate3A : vector<2048xi32> to vector<1x2048xi32>
    %eq3A_33 = vector.broadcast %broadcast_in_dim3A_32 : vector<1x2048xi32> to vector<256x2048xi32>
    %eq3A_34 = arith.cmpi eq, %add3A_31, %eq3A_33 : vector<256x2048xi32>
    %broadcast_in_dim3A_35 = vector.shape_cast %select_n3A : vector<2048xf32> to vector<1x2048xf32>
    %jit3A_36 = arith.constant 0.000000e+00 : f32
    %broadcast_in_dim3A_37 = vector.shape_cast %broadcast_in_dim3A_35 : vector<1x2048xf32> to vector<1x2048xf32>
    %broadcast_in_dim3A_38 = vector.broadcast %broadcast_in_dim3A_37 : vector<1x2048xf32> to vector<256x2048xf32>
    %broadcast_in_dim3A_39 = vector.broadcast %jit3A_36 : f32 to vector<256x2048xf32>
    %select_n3A_40 = arith.select %eq3A_34, %broadcast_in_dim3A_38, %broadcast_in_dim3A_39 : vector<256x2048xi1>, vector<256x2048xf32>
    %reduce_sum3A_41 = arith.constant dense<0.000000e+00> : vector<256xf32>
    %reduce_sum3A_42 = vector.multi_reduction <add>, %select_n3A_40, %reduce_sum3A_41 [1] : vector<256x2048xf32> to vector<256xf32>
    %iota3A_43 = tpu.iota {dimensions = array<i32: 0>} : vector<256x2048xi32>
    %add3A_44 = arith.constant 256 : i32
    %add3A_45 = vector.broadcast %add3A_44 : i32 to vector<256x2048xi32>
    %add3A_46 = arith.addi %iota3A_43, %add3A_45 : vector<256x2048xi32>
    %broadcast_in_dim3A_47 = vector.shape_cast %concatenate3A : vector<2048xi32> to vector<1x2048xi32>
    %eq3A_48 = vector.broadcast %broadcast_in_dim3A_47 : vector<1x2048xi32> to vector<256x2048xi32>
    %eq3A_49 = arith.cmpi eq, %add3A_46, %eq3A_48 : vector<256x2048xi32>
    %broadcast_in_dim3A_50 = vector.shape_cast %select_n3A : vector<2048xf32> to vector<1x2048xf32>
    %jit3A_51 = arith.constant 0.000000e+00 : f32
    %broadcast_in_dim3A_52 = vector.shape_cast %broadcast_in_dim3A_50 : vector<1x2048xf32> to vector<1x2048xf32>
    %broadcast_in_dim3A_53 = vector.broadcast %broadcast_in_dim3A_52 : vector<1x2048xf32> to vector<256x2048xf32>
    %broadcast_in_dim3A_54 = vector.broadcast %jit3A_51 : f32 to vector<256x2048xf32>
    %select_n3A_55 = arith.select %eq3A_49, %broadcast_in_dim3A_53, %broadcast_in_dim3A_54 : vector<256x2048xi1>, vector<256x2048xf32>
    %reduce_sum3A_56 = arith.constant dense<0.000000e+00> : vector<256xf32>
    %reduce_sum3A_57 = vector.multi_reduction <add>, %select_n3A_55, %reduce_sum3A_56 [1] : vector<256x2048xf32> to vector<256xf32>
    %iota3A_58 = tpu.iota {dimensions = array<i32: 0>} : vector<256x2048xi32>
    %add3A_59 = arith.constant 512 : i32
    %add3A_60 = vector.broadcast %add3A_59 : i32 to vector<256x2048xi32>
    %add3A_61 = arith.addi %iota3A_58, %add3A_60 : vector<256x2048xi32>
    %broadcast_in_dim3A_62 = vector.shape_cast %concatenate3A : vector<2048xi32> to vector<1x2048xi32>
    %eq3A_63 = vector.broadcast %broadcast_in_dim3A_62 : vector<1x2048xi32> to vector<256x2048xi32>
    %eq3A_64 = arith.cmpi eq, %add3A_61, %eq3A_63 : vector<256x2048xi32>
    %broadcast_in_dim3A_65 = vector.shape_cast %select_n3A : vector<2048xf32> to vector<1x2048xf32>
    %jit3A_66 = arith.constant 0.000000e+00 : f32
    %broadcast_in_dim3A_67 = vector.shape_cast %broadcast_in_dim3A_65 : vector<1x2048xf32> to vector<1x2048xf32>
    %broadcast_in_dim3A_68 = vector.broadcast %broadcast_in_dim3A_67 : vector<1x2048xf32> to vector<256x2048xf32>
    %broadcast_in_dim3A_69 = vector.broadcast %jit3A_66 : f32 to vector<256x2048xf32>
    %select_n3A_70 = arith.select %eq3A_64, %broadcast_in_dim3A_68, %broadcast_in_dim3A_69 : vector<256x2048xi1>, vector<256x2048xf32>
    %reduce_sum3A_71 = arith.constant dense<0.000000e+00> : vector<256xf32>
    %reduce_sum3A_72 = vector.multi_reduction <add>, %select_n3A_70, %reduce_sum3A_71 [1] : vector<256x2048xf32> to vector<256xf32>
    %iota3A_73 = tpu.iota {dimensions = array<i32: 0>} : vector<256x2048xi32>
    %add3A_74 = arith.constant 768 : i32
    %add3A_75 = vector.broadcast %add3A_74 : i32 to vector<256x2048xi32>
    %add3A_76 = arith.addi %iota3A_73, %add3A_75 : vector<256x2048xi32>
    %broadcast_in_dim3A_77 = vector.shape_cast %concatenate3A : vector<2048xi32> to vector<1x2048xi32>
    %eq3A_78 = vector.broadcast %broadcast_in_dim3A_77 : vector<1x2048xi32> to vector<256x2048xi32>
    %eq3A_79 = arith.cmpi eq, %add3A_76, %eq3A_78 : vector<256x2048xi32>
    %broadcast_in_dim3A_80 = vector.shape_cast %select_n3A : vector<2048xf32> to vector<1x2048xf32>
    %jit3A_81 = arith.constant 0.000000e+00 : f32
    %broadcast_in_dim3A_82 = vector.shape_cast %broadcast_in_dim3A_80 : vector<1x2048xf32> to vector<1x2048xf32>
    %broadcast_in_dim3A_83 = vector.broadcast %broadcast_in_dim3A_82 : vector<1x2048xf32> to vector<256x2048xf32>
    %broadcast_in_dim3A_84 = vector.broadcast %jit3A_81 : f32 to vector<256x2048xf32>
    %select_n3A_85 = arith.select %eq3A_79, %broadcast_in_dim3A_83, %broadcast_in_dim3A_84 : vector<256x2048xi1>, vector<256x2048xf32>
    %reduce_sum3A_86 = arith.constant dense<0.000000e+00> : vector<256xf32>
    %reduce_sum3A_87 = vector.multi_reduction <add>, %select_n3A_85, %reduce_sum3A_86 [1] : vector<256x2048xf32> to vector<256xf32>
    %iota3A_88 = tpu.iota {dimensions = array<i32: 0>} : vector<256x2048xi32>
    %add3A_89 = arith.constant 1024 : i32
    %add3A_90 = vector.broadcast %add3A_89 : i32 to vector<256x2048xi32>
    %add3A_91 = arith.addi %iota3A_88, %add3A_90 : vector<256x2048xi32>
    %broadcast_in_dim3A_92 = vector.shape_cast %concatenate3A : vector<2048xi32> to vector<1x2048xi32>
    %eq3A_93 = vector.broadcast %broadcast_in_dim3A_92 : vector<1x2048xi32> to vector<256x2048xi32>
    %eq3A_94 = arith.cmpi eq, %add3A_91, %eq3A_93 : vector<256x2048xi32>
    %broadcast_in_dim3A_95 = vector.shape_cast %select_n3A : vector<2048xf32> to vector<1x2048xf32>
    %jit3A_96 = arith.constant 0.000000e+00 : f32
    %broadcast_in_dim3A_97 = vector.shape_cast %broadcast_in_dim3A_95 : vector<1x2048xf32> to vector<1x2048xf32>
    %broadcast_in_dim3A_98 = vector.broadcast %broadcast_in_dim3A_97 : vector<1x2048xf32> to vector<256x2048xf32>
    %broadcast_in_dim3A_99 = vector.broadcast %jit3A_96 : f32 to vector<256x2048xf32>
    %select_n3A_100 = arith.select %eq3A_94, %broadcast_in_dim3A_98, %broadcast_in_dim3A_99 : vector<256x2048xi1>, vector<256x2048xf32>
    %reduce_sum3A_101 = arith.constant dense<0.000000e+00> : vector<256xf32>
    %reduce_sum3A_102 = vector.multi_reduction <add>, %select_n3A_100, %reduce_sum3A_101 [1] : vector<256x2048xf32> to vector<256xf32>
    %iota3A_103 = tpu.iota {dimensions = array<i32: 0>} : vector<256x2048xi32>
    %add3A_104 = arith.constant 1280 : i32
    %add3A_105 = vector.broadcast %add3A_104 : i32 to vector<256x2048xi32>
    %add3A_106 = arith.addi %iota3A_103, %add3A_105 : vector<256x2048xi32>
    %broadcast_in_dim3A_107 = vector.shape_cast %concatenate3A : vector<2048xi32> to vector<1x2048xi32>
    %eq3A_108 = vector.broadcast %broadcast_in_dim3A_107 : vector<1x2048xi32> to vector<256x2048xi32>
    %eq3A_109 = arith.cmpi eq, %add3A_106, %eq3A_108 : vector<256x2048xi32>
    %broadcast_in_dim3A_110 = vector.shape_cast %select_n3A : vector<2048xf32> to vector<1x2048xf32>
    %jit3A_111 = arith.constant 0.000000e+00 : f32
    %broadcast_in_dim3A_112 = vector.shape_cast %broadcast_in_dim3A_110 : vector<1x2048xf32> to vector<1x2048xf32>
    %broadcast_in_dim3A_113 = vector.broadcast %broadcast_in_dim3A_112 : vector<1x2048xf32> to vector<256x2048xf32>
    %broadcast_in_dim3A_114 = vector.broadcast %jit3A_111 : f32 to vector<256x2048xf32>
    %select_n3A_115 = arith.select %eq3A_109, %broadcast_in_dim3A_113, %broadcast_in_dim3A_114 : vector<256x2048xi1>, vector<256x2048xf32>
    %reduce_sum3A_116 = arith.constant dense<0.000000e+00> : vector<256xf32>
    %reduce_sum3A_117 = vector.multi_reduction <add>, %select_n3A_115, %reduce_sum3A_116 [1] : vector<256x2048xf32> to vector<256xf32>
    %iota3A_118 = tpu.iota {dimensions = array<i32: 0>} : vector<256x2048xi32>
    %add3A_119 = arith.constant 1536 : i32
    %add3A_120 = vector.broadcast %add3A_119 : i32 to vector<256x2048xi32>
    %add3A_121 = arith.addi %iota3A_118, %add3A_120 : vector<256x2048xi32>
    %broadcast_in_dim3A_122 = vector.shape_cast %concatenate3A : vector<2048xi32> to vector<1x2048xi32>
    %eq3A_123 = vector.broadcast %broadcast_in_dim3A_122 : vector<1x2048xi32> to vector<256x2048xi32>
    %eq3A_124 = arith.cmpi eq, %add3A_121, %eq3A_123 : vector<256x2048xi32>
    %broadcast_in_dim3A_125 = vector.shape_cast %select_n3A : vector<2048xf32> to vector<1x2048xf32>
    %jit3A_126 = arith.constant 0.000000e+00 : f32
    %broadcast_in_dim3A_127 = vector.shape_cast %broadcast_in_dim3A_125 : vector<1x2048xf32> to vector<1x2048xf32>
    %broadcast_in_dim3A_128 = vector.broadcast %broadcast_in_dim3A_127 : vector<1x2048xf32> to vector<256x2048xf32>
    %broadcast_in_dim3A_129 = vector.broadcast %jit3A_126 : f32 to vector<256x2048xf32>
    %select_n3A_130 = arith.select %eq3A_124, %broadcast_in_dim3A_128, %broadcast_in_dim3A_129 : vector<256x2048xi1>, vector<256x2048xf32>
    %reduce_sum3A_131 = arith.constant dense<0.000000e+00> : vector<256xf32>
    %reduce_sum3A_132 = vector.multi_reduction <add>, %select_n3A_130, %reduce_sum3A_131 [1] : vector<256x2048xf32> to vector<256xf32>
    %iota3A_133 = tpu.iota {dimensions = array<i32: 0>} : vector<256x2048xi32>
    %add3A_134 = arith.constant 1792 : i32
    %add3A_135 = vector.broadcast %add3A_134 : i32 to vector<256x2048xi32>
    %add3A_136 = arith.addi %iota3A_133, %add3A_135 : vector<256x2048xi32>
    %broadcast_in_dim3A_137 = vector.shape_cast %concatenate3A : vector<2048xi32> to vector<1x2048xi32>
    %eq3A_138 = vector.broadcast %broadcast_in_dim3A_137 : vector<1x2048xi32> to vector<256x2048xi32>
    %eq3A_139 = arith.cmpi eq, %add3A_136, %eq3A_138 : vector<256x2048xi32>
    %broadcast_in_dim3A_140 = vector.shape_cast %select_n3A : vector<2048xf32> to vector<1x2048xf32>
    %jit3A_141 = arith.constant 0.000000e+00 : f32
    %broadcast_in_dim3A_142 = vector.shape_cast %broadcast_in_dim3A_140 : vector<1x2048xf32> to vector<1x2048xf32>
    %broadcast_in_dim3A_143 = vector.broadcast %broadcast_in_dim3A_142 : vector<1x2048xf32> to vector<256x2048xf32>
    %broadcast_in_dim3A_144 = vector.broadcast %jit3A_141 : f32 to vector<256x2048xf32>
    %select_n3A_145 = arith.select %eq3A_139, %broadcast_in_dim3A_143, %broadcast_in_dim3A_144 : vector<256x2048xi1>, vector<256x2048xf32>
    %reduce_sum3A_146 = arith.constant dense<0.000000e+00> : vector<256xf32>
    %reduce_sum3A_147 = vector.multi_reduction <add>, %select_n3A_145, %reduce_sum3A_146 [1] : vector<256x2048xf32> to vector<256xf32>
    %get3A_148 = arith.constant 0 : index
    %get3A_149 = vector.load %arg1[%get3A_148] : memref<2048xf32, #tpu.memory_space<vmem>>, vector<2048xf32>
    %concatenate3A_150 = tpu.concatenate %reduce_sum3A_42, %reduce_sum3A_57, %reduce_sum3A_72, %reduce_sum3A_87, %reduce_sum3A_102, %reduce_sum3A_117, %reduce_sum3A_132, %reduce_sum3A_147 in 0 : vector<256xf32>, vector<256xf32>, vector<256xf32>, vector<256xf32>, vector<256xf32>, vector<256xf32>, vector<256xf32>, vector<256xf32> -> vector<2048xf32>
    %sub3A = arith.subf %get3A_149, %concatenate3A_150 : vector<2048xf32>
    %get3A_151 = arith.constant 0 : index
    %get3A_152 = arith.constant 0 : index
    %get3A_153 = vector.load %arg0[%get3A_151, %get3A_152] : memref<1024x2xi32, #tpu.memory_space<vmem>>, vector<256x1xi32>
    %get3A_154 = arith.constant 0 : index
    %get3A_155 = arith.constant 1 : index
    %get3A_156 = vector.load %arg0[%get3A_154, %get3A_155] : memref<1024x2xi32, #tpu.memory_space<vmem>>, vector<256x1xi32>
    %iota3A_157 = tpu.iota {dimensions = array<i32: 1>} : vector<256x2048xi32>
    %eq3A_158 = vector.broadcast %get3A_153 : vector<256x1xi32> to vector<256x2048xi32>
    %eq3A_159 = arith.cmpi eq, %iota3A_157, %eq3A_158 : vector<256x2048xi32>
    %broadcast_in_dim3A_160 = vector.shape_cast %sub3A : vector<2048xf32> to vector<1x2048xf32>
    %jit3A_161 = arith.constant 0.000000e+00 : f32
    %broadcast_in_dim3A_162 = vector.shape_cast %broadcast_in_dim3A_160 : vector<1x2048xf32> to vector<1x2048xf32>
    %broadcast_in_dim3A_163 = vector.broadcast %broadcast_in_dim3A_162 : vector<1x2048xf32> to vector<256x2048xf32>
    %broadcast_in_dim3A_164 = vector.broadcast %jit3A_161 : f32 to vector<256x2048xf32>
    %select_n3A_165 = arith.select %eq3A_159, %broadcast_in_dim3A_163, %broadcast_in_dim3A_164 : vector<256x2048xi1>, vector<256x2048xf32>
    %reduce_sum3A_166 = arith.constant dense<0.000000e+00> : vector<256xf32>
    %reduce_sum3A_167 = vector.multi_reduction <add>, %select_n3A_165, %reduce_sum3A_166 [1] : vector<256x2048xf32> to vector<256xf32>
    %eq3A_168 = vector.broadcast %get3A_156 : vector<256x1xi32> to vector<256x2048xi32>
    %eq3A_169 = arith.cmpi eq, %iota3A_157, %eq3A_168 : vector<256x2048xi32>
    %broadcast_in_dim3A_170 = vector.shape_cast %sub3A : vector<2048xf32> to vector<1x2048xf32>
    %jit3A_171 = arith.constant 0.000000e+00 : f32
    %broadcast_in_dim3A_172 = vector.shape_cast %broadcast_in_dim3A_170 : vector<1x2048xf32> to vector<1x2048xf32>
    %broadcast_in_dim3A_173 = vector.broadcast %broadcast_in_dim3A_172 : vector<1x2048xf32> to vector<256x2048xf32>
    %broadcast_in_dim3A_174 = vector.broadcast %jit3A_171 : f32 to vector<256x2048xf32>
    %select_n3A_175 = arith.select %eq3A_169, %broadcast_in_dim3A_173, %broadcast_in_dim3A_174 : vector<256x2048xi1>, vector<256x2048xf32>
    %reduce_sum3A_176 = arith.constant dense<0.000000e+00> : vector<256xf32>
    %reduce_sum3A_177 = vector.multi_reduction <add>, %select_n3A_175, %reduce_sum3A_176 [1] : vector<256x2048xf32> to vector<256xf32>
    %slice3A = vector.extract_strided_slice %exp3A {offsets = [0], sizes = [256], strides = [1]} : vector<1024xf32> to vector<256xf32>
    %slice3A_178 = vector.extract_strided_slice %mul3A_18 {offsets = [0], sizes = [256], strides = [1]} : vector<1024xf32> to vector<256xf32>
    %add3A_179 = arith.addf %slice3A, %reduce_sum3A_167 : vector<256xf32>
    %add3A_180 = arith.addf %slice3A, %reduce_sum3A_177 : vector<256xf32>
    %mul3A_181 = arith.mulf %add3A_179, %add3A_180 : vector<256xf32>
    %log3A = math.log %mul3A_181 : vector<256xf32>
    %mul3A_182 = arith.constant 2.000000e+00 : f32
    %mul3A_183 = vector.broadcast %mul3A_182 : f32 to vector<256xf32>
    %mul3A_184 = arith.mulf %mul3A_183, %slice3A_178 : vector<256xf32>
    %sub3A_185 = arith.subf %log3A, %mul3A_184 : vector<256xf32>
    %reduce_sum3A_186 = vector.shape_cast %sub3A_185 : vector<256xf32> to vector<1x256xf32>
    %reduce_sum3A_187 = arith.constant dense<0.000000e+00> : vector<1xf32>
    %reduce_sum3A_188 = vector.multi_reduction <add>, %reduce_sum3A_186, %reduce_sum3A_187 [1] : vector<1x256xf32> to vector<1xf32>
    %reduce_sum3A_189 = vector.shape_cast %reduce_sum3A_188 : vector<1xf32> to vector<1x1xf32>
    %reduce_sum3A_190 = vector.extract %reduce_sum3A_189[0, 0] : f32 from vector<1x1xf32>
    %add3A_191 = arith.constant 0.000000e+00 : f32
    %add3A_192 = arith.addf %add3A_191, %reduce_sum3A_190 : f32
    %get3A_193 = arith.constant 256 : index
    %get3A_194 = arith.constant 0 : index
    %get3A_195 = vector.load %arg0[%get3A_193, %get3A_194] : memref<1024x2xi32, #tpu.memory_space<vmem>>, vector<256x1xi32>
    %get3A_196 = arith.constant 256 : index
    %get3A_197 = arith.constant 1 : index
    %get3A_198 = vector.load %arg0[%get3A_196, %get3A_197] : memref<1024x2xi32, #tpu.memory_space<vmem>>, vector<256x1xi32>
    %iota3A_199 = tpu.iota {dimensions = array<i32: 1>} : vector<256x2048xi32>
    %eq3A_200 = vector.broadcast %get3A_195 : vector<256x1xi32> to vector<256x2048xi32>
    %eq3A_201 = arith.cmpi eq, %iota3A_199, %eq3A_200 : vector<256x2048xi32>
    %broadcast_in_dim3A_202 = vector.shape_cast %sub3A : vector<2048xf32> to vector<1x2048xf32>
    %jit3A_203 = arith.constant 0.000000e+00 : f32
    %broadcast_in_dim3A_204 = vector.shape_cast %broadcast_in_dim3A_202 : vector<1x2048xf32> to vector<1x2048xf32>
    %broadcast_in_dim3A_205 = vector.broadcast %broadcast_in_dim3A_204 : vector<1x2048xf32> to vector<256x2048xf32>
    %broadcast_in_dim3A_206 = vector.broadcast %jit3A_203 : f32 to vector<256x2048xf32>
    %select_n3A_207 = arith.select %eq3A_201, %broadcast_in_dim3A_205, %broadcast_in_dim3A_206 : vector<256x2048xi1>, vector<256x2048xf32>
    %reduce_sum3A_208 = arith.constant dense<0.000000e+00> : vector<256xf32>
    %reduce_sum3A_209 = vector.multi_reduction <add>, %select_n3A_207, %reduce_sum3A_208 [1] : vector<256x2048xf32> to vector<256xf32>
    %eq3A_210 = vector.broadcast %get3A_198 : vector<256x1xi32> to vector<256x2048xi32>
    %eq3A_211 = arith.cmpi eq, %iota3A_199, %eq3A_210 : vector<256x2048xi32>
    %broadcast_in_dim3A_212 = vector.shape_cast %sub3A : vector<2048xf32> to vector<1x2048xf32>
    %jit3A_213 = arith.constant 0.000000e+00 : f32
    %broadcast_in_dim3A_214 = vector.shape_cast %broadcast_in_dim3A_212 : vector<1x2048xf32> to vector<1x2048xf32>
    %broadcast_in_dim3A_215 = vector.broadcast %broadcast_in_dim3A_214 : vector<1x2048xf32> to vector<256x2048xf32>
    %broadcast_in_dim3A_216 = vector.broadcast %jit3A_213 : f32 to vector<256x2048xf32>
    %select_n3A_217 = arith.select %eq3A_211, %broadcast_in_dim3A_215, %broadcast_in_dim3A_216 : vector<256x2048xi1>, vector<256x2048xf32>
    %reduce_sum3A_218 = arith.constant dense<0.000000e+00> : vector<256xf32>
    %reduce_sum3A_219 = vector.multi_reduction <add>, %select_n3A_217, %reduce_sum3A_218 [1] : vector<256x2048xf32> to vector<256xf32>
    %slice3A_220 = vector.extract_strided_slice %exp3A {offsets = [256], sizes = [256], strides = [1]} : vector<1024xf32> to vector<256xf32>
    %slice3A_221 = vector.extract_strided_slice %mul3A_18 {offsets = [256], sizes = [256], strides = [1]} : vector<1024xf32> to vector<256xf32>
    %add3A_222 = arith.addf %slice3A_220, %reduce_sum3A_209 : vector<256xf32>
    %add3A_223 = arith.addf %slice3A_220, %reduce_sum3A_219 : vector<256xf32>
    %mul3A_224 = arith.mulf %add3A_222, %add3A_223 : vector<256xf32>
    %log3A_225 = math.log %mul3A_224 : vector<256xf32>
    %mul3A_226 = arith.constant 2.000000e+00 : f32
    %mul3A_227 = vector.broadcast %mul3A_226 : f32 to vector<256xf32>
    %mul3A_228 = arith.mulf %mul3A_227, %slice3A_221 : vector<256xf32>
    %sub3A_229 = arith.subf %log3A_225, %mul3A_228 : vector<256xf32>
    %reduce_sum3A_230 = vector.shape_cast %sub3A_229 : vector<256xf32> to vector<1x256xf32>
    %reduce_sum3A_231 = arith.constant dense<0.000000e+00> : vector<1xf32>
    %reduce_sum3A_232 = vector.multi_reduction <add>, %reduce_sum3A_230, %reduce_sum3A_231 [1] : vector<1x256xf32> to vector<1xf32>
    %reduce_sum3A_233 = vector.shape_cast %reduce_sum3A_232 : vector<1xf32> to vector<1x1xf32>
    %reduce_sum3A_234 = vector.extract %reduce_sum3A_233[0, 0] : f32 from vector<1x1xf32>
    %add3A_235 = arith.addf %add3A_192, %reduce_sum3A_234 : f32
    %get3A_236 = arith.constant 512 : index
    %get3A_237 = arith.constant 0 : index
    %get3A_238 = vector.load %arg0[%get3A_236, %get3A_237] : memref<1024x2xi32, #tpu.memory_space<vmem>>, vector<256x1xi32>
    %get3A_239 = arith.constant 512 : index
    %get3A_240 = arith.constant 1 : index
    %get3A_241 = vector.load %arg0[%get3A_239, %get3A_240] : memref<1024x2xi32, #tpu.memory_space<vmem>>, vector<256x1xi32>
    %iota3A_242 = tpu.iota {dimensions = array<i32: 1>} : vector<256x2048xi32>
    %eq3A_243 = vector.broadcast %get3A_238 : vector<256x1xi32> to vector<256x2048xi32>
    %eq3A_244 = arith.cmpi eq, %iota3A_242, %eq3A_243 : vector<256x2048xi32>
    %broadcast_in_dim3A_245 = vector.shape_cast %sub3A : vector<2048xf32> to vector<1x2048xf32>
    %jit3A_246 = arith.constant 0.000000e+00 : f32
    %broadcast_in_dim3A_247 = vector.shape_cast %broadcast_in_dim3A_245 : vector<1x2048xf32> to vector<1x2048xf32>
    %broadcast_in_dim3A_248 = vector.broadcast %broadcast_in_dim3A_247 : vector<1x2048xf32> to vector<256x2048xf32>
    %broadcast_in_dim3A_249 = vector.broadcast %jit3A_246 : f32 to vector<256x2048xf32>
    %select_n3A_250 = arith.select %eq3A_244, %broadcast_in_dim3A_248, %broadcast_in_dim3A_249 : vector<256x2048xi1>, vector<256x2048xf32>
    %reduce_sum3A_251 = arith.constant dense<0.000000e+00> : vector<256xf32>
    %reduce_sum3A_252 = vector.multi_reduction <add>, %select_n3A_250, %reduce_sum3A_251 [1] : vector<256x2048xf32> to vector<256xf32>
    %eq3A_253 = vector.broadcast %get3A_241 : vector<256x1xi32> to vector<256x2048xi32>
    %eq3A_254 = arith.cmpi eq, %iota3A_242, %eq3A_253 : vector<256x2048xi32>
    %broadcast_in_dim3A_255 = vector.shape_cast %sub3A : vector<2048xf32> to vector<1x2048xf32>
    %jit3A_256 = arith.constant 0.000000e+00 : f32
    %broadcast_in_dim3A_257 = vector.shape_cast %broadcast_in_dim3A_255 : vector<1x2048xf32> to vector<1x2048xf32>
    %broadcast_in_dim3A_258 = vector.broadcast %broadcast_in_dim3A_257 : vector<1x2048xf32> to vector<256x2048xf32>
    %broadcast_in_dim3A_259 = vector.broadcast %jit3A_256 : f32 to vector<256x2048xf32>
    %select_n3A_260 = arith.select %eq3A_254, %broadcast_in_dim3A_258, %broadcast_in_dim3A_259 : vector<256x2048xi1>, vector<256x2048xf32>
    %reduce_sum3A_261 = arith.constant dense<0.000000e+00> : vector<256xf32>
    %reduce_sum3A_262 = vector.multi_reduction <add>, %select_n3A_260, %reduce_sum3A_261 [1] : vector<256x2048xf32> to vector<256xf32>
    %slice3A_263 = vector.extract_strided_slice %exp3A {offsets = [512], sizes = [256], strides = [1]} : vector<1024xf32> to vector<256xf32>
    %slice3A_264 = vector.extract_strided_slice %mul3A_18 {offsets = [512], sizes = [256], strides = [1]} : vector<1024xf32> to vector<256xf32>
    %add3A_265 = arith.addf %slice3A_263, %reduce_sum3A_252 : vector<256xf32>
    %add3A_266 = arith.addf %slice3A_263, %reduce_sum3A_262 : vector<256xf32>
    %mul3A_267 = arith.mulf %add3A_265, %add3A_266 : vector<256xf32>
    %log3A_268 = math.log %mul3A_267 : vector<256xf32>
    %mul3A_269 = arith.constant 2.000000e+00 : f32
    %mul3A_270 = vector.broadcast %mul3A_269 : f32 to vector<256xf32>
    %mul3A_271 = arith.mulf %mul3A_270, %slice3A_264 : vector<256xf32>
    %sub3A_272 = arith.subf %log3A_268, %mul3A_271 : vector<256xf32>
    %reduce_sum3A_273 = vector.shape_cast %sub3A_272 : vector<256xf32> to vector<1x256xf32>
    %reduce_sum3A_274 = arith.constant dense<0.000000e+00> : vector<1xf32>
    %reduce_sum3A_275 = vector.multi_reduction <add>, %reduce_sum3A_273, %reduce_sum3A_274 [1] : vector<1x256xf32> to vector<1xf32>
    %reduce_sum3A_276 = vector.shape_cast %reduce_sum3A_275 : vector<1xf32> to vector<1x1xf32>
    %reduce_sum3A_277 = vector.extract %reduce_sum3A_276[0, 0] : f32 from vector<1x1xf32>
    %add3A_278 = arith.addf %add3A_235, %reduce_sum3A_277 : f32
    %get3A_279 = arith.constant 768 : index
    %get3A_280 = arith.constant 0 : index
    %get3A_281 = vector.load %arg0[%get3A_279, %get3A_280] : memref<1024x2xi32, #tpu.memory_space<vmem>>, vector<256x1xi32>
    %get3A_282 = arith.constant 768 : index
    %get3A_283 = arith.constant 1 : index
    %get3A_284 = vector.load %arg0[%get3A_282, %get3A_283] : memref<1024x2xi32, #tpu.memory_space<vmem>>, vector<256x1xi32>
    %iota3A_285 = tpu.iota {dimensions = array<i32: 1>} : vector<256x2048xi32>
    %eq3A_286 = vector.broadcast %get3A_281 : vector<256x1xi32> to vector<256x2048xi32>
    %eq3A_287 = arith.cmpi eq, %iota3A_285, %eq3A_286 : vector<256x2048xi32>
    %broadcast_in_dim3A_288 = vector.shape_cast %sub3A : vector<2048xf32> to vector<1x2048xf32>
    %jit3A_289 = arith.constant 0.000000e+00 : f32
    %broadcast_in_dim3A_290 = vector.shape_cast %broadcast_in_dim3A_288 : vector<1x2048xf32> to vector<1x2048xf32>
    %broadcast_in_dim3A_291 = vector.broadcast %broadcast_in_dim3A_290 : vector<1x2048xf32> to vector<256x2048xf32>
    %broadcast_in_dim3A_292 = vector.broadcast %jit3A_289 : f32 to vector<256x2048xf32>
    %select_n3A_293 = arith.select %eq3A_287, %broadcast_in_dim3A_291, %broadcast_in_dim3A_292 : vector<256x2048xi1>, vector<256x2048xf32>
    %reduce_sum3A_294 = arith.constant dense<0.000000e+00> : vector<256xf32>
    %reduce_sum3A_295 = vector.multi_reduction <add>, %select_n3A_293, %reduce_sum3A_294 [1] : vector<256x2048xf32> to vector<256xf32>
    %eq3A_296 = vector.broadcast %get3A_284 : vector<256x1xi32> to vector<256x2048xi32>
    %eq3A_297 = arith.cmpi eq, %iota3A_285, %eq3A_296 : vector<256x2048xi32>
    %broadcast_in_dim3A_298 = vector.shape_cast %sub3A : vector<2048xf32> to vector<1x2048xf32>
    %jit3A_299 = arith.constant 0.000000e+00 : f32
    %broadcast_in_dim3A_300 = vector.shape_cast %broadcast_in_dim3A_298 : vector<1x2048xf32> to vector<1x2048xf32>
    %broadcast_in_dim3A_301 = vector.broadcast %broadcast_in_dim3A_300 : vector<1x2048xf32> to vector<256x2048xf32>
    %broadcast_in_dim3A_302 = vector.broadcast %jit3A_299 : f32 to vector<256x2048xf32>
    %select_n3A_303 = arith.select %eq3A_297, %broadcast_in_dim3A_301, %broadcast_in_dim3A_302 : vector<256x2048xi1>, vector<256x2048xf32>
    %reduce_sum3A_304 = arith.constant dense<0.000000e+00> : vector<256xf32>
    %reduce_sum3A_305 = vector.multi_reduction <add>, %select_n3A_303, %reduce_sum3A_304 [1] : vector<256x2048xf32> to vector<256xf32>
    %slice3A_306 = vector.extract_strided_slice %exp3A {offsets = [768], sizes = [256], strides = [1]} : vector<1024xf32> to vector<256xf32>
    %slice3A_307 = vector.extract_strided_slice %mul3A_18 {offsets = [768], sizes = [256], strides = [1]} : vector<1024xf32> to vector<256xf32>
    %add3A_308 = arith.addf %slice3A_306, %reduce_sum3A_295 : vector<256xf32>
    %add3A_309 = arith.addf %slice3A_306, %reduce_sum3A_305 : vector<256xf32>
    %mul3A_310 = arith.mulf %add3A_308, %add3A_309 : vector<256xf32>
    %log3A_311 = math.log %mul3A_310 : vector<256xf32>
    %mul3A_312 = arith.constant 2.000000e+00 : f32
    %mul3A_313 = vector.broadcast %mul3A_312 : f32 to vector<256xf32>
    %mul3A_314 = arith.mulf %mul3A_313, %slice3A_307 : vector<256xf32>
    %sub3A_315 = arith.subf %log3A_311, %mul3A_314 : vector<256xf32>
    %reduce_sum3A_316 = vector.shape_cast %sub3A_315 : vector<256xf32> to vector<1x256xf32>
    %reduce_sum3A_317 = arith.constant dense<0.000000e+00> : vector<1xf32>
    %reduce_sum3A_318 = vector.multi_reduction <add>, %reduce_sum3A_316, %reduce_sum3A_317 [1] : vector<1x256xf32> to vector<1xf32>
    %reduce_sum3A_319 = vector.shape_cast %reduce_sum3A_318 : vector<1xf32> to vector<1x1xf32>
    %reduce_sum3A_320 = vector.extract %reduce_sum3A_319[0, 0] : f32 from vector<1x1xf32>
    %add3A_321 = arith.addf %add3A_278, %reduce_sum3A_320 : f32
    %div3A_322 = arith.constant 2.048000e+03 : f32
    %div3A_323 = arith.divf %add3A_321, %div3A_322 : f32
    %swap3A = arith.constant 0 : index
    %swap3A_324 = arith.constant 0 : index
    %swap3A_325 = memref.load %arg4[%swap3A, %swap3A_324] : memref<1x1xf32, #tpu.memory_space<smem>>
    memref.store %div3A_323, %arg4[%swap3A, %swap3A_324] : memref<1x1xf32, #tpu.memory_space<smem>>
    return
  }
}

</mosaic_0001>

<sc_bundles>
// kernel: kernel.5.cloned.1.call-start
scs
__scs_entry_jumppad:
0x0: {  	(pc) =	sbr.rel $0x88, $3  }
0x1: {  	(tag) =	ssettag $0x0;
	lr =	simm.s32 $0x1  }
0x2: {  	[smem:$0x3F9F] =	sst lr;
	_ =	strace $0xD0000000  }
0x3: {  	_ = 	snop  }
0x4: {  	_ = 	snop  }
0x5: {  	_ = 	snop  }
0x6: {  	_ = 	snop  }
0x7: {  	_ = 	snop  }
__scs_overlays_trampoline_lowered:
0x8: {  	[smem:$0x3FAE] =	sst s0  }
0x9: {  	[smem:$0x3FAF] =	sst s1  }
0xa: {  	[smem:$0x3FB0] =	sst s2  }
0xb: {  	[smem:$0x3FB1] =	sst s3  }
0xc: {  	[smem:$0x3FB2] =	sst s4  }
0xd: {  	[smem:$0x3FB3] =	sst s5  }
0xe: {  	[smem:$0x3FB4] =	sst s6  }
0xf: {  	[smem:$0x3FB5] =	sst s7  }
0x10: {  	[smem:$0x3FB6] =	sst s8  }
0x11: {  	[smem:$0x3FB7] =	sst s9;
	s0 =	simm.s32 @!p0 $0x0  }
0x12: {  	s1 =	sld [smem:$0x3F9D];
	s0 =	simm.s32 @p0 $0x1  }
0x13: {  	[smem:$0x3FB8] =	sst s0;
	s0 =	simm.s32 @!p1 $0x0  }
0x14: {  	s2 =	sld [smem:$0x3F9C];
	s0 =	simm.s32 @p1 $0x1  }
0x15: {  	[smem:$0x3FB9] =	sst s0;
	s0 =	simm.s32 @!p2 $0x0  }
0x16: {  	s3 =	sld [smem:$0x3FDB];
	s0 =	simm.s32 @p2 $0x1  }
0x17: {  	s4 =	simm.s32 $0x1BF5;
	[smem:$0x3FBB] =	sst s0  }
0x18: {  	s0 =	sld [smem:$0x3F9E];
	_ =	swait.ge [sflag:s4], $0x0  }
0x19: {  	s7 =	sld [smem:$0x3F9F]  }
0x1a: {  	s8 =	sadd.s32 $0xFFFFE003, lr  }
0x1b: {  	s9 =	sadd.s32 $0xFFFFFEF7, lr;
	s5 =	simm.s32 $0xFFFFFFFF;
	p2 =	slt.u32 s8, $0xFFFFF086  }
0x1c: {  	p1 =	slt.u32 s9, $0xF7A;
	s5 =	simm.s32 @!p2 $0x0  }
0x1d: {  	s5 =	simm.s32 @p1 $0x1;
	p0 =	seq.s32 s7, s2  }
0x1e: {  	s7 =	smul.u32 @!p0 $0xF7A, s2;
	p2 =	seq.s32 @!p0 s5, $0x0  }
0x1f: {  	s9 =	smul.u32 $0xF7A, s1;
	s8 =	simm.s32 @!p0 $0x1BF5;
	p2 =	por !p2, p0  }
0x20: {  	[sflag:s8] =	ssyncset.s32 @!p0 $0xFFFFF086;
	s6 =	sadd.s32 @!p0 s3, s7;
	s7 =	simm.s32 @!p0 $0x108  }
0x21: {  	s3 =	sadd.s32 s3, s9;
	s6 =	sadd.s32 @!p0 $0x88, s6;
	s7 =	simm.s32 @p2 $0x1082  }
0x22: {  	[simem:s7], [sflag:s8] =	dma.local @!p0 [hbm:s6], $0xF7A  }
0x23: {  	s9 =	sor.u32 $0xD0000000, s2;
	s6 =	simm.s32 $0x108;
	_ =	swait.ge @!p0 [sflag:s8], $0x0  }
0x24: {  	s3 =	sadd.s32 $0x88, s3;
	s6 =	simm.s32 @!p1 $0x1082;
	[sflag:s4] =	ssyncset.s32 $0xFFFFF086  }
0x25: {  	[simem:s6], [sflag:s4] =	dma.local [hbm:s3], $0xF7A  }
0x26: {  	[smem:$0x3F9F] =	sst s1;
	(tag) =	ssettag s2;
	_ =	strace s9  }
0x27: {  	s1 =	sld [smem:$0x3FAF]  }
0x28: {  	s2 =	sld [smem:$0x3FB0]  }
0x29: {  	s4 =	sld [smem:$0x3FB2]  }
0x2a: {  	p0 =	seq.s32 s5, $0x0;
	s5 =	sld [smem:$0x3FB3]  }
0x2b: {  	s6 =	sld [smem:$0x3FB4]  }
0x2c: {  	s7 =	sld [smem:$0x3FB5]  }
0x2d: {  	s3 =	simm.s32 $0x108;
	s8 =	sld [smem:$0x3FB6]  }
0x2e: {  	s3 =	simm.s32 @!p0 $0x1082;
	s9 =	sld [smem:$0x3FB7]  }
0x2f: {  	lr =	sadd.s32 s0, s3;
	s0 =	sld [smem:$0x3FAE]  }
0x30: {  	s3 =	sld [smem:$0x3FB1]  }
0x31: {  	[smem:$0x3FBA] =	sst s10  }
0x32: {  	s10 =	sld [smem:$0x3FB8];
	_ =	sdelay $0x3  }
0x33: {  	p0 =	seq.s32 s10, $0x1;
	s10 =	sld [smem:$0x3FBA];
	_ =	sdelay $0x3  }
0x34: {  	[smem:$0x3FBA] =	sst s10  }
0x35: {  	s10 =	sld [smem:$0x3FB9];
	_ =	sdelay $0x3  }
0x36: {  	p1 =	seq.s32 s10, $0x1;
	s10 =	sld [smem:$0x3FBA];
	_ =	sdelay $0x3  }
0x37: {  	[smem:$0x3FBA] =	sst s10  }
0x38: {  	s10 =	sld [smem:$0x3FBB]  }
0x39: {  	_ = 	snop;
	(pc) =	sbr.ind lr, $3  }
0x3a: {  	_ = 	snop  }
0x3b: {  	_ = 	snop  }
0x3c: {  	p2 =	seq.s32 s10, $0x1;
	s10 =	sld [smem:$0x3FBA]  }
0x3d: {  	_ =	shalt  }
0x3e: {  	_ =	shalt  }
0x3f: {  	_ =	shalt  }
0x40: {  	_ =	shalt  }
0x41: {  	_ =	shalt  }
0x42: {  	_ =	shalt  }
0x43: {  	_ =	shalt  }
0x44: {  	_ =	shalt  }
0x45: {  	_ =	shalt  }
0x46: {  	_ =	shalt  }
0x47: {  	_ =	shalt  }
0x48: {  	_ =	shalt  }
0x49: {  	_ =	shalt  }
0x4a: {  	_ =	shalt  }
0x4b: {  	_ =	shalt  }
0x4c: {  	_ =	shalt  }
0x4d: {  	_ =	shalt  }
0x4e: {  	_ =	shalt  }
0x4f: {  	_ =	shalt  }
0x50: {  	_ =	shalt  }
0x51: {  	_ =	shalt  }
0x52: {  	_ =	shalt  }
0x53: {  	_ =	shalt  }
0x54: {  	_ =	shalt  }
0x55: {  	_ =	shalt  }
0x56: {  	_ =	shalt  }
0x57: {  	_ =	shalt  }
0x58: {  	_ =	shalt  }
0x59: {  	_ =	shalt  }
0x5a: {  	_ =	shalt  }
0x5b: {  	_ =	shalt  }
0x5c: {  	_ =	shalt  }
0x5d: {  	_ =	shalt  }
0x5e: {  	_ =	shalt  }
0x5f: {  	_ =	shalt  }
0x60: {  	_ =	shalt  }
0x61: {  	_ =	shalt  }
0x62: {  	_ =	shalt  }
0x63: {  	_ =	shalt  }
0x64: {  	_ =	shalt  }
0x65: {  	_ =	shalt  }
0x66: {  	_ =	shalt  }
0x67: {  	_ =	shalt  }
0x68: {  	_ =	shalt  }
0x69: {  	_ =	shalt  }
0x6a: {  	_ =	shalt  }
0x6b: {  	_ =	shalt  }
0x6c: {  	_ =	shalt  }
0x6d: {  	_ =	shalt  }
0x6e: {  	_ =	shalt  }
0x6f: {  	_ =	shalt  }
0x70: {  	_ =	shalt  }
0x71: {  	_ =	shalt  }
0x72: {  	_ =	shalt  }
0x73: {  	_ =	shalt  }
0x74: {  	_ =	shalt  }
0x75: {  	_ =	shalt  }
0x76: {  	_ =	shalt  }
0x77: {  	_ =	shalt  }
0x78: {  	_ =	shalt  }
0x79: {  	_ =	shalt  }
0x7a: {  	_ =	shalt  }
0x7b: {  	_ =	shalt  }
0x7c: {  	_ =	shalt  }
0x7d: {  	_ =	shalt  }
0x7e: {  	_ =	shalt  }
0x7f: {  	_ =	shalt  }
0x80: {  	_ =	shalt  }
0x81: {  	_ =	shalt  }
0x82: {  	_ =	shalt  }
0x83: {  	_ =	shalt  }
0x84: {  	_ =	shalt  }
0x85: {  	_ =	shalt  }
0x86: {  	_ =	shalt  }
0x87: {  	_ =	shalt  }
.Lfunc_end0:
.L_simem_size_0:
called_computation_lowered:
.L_overlay_start_0:
0x88: {  	s2 =	sld [smem:$0x3FD9]  }
0x89: {  	s3 =	sld [smem:$0x3FFE];
	_ =	sdelay $0x1  }
0x8a: {  	s1 =	srdreg.scid  }
0x8b: {  	s0 =	sand.u32 $0x1, s1  }
0x8c: {  	s17 =	sshll.u32 s0, $0xA;
	s2 =	sadd.s32 s3, s2  }
0x8d: {  	s2 =	sadd.s32 s2, s17  }
0x8e: {  	[smem:$0x3FC6] =	sst s2  }
0x8f: {  	_ = 	snop  }
0x90: {  	s2 =	sld [smem:$0x3FC9];
	(tm) =	ssettm $0x1  }
0x91: {  	s18 =	sld [smem:$0x3FFB];
	_ =	sdelay $0x3  }
0x92: {  	_ =	strace s18  }
0x93: {  	s3 =	sld [smem:$0x3FFC];
	_ =	sdelay $0x3  }
0x94: {  	_ =	strace s3  }
0x95: {  	s3 =	sld [smem:$0x3FFD];
	_ =	sdelay $0x3  }
0x96: {  	_ =	strace s3  }
0x97: {  	_ =	strace $0x8FFFFFFF  }
0x98: {  	s19 =	sld [smem:$0x3FDB];
	_ =	sdelay $0x1  }
0x99: {  	s4 =	simm.s32 $_scs_section_size  }
0x9a: {  	s5 =	simm.s32 $_size__tile_overlayer_lowered;
	s6 =	simm.s32 $_tile_overlayer_lowered  }
0x9b: {  	s22 =	simm.s32 $0x1BFF;
	s21 =	sshll.u32 s6, $0x1;
	s3 =	sadd.s32 s4, s19  }
0x9c: {  	s7 =	simm.s32 $0x0;
	s20 =	sshll.u32 s5, $0x1;
	s5 =	sadd.s32 s21, s3  }
0x9d: {  	[timem:s7], [sflag:s22] =	dma.local [hbm:s5], s20  }
0x9e: {  	_ =	swait.ge [sflag:s22], s20  }
0x9f: {  	s4 =	ssub.s32 $0x0, s20;
	[sflag:s22] =	ssyncset.done $0x0  }
0xa0: {  	[sflag:s22] =	ssyncadd.s32 s4;
	_ =	sdelay $0x1  }
0xa1: {  	s23 =	simm.s32 $0x1B8B  }
0xa2: {  	_ =	swait.ge [sflag:s23], $0x1  }
0xa3: {  	[sflag:s23] =	ssyncset.done $0x0  }
0xa4: {  	s25 =	simm.s32 $0x1B8E;
	s24 =	sld [smem:$0x3FFE];
	[sflag:s23] =	ssyncadd.s32 $0xFFFFFFFF  }
0xa5: {  	s26 =	simm.s32 $execute0_lowered;
	[smem:$0x3FD2] =	sst s25  }
0xa6: {  	s5 =	sshll.u32 s26, $0x1;
	_ =	strace $0x80000046;
	[dreg:$0x1] =	wrdreg $0xFFFFFFFF  }
0xa7: {  	s28 =	simm.s32 $_size_execute0_lowered;
	s3 =	sadd.s32 s3, s5;
	[dreg:$0x0] =	wrdreg $0x0  }
0xa8: {  	s5 =	sshll.u32 s28, $0x1;
	[dreg:$0x2] =	wrdreg s3  }
0xa9: {  	[dreg:$0x3] =	wrdreg s5  }
0xaa: {  	[dreg:$0x4] =	wrdreg $0xC0  }
0xab: {  	_ =	task [dreg:s7], $0x5FFFF  }
0xac: {  	[dreg:$0x1] =	wrdreg $0xFFFFFFFF  }
0xad: {  	[dreg:$0x0] =	wrdreg $0x60  }
0xae: {  	[dreg:$0x2] =	wrdreg s2  }
0xaf: {  	[dreg:$0x3] =	wrdreg s24  }
0xb0: {  	[dreg:$0x4] =	wrdreg $0x9  }
0xb1: {  	_ =	task.clear_ibuf [dreg:s7], $0x5FFFF;
	_ =	strace $0x90000046  }
0xb2: {  	s29 =	simm.s32 $0x9;
	_ =	strace $0x80000048  }
0xb3: {  	_ =	swait.ge [sflag:s29], $0x1  }
0xb4: {  	[sflag:s29] =	ssyncadd.s32 $0xFFFFFFFF  }
0xb5: {  	_ =	strace $0x90000048  }
0xb6: {  	_ =	sfence  }
0xb7: {  	s30 =	sld [smem:$0x0];
	_ =	sdelay $0x2  }
0xb8: {  	s31 =	sshll.u32 s1, $0xD;
	s1 =	sshrl.u32 s1, $0x2  }
0xb9: {  	s3 =	sand.u32 $0x4000, s31;
	s1 =	sadd.s32 s1, s30  }
0xba: {  	s0 =	sor.u32 s3, s0;
	s1 =	sshll.u32 s1, $0x11  }
0xbb: {  	s0 =	sor.u32 s1, s0  }
0xbc: {  	s0 =	sadd.s32 $0x8F2B, s0  }
0xbd: {  	[sflag:s0] =	ssyncadd.remote.s32 $0x1  }
0xbe: {  	_ =	sfence.sel $0xFFFF  }
0xbf: {  	[dreg:$0x0] =	wrdreg $0xFFFFFFFF;
	(pc) =	sbr.abs _section_cstart, $3  }
0xc0: {  	[dreg:$0x1] =	wrdreg $0xFFFFFFFF  }
0xc1: {  	_ =	task.clear_ibuf [dreg:s7], $0x2FFFF;
	_ =	strace $0x9FFFFFFF  }
0xc2: {  	(tm) =	ssettm $0x7FFFFFFF  }
0xc3: {  	_ =	shalt  }
tec
execute0_lowered:
.L_overlay_start_1:
0x0: {  	(tag) =	ssettag $0x1  }
0x1: {  	s1 =	rddreg [dreg:$0x0]  }
0x2: {  	s4 =	rddreg [dreg:$0x1]  }
0x3: {  	s0 =	rddreg [dreg:$0x2];
	s3 =	simm.s32 $0x0;
	s5 =	srdreg.scid  }
0x4: {  	s2 =	stileid.u32;
	s9 =	simm.s32 $0x80;
	s10 =	simm.s32 $0x1  }
0x5: {  	[smem:$0x7FF] =	sst s3;
	s5 =	sand.u32 $0x1, s5;
	s6 =	sshll.u32 s2, $0x1  }
0x6: {  	s11 =	simm.s32 $0x2080;
	_ =	strace $0x80000047;
	s6 =	sor.u32 s5, s6  }
0x7: {  	s5 =	ssub.s32 $0x2, s5;
	s7 =	sshll.u32 s6, $0x4;
	s6 =	sshll.u32 s6, $0x9  }
0x8: {  	s31 =	sshrl.u32 s5, $0x1;
	s7 =	sadd.s32 s7, s4;
	s6 =	sadd.s32 s6, s4  }
0x9: {  	s8 =	ssub.s32 s5, s31;
	s4 =	sadd.s32 $0xC00, s7;
	s5 =	sadd.s32 $0xE00, s6  }
0xa: {  	s6 =	smax.u32 s8, $0x1;
	s7 =	simm.s32 $0x2;
	s8 =	simm.s32 $0x40  }
.LBB2_1:
0xb: {  	[tilespmem:s3], [sflag:$0x2] =	stream.linear.gather [hbm4b:s4+s3], $0x80, $0x38;
	[tilespmem:$0x3080] =	vst v63  }
0xc: {  	_ =	swait.ge [sflag:s7], $0x80  }
0xd: {  	[sflag:s7] =	ssyncset.done $0x0  }
0xe: {  	[sflag:s7] =	ssyncadd.s32 $0xFFFFFF80  }
0xf: {  	[tilespmem:s9], [sflag:$0x1] =	stream.indirect.gather [hbm4b:s1+s8], $0x80, s3, s8, $0xb8;
	[tilespmem:$0x3080] =	vst v63  }
0x10: {  	_ =	swait.ge [sflag:s10], $0x2000  }
0x11: {  	[sflag:s10] =	ssyncset.done $0x0  }
0x12: {  	[sflag:s10] =	ssyncadd.s32 $0xFFFFE000  }
0x13: {  	v0 =	vld [tilespmem:$0x80]  }
0x14: {  	v1 =	vld [tilespmem:$0x1080]  }
0x15: {  	v2 =	vld [tilespmem:$0x90]  }
0x16: {  	v3 =	vld [tilespmem:$0x1090]  }
0x17: {  	v4 =	vld [tilespmem:$0xA0]  }
0x18: {  	v5 =	vld [tilespmem:$0x10A0]  }
0x19: {  	v6 =	vld [tilespmem:$0xB0]  }
0x1a: {  	v7 =	vld [tilespmem:$0x10B0]  }
0x1b: {  	v8 =	vld [tilespmem:$0xC0]  }
0x1c: {  	v9 =	vld [tilespmem:$0x10C0]  }
0x1d: {  	v10 =	vld [tilespmem:$0xD0]  }
0x1e: {  	v11 =	vld [tilespmem:$0x10D0]  }
0x1f: {  	v12 =	vld [tilespmem:$0xE0]  }
0x20: {  	v13 =	vld [tilespmem:$0x10E0]  }
0x21: {  	v14 =	vld [tilespmem:$0xF0]  }
0x22: {  	v15 =	vld [tilespmem:$0x10F0]  }
0x23: {  	v17 =	vld [tilespmem:$0x100]  }
0x24: {  	v18 =	vld [tilespmem:$0x1100]  }
0x25: {  	v20 =	vld [tilespmem:$0x110]  }
0x26: {  	v21 =	vld [tilespmem:$0x1110]  }
0x27: {  	v63 =	vld [tilespmem:$0x120]  }
0x28: {  	v22 =	vld [tilespmem:$0x1120]  }
0x29: {  	v33 =	vld [tilespmem:$0x130]  }
0x2a: {  	v35 =	vld [tilespmem:$0x1130];
	v16 =	vmul.f32 v1, v0  }
0x2b: {  	v38 =	vld [tilespmem:$0x140];
	v19 =	vmul.f32 v3, v2;
	v0 =	vmul.f32 v0, v0  }
0x2c: {  	v23 =	vld [tilespmem:$0x1140];
	v2 =	vmul.f32 v2, v2;
	v1 =	vmul.f32 v1, v1  }
0x2d: {  	v41 =	vld [tilespmem:$0x150];
	v3 =	vmul.f32 v3, v3;
	v31 =	vmul.f32 v5, v4  }
0x2e: {  	v49 =	vld [tilespmem:$0x180];
	v4 =	vmul.f32 v4, v4;
	v32 =	vmul.f32 v5, v5  }
0x2f: {  	v24 =	vld [tilespmem:$0x1180];
	v34 =	vmul.f32 v7, v6;
	v36 =	vmul.f32 v6, v6  }
0x30: {  	v27 =	vld [tilespmem:$0x190];
	v37 =	vmul.f32 v7, v7;
	v39 =	vmul.f32 v9, v8  }
0x31: {  	v53 =	vld [tilespmem:$0x1190];
	v40 =	vmul.f32 v8, v8;
	v30 =	vmul.f32 v9, v9  }
0x32: {  	v56 =	vld [tilespmem:$0x1A0];
	v42 =	vmul.f32 v10, v10;
	v43 =	vmul.f32 v11, v11  }
0x33: {  	v59 =	vld [tilespmem:$0x11A0];
	v44 =	vmul.f32 v13, v12;
	v45 =	vmul.f32 v12, v12  }
0x34: {  	v61 =	vld [tilespmem:$0x1B0];
	v46 =	vmul.f32 v13, v13;
	v48 =	vmul.f32 v18, v17  }
0x35: {  	v28 =	vld [tilespmem:$0x1C0];
	v50 =	vmul.f32 v15, v14;
	v17 =	vmul.f32 v17, v17  }
0x36: {  	v29 =	vld [tilespmem:$0x1210];
	v26 =	vmul.f32 v21, v20;
	v20 =	vmul.f32 v20, v20  }
0x37: {  	v8 =	vld [tilespmem:$0x1160];
	v51 =	vmul.f32 v18, v18;
	v52 =	vmul.f32 v21, v21  }
0x38: {  	v12 =	vld [tilespmem:$0x170];
	v55 =	vmul.f32 v22, v63;
	v57 =	vmul.f32 v63, v63  }
0x39: {  	v13 =	vld [tilespmem:$0x1170];
	v58 =	vmul.f32 v22, v22;
	v14 =	vmul.f32 v14, v14  }
0x3a: {  	v60 =	vmul.f32 v35, v33;
	v5 =	vmul.f32 v33, v33;
	v63 =	vld [tilespmem:$0x11B0];
	v16 =	vadd.f32 $0.0e+00, v16  }
0x3b: {  	v33 =	vmul.f32 v23, v38;
	v21 =	vld [tilespmem:$0x12F0];
	v0 =	vadd.f32 v2, v0;
	v1 =	vadd.f32 v3, v1  }
0x3c: {  	v6 =	vmul.f32 v41, v41;
	v22 =	vld [tilespmem:$0x1340];
	v25 =	vadd.f32 $0.0e+00, v48;
	v17 =	vadd.f32 v20, v17  }
0x3d: {  	v15 =	vmul.f32 v15, v15;
	v48 =	vld [tilespmem:$0x1200];
	v16 =	vadd.f32 v19, v16;
	v0 =	vadd.f32 v4, v0  }
0x3e: {  	v18 =	vmul.f32 v53, v53;
	v1 =	vadd.f32 v32, v1;
	v32 =	vld [tilespmem:$0x1150];
	v54 =	vadd.f32 v26, v25  }
0x3f: {  	v25 =	vmul.f32 v56, v56;
	v26 =	vld [tilespmem:$0x300];
	v19 =	vmul.f32 v63, v63;
	v2 =	vadd.f32 v31, v16  }
0x40: {  	v0 =	vadd.f32 v36, v0;
	v1 =	vadd.f32 v37, v1;
	v31 =	vmul.f32 v11, v10;
	v10 =	vld [tilespmem:$0x160]  }
0x41: {  	v20 =	vadd.f32 v55, v54;
	v16 =	vmul.f32 v35, v35;
	v35 =	vld [tilespmem:$0x11C0];
	v2 =	vadd.f32 v34, v2  }
0x42: {  	v54 =	vmul.f32 v59, v59;
	v55 =	vld [tilespmem:$0x1220];
	v0 =	vadd.f32 v40, v0;
	v1 =	vadd.f32 v30, v1  }
0x43: {  	v20 =	vadd.f32 v60, v20;
	v34 =	vmul.f32 v38, v38;
	v38 =	vmul.f32 v23, v23;
	v30 =	vld [tilespmem:$0x220]  }
0x44: {  	v23 =	vmul.f32 v48, v48;
	v40 =	vmul.f32 v32, v41;
	v41 =	vld [tilespmem:$0x11D0];
	v2 =	vadd.f32 v39, v2  }
0x45: {  	v9 =	vmul.f32 v32, v32;
	v0 =	vadd.f32 v42, v0;
	v1 =	vadd.f32 v43, v1;
	v39 =	vld [tilespmem:$0x1D0]  }
0x46: {  	v37 =	vadd.f32 v33, v20;
	v42 =	vld [tilespmem:$0x1E0];
	v32 =	vmul.f32 v8, v10;
	v43 =	vmul.f32 v10, v10  }
0x47: {  	v33 =	vld [tilespmem:$0x11E0];
	v8 =	vmul.f32 v8, v8;
	v60 =	vmul.f32 v35, v28;
	v2 =	vadd.f32 v31, v2  }
0x48: {  	v10 =	vld [tilespmem:$0x1F0];
	v47 =	vadd.f32 v45, v0;
	v4 =	vadd.f32 v46, v1;
	v45 =	vmul.f32 v13, v12  }
0x49: {  	v1 =	vadd.f32 v52, v51;
	v46 =	vld [tilespmem:$0x200];
	v12 =	vmul.f32 v12, v12;
	v52 =	vmul.f32 v59, v56  }
0x4a: {  	v3 =	vadd.f32 v40, v37;
	v51 =	vld [tilespmem:$0x210];
	v56 =	vmul.f32 v63, v61;
	v13 =	vmul.f32 v13, v13  }
0x4b: {  	v59 =	vld [tilespmem:$0x1230];
	v2 =	vadd.f32 v44, v2;
	v62 =	vadd.f32 v58, v1;
	v44 =	vmul.f32 v24, v49  }
0x4c: {  	v63 =	vld [tilespmem:$0x1240];
	v1 =	vadd.f32 v14, v47;
	v47 =	vmul.f32 v53, v27;
	v49 =	vmul.f32 v49, v49  }
0x4d: {  	v40 =	vld [tilespmem:$0x260];
	v3 =	vadd.f32 v32, v3;
	v24 =	vmul.f32 v24, v24;
	v58 =	vmul.f32 v61, v61  }
0x4e: {  	v14 =	vld [tilespmem:$0x11F0];
	v37 =	vmul.f32 v39, v39;
	v0 =	vadd.f32 v50, v2;
	v2 =	vadd.f32 v57, v17  }
0x4f: {  	v61 =	vld [tilespmem:$0x240];
	v36 =	vadd.f32 v16, v62;
	v3 =	vadd.f32 v45, v3;
	v50 =	vmul.f32 v27, v27  }
0x50: {  	v53 =	vadd.f32 v18, v24;
	v57 =	vld [tilespmem:$0x230];
	v32 =	vmul.f32 v48, v46;
	v48 =	vmul.f32 v29, v29  }
0x51: {  	v62 =	vmul.f32 v28, v28;
	v28 =	vld [tilespmem:$0x250];
	v16 =	vmul.f32 v42, v42;
	v2 =	vadd.f32 v5, v2  }
0x52: {  	v45 =	vld [tilespmem:$0x280];
	v18 =	vmul.f32 v55, v55;
	v7 =	vadd.f32 v38, v36;
	v20 =	vadd.f32 v48, v23  }
0x53: {  	v17 =	vld [tilespmem:$0x2F0];
	v2 =	vadd.f32 v34, v2;
	v34 =	vmul.f32 v35, v35;
	v35 =	vmul.f32 v41, v39  }
0x54: {  	v38 =	vld [tilespmem:$0x1250];
	v7 =	vadd.f32 v9, v7;
	v39 =	vmul.f32 v41, v41;
	v41 =	vmul.f32 v33, v42  }
0x55: {  	v23 =	vld [tilespmem:$0x2A0];
	v9 =	vmul.f32 v46, v46;
	v18 =	vadd.f32 v18, v20;
	v6 =	vadd.f32 v6, v2  }
0x56: {  	v42 =	vld [tilespmem:$0x1260];
	v46 =	vmul.f32 v51, v51;
	v2 =	vadd.f32 v15, v4;
	v7 =	vadd.f32 v8, v7  }
0x57: {  	v31 =	vmul.f32 v33, v33;
	v33 =	vld [tilespmem:$0x270];
	v4 =	vadd.f32 $0.0e+00, v44;
	v8 =	vadd.f32 v50, v49  }
0x58: {  	v20 =	vld [tilespmem:$0x2E0];
	v9 =	vadd.f32 v46, v9;
	v50 =	vmul.f32 v55, v30;
	v6 =	vadd.f32 v43, v6  }
0x59: {  	v49 =	vld [tilespmem:$0x290];
	v30 =	vmul.f32 v30, v30;
	v15 =	vadd.f32 v47, v4;
	v8 =	vadd.f32 v25, v8  }
0x5a: {  	v44 =	vmul.f32 v29, v51;
	v55 =	vld [tilespmem:$0x2B0];
	v5 =	vadd.f32 v13, v7;
	v43 =	vadd.f32 $0.0e+00, v32  }
0x5b: {  	v51 =	vmul.f32 v59, v57;
	v29 =	vld [tilespmem:$0x340];
	v9 =	vadd.f32 v30, v9;
	v4 =	vadd.f32 v12, v6  }
0x5c: {  	v47 =	vld [tilespmem:$0x1280];
	v11 =	vadd.f32 v52, v15;
	v6 =	vadd.f32 v54, v53;
	v53 =	vmul.f32 v57, v57  }
0x5d: {  	v30 =	vld [tilespmem:$0x1320];
	v8 =	vadd.f32 v58, v8;
	v54 =	vmul.f32 v59, v59;
	v57 =	vmul.f32 v63, v61  }
0x5e: {  	v25 =	vld [tilespmem:$0x350];
	v13 =	vadd.f32 v44, v43;
	v59 =	vmul.f32 v61, v61;
	v61 =	vmul.f32 v63, v63  }
0x5f: {  	v52 =	vld [tilespmem:$0x12A0];
	v12 =	vmul.f32 v38, v38;
	v15 =	vmul.f32 v40, v40;
	v11 =	vadd.f32 v56, v11  }
0x60: {  	v58 =	vld [tilespmem:$0x12B0];
	v46 =	vmul.f32 v49, v49;
	v6 =	vadd.f32 v19, v6;
	v36 =	vadd.f32 v62, v8  }
0x61: {  	v63 =	vld [tilespmem:$0x12C0];
	v9 =	vadd.f32 v53, v9;
	v62 =	vmul.f32 v38, v28;
	v53 =	vmul.f32 v55, v55  }
0x62: {  	[tilespmem:$0x2120] =	vst v5;
	v5 =	vld [tilespmem:$0x460];
	v18 =	vadd.f32 v54, v18;
	v43 =	vmul.f32 v47, v45;
	v45 =	vmul.f32 v45, v45  }
0x63: {  	v38 =	vld [tilespmem:$0x12D0];
	v27 =	vmul.f32 v47, v47;
	v11 =	vadd.f32 v60, v11;
	v6 =	vadd.f32 v34, v6  }
0x64: {  	v7 =	vadd.f32 v37, v36;
	v34 =	vmul.f32 v14, v10;
	v10 =	vmul.f32 v10, v10;
	v60 =	vld [tilespmem:$0x2C0]  }
0x65: {  	v14 =	vmul.f32 v14, v14;
	v9 =	vadd.f32 v59, v9;
	v37 =	vld [tilespmem:$0x2D0];
	v6 =	vadd.f32 v39, v6  }
0x66: {  	v36 =	vmul.f32 v28, v28;
	v28 =	vld [tilespmem:$0x400];
	v19 =	vadd.f32 $0.0e+00, v43;
	v11 =	vadd.f32 v35, v11  }
0x67: {  	v43 =	vmul.f32 v21, v17;
	v7 =	vadd.f32 v16, v7;
	v35 =	vld [tilespmem:$0x1270];
	v6 =	vadd.f32 v31, v6  }
0x68: {  	v39 =	vmul.f32 v42, v40;
	v40 =	vmul.f32 v42, v42;
	v8 =	vadd.f32 v41, v11;
	v31 =	vld [tilespmem:$0x1290]  }
0x69: {  	v42 =	vmul.f32 v33, v33;
	v11 =	vadd.f32 v50, v13;
	v6 =	vadd.f32 v14, v6;
	v14 =	vld [tilespmem:$0x12E0]  }
0x6a: {  	v7 =	vadd.f32 v10, v7;
	v13 =	vmul.f32 v58, v58;
	v8 =	vadd.f32 v34, v8;
	v34 =	vld [tilespmem:$0x330]  }
0x6b: {  	v59 =	vmul.f32 v60, v60;
	v56 =	vadd.f32 v51, v11;
	v11 =	vadd.f32 v61, v18;
	v18 =	vld [tilespmem:$0x1360]  }
0x6c: {  	v9 =	vadd.f32 v36, v9;
	v36 =	vmul.f32 v37, v37;
	v51 =	vmul.f32 v52, v52;
	[tilespmem:$0x2190] =	vst v7;
	v7 =	vld [tilespmem:$0x1470]  }
0x6d: {  	v41 =	vmul.f32 v35, v33;
	v44 =	vmul.f32 v35, v35;
	v33 =	vld [tilespmem:$0x1300];
	v11 =	vadd.f32 v12, v11  }
0x6e: {  	v12 =	vadd.f32 v46, v45;
	v46 =	vmul.f32 v21, v21;
	v21 =	vld [tilespmem:$0x1400];
	v32 =	vmul.f32 v31, v49  }
0x6f: {  	v9 =	vadd.f32 v15, v9;
	[tilespmem:$0x21A0] =	vst v6;
	v6 =	vld [tilespmem:$0x470];
	v47 =	vmul.f32 v31, v31;
	v49 =	vmul.f32 v52, v23  }
0x70: {  	v10 =	vadd.f32 v57, v56;
	[tilespmem:$0x2180] =	vst v8;
	v8 =	vld [tilespmem:$0x480];
	v23 =	vmul.f32 v23, v23;
	v52 =	vmul.f32 v58, v55  }
0x71: {  	v9 =	vadd.f32 v42, v9;
	v31 =	vld [tilespmem:$0x310];
	v58 =	vmul.f32 v63, v60;
	v60 =	vmul.f32 v63, v63  }
0x72: {  	v63 =	vmul.f32 v38, v37;
	v10 =	vadd.f32 v62, v10;
	v48 =	vadd.f32 v32, v19;
	v32 =	vld [tilespmem:$0x1310]  }
0x73: {  	v37 =	vmul.f32 v38, v38;
	v11 =	vadd.f32 v40, v11;
	v50 =	vadd.f32 v47, v27;
	v27 =	vld [tilespmem:$0x320]  }
0x74: {  	v40 =	vmul.f32 v20, v20;
	v12 =	vadd.f32 v23, v12;
	v19 =	vld [tilespmem:$0x1330];
	v38 =	vmul.f32 v14, v20  }
0x75: {  	v42 =	vmul.f32 v14, v14;
	v10 =	vadd.f32 v39, v10;
	v15 =	vadd.f32 v49, v48;
	v48 =	vld [tilespmem:$0x380]  }
0x76: {  	v11 =	vadd.f32 v44, v11;
	v54 =	vmul.f32 v33, v26;
	v16 =	vadd.f32 v51, v50;
	v49 =	vld [tilespmem:$0x1380]  }
0x77: {  	v39 =	vmul.f32 v22, v29;
	v12 =	vadd.f32 v53, v12;
	v50 =	vld [tilespmem:$0x390];
	v10 =	vadd.f32 v41, v10  }
0x78: {  	v44 =	vmul.f32 v17, v17;
	v51 =	vld [tilespmem:$0x1390];
	v15 =	vadd.f32 v52, v15;
	v57 =	vadd.f32 v13, v16  }
0x79: {  	[tilespmem:$0x2080] =	vst v0;
	v53 =	vld [tilespmem:$0x13A0];
	v12 =	vadd.f32 v59, v12;
	v59 =	vmul.f32 v31, v31;
	v56 =	vmul.f32 v32, v31  }
0x7a: {  	v55 =	vadd.f32 $0.0e+00, v54;
	[tilespmem:$0x2220] =	vst v11;
	v11 =	vld [tilespmem:$0x13D0];
	v61 =	vmul.f32 v30, v27;
	v35 =	vmul.f32 v19, v34  }
0x7b: {  	[tilespmem:$0x2100] =	vst v3;
	v16 =	vld [tilespmem:$0x360];
	v19 =	vmul.f32 v19, v19;
	v62 =	vadd.f32 v58, v15;
	v0 =	vadd.f32 v60, v57  }
0x7c: {  	[tilespmem:$0x2110] =	vst v4;
	v54 =	vld [tilespmem:$0x3B0];
	v4 =	vadd.f32 v36, v12;
	v58 =	vmul.f32 v26, v26;
	v23 =	vadd.f32 v56, v55  }
0x7d: {  	[tilespmem:$0x20A0] =	vst v2;
	v52 =	vld [tilespmem:$0x3A0];
	v3 =	vmul.f32 v51, v51;
	v2 =	vadd.f32 v63, v62;
	v0 =	vadd.f32 v37, v0  }
0x7e: {  	v15 =	vld [tilespmem:$0x1350];
	v4 =	vadd.f32 v40, v4;
	v62 =	vmul.f32 v32, v32;
	v37 =	vmul.f32 v30, v30  }
0x7f: {  	v12 =	vld [tilespmem:$0x1370];
	v13 =	vadd.f32 v59, v58;
	v40 =	vmul.f32 v22, v22;
	v58 =	vmul.f32 v11, v11  }
0x80: {  	v57 =	vld [tilespmem:$0x13C0];
	v24 =	vadd.f32 v61, v23;
	v45 =	vmul.f32 v18, v16;
	v2 =	vadd.f32 v38, v2  }
0x81: {  	v60 =	vld [tilespmem:$0x3E0];
	v61 =	vmul.f32 v33, v33;
	v0 =	vadd.f32 v42, v0;
	v4 =	vadd.f32 v44, v4  }
0x82: {  	[tilespmem:$0x2090] =	vst v1;
	v63 =	vld [tilespmem:$0x13E0];
	v38 =	vmul.f32 v34, v34;
	v42 =	vmul.f32 v25, v25;
	v1 =	vadd.f32 v35, v24  }
0x83: {  	v23 =	vld [tilespmem:$0x370];
	v44 =	vmul.f32 v16, v16;
	v41 =	vmul.f32 v15, v25;
	v20 =	vadd.f32 v62, v61  }
0x84: {  	[tilespmem:$0x2200] =	vst v10;
	v10 =	vld [tilespmem:$0x3D0];
	v35 =	vmul.f32 v27, v27;
	v15 =	vmul.f32 v15, v15;
	v1 =	vadd.f32 v39, v1  }
0x85: {  	[tilespmem:$0x2210] =	vst v9;
	v31 =	vld [tilespmem:$0x1450];
	v9 =	vmul.f32 v57, v57;
	v2 =	vadd.f32 v43, v2;
	v20 =	vadd.f32 v37, v20  }
0x86: {  	v36 =	vld [tilespmem:$0x3F0];
	v0 =	vadd.f32 v46, v0;
	v46 =	vmul.f32 v18, v18;
	v1 =	vadd.f32 v41, v1  }
0x87: {  	v55 =	vld [tilespmem:$0x13B0];
	v13 =	vadd.f32 v35, v13;
	v39 =	vmul.f32 v29, v29;
	v19 =	vadd.f32 v19, v20  }
0x88: {  	v56 =	vld [tilespmem:$0x3C0];
	v59 =	vmul.f32 v63, v60;
	v47 =	vmul.f32 v12, v23;
	v1 =	vadd.f32 v45, v1  }
0x89: {  	v30 =	vld [tilespmem:$0x1430];
	v60 =	vmul.f32 v60, v60;
	v19 =	vadd.f32 v40, v19;
	v45 =	vmul.f32 v49, v48  }
0x8a: {  	v32 =	vld [tilespmem:$0x1440];
	v61 =	vmul.f32 v63, v63;
	v63 =	vmul.f32 v21, v28;
	v1 =	vadd.f32 v47, v1  }
0x8b: {  	v33 =	vld [tilespmem:$0x1460];
	[tilespmem:$0x2280] =	vst v2;
	v15 =	vadd.f32 v15, v19;
	v19 =	vadd.f32 $0.0e+00, v45;
	v47 =	vmul.f32 v51, v50  }
0x8c: {  	v16 =	vld [tilespmem:$0x430];
	[tilespmem:$0x22A0] =	vst v0;
	v0 =	vmul.f32 v48, v48;
	v2 =	vmul.f32 v50, v50;
	v13 =	vadd.f32 v38, v13  }
0x8d: {  	v34 =	vld [tilespmem:$0x4C0];
	v48 =	vmul.f32 v53, v52;
	[tilespmem:$0x2300] =	vst v1;
	v1 =	vmul.f32 v49, v49;
	v19 =	vadd.f32 v47, v19  }
0x8e: {  	v27 =	vld [tilespmem:$0x13F0];
	v0 =	vadd.f32 v2, v0;
	v50 =	vmul.f32 v53, v53;
	v51 =	vmul.f32 v55, v54  }
0x8f: {  	v24 =	vld [tilespmem:$0x14A0];
	v53 =	vmul.f32 v55, v55;
	v1 =	vadd.f32 v3, v1;
	v2 =	vadd.f32 v48, v19  }
0x90: {  	v43 =	vld [tilespmem:$0x420];
	v13 =	vadd.f32 v39, v13;
	v49 =	vmul.f32 v52, v52;
	v52 =	vmul.f32 v54, v54  }
0x91: {  	v18 =	vld [tilespmem:$0x440];
	v54 =	vmul.f32 v57, v56;
	v1 =	vadd.f32 v50, v1;
	v2 =	vadd.f32 v51, v2  }
0x92: {  	[tilespmem:$0x2290] =	vst v4;
	v29 =	vld [tilespmem:$0x410];
	v21 =	vmul.f32 v21, v21;
	v4 =	vadd.f32 $0.0e+00, v63;
	v13 =	vadd.f32 v42, v13  }
0x93: {  	v41 =	vld [tilespmem:$0x1410];
	v57 =	vmul.f32 v11, v10;
	v1 =	vadd.f32 v53, v1;
	v2 =	vadd.f32 v54, v2  }
0x94: {  	v23 =	vmul.f32 v23, v23;
	v20 =	vld [tilespmem:$0x1420];
	v13 =	vadd.f32 v44, v13;
	v14 =	vadd.f32 v46, v15  }
0x95: {  	v12 =	vmul.f32 v12, v12;
	v15 =	vld [tilespmem:$0x450];
	v1 =	vadd.f32 v9, v1;
	v2 =	vadd.f32 v57, v2  }
0x96: {  	v39 =	vmul.f32 v28, v28;
	v25 =	vmul.f32 v43, v43;
	v11 =	vld [tilespmem:$0x1490];
	v55 =	vadd.f32 v23, v13  }
0x97: {  	v13 =	vld [tilespmem:$0x1480];
	v9 =	vadd.f32 v58, v1;
	v2 =	vadd.f32 v59, v2;
	v1 =	vmul.f32 v27, v36  }
0x98: {  	v40 =	vmul.f32 v29, v29;
	v3 =	vadd.f32 v49, v0;
	v19 =	vld [tilespmem:$0x490];
	v62 =	vadd.f32 v12, v14  }
0x99: {  	v45 =	vmul.f32 v30, v16;
	v37 =	vmul.f32 v41, v29;
	v23 =	vld [tilespmem:$0x4A0];
	[tilespmem:$0x1FEA0] =	vst v55;
	v38 =	vadd.f32 v1, v2  }
0x9a: {  	v16 =	vmul.f32 v16, v16;
	v56 =	vmul.f32 v56, v56;
	v12 =	vld [tilespmem:$0x4B0];
	v3 =	vadd.f32 v52, v3;
	[tilespmem:$0x1FEB0] =	vst v62  }
0x9b: {  	v22 =	vmul.f32 v41, v41;
	v41 =	vmul.f32 v20, v43;
	v4 =	vadd.f32 v37, v4;
	v14 =	vld [tilespmem:$0x14B0];
	[tilespmem:$0x1FEC0] =	vst v38  }
0x9c: {  	v20 =	vmul.f32 v20, v20;
	v10 =	vmul.f32 v10, v10;
	v3 =	vadd.f32 v56, v3;
	v29 =	vld [tilespmem:$0x14C0]  }
0x9d: {  	v46 =	vmul.f32 v30, v30;
	v43 =	vadd.f32 v22, v21;
	v4 =	vadd.f32 v41, v4;
	v26 =	vld [tilespmem:$0x4D0]  }
0x9e: {  	v47 =	vmul.f32 v32, v18;
	v3 =	vadd.f32 v10, v3;
	v10 =	vadd.f32 v40, v39;
	v35 =	vld [tilespmem:$0x14D0]  }
0x9f: {  	v18 =	vmul.f32 v18, v18;
	v49 =	vmul.f32 v32, v32;
	v17 =	vadd.f32 v20, v43;
	v21 =	vld [tilespmem:$0x4E0]  }
0xa0: {  	v4 =	vadd.f32 v45, v4;
	v50 =	vmul.f32 v31, v15;
	v44 =	vadd.f32 v25, v10;
	v25 =	vld [tilespmem:$0x14E0]  }
0xa1: {  	v17 =	vadd.f32 v46, v17;
	v15 =	vmul.f32 v15, v15;
	v54 =	vmul.f32 v31, v31;
	v28 =	vld [tilespmem:$0x4F0]  }
0xa2: {  	v56 =	vmul.f32 v33, v5;
	v3 =	vadd.f32 v60, v3;
	v36 =	vmul.f32 v36, v36;
	v10 =	vld [tilespmem:$0x14F0]  }
0xa3: {  	v5 =	vmul.f32 v5, v5;
	v48 =	vadd.f32 v47, v4;
	v16 =	vadd.f32 v16, v44;
	v20 =	vld [tilespmem:$0x500]  }
0xa4: {  	v17 =	vadd.f32 v49, v17;
	v4 =	vmul.f32 v24, v24;
	v42 =	vadd.f32 v36, v3;
	v36 =	vld [tilespmem:$0x1500]  }
0xa5: {  	v57 =	vmul.f32 v33, v33;
	v27 =	vmul.f32 v27, v27;
	v52 =	vadd.f32 v18, v16;
	v16 =	vld [tilespmem:$0x510]  }
0xa6: {  	v58 =	vmul.f32 v13, v8;
	v59 =	vmul.f32 v7, v6;
	v55 =	vld [tilespmem:$0x1510]  }
0xa7: {  	v17 =	vadd.f32 v54, v17;
	v8 =	vmul.f32 v8, v8;
	v13 =	vmul.f32 v13, v13;
	v30 =	vld [tilespmem:$0x520]  }
0xa8: {  	v53 =	vadd.f32 v50, v48;
	v6 =	vmul.f32 v6, v6;
	v7 =	vmul.f32 v7, v7;
	v32 =	vld [tilespmem:$0x1520]  }
0xa9: {  	v17 =	vadd.f32 v57, v17;
	v9 =	vadd.f32 v61, v9;
	v61 =	vmul.f32 v11, v19;
	v18 =	vld [tilespmem:$0x530]  }
0xaa: {  	v60 =	vadd.f32 $0.0e+00, v58;
	v2 =	vmul.f32 v19, v19;
	v11 =	vmul.f32 v11, v11;
	v62 =	vld [tilespmem:$0x1530]  }
0xab: {  	v3 =	vmul.f32 v24, v23;
	v51 =	vadd.f32 v27, v9;
	v19 =	vld [tilespmem:$0x540];
	v9 =	vadd.f32 v15, v52  }
0xac: {  	v23 =	vmul.f32 v23, v23;
	v48 =	vadd.f32 v7, v17;
	v38 =	vmul.f32 v14, v14;
	v31 =	vld [tilespmem:$0x1540]  }
0xad: {  	[tilespmem:$0x1FED0] =	vst v42;
	v42 =	vmul.f32 v34, v34;
	v37 =	vld [tilespmem:$0x550];
	v9 =	vadd.f32 v5, v9;
	v5 =	vmul.f32 v14, v12  }
0xae: {  	v22 =	vadd.f32 v61, v60;
	v24 =	vld [tilespmem:$0x1550];
	v12 =	vmul.f32 v12, v12;
	v41 =	vmul.f32 v29, v34  }
0xaf: {  	v11 =	vadd.f32 v11, v13;
	v13 =	vld [tilespmem:$0x1570];
	v43 =	vmul.f32 v29, v29;
	v44 =	vmul.f32 v35, v26  }
0xb0: {  	v8 =	vadd.f32 v2, v8;
	v17 =	vld [tilespmem:$0x5A0];
	v45 =	vmul.f32 v26, v26;
	v46 =	vmul.f32 v35, v35  }
0xb1: {  	v27 =	vld [tilespmem:$0x5C0];
	v15 =	vadd.f32 v56, v53;
	v47 =	vmul.f32 v25, v21;
	v21 =	vmul.f32 v21, v21  }
0xb2: {  	[tilespmem:$0x1FEE0] =	vst v51;
	v8 =	vadd.f32 v23, v8;
	v23 =	vld [tilespmem:$0x560];
	v49 =	vmul.f32 v25, v25;
	v51 =	vmul.f32 v36, v20  }
0xb3: {  	v63 =	vadd.f32 v59, v15;
	v14 =	vld [tilespmem:$0x1560];
	v52 =	vmul.f32 v10, v28;
	v20 =	vmul.f32 v20, v20  }
0xb4: {  	v15 =	vadd.f32 v3, v22;
	v22 =	vld [tilespmem:$0x570];
	v54 =	vmul.f32 v36, v36;
	v57 =	vmul.f32 v32, v30  }
0xb5: {  	v34 =	vld [tilespmem:$0x580];
	v58 =	vmul.f32 v30, v30;
	v59 =	vmul.f32 v32, v32  }
0xb6: {  	v11 =	vadd.f32 v4, v11;
	v26 =	vld [tilespmem:$0x1580];
	v28 =	vmul.f32 v28, v28;
	v60 =	vmul.f32 v62, v18  }
0xb7: {  	v39 =	vadd.f32 v6, v9;
	v29 =	vld [tilespmem:$0x590];
	v18 =	vmul.f32 v18, v18;
	v33 =	vmul.f32 v62, v62  }
0xb8: {  	v40 =	vadd.f32 v5, v15;
	v35 =	vld [tilespmem:$0x1590];
	v62 =	vmul.f32 v31, v19;
	v3 =	vmul.f32 v19, v19  }
0xb9: {  	v8 =	vadd.f32 v12, v8;
	v25 =	vld [tilespmem:$0x5B0];
	v5 =	vmul.f32 v31, v31;
	v6 =	vmul.f32 v24, v37  }
0xba: {  	v11 =	vadd.f32 v38, v11;
	v32 =	vld [tilespmem:$0x5D0];
	v7 =	vmul.f32 v37, v37;
	v10 =	vmul.f32 v10, v10  }
0xbb: {  	v30 =	vld [tilespmem:$0x5E0];
	v36 =	vmul.f32 v24, v24;
	v9 =	vadd.f32 v41, v40;
	v8 =	vadd.f32 v42, v8  }
0xbc: {  	v24 =	vld [tilespmem:$0x1600];
	[tilespmem:$0x1FF00] =	vst v39;
	v11 =	vadd.f32 v43, v11;
	v39 =	vmul.f32 v55, v16;
	v16 =	vmul.f32 v16, v16  }
0xbd: {  	v31 =	vld [tilespmem:$0x610];
	v38 =	vadd.f32 $0.0e+00, v51;
	v55 =	vmul.f32 v55, v55;
	v42 =	vmul.f32 v23, v23  }
0xbe: {  	v40 =	vld [tilespmem:$0x15B0];
	v37 =	vmul.f32 v14, v23;
	v14 =	vmul.f32 v14, v14;
	v9 =	vadd.f32 v44, v9  }
0xbf: {  	v41 =	vld [tilespmem:$0x15E0];
	v8 =	vadd.f32 v45, v8;
	v11 =	vadd.f32 v46, v11;
	v45 =	vmul.f32 v26, v34  }
0xc0: {  	[tilespmem:$0x1FF10] =	vst v48;
	v23 =	vld [tilespmem:$0x1610];
	v56 =	vadd.f32 v39, v38;
	v48 =	vmul.f32 v35, v29;
	v51 =	vmul.f32 v34, v34  }
0xc1: {  	v16 =	vadd.f32 v16, v20;
	v38 =	vld [tilespmem:$0x15C0];
	v29 =	vmul.f32 v29, v29;
	v26 =	vmul.f32 v26, v26  }
0xc2: {  	v39 =	vld [tilespmem:$0x15D0];
	v35 =	vmul.f32 v35, v35;
	v9 =	vadd.f32 v47, v9;
	v50 =	vadd.f32 v21, v8  }
0xc3: {  	v46 =	vld [tilespmem:$0x620];
	v1 =	vmul.f32 v32, v32;
	v11 =	vadd.f32 v49, v11;
	v20 =	vadd.f32 v57, v56  }
0xc4: {  	v21 =	vld [tilespmem:$0x15A0];
	v15 =	vadd.f32 v58, v16;
	v47 =	vmul.f32 v13, v22;
	v22 =	vmul.f32 v22, v22  }
0xc5: {  	v49 =	vld [tilespmem:$0x630];
	v57 =	vmul.f32 v25, v25;
	v56 =	vmul.f32 v40, v25;
	v53 =	vadd.f32 v52, v9  }
0xc6: {  	v58 =	vmul.f32 v40, v40;
	v40 =	vld [tilespmem:$0x1660];
	v9 =	vadd.f32 v55, v54;
	v20 =	vadd.f32 v60, v20  }
0xc7: {  	[tilespmem:$0x1FEF0] =	vst v63;
	v13 =	vmul.f32 v13, v13;
	v25 =	vld [tilespmem:$0x670];
	v63 =	vadd.f32 v28, v50;
	v2 =	vadd.f32 v18, v15  }
0xc8: {  	v18 =	vld [tilespmem:$0x5F0];
	v60 =	vmul.f32 v27, v27;
	v19 =	vmul.f32 v46, v46;
	v61 =	vadd.f32 v59, v9  }
0xc9: {  	v28 =	vld [tilespmem:$0x15F0];
	v4 =	vadd.f32 v62, v20;
	v59 =	vmul.f32 v38, v27;
	v62 =	vmul.f32 v39, v32  }
0xca: {  	v52 =	vld [tilespmem:$0x1630];
	v12 =	vadd.f32 v3, v2;
	v2 =	vmul.f32 v39, v39;
	v3 =	vmul.f32 v41, v30  }
0xcb: {  	v55 =	vadd.f32 v35, v26;
	v26 =	vld [tilespmem:$0x650];
	v30 =	vmul.f32 v30, v30;
	v9 =	vmul.f32 v23, v31  }
0xcc: {  	v43 =	vadd.f32 v10, v11;
	v35 =	vld [tilespmem:$0x660];
	v31 =	vmul.f32 v31, v31;
	v23 =	vmul.f32 v23, v23  }
0xcd: {  	[tilespmem:$0x1FF20] =	vst v53;
	v20 =	vld [tilespmem:$0x1620];
	v53 =	vmul.f32 v21, v17;
	v21 =	vmul.f32 v21, v21;
	v16 =	vadd.f32 v33, v61  }
0xce: {  	v27 =	vld [tilespmem:$0x1680];
	v17 =	vmul.f32 v17, v17;
	v15 =	vadd.f32 v6, v4;
	v12 =	vadd.f32 v7, v12  }
0xcf: {  	v32 =	vld [tilespmem:$0x690];
	v61 =	vmul.f32 v38, v38;
	v4 =	vmul.f32 v41, v41;
	v21 =	vadd.f32 v21, v55  }
0xd0: {  	v33 =	vld [tilespmem:$0x600];
	v7 =	vmul.f32 v28, v18;
	v18 =	vmul.f32 v18, v18;
	v16 =	vadd.f32 v5, v16  }
0xd1: {  	[tilespmem:$0x1FF40] =	vst v43;
	v43 =	vld [tilespmem:$0x16A0];
	v34 =	vmul.f32 v52, v52;
	v44 =	vadd.f32 v37, v15;
	v12 =	vadd.f32 v42, v12  }
0xd2: {  	v41 =	vld [tilespmem:$0x1690];
	v28 =	vmul.f32 v28, v28;
	v15 =	vadd.f32 $0.0e+00, v45;
	v21 =	vadd.f32 v58, v21  }
0xd3: {  	v42 =	vld [tilespmem:$0x1640];
	v58 =	vmul.f32 v40, v35;
	v35 =	vmul.f32 v35, v35;
	v16 =	vadd.f32 v36, v16  }
0xd4: {  	v39 =	vld [tilespmem:$0x16B0];
	v50 =	vadd.f32 v47, v44;
	v15 =	vadd.f32 v48, v15;
	v48 =	vmul.f32 v52, v49  }
0xd5: {  	v38 =	vld [tilespmem:$0x1670];
	v54 =	vadd.f32 v22, v12;
	v49 =	vmul.f32 v49, v49;
	v5 =	vmul.f32 v24, v33  }
0xd6: {  	v36 =	vld [tilespmem:$0x640];
	v24 =	vmul.f32 v24, v24;
	v14 =	vadd.f32 v14, v16;
	v16 =	vadd.f32 v29, v51  }
0xd7: {  	v45 =	vld [tilespmem:$0x6D0];
	v11 =	vmul.f32 v33, v33;
	v15 =	vadd.f32 v53, v15;
	v8 =	vadd.f32 $0.0e+00, v5  }
0xd8: {  	v33 =	vld [tilespmem:$0x6B0];
	[tilespmem:$0x1FF60] =	vst v54;
	v23 =	vadd.f32 v23, v24;
	v54 =	vmul.f32 v42, v42;
	v5 =	vmul.f32 v41, v32  }
0xd9: {  	v29 =	vld [tilespmem:$0x1650];
	v32 =	vmul.f32 v32, v32;
	v16 =	vadd.f32 v17, v16;
	v15 =	vadd.f32 v56, v15  }
0xda: {  	[tilespmem:$0x1FF30] =	vst v63;
	v37 =	vld [tilespmem:$0x16D0];
	v63 =	vadd.f32 v13, v14;
	v17 =	vadd.f32 v61, v21;
	v56 =	vmul.f32 v26, v26  }
0xdb: {  	v22 =	vld [tilespmem:$0x680];
	v61 =	vmul.f32 v40, v40;
	v21 =	vadd.f32 v9, v8;
	v52 =	vmul.f32 v42, v36  }
0xdc: {  	v44 =	vld [tilespmem:$0x6C0];
	v53 =	vmul.f32 v36, v36;
	v8 =	vmul.f32 v41, v41;
	v16 =	vadd.f32 v57, v16  }
0xdd: {  	v47 =	vld [tilespmem:$0x1740];
	v15 =	vadd.f32 v59, v15;
	v17 =	vadd.f32 v2, v17;
	v12 =	vmul.f32 v39, v33  }
0xde: {  	v24 =	vld [tilespmem:$0x16C0];
	v13 =	vmul.f32 v33, v33;
	v55 =	vmul.f32 v29, v26;
	v0 =	vadd.f32 v60, v16  }
0xdf: {  	v40 =	vld [tilespmem:$0x1730];
	v29 =	vmul.f32 v29, v29;
	v15 =	vadd.f32 v62, v15;
	v17 =	vadd.f32 v4, v17  }
0xe0: {  	v36 =	vld [tilespmem:$0x6F0];
	v62 =	vmul.f32 v27, v22;
	v4 =	vmul.f32 v22, v22;
	v14 =	vadd.f32 v1, v0  }
0xe1: {  	v42 =	vld [tilespmem:$0x1700];
	v15 =	vadd.f32 v3, v15;
	v59 =	vadd.f32 v28, v17;
	v3 =	vmul.f32 v38, v25  }
0xe2: {  	v41 =	vld [tilespmem:$0x730];
	v25 =	vmul.f32 v25, v25;
	v6 =	vadd.f32 v30, v14;
	v14 =	vmul.f32 v20, v46  }
0xe3: {  	v22 =	vld [tilespmem:$0x720];
	v10 =	vadd.f32 v7, v15;
	v15 =	vadd.f32 v31, v11;
	v20 =	vmul.f32 v20, v20  }
0xe4: {  	v38 =	vmul.f32 v38, v38;
	v17 =	vmul.f32 v47, v47;
	v30 =	vld [tilespmem:$0x6A0];
	v21 =	vadd.f32 v14, v21  }
0xe5: {  	v46 =	vld [tilespmem:$0x1720];
	v7 =	vmul.f32 v27, v27;
	v19 =	vadd.f32 v19, v15;
	v20 =	vadd.f32 v20, v23  }
0xe6: {  	[tilespmem:$0x1FF50] =	vst v50;
	v33 =	vld [tilespmem:$0x750];
	v11 =	vmul.f32 v43, v43;
	v50 =	vadd.f32 v18, v6;
	v23 =	vadd.f32 $0.0e+00, v62  }
0xe7: {  	v2 =	vld [tilespmem:$0x840];
	v14 =	vmul.f32 v39, v39;
	v15 =	vmul.f32 v24, v44;
	v51 =	vadd.f32 v48, v21  }
0xe8: {  	v26 =	vld [tilespmem:$0x16F0];
	v24 =	vmul.f32 v24, v24;
	v19 =	vadd.f32 v49, v19;
	v20 =	vadd.f32 v34, v20  }
0xe9: {  	v31 =	vld [tilespmem:$0x16E0];
	[tilespmem:$0x1FF80] =	vst v10;
	v23 =	vadd.f32 v5, v23;
	v9 =	vmul.f32 v43, v30;
	v10 =	vmul.f32 v30, v30  }
0xea: {  	v21 =	vld [tilespmem:$0x6E0];
	v5 =	vmul.f32 v46, v22;
	v22 =	vmul.f32 v22, v22;
	v16 =	vadd.f32 v52, v51  }
0xeb: {  	v28 =	vld [tilespmem:$0x710];
	v19 =	vadd.f32 v53, v19;
	v18 =	vadd.f32 v54, v20;
	v52 =	vmul.f32 v44, v44  }
0xec: {  	v34 =	vld [tilespmem:$0x700];
	v53 =	vmul.f32 v37, v45;
	v54 =	vmul.f32 v45, v45;
	v23 =	vadd.f32 v9, v23  }
0xed: {  	v39 =	vld [tilespmem:$0x770];
	v9 =	vmul.f32 v40, v41;
	v57 =	vadd.f32 v55, v16;
	v19 =	vadd.f32 v56, v19  }
0xee: {  	v48 =	vld [tilespmem:$0x1750];
	v40 =	vmul.f32 v40, v40;
	v60 =	vadd.f32 v29, v18;
	v18 =	vadd.f32 v32, v4  }
0xef: {  	v43 =	vld [tilespmem:$0x740];
	v55 =	vmul.f32 v37, v37;
	v20 =	vadd.f32 v58, v57;
	v57 =	vmul.f32 v31, v21  }
0xf0: {  	v49 =	vld [tilespmem:$0x17B0];
	v23 =	vadd.f32 v12, v23;
	v21 =	vmul.f32 v21, v21;
	v58 =	vmul.f32 v31, v31  }
0xf1: {  	[tilespmem:$0x1FF70] =	vst v63;
	v44 =	vld [tilespmem:$0x780];
	v63 =	vadd.f32 v61, v60;
	v60 =	vmul.f32 v42, v34;
	v61 =	vmul.f32 v26, v36  }
0xf2: {  	v29 =	vld [tilespmem:$0x1710];
	v19 =	vadd.f32 v35, v19;
	v36 =	vmul.f32 v36, v36;
	v42 =	vmul.f32 v42, v42  }
0xf3: {  	v30 =	vld [tilespmem:$0x1760];
	v27 =	vadd.f32 v10, v18;
	v26 =	vmul.f32 v26, v26;
	v18 =	vmul.f32 v48, v33  }
0xf4: {  	v4 =	vld [tilespmem:$0x7B0];
	v23 =	vadd.f32 v15, v23;
	v15 =	vmul.f32 v43, v43;
	v6 =	vadd.f32 v3, v20  }
0xf5: {  	[tilespmem:$0x1FF90] =	vst v50;
	v16 =	vld [tilespmem:$0x7E0];
	v20 =	vadd.f32 v8, v7;
	v50 =	vadd.f32 v25, v19;
	v3 =	vmul.f32 v34, v34  }
0xf6: {  	v45 =	vld [tilespmem:$0x7A0];
	v51 =	vadd.f32 v13, v27;
	v7 =	vmul.f32 v46, v46;
	v13 =	vmul.f32 v47, v43  }
0xf7: {  	v37 =	vld [tilespmem:$0x1770];
	v32 =	vadd.f32 $0.0e+00, v60;
	v60 =	vmul.f32 v44, v44;
	v62 =	vmul.f32 v29, v28  }
0xf8: {  	[tilespmem:$0x1FFA0] =	vst v59;
	v31 =	vld [tilespmem:$0x1780];
	v59 =	vadd.f32 v38, v63;
	v28 =	vmul.f32 v28, v28;
	v29 =	vmul.f32 v29, v29  }
0xf9: {  	v27 =	vld [tilespmem:$0x760];
	v23 =	vadd.f32 v53, v23;
	v53 =	vmul.f32 v30, v30;
	v1 =	vmul.f32 v49, v4  }
0xfa: {  	v34 =	vld [tilespmem:$0x17A0];
	v43 =	vmul.f32 v16, v16;
	v20 =	vadd.f32 v11, v20;
	v19 =	vadd.f32 v52, v51  }
0xfb: {  	v12 =	vld [tilespmem:$0x7D0];
	v11 =	vmul.f32 v41, v41;
	v23 =	vadd.f32 v57, v23;
	v32 =	vadd.f32 v62, v32  }
0xfc: {  	v8 =	vld [tilespmem:$0x7C0];
	v51 =	vmul.f32 v48, v48;
	v29 =	vadd.f32 v29, v42;
	v20 =	vadd.f32 v14, v20  }
0xfd: {  	v10 =	vld [tilespmem:$0x17C0];
	v56 =	vadd.f32 v54, v19;
	v54 =	vmul.f32 v31, v44;
	v31 =	vmul.f32 v31, v31  }
0xfe: {  	v35 =	vld [tilespmem:$0x790];
	v63 =	vadd.f32 v61, v23;
	v23 =	vadd.f32 v28, v3;
	v52 =	vmul.f32 v30, v27  }
0xff: {  	v25 =	vld [tilespmem:$0x1790];
	v28 =	vadd.f32 v5, v32;
	v27 =	vmul.f32 v27, v27;
	v0 =	vmul.f32 v34, v34  }
0x100: {  	v47 =	vld [tilespmem:$0x1800];
	v29 =	vadd.f32 v7, v29;
	v3 =	vmul.f32 v4, v4;
	v4 =	vmul.f32 v49, v49  }
0x101: {  	v62 =	vld [tilespmem:$0x1820];
	v7 =	vmul.f32 v8, v8;
	v20 =	vadd.f32 v24, v20;
	v21 =	vadd.f32 v21, v56  }
0x102: {  	[tilespmem:$0x1FFB0] =	vst v6;
	v14 =	vld [tilespmem:$0x17D0];
	v32 =	vmul.f32 v10, v10;
	v57 =	vadd.f32 $0.0e+00, v54;
	v22 =	vadd.f32 v22, v23  }
0x103: {  	[tilespmem:$0x1FFC0] =	vst v50;
	v50 =	vld [tilespmem:$0x17E0];
	v23 =	vadd.f32 v9, v28;
	v29 =	vadd.f32 v40, v29;
	v40 =	vmul.f32 v33, v33  }
0x104: {  	v46 =	vld [tilespmem:$0x870];
	[tilespmem:$0x1FFE0] =	vst v63;
	v63 =	vmul.f32 v34, v45;
	v45 =	vmul.f32 v45, v45;
	v20 =	vadd.f32 v55, v20  }
0x105: {  	[tilespmem:$0x1FFD0] =	vst v59;
	v59 =	vld [tilespmem:$0x1810];
	v6 =	vadd.f32 v36, v21;
	v55 =	vmul.f32 v37, v39;
	v39 =	vmul.f32 v39, v39  }
0x106: {  	v48 =	vld [tilespmem:$0x930];
	v37 =	vmul.f32 v37, v37;
	v30 =	vmul.f32 v62, v62;
	v36 =	vadd.f32 v11, v22  }
0x107: {  	v42 =	vld [tilespmem:$0x860];
	v23 =	vadd.f32 v13, v23;
	v28 =	vadd.f32 v17, v29;
	v9 =	vmul.f32 v14, v12  }
0x108: {  	v61 =	vld [tilespmem:$0x820];
	v13 =	vmul.f32 v50, v16;
	v24 =	vadd.f32 v58, v20;
	v58 =	vmul.f32 v25, v35  }
0x109: {  	v56 =	vld [tilespmem:$0x810];
	v35 =	vmul.f32 v35, v35;
	v25 =	vmul.f32 v25, v25;
	v19 =	vadd.f32 v15, v36  }
0x10a: {  	v11 =	vld [tilespmem:$0x1860];
	[tilespmem:$0x1FFF0] =	vst v6;
	v6 =	vmul.f32 v10, v8;
	v23 =	vadd.f32 v18, v23;
	v28 =	vadd.f32 v51, v28  }
0x10b: {  	v33 =	vld [tilespmem:$0x7F0];
	v10 =	vmul.f32 v12, v12;
	v22 =	vadd.f32 v26, v24;
	v29 =	vadd.f32 v58, v57  }
0x10c: {  	v34 =	vld [tilespmem:$0x1830];
	v12 =	vmul.f32 v14, v14;
	v26 =	vadd.f32 v35, v60;
	v25 =	vadd.f32 v25, v31  }
0x10d: {  	v36 =	vld [tilespmem:$0x17F0];
	v15 =	vmul.f32 v50, v50;
	v24 =	vadd.f32 v40, v19;
	v23 =	vadd.f32 v52, v23  }
0x10e: {  	v51 =	vld [tilespmem:$0x830];
	v28 =	vadd.f32 v53, v28;
	v53 =	vmul.f32 v59, v56;
	v29 =	vadd.f32 v63, v29  }
0x10f: {  	v44 =	vld [tilespmem:$0x8B0];
	v26 =	vadd.f32 v45, v26;
	v41 =	vmul.f32 v11, v11;
	v24 =	vadd.f32 v27, v24  }
0x110: {  	v5 =	vld [tilespmem:$0x1840];
	v23 =	vadd.f32 v55, v23;
	v27 =	vmul.f32 v56, v56;
	v55 =	vmul.f32 v47, v47  }
0x111: {  	v54 =	vld [tilespmem:$0x1890];
	v25 =	vadd.f32 v0, v25;
	v56 =	vmul.f32 v59, v59;
	v59 =	vmul.f32 v62, v61  }
0x112: {  	v16 =	vld [tilespmem:$0x880];
	v61 =	vmul.f32 v61, v61;
	v29 =	vadd.f32 v1, v29;
	v19 =	vmul.f32 v36, v33  }
0x113: {  	v40 =	vld [tilespmem:$0x800];
	v26 =	vadd.f32 v3, v26;
	v33 =	vmul.f32 v33, v33;
	v62 =	vmul.f32 v34, v51  }
0x114: {  	v8 =	vld [tilespmem:$0x1850];
	v25 =	vadd.f32 v4, v25;
	v0 =	vmul.f32 v51, v51;
	v34 =	vmul.f32 v34, v34  }
0x115: {  	v57 =	vld [tilespmem:$0x8A0];
	v1 =	vmul.f32 v5, v2;
	v2 =	vmul.f32 v2, v2;
	v24 =	vadd.f32 v39, v24  }
0x116: {  	v20 =	vld [tilespmem:$0x890];
	v4 =	vmul.f32 v5, v5;
	v29 =	vadd.f32 v6, v29;
	v26 =	vadd.f32 v7, v26  }
0x117: {  	v36 =	vmul.f32 v36, v36;
	v39 =	vld [tilespmem:$0x850];
	v32 =	vadd.f32 v32, v25;
	v25 =	vadd.f32 v37, v28  }
0x118: {  	v52 =	vld [tilespmem:$0x1870];
	v18 =	vmul.f32 v47, v40;
	v40 =	vmul.f32 v40, v40;
	v29 =	vadd.f32 v9, v29  }
0x119: {  	v60 =	vld [tilespmem:$0x18A0];
	v7 =	vmul.f32 v8, v8;
	v26 =	vadd.f32 v10, v26;
	v14 =	vadd.f32 v12, v32  }
0x11a: {  	v63 =	vld [tilespmem:$0x18B0];
	v47 =	vmul.f32 v57, v57;
	v21 =	vadd.f32 $0.0e+00, v18;
	v27 =	vadd.f32 v27, v40  }
0x11b: {  	v50 =	vld [tilespmem:$0x940];
	v9 =	vmul.f32 v11, v42;
	v10 =	vmul.f32 v42, v42;
	v29 =	vadd.f32 v13, v29  }
0x11c: {  	v37 =	vld [tilespmem:$0x1880];
	v17 =	vadd.f32 v43, v26;
	v6 =	vmul.f32 v8, v39;
	v39 =	vmul.f32 v39, v39  }
0x11d: {  	v45 =	vld [tilespmem:$0x8E0];
	v28 =	vadd.f32 v15, v14;
	v13 =	vmul.f32 v52, v46;
	v46 =	vmul.f32 v46, v46  }
0x11e: {  	v51 =	vld [tilespmem:$0x8C0];
	v58 =	vadd.f32 v53, v21;
	v14 =	vmul.f32 v54, v20;
	v21 =	vmul.f32 v60, v57  }
0x11f: {  	v5 =	vld [tilespmem:$0x18D0];
	v32 =	vadd.f32 v61, v27;
	v60 =	vmul.f32 v60, v60;
	v61 =	vmul.f32 v63, v44  }
0x120: {  	[tilespmem:$0x2700] =	vst v23;
	v23 =	vld [tilespmem:$0x1F20];
	v44 =	vmul.f32 v44, v44;
	v63 =	vmul.f32 v63, v63;
	v26 =	vadd.f32 v19, v29  }
0x121: {  	v8 =	vld [tilespmem:$0x18E0];
	v11 =	vmul.f32 v37, v16;
	v29 =	vadd.f32 v56, v55;
	v40 =	vadd.f32 v59, v58  }
0x122: {  	v15 =	vld [tilespmem:$0x910];
	v37 =	vmul.f32 v37, v37;
	v27 =	vadd.f32 v33, v17;
	v28 =	vadd.f32 v36, v28  }
0x123: {  	v55 =	vld [tilespmem:$0x18C0];
	v19 =	vmul.f32 v54, v54;
	v33 =	vadd.f32 $0.0e+00, v11;
	v29 =	vadd.f32 v30, v29  }
0x124: {  	v17 =	vmul.f32 v20, v20;
	v20 =	vld [tilespmem:$0x920];
	v40 =	vadd.f32 v62, v40;
	v30 =	vadd.f32 v0, v32  }
0x125: {  	v52 =	vmul.f32 v52, v52;
	v56 =	vld [tilespmem:$0x1920];
	v37 =	vadd.f32 v19, v37;
	v33 =	vadd.f32 v14, v33  }
0x126: {  	v53 =	vld [tilespmem:$0x1940];
	v16 =	vmul.f32 v16, v16;
	v29 =	vadd.f32 v34, v29;
	v3 =	vadd.f32 v1, v40  }
0x127: {  	v32 =	vld [tilespmem:$0x8D0];
	v14 =	vmul.f32 v15, v15;
	v30 =	vadd.f32 v2, v30;
	v37 =	vadd.f32 v60, v37  }
0x128: {  	v42 =	vld [tilespmem:$0x18F0];
	v1 =	vmul.f32 v51, v51;
	v33 =	vadd.f32 v21, v33;
	v0 =	vmul.f32 v55, v51  }
0x129: {  	v62 =	vld [tilespmem:$0x1930];
	v2 =	vmul.f32 v55, v55;
	v54 =	vmul.f32 v20, v20;
	v29 =	vadd.f32 v4, v29  }
0x12a: {  	v18 =	vld [tilespmem:$0x1910];
	v19 =	vmul.f32 v56, v56;
	v31 =	vadd.f32 v6, v3;
	v30 =	vadd.f32 v39, v30  }
0x12b: {  	v57 =	vld [tilespmem:$0x1950];
	v37 =	vadd.f32 v63, v37;
	v6 =	vmul.f32 v8, v45;
	v45 =	vmul.f32 v45, v45  }
0x12c: {  	v36 =	vld [tilespmem:$0x900];
	v63 =	vmul.f32 v53, v50;
	v33 =	vadd.f32 v61, v33;
	v3 =	vmul.f32 v5, v32  }
0x12d: {  	v58 =	vld [tilespmem:$0x9A0];
	v32 =	vmul.f32 v32, v32;
	v5 =	vmul.f32 v5, v5;
	v29 =	vadd.f32 v7, v29  }
0x12e: {  	v51 =	vld [tilespmem:$0x950];
	v60 =	vmul.f32 v62, v48;
	v31 =	vadd.f32 v9, v31;
	v30 =	vadd.f32 v10, v30  }
0x12f: {  	v39 =	vld [tilespmem:$0x8F0];
	v61 =	vmul.f32 v48, v48;
	v35 =	vadd.f32 v2, v37;
	v33 =	vadd.f32 v0, v33  }
0x130: {  	v59 =	vld [tilespmem:$0x9B0];
	v7 =	vmul.f32 v8, v8;
	v12 =	vadd.f32 v41, v29;
	v29 =	vadd.f32 v13, v31  }
0x131: {  	v40 =	vld [tilespmem:$0x1960];
	v0 =	vmul.f32 v50, v50;
	v31 =	vadd.f32 v17, v16;
	v30 =	vadd.f32 v46, v30  }
0x132: {  	v41 =	vld [tilespmem:$0x1900];
	v35 =	vadd.f32 v5, v35;
	v13 =	vmul.f32 v36, v36;
	v16 =	vmul.f32 v18, v18  }
0x133: {  	v46 =	vld [tilespmem:$0x970];
	v2 =	vmul.f32 v57, v51;
	v5 =	vmul.f32 v57, v57;
	v31 =	vadd.f32 v47, v31  }
0x134: {  	v17 =	vld [tilespmem:$0x1990];
	v10 =	vmul.f32 v42, v39;
	v39 =	vmul.f32 v39, v39  }
0x135: {  	v42 =	vmul.f32 v42, v42;
	v44 =	vadd.f32 v44, v31;
	v31 =	vadd.f32 v52, v12;
	v52 =	vld [tilespmem:$0x1970]  }
0x136: {  	v33 =	vadd.f32 v3, v33;
	v3 =	vmul.f32 v51, v51;
	v12 =	vmul.f32 v18, v15;
	v15 =	vld [tilespmem:$0x990]  }
0x137: {  	v35 =	vadd.f32 v7, v35;
	v18 =	vmul.f32 v56, v20;
	v20 =	vld [tilespmem:$0x19A0];
	v8 =	vmul.f32 v41, v36  }
0x138: {  	v48 =	vld [tilespmem:$0x19B0];
	v47 =	vmul.f32 v62, v62;
	v33 =	vadd.f32 v6, v33;
	v41 =	vmul.f32 v41, v41  }
0x139: {  	[tilespmem:$0x2780] =	vst v26;
	v26 =	vld [tilespmem:$0xF80];
	v43 =	vmul.f32 v17, v17;
	v4 =	vadd.f32 v1, v44;
	v11 =	vadd.f32 $0.0e+00, v8  }
0x13a: {  	v55 =	vld [tilespmem:$0x1980];
	v1 =	vmul.f32 v53, v53;
	v38 =	vadd.f32 v16, v41;
	v8 =	vmul.f32 v40, v40  }
0x13b: {  	v57 =	vld [tilespmem:$0x19E0];
	v37 =	vadd.f32 v12, v11;
	v11 =	vmul.f32 v52, v46;
	v49 =	vmul.f32 v15, v15  }
0x13c: {  	v44 =	vld [tilespmem:$0x960];
	v32 =	vadd.f32 v32, v4;
	v16 =	vmul.f32 v20, v58;
	v56 =	vmul.f32 v20, v20  }
0x13d: {  	v51 =	vld [tilespmem:$0x19D0];
	v38 =	vadd.f32 v19, v38;
	v46 =	vmul.f32 v46, v46;
	v20 =	vmul.f32 v48, v59  }
0x13e: {  	v53 =	vld [tilespmem:$0x9D0];
	v48 =	vmul.f32 v48, v48;
	v52 =	vmul.f32 v52, v52;
	v9 =	vadd.f32 v45, v32  }
0x13f: {  	v45 =	vld [tilespmem:$0x980];
	v32 =	vadd.f32 v10, v33;
	v33 =	vadd.f32 v14, v13;
	v14 =	vmul.f32 v17, v15  }
0x140: {  	v13 =	vld [tilespmem:$0xA00];
	v15 =	vmul.f32 v55, v55;
	v36 =	vadd.f32 v18, v37;
	v38 =	vadd.f32 v47, v38  }
0x141: {  	v17 =	vld [tilespmem:$0x1A10];
	v6 =	vmul.f32 v40, v44;
	v44 =	vmul.f32 v44, v44;
	v21 =	vadd.f32 v54, v33  }
0x142: {  	v47 =	vld [tilespmem:$0x19C0];
	v18 =	vmul.f32 v58, v58;
	v62 =	vadd.f32 v60, v36;
	v36 =	vadd.f32 v1, v38  }
0x143: {  	v33 =	vadd.f32 v39, v9;
	v39 =	vld [tilespmem:$0x9C0];
	v37 =	vadd.f32 v61, v21;
	v21 =	vmul.f32 v59, v59  }
0x144: {  	v54 =	vld [tilespmem:$0x9E0];
	v34 =	vadd.f32 v63, v62;
	v7 =	vadd.f32 v5, v36;
	v9 =	vmul.f32 v55, v45  }
0x145: {  	v19 =	vld [tilespmem:$0xA20];
	v12 =	vmul.f32 v45, v45;
	v5 =	vmul.f32 v51, v51;
	v37 =	vadd.f32 v0, v37  }
0x146: {  	v40 =	vld [tilespmem:$0x9F0];
	v45 =	vmul.f32 v13, v13;
	v4 =	vadd.f32 v2, v34;
	v34 =	vadd.f32 v42, v35  }
0x147: {  	v60 =	vld [tilespmem:$0x1A00];
	v50 =	vmul.f32 v17, v17;
	v10 =	vadd.f32 v8, v7;
	v41 =	vadd.f32 $0.0e+00, v9  }
0x148: {  	v61 =	vld [tilespmem:$0x1A20];
	v36 =	vadd.f32 v49, v12;
	v0 =	vmul.f32 v47, v39;
	v39 =	vmul.f32 v39, v39  }
0x149: {  	v42 =	vld [tilespmem:$0x19F0];
	v2 =	vmul.f32 v47, v47;
	v7 =	vmul.f32 v57, v54;
	v37 =	vadd.f32 v3, v37  }
0x14a: {  	v59 =	vld [tilespmem:$0xA30];
	v8 =	vmul.f32 v54, v54;
	v9 =	vmul.f32 v57, v57;
	v38 =	vadd.f32 v6, v4  }
0x14b: {  	v62 =	vld [tilespmem:$0x1A30];
	v3 =	vmul.f32 v51, v53;
	v41 =	vadd.f32 v14, v41;
	v37 =	vadd.f32 v44, v37  }
0x14c: {  	v63 =	vld [tilespmem:$0xA90];
	v4 =	vmul.f32 v53, v53;
	v35 =	vadd.f32 v11, v38;
	v38 =	vadd.f32 v43, v15  }
0x14d: {  	v41 =	vadd.f32 v16, v41;
	v43 =	vadd.f32 v18, v36;
	v15 =	vmul.f32 v60, v60;
	v18 =	vld [tilespmem:$0x1A90]  }
0x14e: {  	v55 =	vld [tilespmem:$0xA10];
	v16 =	vmul.f32 v61, v19;
	v36 =	vadd.f32 v46, v37;
	v12 =	vmul.f32 v42, v40  }
0x14f: {  	v47 =	vld [tilespmem:$0x1A40];
	v40 =	vmul.f32 v40, v40;
	v38 =	vadd.f32 v56, v38;
	v1 =	vadd.f32 v21, v43  }
0x150: {  	v49 =	vld [tilespmem:$0xA50];
	v42 =	vmul.f32 v42, v42;
	v41 =	vadd.f32 v20, v41;
	v50 =	vadd.f32 v50, v15  }
0x151: {  	v51 =	vld [tilespmem:$0x1A50];
	v21 =	vmul.f32 v62, v59;
	v38 =	vadd.f32 v48, v38;
	v37 =	vadd.f32 v39, v1  }
0x152: {  	v20 =	vld [tilespmem:$0xAA0];
	v59 =	vmul.f32 v59, v59;
	v41 =	vadd.f32 v0, v41;
	v15 =	vmul.f32 v18, v63  }
0x153: {  	v43 =	vld [tilespmem:$0xA40];
	v58 =	vmul.f32 v18, v18;
	v38 =	vadd.f32 v2, v38;
	v6 =	vadd.f32 v4, v37  }
0x154: {  	v53 =	vld [tilespmem:$0xA60];
	v37 =	vadd.f32 v52, v10;
	v10 =	vmul.f32 v60, v13;
	v13 =	vmul.f32 v17, v55  }
0x155: {  	v56 =	vld [tilespmem:$0x1A60];
	v39 =	vadd.f32 v3, v41;
	v55 =	vmul.f32 v55, v55;
	v17 =	vmul.f32 v19, v19  }
0x156: {  	v1 =	vld [tilespmem:$0x1AA0];
	v19 =	vmul.f32 v61, v61;
	v4 =	vmul.f32 v62, v62;
	v38 =	vadd.f32 v5, v38  }
0x157: {  	v14 =	vld [tilespmem:$0xA80];
	v61 =	vmul.f32 v20, v20;
	v39 =	vadd.f32 v7, v39;
	v41 =	vadd.f32 v8, v6  }
0x158: {  	v48 =	vld [tilespmem:$0xA70];
	v44 =	vadd.f32 $0.0e+00, v10;
	v5 =	vmul.f32 v47, v43;
	v6 =	vmul.f32 v43, v43  }
0x159: {  	v60 =	vld [tilespmem:$0x1A80];
	v45 =	vadd.f32 v55, v45;
	v7 =	vmul.f32 v47, v47;
	v8 =	vmul.f32 v51, v49  }
0x15a: {  	v52 =	vld [tilespmem:$0x1A70];
	v3 =	vadd.f32 v19, v50;
	v51 =	vmul.f32 v51, v51;
	v10 =	vmul.f32 v56, v53  }
0x15b: {  	v54 =	vld [tilespmem:$0xAF0];
	v19 =	vmul.f32 v1, v20;
	v11 =	vadd.f32 v9, v38;
	v38 =	vadd.f32 v12, v39  }
0x15c: {  	v57 =	vld [tilespmem:$0x1B00];
	v1 =	vmul.f32 v1, v1;
	v44 =	vadd.f32 v13, v44;
	v45 =	vadd.f32 v17, v45  }
0x15d: {  	v18 =	vld [tilespmem:$0xB00];
	v39 =	vadd.f32 v40, v41;
	v9 =	vmul.f32 v49, v49;
	v13 =	vmul.f32 v56, v56  }
0x15e: {  	v50 =	vld [tilespmem:$0xAB0];
	v40 =	vadd.f32 v4, v3;
	v12 =	vmul.f32 v60, v14;
	v14 =	vmul.f32 v14, v14  }
0x15f: {  	v55 =	vld [tilespmem:$0x1AB0];
	v17 =	vmul.f32 v60, v60;
	v20 =	vmul.f32 v52, v48;
	v44 =	vadd.f32 v16, v44  }
0x160: {  	v62 =	vld [tilespmem:$0x1AD0];
	v48 =	vmul.f32 v48, v48;
	v45 =	vadd.f32 v59, v45;
	v43 =	vadd.f32 v7, v40  }
0x161: {  	v2 =	vld [tilespmem:$0x1B10];
	v40 =	vadd.f32 v42, v11;
	v11 =	vmul.f32 v53, v53;
	v16 =	vmul.f32 v63, v63  }
0x162: {  	v47 =	vld [tilespmem:$0xAC0];
	v46 =	vadd.f32 $0.0e+00, v12;
	v58 =	vadd.f32 v58, v17;
	v12 =	vmul.f32 v52, v52  }
0x163: {  	v59 =	vld [tilespmem:$0x1AC0];
	v17 =	vmul.f32 v18, v18;
	v44 =	vadd.f32 v21, v44;
	v41 =	vadd.f32 v6, v45  }
0x164: {  	v63 =	vld [tilespmem:$0x1AF0];
	v43 =	vadd.f32 v51, v43;
	v53 =	vadd.f32 v16, v14;
	v6 =	vmul.f32 v55, v50  }
0x165: {  	v49 =	vld [tilespmem:$0xAD0];
	v50 =	vmul.f32 v50, v50;
	v46 =	vadd.f32 v15, v46;
	v1 =	vadd.f32 v1, v58  }
0x166: {  	v45 =	vld [tilespmem:$0xAE0];
	v55 =	vmul.f32 v55, v55;
	v44 =	vadd.f32 v5, v44;
	v41 =	vadd.f32 v9, v41  }
0x167: {  	v51 =	vld [tilespmem:$0x1AE0];
	v16 =	vmul.f32 v57, v18;
	v43 =	vadd.f32 v13, v43;
	v7 =	vadd.f32 v61, v53  }
0x168: {  	v56 =	vld [tilespmem:$0x1B20];
	v13 =	vmul.f32 v62, v62;
	v46 =	vadd.f32 v19, v46;
	v1 =	vadd.f32 v55, v1  }
0x169: {  	v21 =	vld [tilespmem:$0xB10];
	v9 =	vmul.f32 v59, v59;
	v18 =	vmul.f32 v63, v54;
	v19 =	vadd.f32 $0.0e+00, v16  }
0x16a: {  	v60 =	vld [tilespmem:$0xB70];
	v44 =	vadd.f32 v8, v44;
	v42 =	vadd.f32 v11, v41;
	v8 =	vmul.f32 v59, v47  }
0x16b: {  	v53 =	vld [tilespmem:$0xB20];
	v47 =	vmul.f32 v47, v47;
	v11 =	vmul.f32 v49, v49;
	v43 =	vadd.f32 v12, v43  }
0x16c: {  	v61 =	vld [tilespmem:$0x1B50];
	v12 =	vmul.f32 v63, v63;
	v46 =	vadd.f32 v6, v46;
	v14 =	vmul.f32 v51, v45  }
0x16d: {  	v58 =	vld [tilespmem:$0xB30];
	v1 =	vadd.f32 v9, v1;
	v45 =	vmul.f32 v45, v45;
	v15 =	vmul.f32 v51, v51  }
0x16e: {  	v55 =	vld [tilespmem:$0xB50];
	v3 =	vmul.f32 v21, v21;
	v6 =	vmul.f32 v54, v54;
	v44 =	vadd.f32 v10, v44  }
0x16f: {  	v59 =	vld [tilespmem:$0x1B30];
	v42 =	vadd.f32 v48, v42;
	v10 =	vmul.f32 v62, v49;
	v46 =	vadd.f32 v8, v46  }
0x170: {  	v52 =	vld [tilespmem:$0xB80];
	v1 =	vadd.f32 v13, v1;
	v5 =	vmul.f32 v56, v53;
	v53 =	vmul.f32 v53, v53  }
0x171: {  	v63 =	vld [tilespmem:$0x1BD0];
	v3 =	vadd.f32 v3, v17;
	v8 =	vmul.f32 v56, v56;
	v17 =	vmul.f32 v61, v61  }
0x172: {  	v51 =	vld [tilespmem:$0xB60];
	v41 =	vadd.f32 v20, v44;
	v20 =	vmul.f32 v2, v21;
	v21 =	vmul.f32 v57, v57  }
0x173: {  	v49 =	vld [tilespmem:$0x1B40];
	v44 =	vadd.f32 v50, v7;
	v2 =	vmul.f32 v2, v2;
	v16 =	vmul.f32 v55, v55  }
0x174: {  	v50 =	vld [tilespmem:$0xB40];
	v46 =	vadd.f32 v10, v46;
	v1 =	vadd.f32 v15, v1;
	v9 =	vmul.f32 v59, v58  }
0x175: {  	v54 =	vld [tilespmem:$0xB90];
	v3 =	vadd.f32 v53, v3;
	v10 =	vmul.f32 v58, v58;
	v44 =	vadd.f32 v47, v44  }
0x176: {  	v57 =	vld [tilespmem:$0x1B80];
	v15 =	vmul.f32 v61, v55;
	v0 =	vadd.f32 v20, v19;
	v2 =	vadd.f32 v2, v21  }
0x177: {  	v62 =	vld [tilespmem:$0x1B90];
	v19 =	vmul.f32 v51, v51;
	v46 =	vadd.f32 v14, v46;
	v3 =	vadd.f32 v10, v3  }
0x178: {  	v47 =	vld [tilespmem:$0x1B60];
	v44 =	vadd.f32 v11, v44;
	v0 =	vadd.f32 v5, v0;
	v11 =	vmul.f32 v59, v59  }
0x179: {  	v56 =	vld [tilespmem:$0x1BA0];
	v2 =	vadd.f32 v8, v2;
	v13 =	vmul.f32 v49, v50;
	v14 =	vmul.f32 v50, v50  }
0x17a: {  	v7 =	vld [tilespmem:$0x1B70];
	v49 =	vmul.f32 v49, v49;
	v45 =	vadd.f32 v45, v44;
	v44 =	vadd.f32 v18, v46  }
0x17b: {  	v61 =	vld [tilespmem:$0xBD0];
	v20 =	vmul.f32 v57, v52;
	v0 =	vadd.f32 v9, v0;
	v2 =	vadd.f32 v11, v2  }
0x17c: {  	v59 =	vld [tilespmem:$0xBB0];
	v46 =	vadd.f32 v12, v1;
	v11 =	vmul.f32 v62, v54;
	v12 =	vmul.f32 v52, v52  }
0x17d: {  	v53 =	vld [tilespmem:$0xBA0];
	v3 =	vadd.f32 v14, v3;
	v18 =	vmul.f32 v47, v51;
	v8 =	vmul.f32 v47, v47  }
0x17e: {  	[tilespmem:$0x2820] =	vst v31;
	v31 =	vld [tilespmem:$0xF60];
	v10 =	vadd.f32 $0.0e+00, v20;
	v14 =	vmul.f32 v57, v57;
	v45 =	vadd.f32 v6, v45  }
0x17f: {  	v58 =	vld [tilespmem:$0xBC0];
	v0 =	vadd.f32 v13, v0;
	v2 =	vadd.f32 v49, v2;
	v13 =	vmul.f32 v54, v54  }
0x180: {  	v55 =	vld [tilespmem:$0xBE0];
	v3 =	vadd.f32 v16, v3;
	v48 =	vadd.f32 v11, v10;
	v16 =	vmul.f32 v7, v60  }
0x181: {  	v50 =	vld [tilespmem:$0x1BB0];
	v20 =	vmul.f32 v59, v59;
	v11 =	vmul.f32 v63, v61;
	v0 =	vadd.f32 v15, v0  }
0x182: {  	v51 =	vld [tilespmem:$0x1BE0];
	v1 =	vadd.f32 v17, v2;
	v15 =	vmul.f32 v62, v62;
	v17 =	vmul.f32 v56, v53  }
0x183: {  	v49 =	vld [tilespmem:$0x1BC0];
	v2 =	vadd.f32 v13, v12;
	v53 =	vmul.f32 v53, v53;
	v56 =	vmul.f32 v56, v56  }
0x184: {  	v52 =	vld [tilespmem:$0xC10];
	v12 =	vmul.f32 v7, v7;
	v9 =	vadd.f32 v19, v3;
	v21 =	vadd.f32 v18, v0  }
0x185: {  	v54 =	vld [tilespmem:$0xBF0];
	v13 =	vmul.f32 v61, v61;
	v6 =	vadd.f32 v8, v1;
	v57 =	vadd.f32 v15, v14  }
0x186: {  	v62 =	vld [tilespmem:$0x1BF0];
	v0 =	vadd.f32 v17, v48;
	v18 =	vmul.f32 v50, v59;
	v50 =	vmul.f32 v50, v50  }
0x187: {  	v3 =	vld [tilespmem:$0x1C00];
	v2 =	vadd.f32 v53, v2;
	v14 =	vmul.f32 v63, v63;
	v15 =	vmul.f32 v51, v55  }
0x188: {  	v1 =	vld [tilespmem:$0xC00];
	v8 =	vmul.f32 v49, v58;
	v58 =	vmul.f32 v58, v58;
	v47 =	vadd.f32 v16, v21  }
0x189: {  	v19 =	vadd.f32 v56, v57;
	v56 =	vld [tilespmem:$0x1C10];
	v0 =	vadd.f32 v18, v0;
	v21 =	vmul.f32 v60, v60  }
0x18a: {  	v10 =	vmul.f32 v49, v49;
	v57 =	vld [tilespmem:$0xC20];
	v2 =	vadd.f32 v20, v2;
	v49 =	vadd.f32 v12, v6  }
0x18b: {  	v60 =	vld [tilespmem:$0x1C20];
	v16 =	vmul.f32 v55, v55;
	v48 =	vadd.f32 v21, v9;
	v9 =	vadd.f32 v50, v19  }
0x18c: {  	v53 =	vld [tilespmem:$0xC30];
	v0 =	vadd.f32 v8, v0;
	v19 =	vmul.f32 v51, v51;
	v21 =	vmul.f32 v52, v52  }
0x18d: {  	v63 =	vld [tilespmem:$0x1C40];
	v2 =	vadd.f32 v58, v2;
	v18 =	vmul.f32 v3, v1;
	v1 =	vmul.f32 v1, v1  }
0x18e: {  	v59 =	vld [tilespmem:$0xC40];
	v3 =	vmul.f32 v3, v3;
	v4 =	vadd.f32 v10, v9;
	v0 =	vadd.f32 v11, v0  }
0x18f: {  	v58 =	vld [tilespmem:$0x1C30];
	v2 =	vadd.f32 v13, v2;
	v20 =	vmul.f32 v56, v52;
	v11 =	vmul.f32 v56, v56  }
0x190: {  	v55 =	vld [tilespmem:$0x1C50];
	v7 =	vadd.f32 $0.0e+00, v18;
	v12 =	vmul.f32 v60, v57;
	v13 =	vmul.f32 v57, v57  }
0x191: {  	v61 =	vld [tilespmem:$0xC60];
	v1 =	vadd.f32 v21, v1;
	v60 =	vmul.f32 v60, v60;
	v18 =	vmul.f32 v54, v54  }
0x192: {  	v6 =	vld [tilespmem:$0xC50];
	v21 =	vmul.f32 v63, v63;
	v4 =	vadd.f32 v14, v4;
	v17 =	vadd.f32 v15, v0  }
0x193: {  	v51 =	vld [tilespmem:$0x1C70];
	v9 =	vadd.f32 v16, v2;
	v14 =	vmul.f32 v62, v54;
	v16 =	vmul.f32 v53, v53  }
0x194: {  	v52 =	vld [tilespmem:$0x1C60];
	v7 =	vadd.f32 v20, v7;
	v3 =	vadd.f32 v11, v3;
	v15 =	vmul.f32 v58, v53  }
0x195: {  	v8 =	vld [tilespmem:$0xC90];
	v1 =	vadd.f32 v13, v1;
	v20 =	vmul.f32 v59, v59;
	v13 =	vmul.f32 v55, v55  }
0x196: {  	v57 =	vld [tilespmem:$0x1C90];
	v10 =	vadd.f32 v19, v4;
	v50 =	vadd.f32 v14, v17;
	v17 =	vmul.f32 v58, v58  }
0x197: {  	v2 =	vld [tilespmem:$0xC80];
	v19 =	vmul.f32 v63, v59;
	v63 =	vadd.f32 v18, v9;
	v7 =	vadd.f32 v12, v7  }
0x198: {  	v4 =	vld [tilespmem:$0x1C80];
	v3 =	vadd.f32 v60, v3;
	v60 =	vmul.f32 v55, v6;
	v6 =	vmul.f32 v6, v6  }
0x199: {  	v56 =	vld [tilespmem:$0xC70];
	v1 =	vadd.f32 v16, v1;
	v12 =	vmul.f32 v62, v62;
	v14 =	vmul.f32 v52, v61  }
0x19a: {  	v54 =	vld [tilespmem:$0xCA0];
	v16 =	vmul.f32 v52, v52;
	v0 =	vadd.f32 v15, v7;
	v3 =	vadd.f32 v17, v3  }
0x19b: {  	v59 =	vld [tilespmem:$0x1CA0];
	v1 =	vadd.f32 v20, v1;
	v15 =	vmul.f32 v61, v61;
	v20 =	vmul.f32 v57, v8  }
0x19c: {  	v9 =	vld [tilespmem:$0xCB0];
	v62 =	vadd.f32 v12, v10;
	v8 =	vmul.f32 v8, v8;
	v57 =	vmul.f32 v57, v57  }
0x19d: {  	v58 =	vld [tilespmem:$0xCE0];
	v0 =	vadd.f32 v19, v0;
	v3 =	vadd.f32 v21, v3;
	v18 =	vmul.f32 v4, v2  }
0x19e: {  	v7 =	vld [tilespmem:$0x1CB0];
	v1 =	vadd.f32 v6, v1;
	v2 =	vmul.f32 v2, v2;
	v19 =	vmul.f32 v51, v56  }
0x19f: {  	v52 =	vld [tilespmem:$0x1CD0];
	v21 =	vmul.f32 v4, v4;
	v0 =	vadd.f32 v60, v0;
	v3 =	vadd.f32 v13, v3  }
0x1a0: {  	v10 =	vld [tilespmem:$0xCD0];
	v12 =	vmul.f32 v59, v54;
	v17 =	vadd.f32 v15, v1;
	v6 =	vadd.f32 $0.0e+00, v18  }
0x1a1: {  	v55 =	vld [tilespmem:$0xCC0];
	v2 =	vadd.f32 v8, v2;
	v13 =	vmul.f32 v56, v56;
	v15 =	vmul.f32 v59, v59  }
0x1a2: {  	v60 =	vld [tilespmem:$0x1CC0];
	v18 =	vmul.f32 v51, v51;
	v0 =	vadd.f32 v14, v0;
	v3 =	vadd.f32 v16, v3  }
0x1a3: {  	v1 =	vld [tilespmem:$0x1CE0];
	v6 =	vadd.f32 v20, v6;
	v14 =	vmul.f32 v54, v54;
	v16 =	vmul.f32 v7, v9  }
0x1a4: {  	v8 =	vld [tilespmem:$0x1D10];
	v20 =	vadd.f32 v13, v17;
	v17 =	vmul.f32 v9, v9;
	v7 =	vmul.f32 v7, v7  }
0x1a5: {  	v54 =	vld [tilespmem:$0x1D00];
	v13 =	vmul.f32 v52, v10;
	v53 =	vadd.f32 v19, v0;
	v0 =	vadd.f32 v57, v21  }
0x1a6: {  	v9 =	vld [tilespmem:$0xD10];
	v6 =	vadd.f32 v12, v6;
	v2 =	vadd.f32 v14, v2;
	v21 =	vmul.f32 v55, v55  }
0x1a7: {  	v57 =	vld [tilespmem:$0xD00];
	v14 =	vmul.f32 v10, v10;
	v19 =	vmul.f32 v60, v55;
	v55 =	vadd.f32 v18, v3  }
0x1a8: {  	v5 =	vld [tilespmem:$0xCF0];
	v11 =	vmul.f32 v60, v60;
	v0 =	vadd.f32 v15, v0;
	v6 =	vadd.f32 v16, v6  }
0x1a9: {  	v10 =	vld [tilespmem:$0x1D30];
	v2 =	vadd.f32 v17, v2;
	v15 =	vmul.f32 v52, v52;
	v16 =	vmul.f32 v1, v58  }
0x1aa: {  	v56 =	vld [tilespmem:$0xD20];
	v17 =	vmul.f32 v58, v58;
	v1 =	vmul.f32 v1, v1;
	v0 =	vadd.f32 v7, v0  }
0x1ab: {  	v61 =	vld [tilespmem:$0x1CF0];
	v12 =	vadd.f32 v19, v6;
	v2 =	vadd.f32 v21, v2;
	v21 =	vmul.f32 v8, v9  }
0x1ac: {  	v60 =	vld [tilespmem:$0x1D20];
	v9 =	vmul.f32 v9, v9;
	v18 =	vmul.f32 v54, v57;
	v0 =	vadd.f32 v11, v0  }
0x1ad: {  	v6 =	vld [tilespmem:$0xD30];
	v8 =	vmul.f32 v8, v8;
	v3 =	vadd.f32 v13, v12;
	v2 =	vadd.f32 v14, v2  }
0x1ae: {  	v59 =	vld [tilespmem:$0x1D40];
	v14 =	vmul.f32 v57, v57;
	v13 =	vmul.f32 v10, v10;
	v19 =	vadd.f32 $0.0e+00, v18  }
0x1af: {  	v52 =	vld [tilespmem:$0xD40];
	v18 =	vmul.f32 v56, v56;
	v0 =	vadd.f32 v15, v0;
	v3 =	vadd.f32 v16, v3  }
0x1b0: {  	v4 =	vld [tilespmem:$0xD50];
	v2 =	vadd.f32 v17, v2;
	v15 =	vmul.f32 v54, v54;
	v16 =	vmul.f32 v61, v5  }
0x1b1: {  	v57 =	vld [tilespmem:$0xD60];
	v17 =	vmul.f32 v60, v56;
	v60 =	vmul.f32 v60, v60;
	v7 =	vadd.f32 v21, v19  }
0x1b2: {  	v58 =	vld [tilespmem:$0x1D50];
	v19 =	vmul.f32 v10, v6;
	v6 =	vmul.f32 v6, v6;
	v12 =	vadd.f32 v1, v0  }
0x1b3: {  	v51 =	vld [tilespmem:$0x1D80];
	v21 =	vmul.f32 v5, v5;
	v1 =	vadd.f32 v9, v14;
	v8 =	vadd.f32 v8, v15  }
0x1b4: {  	v54 =	vld [tilespmem:$0x1D60];
	v56 =	vadd.f32 v16, v3;
	v15 =	vmul.f32 v59, v52;
	v0 =	vadd.f32 v17, v7  }
0x1b5: {  	v10 =	vld [tilespmem:$0xD90];
	v52 =	vmul.f32 v52, v52;
	v9 =	vmul.f32 v61, v61;
	v1 =	vadd.f32 v18, v1  }
0x1b6: {  	v7 =	vld [tilespmem:$0xD80];
	v16 =	vmul.f32 v57, v57;
	v8 =	vadd.f32 v60, v8;
	v0 =	vadd.f32 v19, v0  }
0x1b7: {  	v60 =	vld [tilespmem:$0x1D90];
	v19 =	vadd.f32 v21, v2;
	v21 =	vmul.f32 v59, v59;
	v59 =	vmul.f32 v58, v4  }
0x1b8: {  	v11 =	vld [tilespmem:$0xD70];
	v4 =	vmul.f32 v4, v4;
	v1 =	vadd.f32 v6, v1;
	v18 =	vadd.f32 v13, v8  }
0x1b9: {  	v5 =	vld [tilespmem:$0xDA0];
	v13 =	vmul.f32 v58, v58;
	v58 =	vadd.f32 v9, v12;
	v0 =	vadd.f32 v15, v0  }
0x1ba: {  	v8 =	vld [tilespmem:$0x1DA0];
	v15 =	vmul.f32 v54, v57;
	v1 =	vadd.f32 v52, v1;
	v2 =	vadd.f32 v21, v18  }
0x1bb: {  	v14 =	vld [tilespmem:$0x1D70];
	v17 =	vmul.f32 v51, v7;
	v18 =	vmul.f32 v54, v54;
	v0 =	vadd.f32 v59, v0  }
0x1bc: {  	[tilespmem:$0x2B20] =	vst v49;
	v49 =	vld [tilespmem:$0x1020];
	v7 =	vmul.f32 v7, v7;
	v21 =	vmul.f32 v60, v10;
	v1 =	vadd.f32 v4, v1  }
0x1bd: {  	v61 =	vld [tilespmem:$0x1DB0];
	v10 =	vmul.f32 v10, v10;
	v2 =	vadd.f32 v13, v2;
	v0 =	vadd.f32 v15, v0  }
0x1be: {  	v52 =	vld [tilespmem:$0xDB0];
	v15 =	vmul.f32 v51, v51;
	v1 =	vadd.f32 v16, v1;
	v16 =	vmul.f32 v60, v60  }
0x1bf: {  	v12 =	vld [tilespmem:$0x1DC0];
	v6 =	vadd.f32 $0.0e+00, v17;
	v17 =	vmul.f32 v8, v5;
	v8 =	vmul.f32 v8, v8  }
0x1c0: {  	v4 =	vld [tilespmem:$0xDC0];
	v13 =	vadd.f32 v18, v2;
	v18 =	vmul.f32 v14, v11;
	v3 =	vadd.f32 v16, v15  }
0x1c1: {  	v59 =	vld [tilespmem:$0x1DD0];
	v7 =	vadd.f32 v10, v7;
	v5 =	vmul.f32 v5, v5;
	v6 =	vadd.f32 v21, v6  }
0x1c2: {  	v57 =	vld [tilespmem:$0x1DE0];
	v51 =	vadd.f32 v18, v0;
	v18 =	vmul.f32 v61, v61;
	v3 =	vadd.f32 v8, v3  }
0x1c3: {  	v54 =	vld [tilespmem:$0xDD0];
	v21 =	vmul.f32 v61, v52;
	v6 =	vadd.f32 v17, v6;
	v16 =	vadd.f32 v5, v7  }
0x1c4: {  	[tilespmem:$0x2C00] =	vst v53;
	v53 =	vld [tilespmem:$0x2020];
	v17 =	vmul.f32 v52, v52;
	v8 =	vmul.f32 v12, v12;
	v3 =	vadd.f32 v18, v3  }
0x1c5: {  	v9 =	vld [tilespmem:$0xDF0];
	v61 =	vmul.f32 v12, v4;
	v6 =	vadd.f32 v21, v6;
	v21 =	vmul.f32 v11, v11  }
0x1c6: {  	v60 =	vld [tilespmem:$0xDE0];
	v0 =	vadd.f32 v17, v16;
	v17 =	vmul.f32 v59, v59;
	v3 =	vadd.f32 v8, v3  }
0x1c7: {  	v10 =	vld [tilespmem:$0x1E00];
	v4 =	vmul.f32 v4, v4;
	v18 =	vadd.f32 v21, v1;
	v21 =	vadd.f32 v61, v6  }
0x1c8: {  	v15 =	vld [tilespmem:$0x1DF0];
	v61 =	vmul.f32 v59, v54;
	v3 =	vadd.f32 v17, v3;
	v17 =	vmul.f32 v57, v57  }
0x1c9: {  	v7 =	vld [tilespmem:$0xE00];
	v16 =	vmul.f32 v54, v54;
	v0 =	vadd.f32 v4, v0  }
0x1ca: {  	v5 =	vadd.f32 v61, v21;
	v3 =	vadd.f32 v17, v3;
	v17 =	vld [tilespmem:$0x1FEA0]  }
0x1cb: {  	v11 =	vld [tilespmem:$0xE10];
	v0 =	vadd.f32 v16, v0;
	v21 =	vmul.f32 v57, v60;
	v16 =	vmul.f32 v60, v60  }
0x1cc: {  	v12 =	vld [tilespmem:$0x1E10]  }
0x1cd: {  	v2 =	vld [tilespmem:$0x1E50];
	v4 =	vadd.f32 v21, v5;
	v5 =	vadd.f32 v16, v0;
	v16 =	vmul.f32 v15, v9  }
0x1ce: {  	v52 =	vld [tilespmem:$0xE20]  }
0x1cf: {  	v21 =	vmul.f32 v10, v7;
	[tilespmem:$0x2310] =	vst v17;
	v17 =	vadd.f32 v16, v4;
	v16 =	vld [tilespmem:$0x1FEC0]  }
0x1d0: {  	v54 =	vld [tilespmem:$0xE30]  }
0x1d1: {  	v8 =	vld [tilespmem:$0x1E20];
	v0 =	vmul.f32 v12, v11;
	v59 =	vadd.f32 $0.0e+00, v21  }
0x1d2: {  	v6 =	vmul.f32 v14, v14;
	v60 =	vld [tilespmem:$0x1E30]  }
0x1d3: {  	v0 =	vadd.f32 v0, v59;
	v59 =	vld [tilespmem:$0x1FED0]  }
0x1d4: {  	v61 =	vadd.f32 v6, v13;
	v6 =	vmul.f32 v7, v7;
	v1 =	vmul.f32 v11, v11;
	[tilespmem:$0x2380] =	vst v16;
	v16 =	vld [tilespmem:$0x1FEE0]  }
0x1d5: {  	v14 =	vld [tilespmem:$0x1E40];
	v21 =	vmul.f32 v12, v12;
	v4 =	vmul.f32 v10, v10  }
0x1d6: {  	v13 =	vld [tilespmem:$0xE40];
	v6 =	vadd.f32 v1, v6;
	v1 =	vmul.f32 v8, v52  }
0x1d7: {  	v7 =	vmul.f32 v9, v9;
	v12 =	vld [tilespmem:$0x1FEB0];
	v4 =	vadd.f32 v21, v4;
	v21 =	vmul.f32 v52, v52  }
0x1d8: {  	v11 =	vld [tilespmem:$0x1FF20];
	v8 =	vmul.f32 v8, v8;
	v0 =	vadd.f32 v1, v0;
	[tilespmem:$0x2390] =	vst v59;
	v59 =	vmul.f32 v60, v54  }
0x1d9: {  	v57 =	vld [tilespmem:$0xE50];
	[tilespmem:$0x23A0] =	vst v16;
	v16 =	vadd.f32 v7, v5;
	v5 =	vadd.f32 v21, v6;
	v21 =	vmul.f32 v54, v54  }
0x1da: {  	v4 =	vadd.f32 v8, v4;
	v8 =	vadd.f32 v59, v0;
	v59 =	vmul.f32 v60, v60;
	v60 =	vld [tilespmem:$0x1FF00]  }
0x1db: {  	v10 =	vld [tilespmem:$0xE60];
	v6 =	vmul.f32 v15, v15;
	v5 =	vadd.f32 v21, v5;
	v21 =	vmul.f32 v14, v13  }
0x1dc: {  	[tilespmem:$0x2320] =	vst v12;
	v12 =	vld [tilespmem:$0x1E60]  }
0x1dd: {  	[tilespmem:$0x2480] =	vst v11;
	v11 =	vadd.f32 v6, v3;
	v3 =	vadd.f32 v21, v8;
	v21 =	vld [tilespmem:$0x1FF30]  }
0x1de: {  	v9 =	vld [tilespmem:$0x1E80]  }
0x1df: {  	[tilespmem:$0x2410] =	vst v60;
	v60 =	vld [tilespmem:$0x1FF10]  }
0x1e0: {  	v1 =	vld [tilespmem:$0x1E70];
	v6 =	vmul.f32 v2, v57  }
0x1e1: {  	v52 =	vld [tilespmem:$0xE70]  }
0x1e2: {  	v0 =	vld [tilespmem:$0xEE0];
	v13 =	vmul.f32 v13, v13;
	v3 =	vadd.f32 v6, v3;
	[tilespmem:$0x2490] =	vst v21;
	v21 =	vmul.f32 v12, v10  }
0x1e3: {  	v4 =	vadd.f32 v59, v4;
	v59 =	vld [tilespmem:$0x1E90]  }
0x1e4: {  	[tilespmem:$0x2420] =	vst v60;
	v5 =	vadd.f32 v13, v5;
	v60 =	vmul.f32 v57, v57;
	v3 =	vadd.f32 v21, v3;
	v21 =	vld [tilespmem:$0x1FF70]  }
0x1e5: {  	v7 =	vld [tilespmem:$0xE80]  }
0x1e6: {  	v5 =	vadd.f32 v60, v5;
	v60 =	vld [tilespmem:$0x1FF60]  }
0x1e7: {  	v54 =	vld [tilespmem:$0x1FEF0]  }
0x1e8: {  	v15 =	vld [tilespmem:$0x1FF40]  }
0x1e9: {  	[tilespmem:$0x2520] =	vst v21;
	v21 =	vld [tilespmem:$0x1FF90]  }
0x1ea: {  	v8 =	vld [tilespmem:$0xEA0]  }
0x1eb: {  	v14 =	vmul.f32 v14, v14;
	[tilespmem:$0x2510] =	vst v60;
	v60 =	vld [tilespmem:$0x1FF80]  }
0x1ec: {  	[tilespmem:$0x2400] =	vst v54;
	v54 =	vld [tilespmem:$0xE90]  }
0x1ed: {  	v2 =	vmul.f32 v2, v2;
	v4 =	vadd.f32 v14, v4;
	v57 =	vld [tilespmem:$0x1FF50]  }
0x1ee: {  	[tilespmem:$0x2590] =	vst v21;
	v21 =	vld [tilespmem:$0x1FFB0]  }
0x1ef: {  	v14 =	vld [tilespmem:$0x1EA0];
	v2 =	vadd.f32 v2, v4;
	v4 =	vmul.f32 v12, v12  }
0x1f0: {  	v13 =	vmul.f32 v9, v7;
	v10 =	vmul.f32 v10, v10;
	[tilespmem:$0x2580] =	vst v60;
	v60 =	vld [tilespmem:$0x1FFA0]  }
0x1f1: {  	[tilespmem:$0x24A0] =	vst v15;
	v15 =	vld [tilespmem:$0xEB0];
	v2 =	vadd.f32 v4, v2;
	v4 =	vmul.f32 v7, v7;
	v7 =	vmul.f32 v54, v54  }
0x1f2: {  	[tilespmem:$0x2500] =	vst v57;
	v57 =	vld [tilespmem:$0x1EB0];
	v12 =	vmul.f32 v59, v54;
	v5 =	vadd.f32 v10, v5;
	v10 =	vadd.f32 $0.0e+00, v13  }
0x1f3: {  	v9 =	vmul.f32 v9, v9;
	v4 =	vadd.f32 v7, v4;
	[tilespmem:$0x2600] =	vst v21;
	v21 =	vld [tilespmem:$0x1FFC0]  }
0x1f4: {  	v6 =	vld [tilespmem:$0xEC0];
	v7 =	vmul.f32 v1, v52;
	v10 =	vadd.f32 v12, v10;
	v12 =	vmul.f32 v59, v59  }
0x1f5: {  	v13 =	vld [tilespmem:$0x1EC0];
	[tilespmem:$0x25A0] =	vst v60;
	v60 =	vmul.f32 v14, v8  }
0x1f6: {  	v59 =	vld [tilespmem:$0x1ED0];
	v3 =	vadd.f32 v7, v3;
	v9 =	vadd.f32 v12, v9  }
0x1f7: {  	v12 =	vmul.f32 v14, v14;
	v14 =	vld [tilespmem:$0x1EE0];
	v7 =	vadd.f32 v60, v10;
	v10 =	vmul.f32 v57, v15  }
0x1f8: {  	[tilespmem:$0x2610] =	vst v21;
	v21 =	vld [tilespmem:$0x1FFD0]  }
0x1f9: {  	[tilespmem:$0x26A0] =	vst v22;
	v8 =	vmul.f32 v8, v8;
	v7 =	vadd.f32 v10, v7;
	v10 =	vmul.f32 v57, v57;
	v57 =	vld [tilespmem:$0x1FFF0]  }
0x1fa: {  	[tilespmem:$0x2710] =	vst v24;
	v60 =	vld [tilespmem:$0xEF0]  }
0x1fb: {  	[tilespmem:$0x2880] =	vst v32;
	v32 =	vmul.f32 v23, v23;
	v4 =	vadd.f32 v8, v4;
	v8 =	vadd.f32 v12, v9;
	v12 =	vld [tilespmem:$0x1EF0]  }
0x1fc: {  	[tilespmem:$0x2A80] =	vst v44;
	v9 =	vmul.f32 v15, v15;
	v15 =	vmul.f32 v52, v52;
	v52 =	vld [tilespmem:$0xF00]  }
0x1fd: {  	v44 =	vmul.f32 v26, v26;
	v1 =	vmul.f32 v1, v1;
	[tilespmem:$0x2620] =	vst v21;
	v21 =	vld [tilespmem:$0x1FFE0]  }
0x1fe: {  	v22 =	vmul.f32 v13, v13;
	v24 =	vmul.f32 v59, v59;
	[tilespmem:$0x2690] =	vst v57;
	v57 =	vld [tilespmem:$0x1F00]  }
0x1ff: {  	[tilespmem:$0x2720] =	vst v25;
	v54 =	vld [tilespmem:$0xED0];
	v9 =	vadd.f32 v9, v4;
	v25 =	vmul.f32 v14, v0;
	v0 =	vmul.f32 v0, v0  }
0x200: {  	[tilespmem:$0x27A0] =	vst v28;
	v4 =	vadd.f32 v15, v5;
	v15 =	vld [tilespmem:$0xF40];
	v28 =	vmul.f32 v14, v14;
	v14 =	vmul.f32 v12, v60  }
0x201: {  	[tilespmem:$0x28A0] =	vst v34;
	v5 =	vadd.f32 v10, v8;
	v10 =	vld [tilespmem:$0xF10];
	v34 =	vmul.f32 v60, v60;
	v12 =	vmul.f32 v12, v12  }
0x202: {  	[tilespmem:$0x2680] =	vst v21;
	v21 =	vmul.f32 v13, v6;
	v6 =	vmul.f32 v6, v6;
	v13 =	vld [tilespmem:$0x1F10]  }
0x203: {  	[tilespmem:$0x2790] =	vst v27;
	v60 =	vld [tilespmem:$0x1F90];
	v8 =	vadd.f32 v22, v5;
	v5 =	vadd.f32 v1, v2;
	v27 =	vmul.f32 v57, v52  }
0x204: {  	v2 =	vld [tilespmem:$0xF30];
	v7 =	vadd.f32 v21, v7;
	v6 =	vadd.f32 v6, v9;
	v9 =	vmul.f32 v59, v54  }
0x205: {  	[tilespmem:$0x2800] =	vst v29;
	v22 =	vmul.f32 v52, v52;
	v54 =	vmul.f32 v54, v54;
	v21 =	vld [tilespmem:$0xF20];
	v59 =	vadd.f32 v24, v8  }
0x206: {  	[tilespmem:$0x2910] =	vst v36;
	v36 =	vmul.f32 v15, v15;
	v8 =	vadd.f32 $0.0e+00, v27;
	v27 =	vld [tilespmem:$0xF50];
	v7 =	vadd.f32 v9, v7  }
0x207: {  	[tilespmem:$0x2810] =	vst v30;
	v57 =	vmul.f32 v57, v57;
	v54 =	vadd.f32 v54, v6;
	v9 =	vld [tilespmem:$0x1F30];
	v52 =	vmul.f32 v13, v10  }
0x208: {  	[tilespmem:$0x2890] =	vst v33;
	v1 =	vadd.f32 v28, v59;
	v28 =	vld [tilespmem:$0x1F50];
	v10 =	vmul.f32 v10, v10;
	v7 =	vadd.f32 v25, v7  }
0x209: {  	[tilespmem:$0x2900] =	vst v35;
	v13 =	vmul.f32 v13, v13;
	v0 =	vadd.f32 v0, v54;
	v54 =	vld [tilespmem:$0x1F40];
	v8 =	vadd.f32 v52, v8  }
0x20a: {  	[tilespmem:$0x2920] =	vst v37;
	v25 =	vld [tilespmem:$0x1F80];
	v59 =	vmul.f32 v23, v21;
	v29 =	vadd.f32 v10, v22;
	v30 =	vmul.f32 v21, v21  }
0x20b: {  	[tilespmem:$0x2980] =	vst v38;
	v13 =	vadd.f32 v13, v57;
	v22 =	vld [tilespmem:$0x1F60];
	v6 =	vadd.f32 v14, v7;
	v14 =	vmul.f32 v31, v31  }
0x20c: {  	[tilespmem:$0x2990] =	vst v39;
	v23 =	vld [tilespmem:$0xF70];
	v8 =	vadd.f32 v59, v8;
	v33 =	vmul.f32 v9, v2;
	v2 =	vmul.f32 v2, v2  }
0x20d: {  	[tilespmem:$0x29A0] =	vst v40;
	v21 =	vld [tilespmem:$0x1F70];
	v7 =	vadd.f32 v30, v29;
	v9 =	vmul.f32 v9, v9;
	v59 =	vmul.f32 v27, v27  }
0x20e: {  	[tilespmem:$0x2A20] =	vst v43;
	v57 =	vld [tilespmem:$0xF90];
	v13 =	vadd.f32 v32, v13;
	v32 =	vmul.f32 v28, v28;
	v29 =	vmul.f32 v53, v49  }
0x20f: {  	v38 =	vld [tilespmem:$0xFB0];
	[tilespmem:$0x2A10] =	vst v42;
	v30 =	vmul.f32 v49, v49;
	v8 =	vadd.f32 v33, v8;
	v35 =	vmul.f32 v54, v15  }
0x210: {  	v40 =	vld [tilespmem:$0x1FB0];
	[tilespmem:$0x2A00] =	vst v41;
	v2 =	vadd.f32 v2, v7;
	v37 =	vmul.f32 v54, v54;
	v54 =	vmul.f32 v28, v27  }
0x211: {  	v43 =	vld [tilespmem:$0xFC0];
	[tilespmem:$0x2A90] =	vst v45;
	v9 =	vadd.f32 v9, v13;
	v39 =	vmul.f32 v25, v26;
	v15 =	vmul.f32 v60, v60  }
0x212: {  	[tilespmem:$0x2C20] =	vst v55;
	v55 =	vld [tilespmem:$0x1030];
	v7 =	vadd.f32 v34, v0;
	v34 =	vmul.f32 v22, v31;
	v41 =	vmul.f32 v21, v23  }
0x213: {  	[tilespmem:$0x2CA0] =	vst v58;
	v58 =	vld [tilespmem:$0x2030];
	v42 =	vmul.f32 v23, v23;
	v45 =	vmul.f32 v60, v57;
	v52 =	vadd.f32 v35, v8  }
0x214: {  	v10 =	vmul.f32 v57, v57;
	v57 =	vld [tilespmem:$0xFD0];
	v2 =	vadd.f32 v36, v2;
	v9 =	vadd.f32 v37, v9  }
0x215: {  	v60 =	vld [tilespmem:$0x1FD0];
	v21 =	vmul.f32 v21, v21;
	v8 =	vadd.f32 v12, v1;
	v13 =	vadd.f32 $0.0e+00, v39  }
0x216: {  	v33 =	vld [tilespmem:$0xFA0];
	v37 =	vmul.f32 v22, v22;
	v10 =	vadd.f32 v10, v44;
	v0 =	vadd.f32 v54, v52  }
0x217: {  	v35 =	vld [tilespmem:$0x1FA0];
	v12 =	vmul.f32 v38, v38;
	v2 =	vadd.f32 v59, v2;
	v36 =	vadd.f32 v32, v9  }
0x218: {  	v52 =	vld [tilespmem:$0x1FC0];
	v54 =	vmul.f32 v25, v25;
	v13 =	vadd.f32 v45, v13;
	v32 =	vmul.f32 v53, v53  }
0x219: {  	v45 =	vld [tilespmem:$0x2010];
	v0 =	vadd.f32 v34, v0;
	v1 =	vadd.f32 v37, v36;
	v37 =	vmul.f32 v40, v38  }
0x21a: {  	[tilespmem:$0x2AA0] =	vst v46;
	v2 =	vadd.f32 v14, v2;
	v34 =	vld [tilespmem:$0xFE0];
	v14 =	vmul.f32 v40, v40;
	v44 =	vmul.f32 v60, v57  }
0x21b: {  	[tilespmem:$0x2B00] =	vst v47;
	v36 =	vld [tilespmem:$0x1FE0];
	v46 =	vmul.f32 v57, v57;
	v47 =	vmul.f32 v60, v60  }
0x21c: {  	v9 =	vadd.f32 v15, v54;
	v38 =	vld [tilespmem:$0x1000];
	v59 =	vmul.f32 v35, v33;
	v33 =	vmul.f32 v33, v33  }
0x21d: {  	[tilespmem:$0x2B10] =	vst v48;
	v40 =	vld [tilespmem:$0x2000];
	v35 =	vmul.f32 v35, v35;
	v0 =	vadd.f32 v41, v0;
	v2 =	vadd.f32 v42, v2  }
0x21e: {  	[tilespmem:$0x2BA0] =	vst v62;
	v62 =	vld [tilespmem:$0x1040];
	v41 =	vmul.f32 v43, v43;
	v1 =	vadd.f32 v21, v1;
	v13 =	vadd.f32 v59, v13  }
0x21f: {  	[tilespmem:$0x2B80] =	vst v50;
	v27 =	vld [tilespmem:$0xFF0];
	v10 =	vadd.f32 v33, v10;
	v39 =	vmul.f32 v52, v43;
	v42 =	vmul.f32 v52, v52  }
0x220: {  	[tilespmem:$0x2B90] =	vst v63;
	v21 =	vld [tilespmem:$0x1FF0];
	v9 =	vadd.f32 v35, v9;
	v63 =	vmul.f32 v45, v45;
	v35 =	vmul.f32 v58, v55  }
0x221: {  	[tilespmem:$0x2C10] =	vst v20;
	v28 =	vld [tilespmem:$0x2040];
	v13 =	vadd.f32 v37, v13;
	v48 =	vmul.f32 v36, v34;
	v50 =	vmul.f32 v34, v34  }
0x222: {  	[tilespmem:$0x2C80] =	vst v56;
	v43 =	vld [tilespmem:$0x1010];
	v10 =	vadd.f32 v12, v10;
	v52 =	vmul.f32 v40, v38;
	v54 =	vmul.f32 v36, v36  }
0x223: {  	[tilespmem:$0x2C90] =	vst v19;
	v9 =	vadd.f32 v14, v9;
	v59 =	vmul.f32 v38, v38;
	v22 =	vmul.f32 v40, v40  }
0x224: {  	[tilespmem:$0x2D00] =	vst v51;
	v33 =	vld [tilespmem:$0x1050];
	v38 =	vmul.f32 v55, v55;
	v12 =	vadd.f32 v39, v13;
	v10 =	vadd.f32 v41, v10  }
0x225: {  	[tilespmem:$0x2D10] =	vst v18;
	v49 =	vld [tilespmem:$0x2070];
	v9 =	vadd.f32 v42, v9;
	v56 =	vadd.f32 $0.0e+00, v52;
	v31 =	vmul.f32 v21, v27  }
0x226: {  	[tilespmem:$0x2D20] =	vst v61;
	v19 =	vadd.f32 v63, v22;
	v39 =	vmul.f32 v58, v58;
	v42 =	vmul.f32 v28, v62  }
0x227: {  	[tilespmem:$0x2D80] =	vst v17;
	v57 =	vmul.f32 v45, v43;
	v60 =	vmul.f32 v43, v43;
	v12 =	vadd.f32 v44, v12  }
0x228: {  	[tilespmem:$0x2D90] =	vst v16;
	v36 =	vld [tilespmem:$0x2050];
	v45 =	vmul.f32 v62, v62;
	v10 =	vadd.f32 v46, v10;
	v9 =	vadd.f32 v47, v9  }
0x229: {  	[tilespmem:$0x2DA0] =	vst v11;
	v51 =	vmul.f32 v33, v33;
	v37 =	vadd.f32 v32, v19;
	v14 =	vadd.f32 v57, v56  }
0x22a: {  	[tilespmem:$0x2E00] =	vst v3;
	v62 =	vmul.f32 v49, v49;
	v13 =	vadd.f32 v60, v59;
	v12 =	vadd.f32 v48, v12  }
0x22b: {  	[tilespmem:$0x2E10] =	vst v4;
	v43 =	vld [tilespmem:$0x2060];
	v47 =	vmul.f32 v27, v27;
	v10 =	vadd.f32 v50, v10;
	v34 =	vadd.f32 v29, v14  }
0x22c: {  	[tilespmem:$0x2E20] =	vst v5;
	v40 =	vld [tilespmem:$0x1060];
	v3 =	vadd.f32 v39, v37;
	v48 =	vmul.f32 v28, v28;
	v13 =	vadd.f32 v30, v13  }
0x22d: {  	[tilespmem:$0x2E80] =	vst v6;
	v52 =	vmul.f32 v36, v36;
	v9 =	vadd.f32 v54, v9;
	v11 =	vadd.f32 v35, v34  }
0x22e: {  	[tilespmem:$0x2E90] =	vst v7;
	v46 =	vld [tilespmem:$0x1070];
	v56 =	vmul.f32 v21, v21;
	v3 =	vadd.f32 v48, v3;
	v44 =	vadd.f32 v38, v13  }
0x22f: {  	[tilespmem:$0x2EA0] =	vst v8;
	v50 =	vmul.f32 v36, v33;
	v41 =	vadd.f32 v31, v12;
	v11 =	vadd.f32 v42, v11  }
0x230: {  	[tilespmem:$0x2F00] =	vst v0;
	v58 =	vmul.f32 v43, v43;
	v55 =	vadd.f32 v52, v3;
	v5 =	vadd.f32 v45, v44  }
0x231: {  	[tilespmem:$0x2F10] =	vst v2;
	v6 =	vadd.f32 v47, v10;
	v54 =	vmul.f32 v43, v40;
	v53 =	vadd.f32 v50, v11  }
0x232: {  	[tilespmem:$0x2F20] =	vst v1;
	v57 =	vmul.f32 v40, v40;
	v1 =	vadd.f32 v58, v55;
	v5 =	vadd.f32 v51, v5  }
0x233: {  	v59 =	vmul.f32 v49, v46;
	v3 =	vadd.f32 v56, v9;
	[tilespmem:$0x2F80] =	vst v41;
	v0 =	vadd.f32 v54, v53  }
0x234: {  	v61 =	vmul.f32 v46, v46;
	[tilespmem:$0x2F90] =	vst v6;
	v1 =	vadd.f32 v62, v1;
	v60 =	vadd.f32 v57, v5  }
0x235: {  	[tilespmem:$0x2FA0] =	vst v3;
	v0 =	vadd.f32 v59, v0  }
0x236: {  	[tilespmem:$0x3020] =	vst v1;
	v63 =	vadd.f32 v61, v60  }
0x237: {  	p0 =	sne.s32 s6, $0x1;
	[tilespmem:$0x3000] =	vst v0  }
.Ltmp0:
0x238: {  	[tilespmem:$0x3010] =	vst v63;
	(pc) =	sbr.rel @p0 .LBB2_1-.Ltmp0, $4  }
0x239: {  	[hbm4b:s5+s3] =	stream.linear.scatter [tilespmem:s11], [sflag:$0x2], $0x1000, $0x38;
	[tilespmem:$0x3080] =	vst v63  }
0x23a: {  	_ =	swait.ge [sflag:s7], $0x1000  }
0x23b: {  	[sflag:s7] =	ssyncset.done $0x0  }
0x23c: {  	s6 =	sadd.s32 $0xFFFFFFFF, s6;
	[sflag:s7] =	ssyncadd.s32 $0xFFFFF000  }
0x23d: {  	_ =	sfence.sel $0x180000  }
0x23e: {  	[bflag:$0x0] =	sbarrier.arrive $0xFFFF  }
0x23f: {  	p0 =	sne.s32 s2, $0x0;
	_ =	strace $0x90000047  }
0x240: {  	s0 =	sadd.s32 @!p0 $0x100000, s0;
	[bflag:$0x2] =	sbarrier.arrive $0xFFFF  }
0x241: {  	[sflag:s0] =	ssyncadd.tile.s32 @!p0 $0x1;
	_ =	shalt  }
.Lfunc_end2:
_tile_overlayer_lowered:
.L_overlay_start_2:
0x242: {  	(tag) =	ssettag $0x2  }
0x243: {  	s0 =	rddreg [dreg:$0x0];
	s2 =	stileid.u32  }
0x244: {  	s1 =	rddreg [dreg:$0x1];
	p0 =	sne.s32 s2, $0x0  }
0x245: {  	s3 =	rddreg [dreg:$0x2];
	[bflag:$0x3] =	sbarrier.arrive $0xFFFF;
	s2 =	simm.s32 @!p0 $0x1C02  }
0x246: {  	[timem:s3], [sflag:s2] =	dma.local @!p0 [hbm:s0], s1  }
0x247: {  	s0 =	simm.s32 @!p0 $0x2  }
0x248: {  	_ =	swait.ge @!p0 [sflag:s0], s1  }
0x249: {  	s1 =	ssub.s32 @!p0 $0x0, s1;
	[sflag:s0] =	ssyncset.done @!p0 $0x0  }
0x24a: {  	[sflag:s0] =	ssyncadd.s32 @!p0 s1  }
0x24b: {  	[bflag:$0x3] =	sbarrier.arrive $0xFFFF  }
0x24c: {  	_ =	shalt  }

</sc_bundles>
